<compile_context>
chip_gen: v7x
topology: tpu7x:2x2x1
jax: 0.10.2.dev20260603
libtpu: 0.0.44.dev20260713+nightly
codegen_flags: <defaults>
</compile_context>

<pallas_src>
import functools

import jax
import jax.numpy as jnp
from jax import lax
from jax.experimental import pallas as pl
from jax.experimental.pallas import tpu as pltpu
from jax.experimental.pallas import tpu_sc as plsc

N = 10000
M = 1000
E = 320000
F = 128
H = 128
C = 16
ALPHA = 0.2

NPAD = 10240
MPAD = 1024
ECHUNK = 125
EROWS = E // ECHUNK
TROWS = EROWS // 32
MCHUNK = 40
MROWS = 256
MTROWS = MROWS // 32

_f32 = jnp.float32


def _leaky(v):
    return jnp.where(v >= 0, v, ALPHA * v)


def _dotT(a, w):
    return lax.dot_general(a, w, (((1,), (1,)), ((), ())),
                           preferred_element_type=_f32)


def _mesh():
    return plsc.VectorSubcoreMesh(core_axis_name="c", subcore_axis_name="s")


@functools.cache
def _deg_hist_kernel():
    @functools.partial(
        pl.kernel,
        out_type=jax.ShapeDtypeStruct((2 * NPAD,), _f32),
        mesh=_mesh(),
        scratch_types=[
            pltpu.VMEM((TROWS, ECHUNK), jnp.int32),
            pltpu.VMEM((ECHUNK,), _f32),
            pltpu.VMEM((640,), _f32),
            pltpu.VMEM_SHARED((NPAD,), _f32),
        ],
    )
    def k(ei2, zvec, ovec, out, dstv, onesv, stage, hist):
        c = lax.axis_index("c")
        s = lax.axis_index("s")
        wid = c * 16 + s
        pltpu.sync_copy(ei2.at[pl.ds(EROWS + wid * TROWS, TROWS)], dstv)
        pltpu.sync_copy(ovec.at[pl.ds(0, ECHUNK)], onesv)
        base = s * 640

        if True:
            pltpu.sync_copy(zvec, stage)
            pltpu.sync_copy(stage, hist.at[pl.ds(base, 640)])
            plsc.subcore_barrier()

            def body(j, carry):
                pltpu.sync_copy(onesv, hist.at[dstv.at[j]], add=True)
                return carry

            lax.fori_loop(0, TROWS, body, 0)
            plsc.subcore_barrier()
            pltpu.sync_copy(hist.at[pl.ds(base, 640)], stage)
            pltpu.sync_copy(stage, out.at[pl.ds(c * NPAD + base, 640)])

    return k


HROWS = TROWS // 2


@functools.cache
def _seg_sum_kernel():
    @functools.partial(
        pl.kernel,
        out_type=jax.ShapeDtypeStruct((2 * NPAD, H), _f32),
        mesh=_mesh(),
        scratch_types=[
            pltpu.VMEM((HROWS, ECHUNK), jnp.int32),
            pltpu.VMEM((HROWS, ECHUNK), jnp.int32),
            pltpu.VMEM((ECHUNK, H), _f32),
            pltpu.VMEM((ECHUNK, H), _f32),
            pltpu.SemaphoreType.DMA,
            pltpu.SemaphoreType.DMA,
            pltpu.SemaphoreType.DMA,
            pltpu.SemaphoreType.DMA,
            pltpu.VMEM_SHARED((NPAD, H), _f32),
        ],
    )
    def k(gp, ei2, zrows, out, srcv, dstv, rb0, rb1,
          sg0, sg1, ss0, ss1, acc):
        c = lax.axis_index("c")
        s = lax.axis_index("s")
        wid = c * 16 + s
        base = s * 640

        pltpu.sync_copy(zrows.at[pl.ds(0, 80)], rb0.at[pl.ds(0, 80)])
        for i in range(8):
            pltpu.async_copy(rb0.at[pl.ds(0, 80)],
                             acc.at[pl.ds(base + i * 80, 80)], ss0)
        for i in range(8):
            pltpu.make_async_copy(rb0.at[pl.ds(0, 80)],
                                  acc.at[pl.ds(base, 80)], ss0).wait()
        plsc.subcore_barrier()

        def wait_g(rb, sm):
            pltpu.make_async_copy(gp.at[srcv.at[0]], rb, sm).wait()

        def wait_s(rb, sm):
            pltpu.make_async_copy(rb, acc.at[dstv.at[0]], sm).wait()

        for half in range(2):
            hb = wid * TROWS + half * HROWS
            pltpu.sync_copy(ei2.at[pl.ds(hb, HROWS)], srcv)
            pltpu.sync_copy(ei2.at[pl.ds(EROWS + hb, HROWS)], dstv)
            pltpu.async_copy(gp.at[srcv.at[0]], rb0, sg0)
            wait_g(rb0, sg0)
            pltpu.async_copy(rb0, acc.at[dstv.at[0]], ss0, add=True)
            pltpu.async_copy(gp.at[srcv.at[1]], rb1, sg1)
            wait_g(rb1, sg1)
            pltpu.async_copy(rb1, acc.at[dstv.at[1]], ss1, add=True)
            wait_s(rb0, ss0)
            pltpu.async_copy(gp.at[srcv.at[2]], rb0, sg0)

            def body(j2, carry):
                j = 2 * j2
                wait_g(rb0, sg0)
                pltpu.async_copy(rb0, acc.at[dstv.at[j]], ss0, add=True)
                wait_s(rb1, ss1)
                pltpu.async_copy(gp.at[srcv.at[j + 1]], rb1, sg1)
                wait_g(rb1, sg1)
                pltpu.async_copy(rb1, acc.at[dstv.at[j + 1]], ss1, add=True)
                wait_s(rb0, ss0)
                nxt = jnp.minimum(j + 2, HROWS - 1)
                pltpu.async_copy(gp.at[srcv.at[nxt]], rb0, sg0)
                return carry

            lax.fori_loop(1, HROWS // 2, body, 0)
            wait_s(rb1, ss1)
            wait_g(rb0, sg0)

        plsc.subcore_barrier()
        obase = c * NPAD + base
        pltpu.sync_copy(acc.at[pl.ds(base, 80)], rb0.at[pl.ds(0, 80)])
        for i in range(8):
            buf_cur = rb0 if i % 2 == 0 else rb1
            buf_nxt = rb1 if i % 2 == 0 else rb0
            if i < 7:
                pltpu.async_copy(acc.at[pl.ds(base + (i + 1) * 80, 80)],
                                 buf_nxt.at[pl.ds(0, 80)], sg0)
            pltpu.sync_copy(buf_cur.at[pl.ds(0, 80)],
                            out.at[pl.ds(obase + i * 80, 80)])
            if i < 7:
                pltpu.make_async_copy(acc.at[pl.ds(base, 80)],
                                      buf_nxt.at[pl.ds(0, 80)], sg0).wait()

    return k


@functools.cache
def _meta_seg_kernel():
    @functools.partial(
        pl.kernel,
        out_type=(jax.ShapeDtypeStruct((2 * MPAD, H), _f32),
                  jax.ShapeDtypeStruct((2 * MPAD,), _f32)),
        mesh=_mesh(),
        scratch_types=[
            pltpu.VMEM((MTROWS, MCHUNK), jnp.int32),
            pltpu.VMEM((MCHUNK,), _f32),
            pltpu.VMEM((MCHUNK, H), _f32),
            pltpu.VMEM((64,), _f32),
            pltpu.VMEM((64, H), _f32),
            pltpu.VMEM_SHARED((MPAD, H), _f32),
            pltpu.VMEM_SHARED((MPAD,), _f32),
        ],
    )
    def k(gmn, masg2, zrows, zvec, ovec, outm, outc,
          asgv, onesv, rbuf, stage, sbuf, macc, mcnt):
        c = lax.axis_index("c")
        s = lax.axis_index("s")
        wid = c * 16 + s
        pltpu.sync_copy(masg2.at[pl.ds(wid * MTROWS, MTROWS)], asgv)
        pltpu.sync_copy(ovec.at[pl.ds(0, MCHUNK)], onesv)
        base = s * 64

        if True:
            pltpu.sync_copy(zrows.at[pl.ds(0, 64)], sbuf)
            pltpu.sync_copy(sbuf, macc.at[pl.ds(base, 64)])
            pltpu.sync_copy(zvec.at[pl.ds(0, 64)], stage)
            pltpu.sync_copy(stage, mcnt.at[pl.ds(base, 64)])
            plsc.subcore_barrier()
            for j in range(MTROWS):
                pltpu.sync_copy(
                    gmn.at[pl.ds(wid * (MTROWS * MCHUNK) + j * MCHUNK,
                                 MCHUNK)], rbuf)
                pltpu.sync_copy(rbuf, macc.at[asgv.at[j]], add=True)
                pltpu.sync_copy(onesv, mcnt.at[asgv.at[j]], add=True)
            plsc.subcore_barrier()
            pltpu.sync_copy(mcnt.at[pl.ds(base, 64)], stage)
            pltpu.sync_copy(macc.at[pl.ds(base, 64)], sbuf)
            obase = c * MPAD + base
            pltpu.sync_copy(sbuf, outm.at[pl.ds(obase, 64)])
            pltpu.sync_copy(stage, outc.at[pl.ds(obase, 64)])

    return k


RB = 1280
NG = NPAD // RB


def _w_spec():
    return pl.BlockSpec((H, H), lambda i: (0, 0))


def _b_spec():
    return pl.BlockSpec((1, H), lambda i: (0, 0))


def _row_spec(w=H):
    return pl.BlockSpec((RB, w), lambda i: (i, 0))


def _col_spec():
    return pl.BlockSpec((RB, 1), lambda i: (i, 0))


def _tc1a(x, W_lin, b_lin):
    def body(x_ref, wl, bl, h0_ref):
        h0_ref[...] = _leaky(_dotT(x_ref[...], wl[...]) + bl[...])

    return pl.pallas_call(
        body,
        grid=(N // 2000,),
        in_specs=[pl.BlockSpec((2000, H), lambda i: (i, 0)),
                  _w_spec(), _b_spec()],
        out_specs=pl.BlockSpec((2000, H), lambda i: (i, 0)),
        out_shape=jax.ShapeDtypeStruct((NPAD, H), _f32),
    )(x, W_lin, b_lin)


def _tc1b(h0, W_c1, degp):
    def body(h0_ref, wc1, d0, d1, g1p_ref, dinv_ref):
        g1 = _dotT(h0_ref[...], wc1[...])
        dinv = lax.rsqrt(d0[...] + d1[...] + 1.0)
        dinv_ref[...] = dinv
        g1p_ref[...] = g1 * dinv

    return pl.pallas_call(
        body,
        grid=(NG,),
        in_specs=[_row_spec(), _w_spec(),
                  pl.BlockSpec((RB, 1), lambda i: (i, 0)),
                  pl.BlockSpec((RB, 1), lambda i: (i + NG, 0))],
        out_specs=[_row_spec(), _col_spec()],
        out_shape=[jax.ShapeDtypeStruct((NPAD, H), _f32),
                   jax.ShapeDtypeStruct((NPAD, 1), _f32)],
    )(h0, W_c1, degp, degp)


def _tc2(p, g1p, dinv, b_c1, W_c2):
    def body(p0r, p1r, gr, dr, br, wr, out_ref):
        d = dr[...]
        h1 = _leaky(d * (p0r[...] + p1r[...] + gr[...]) + br[...])
        out_ref[...] = _dotT(h1, wr[...]) * d

    return pl.pallas_call(
        body,
        grid=(NG,),
        in_specs=[_row_spec(), pl.BlockSpec((RB, H), lambda i: (i + NG, 0)),
                  _row_spec(), _col_spec(), _b_spec(), _w_spec()],
        out_specs=_row_spec(),
        out_shape=jax.ShapeDtypeStruct((NPAD, H), _f32),
    )(p, p, g1p, dinv, b_c1, W_c2)


def _log_softmax(lg):
    mx = jnp.max(lg, axis=1, keepdims=True)
    return lg - (jnp.log(jnp.sum(jnp.exp(lg - mx), axis=1, keepdims=True)) + mx)


def _tc3a(p, g2p, dinv, b_c2, W_mg):
    def body(p0r, p1r, gr, dr, br, wmg, gmn_ref):
        d = dr[...]
        h2 = _leaky(d * (p0r[...] + p1r[...] + gr[...]) + br[...])
        gmn_ref[...] = _dotT(h2, wmg[...])

    return pl.pallas_call(
        body,
        grid=(NG,),
        in_specs=[_row_spec(), pl.BlockSpec((RB, H), lambda i: (i + NG, 0)),
                  _row_spec(), _col_spec(), _b_spec(), _w_spec()],
        out_specs=_row_spec(),
        out_shape=jax.ShapeDtypeStruct((NPAD, H), _f32),
    )(p, p, g2p, dinv, b_c2, W_mg)


def _tc3b(gmn, b_mg, W_cls, b_cls):
    def body(gmn_ref, bmg, wcls, bcls, top_ref):
        topv = _leaky(gmn_ref[...] + bmg[...])
        lg = _dotT(topv, wcls[...]) + bcls[...]
        top_ref[...] = _log_softmax(lg)

    return pl.pallas_call(
        body,
        grid=(NG,),
        in_specs=[_row_spec(), _b_spec(),
                  pl.BlockSpec((C, H), lambda i: (0, 0)),
                  pl.BlockSpec((1, C), lambda i: (0, 0))],
        out_specs=_row_spec(C),
        out_shape=jax.ShapeDtypeStruct((NPAD, C), _f32),
    )(gmn, b_mg, W_cls, b_cls)


def _tc4a(meta_x, W_ml, b_ml, W_mg):
    def body(mx, wml, bml, wmg, gmm_ref):
        mh = _leaky(_dotT(mx[...], wml[...]) + bml[...])
        gmm_ref[...] = _dotT(mh, wmg[...])

    mspec = pl.BlockSpec((M, H), lambda: (0, 0))
    return pl.pallas_call(
        body,
        grid=(),
        in_specs=[mspec, pl.BlockSpec((H, H), lambda: (0, 0)),
                  pl.BlockSpec((1, H), lambda: (0, 0)),
                  pl.BlockSpec((H, H), lambda: (0, 0))],
        out_specs=mspec,
        out_shape=jax.ShapeDtypeStruct((M, H), _f32),
    )(meta_x, W_ml, b_ml, W_mg)


def _tc4b(gmm, b_mg, mp, cp, W_cls, b_cls):
    def body(gmm_ref, bmg, m0, m1, c0r, c1r, wcls, bcls, out_ref):
        dm = lax.rsqrt(c0r[...] + c1r[...] + 1.0)
        botv = _leaky(dm * dm * gmm_ref[...] + dm * (m0[...] + m1[...])
                      + bmg[...])
        lg = _dotT(botv, wcls[...]) + bcls[...]
        out_ref[...] = _log_softmax(lg)

    mspec = pl.BlockSpec((M, H), lambda i: (0, 0))
    return pl.pallas_call(
        body,
        grid=(1,),
        in_specs=[mspec, pl.BlockSpec((1, H), lambda i: (0, 0)),
                  mspec, pl.BlockSpec((M, H), lambda i: (1, 0)),
                  pl.BlockSpec((M, 1), lambda i: (0, 0)),
                  pl.BlockSpec((M, 1), lambda i: (1, 0)),
                  pl.BlockSpec((C, H), lambda i: (0, 0)),
                  pl.BlockSpec((1, C), lambda i: (0, 0))],
        out_specs=pl.BlockSpec((M, C), lambda i: (0, 0)),
        out_shape=jax.ShapeDtypeStruct((M, C), _f32),
    )(gmm, b_mg, mp, mp, cp, cp, W_cls, b_cls)


def kernel(x, edge_index, meta_x, meta_assign, W_lin, b_lin, W_ml, b_ml,
           W_c1, b_c1, W_c2, b_c2, W_mg, b_mg, W_cls, b_cls):
    ei2 = edge_index.reshape(2 * EROWS, ECHUNK)
    npad = MROWS * MCHUNK - N
    masg2 = jnp.concatenate(
        [meta_assign.astype(jnp.int32),
         jnp.full((npad,), M, jnp.int32)]).reshape(MROWS, MCHUNK)
    zrows = jnp.zeros((128, H), _f32)
    zvec = jnp.zeros((640,), _f32)
    ovec = jnp.ones((128,), _f32)

    degp = _deg_hist_kernel()(ei2, zvec, ovec)
    h0 = _tc1a(x, W_lin, b_lin.reshape(1, H))

    g1p, dinv = _tc1b(h0, W_c1, degp.reshape(2 * NPAD, 1))
    p1 = _seg_sum_kernel()(g1p, ei2, zrows)
    gmm = _tc4a(meta_x, W_ml, b_ml.reshape(1, H), W_mg)
    g2p = _tc2(p1, g1p, dinv, b_c1.reshape(1, H), W_c2)
    p2 = _seg_sum_kernel()(g2p, ei2, zrows)
    gmn = _tc3a(p2, g2p, dinv, b_c2.reshape(1, H), W_mg)
    mp, cp = _meta_seg_kernel()(gmn, masg2, zrows, zvec, ovec)
    out_top = _tc3b(gmn, b_mg.reshape(1, H), W_cls, b_cls.reshape(1, C))
    out_bot = _tc4b(gmm, b_mg.reshape(1, H), mp.reshape(2, MPAD, H)[:, :M]
                    .reshape(2 * M, H),
                    cp.reshape(2, MPAD)[:, :M].reshape(2 * M, 1),
                    W_cls, b_cls.reshape(1, C))
    return jnp.concatenate([out_top[:N], out_bot], axis=0)

# --- scband reference (transcript-rebuilt; emitter-appended) ---
"""Pipeline reference for scband-emgnn-51573967290496 (READ-ONLY COPY).

The authoritative reference and input builder live on the scoring server;
editing this copy changes nothing except your own understanding.
"""

import jax, jax.numpy as jnp
import numpy as np

N = 10000   # original nodes
M = 1000    # meta nodes
E = 320000  # edges
F = 128     # nfeat
H = 128     # hidden_channels
C = 16      # nclass
ALPHA = 0.2


def leaky(x):
    return jnp.where(x >= 0, x, ALPHA * x)


def gcn_conv(x, src, dst, W, b, n):
    # PyG GCNConv: lin -> add self loops -> sym-normalized scatter-add -> bias
    loop = jnp.arange(n, dtype=src.dtype)
    s = jnp.concatenate([src, loop])
    d = jnp.concatenate([dst, loop])
    deg = jnp.zeros((n,), jnp.float32).at[d].add(1.0)
    dinv = jnp.where(deg > 0, 1.0 / jnp.sqrt(deg), 0.0)
    norm = dinv[s] * dinv[d]
    h = x @ W.T
    out = jnp.zeros((n, h.shape[1]), jnp.float32).at[d].add(h[s] * norm[:, None])
    return out + b


def setup_inputs(seed: int = 0) -> dict:
    key = jax.random.key(seed)
    ks = jax.random.split(key, 24)
    x = jax.random.normal(ks[0], (N, F), jnp.float32)
    edge_index = jax.random.randint(ks[1], (2, E), 0, N, jnp.int32)
    meta_x = jax.random.normal(ks[2], (M, F), jnp.float32)
    meta_assign = jax.random.randint(ks[3], (N,), 0, M, jnp.int32)  # node2idx per node
    s = 0.05
    params = {
        'W_lin': jax.random.normal(ks[4], (H, F), jnp.float32) * s,
        'b_lin': jnp.zeros((H,), jnp.float32),
        'W_ml': jax.random.normal(ks[5], (H, F), jnp.float32) * s,
        'b_ml': jnp.zeros((H,), jnp.float32),
        'W_c1': jax.random.normal(ks[6], (H, H), jnp.float32) * s,
        'b_c1': jnp.zeros((H,), jnp.float32),
        'W_c2': jax.random.normal(ks[7], (H, H), jnp.float32) * s,
        'b_c2': jnp.zeros((H,), jnp.float32),
        'W_mg': jax.random.normal(ks[8], (H, H), jnp.float32) * s,
        'b_mg': jnp.zeros((H,), jnp.float32),
        'W_cls': jax.random.normal(ks[9], (C, H), jnp.float32) * s,
        'b_cls': jnp.zeros((C,), jnp.float32),
    }
    inp = {'x': x, 'edge_index': edge_index, 'meta_x': meta_x, 'meta_assign': meta_assign}
    inp.update(params)
    return inp


def reference(x, edge_index, meta_x, meta_assign, W_lin, b_lin, W_ml, b_ml,
              W_c1, b_c1, W_c2, b_c2, W_mg, b_mg, W_cls, b_cls):
    h = leaky(x @ W_lin.T + b_lin)
    mh = leaky(meta_x @ W_ml.T + b_ml)
    src, dst = edge_index[0], edge_index[1]
    # n_layers = 2 GCN layers on the base graph (dropout is eval no-op)
    h = leaky(gcn_conv(h, src, dst, W_c1, b_c1, N))
    h = leaky(gcn_conv(h, src, dst, W_c2, b_c2, N))
    # meta GNN over concatenated [node, meta] features
    hc = jnp.concatenate([h, mh], axis=0)
    msrc = jnp.arange(N, dtype=jnp.int32)
    mdst = meta_assign + N
    h2 = leaky(gcn_conv(hc, msrc, mdst, W_mg, b_mg, N + M))
    logits = h2 @ W_cls.T + b_cls
    return jax.nn.log_softmax(logits, axis=1)

if __name__ == "__main__":
    import jax
    _d = setup_inputs()
    print(jax.jit(kernel)(*tuple(_d.values())))

</pallas_src>

<mosaic_0001>
#map = affine_map<(d0, d1) -> (0, 0)>
module attributes {stable_mosaic.version = 14 : i64} {
  func.func @k(%arg0: i32, %arg1: i32, %arg2: memref<10240x128xf32, #tpu.memory_space<hbm>>, %arg3: memref<5120x125xi32, #tpu.memory_space<hbm>>, %arg4: memref<128x128xf32, #tpu.memory_space<hbm>>, %arg5: memref<20480x128xf32, #tpu.memory_space<hbm>>, %arg6: memref<40x125xi32, #tpu.memory_space<vmem>>, %arg7: memref<40x125xi32, #tpu.memory_space<vmem>>, %arg8: memref<125x128xf32, #tpu.memory_space<vmem>>, %arg9: memref<125x128xf32, #tpu.memory_space<vmem>>, %arg10: memref<!tpu.dma_semaphore, #tpu.memory_space<semaphore_mem>>, %arg11: memref<!tpu.dma_semaphore, #tpu.memory_space<semaphore_mem>>, %arg12: memref<!tpu.dma_semaphore, #tpu.memory_space<semaphore_mem>>, %arg13: memref<!tpu.dma_semaphore, #tpu.memory_space<semaphore_mem>>, %arg14: memref<10240x128xf32, #tpu.memory_space<vmem_shared>>) attributes {dimension_semantics = [#tpu.dimension_semantics<core_parallel>, #tpu.dimension_semantics<subcore_parallel>], iteration_bounds = array<i64: 2, 16>, scalar_prefetch = 0 : i64, scratch_operands = 9 : i64, tpu.core_type = #tpu.core_type<sc_vector_subcore>, window_params = [{transform_indices = #map}, {transform_indices = #map}, {transform_indices = #map}, {transform_indices = #map}]} {
    %mul3A = arith.constant 16 : i32
    %mul3A_0 = arith.muli %arg0, %mul3A : i32
    %add3A = arith.addi %mul3A_0, %arg1 : i32
    %mul3A_1 = arith.constant 640 : i32
    %mul3A_2 = arith.muli %arg1, %mul3A_1 : i32
    "tpu.region"() ({
      %run_scoped3A = tpu.sem_alloc : memref<!tpu.dma_semaphore, #tpu.memory_space<semaphore_mem>>
      %dma_start3A_514 = arith.constant 0 : i32
      %dma_start3A_515 = arith.constant 0 : i32
      %dma_start3A_516 = tpu.memref_slice %arg8[%dma_start3A_514, %dma_start3A_515] : memref<125x128xf32, #tpu.memory_space<vmem>> -> memref<80x128xf32, #tpu.memory_space<vmem>>
      %dma_start3A_517 = arith.constant 0 : i32
      %dma_start3A_518 = arith.constant 0 : i32
      %dma_start3A_519 = tpu.memref_slice %arg4[%dma_start3A_517, %dma_start3A_518] : memref<128x128xf32, #tpu.memory_space<hbm>> -> memref<80x128xf32, #tpu.memory_space<hbm>>
      %dma_start3A_520 = arith.constant 0 : i32
      %dma_start3A_521 = arith.constant 0 : i32
      %dma_start3A_522 = tpu.memref_slice %arg8[%dma_start3A_520, %dma_start3A_521] : memref<125x128xf32, #tpu.memory_space<vmem>> -> memref<80x128xf32, #tpu.memory_space<vmem>>
      %dma_start3A_523 = arith.constant 0 : i32
      %dma_start3A_524 = arith.constant 0 : i32
      %dma_start3A_525 = tpu.memref_slice %arg4[%dma_start3A_523, %dma_start3A_524] : memref<128x128xf32, #tpu.memory_space<hbm>> -> memref<80x128xf32, #tpu.memory_space<hbm>>
      tpu.enqueue_dma source(%dma_start3A_525 : memref<80x128xf32, #tpu.memory_space<hbm>>) target(%dma_start3A_522 : memref<80x128xf32, #tpu.memory_space<vmem>>) target_semaphore(%run_scoped3A : memref<!tpu.dma_semaphore, #tpu.memory_space<semaphore_mem>>)
      %dma_wait3A_526 = arith.constant 0 : i32
      %dma_wait3A_527 = arith.constant 0 : i32
      %dma_wait3A_528 = tpu.memref_slice %arg8[%dma_wait3A_526, %dma_wait3A_527] : memref<125x128xf32, #tpu.memory_space<vmem>> -> memref<80x128xf32, #tpu.memory_space<vmem>>
      %dma_wait3A_529 = arith.constant 0 : i32
      %dma_wait3A_530 = arith.constant 0 : i32
      %dma_wait3A_531 = tpu.memref_slice %arg4[%dma_wait3A_529, %dma_wait3A_530] : memref<128x128xf32, #tpu.memory_space<hbm>> -> memref<80x128xf32, #tpu.memory_space<hbm>>
      %dma_wait3A_532 = arith.constant 0 : i32
      %dma_wait3A_533 = arith.constant 0 : i32
      %dma_wait3A_534 = tpu.memref_slice %arg8[%dma_wait3A_532, %dma_wait3A_533] : memref<125x128xf32, #tpu.memory_space<vmem>> -> memref<80x128xf32, #tpu.memory_space<vmem>>
      %dma_wait3A_535 = arith.constant 0 : i32
      %dma_wait3A_536 = arith.constant 0 : i32
      %dma_wait3A_537 = tpu.memref_slice %arg4[%dma_wait3A_535, %dma_wait3A_536] : memref<128x128xf32, #tpu.memory_space<hbm>> -> memref<80x128xf32, #tpu.memory_space<hbm>>
      tpu.wait_dma2 semaphore(%run_scoped3A : memref<!tpu.dma_semaphore, #tpu.memory_space<semaphore_mem>>) src(%dma_wait3A_537 : memref<80x128xf32, #tpu.memory_space<hbm>>) dst(%dma_wait3A_534 : memref<80x128xf32, #tpu.memory_space<vmem>>)
      tpu.yield
    }) : () -> ()
    %add3A_3 = arith.constant 0 : i32
    %add3A_4 = arith.addi %mul3A_2, %add3A_3 : i32
    %dma_start3A = arith.constant 0 : i32
    %dma_start3A_5 = arith.constant 0 : i32
    %dma_start3A_6 = tpu.memref_slice %arg8[%dma_start3A, %dma_start3A_5] : memref<125x128xf32, #tpu.memory_space<vmem>> -> memref<80x128xf32, #tpu.memory_space<vmem>>
    %dma_start3A_7 = arith.constant 0 : i32
    %dma_start3A_8 = tpu.memref_slice %arg14[%add3A_4, %dma_start3A_7] : memref<10240x128xf32, #tpu.memory_space<vmem_shared>> -> memref<80x128xf32, #tpu.memory_space<vmem_shared>>
    %dma_start3A_9 = arith.constant 0 : i32
    %dma_start3A_10 = tpu.memref_slice %arg14[%add3A_4, %dma_start3A_9] : memref<10240x128xf32, #tpu.memory_space<vmem_shared>> -> memref<80x128xf32, #tpu.memory_space<vmem_shared>>
    %dma_start3A_11 = arith.constant 0 : i32
    %dma_start3A_12 = arith.constant 0 : i32
    %dma_start3A_13 = tpu.memref_slice %arg8[%dma_start3A_11, %dma_start3A_12] : memref<125x128xf32, #tpu.memory_space<vmem>> -> memref<80x128xf32, #tpu.memory_space<vmem>>
    tpu.enqueue_dma source(%dma_start3A_13 : memref<80x128xf32, #tpu.memory_space<vmem>>) target(%dma_start3A_10 : memref<80x128xf32, #tpu.memory_space<vmem_shared>>) target_semaphore(%arg12 : memref<!tpu.dma_semaphore, #tpu.memory_space<semaphore_mem>>)
    %add3A_14 = arith.constant 80 : i32
    %add3A_15 = arith.addi %mul3A_2, %add3A_14 : i32
    %dma_start3A_16 = arith.constant 0 : i32
    %dma_start3A_17 = arith.constant 0 : i32
    %dma_start3A_18 = tpu.memref_slice %arg8[%dma_start3A_16, %dma_start3A_17] : memref<125x128xf32, #tpu.memory_space<vmem>> -> memref<80x128xf32, #tpu.memory_space<vmem>>
    %dma_start3A_19 = arith.constant 0 : i32
    %dma_start3A_20 = tpu.memref_slice %arg14[%add3A_15, %dma_start3A_19] : memref<10240x128xf32, #tpu.memory_space<vmem_shared>> -> memref<80x128xf32, #tpu.memory_space<vmem_shared>>
    %dma_start3A_21 = arith.constant 0 : i32
    %dma_start3A_22 = tpu.memref_slice %arg14[%add3A_15, %dma_start3A_21] : memref<10240x128xf32, #tpu.memory_space<vmem_shared>> -> memref<80x128xf32, #tpu.memory_space<vmem_shared>>
    %dma_start3A_23 = arith.constant 0 : i32
    %dma_start3A_24 = arith.constant 0 : i32
    %dma_start3A_25 = tpu.memref_slice %arg8[%dma_start3A_23, %dma_start3A_24] : memref<125x128xf32, #tpu.memory_space<vmem>> -> memref<80x128xf32, #tpu.memory_space<vmem>>
    tpu.enqueue_dma source(%dma_start3A_25 : memref<80x128xf32, #tpu.memory_space<vmem>>) target(%dma_start3A_22 : memref<80x128xf32, #tpu.memory_space<vmem_shared>>) target_semaphore(%arg12 : memref<!tpu.dma_semaphore, #tpu.memory_space<semaphore_mem>>)
    %add3A_26 = arith.constant 160 : i32
    %add3A_27 = arith.addi %mul3A_2, %add3A_26 : i32
    %dma_start3A_28 = arith.constant 0 : i32
    %dma_start3A_29 = arith.constant 0 : i32
    %dma_start3A_30 = tpu.memref_slice %arg8[%dma_start3A_28, %dma_start3A_29] : memref<125x128xf32, #tpu.memory_space<vmem>> -> memref<80x128xf32, #tpu.memory_space<vmem>>
    %dma_start3A_31 = arith.constant 0 : i32
    %dma_start3A_32 = tpu.memref_slice %arg14[%add3A_27, %dma_start3A_31] : memref<10240x128xf32, #tpu.memory_space<vmem_shared>> -> memref<80x128xf32, #tpu.memory_space<vmem_shared>>
    %dma_start3A_33 = arith.constant 0 : i32
    %dma_start3A_34 = tpu.memref_slice %arg14[%add3A_27, %dma_start3A_33] : memref<10240x128xf32, #tpu.memory_space<vmem_shared>> -> memref<80x128xf32, #tpu.memory_space<vmem_shared>>
    %dma_start3A_35 = arith.constant 0 : i32
    %dma_start3A_36 = arith.constant 0 : i32
    %dma_start3A_37 = tpu.memref_slice %arg8[%dma_start3A_35, %dma_start3A_36] : memref<125x128xf32, #tpu.memory_space<vmem>> -> memref<80x128xf32, #tpu.memory_space<vmem>>
    tpu.enqueue_dma source(%dma_start3A_37 : memref<80x128xf32, #tpu.memory_space<vmem>>) target(%dma_start3A_34 : memref<80x128xf32, #tpu.memory_space<vmem_shared>>) target_semaphore(%arg12 : memref<!tpu.dma_semaphore, #tpu.memory_space<semaphore_mem>>)
    %add3A_38 = arith.constant 240 : i32
    %add3A_39 = arith.addi %mul3A_2, %add3A_38 : i32
    %dma_start3A_40 = arith.constant 0 : i32
    %dma_start3A_41 = arith.constant 0 : i32
    %dma_start3A_42 = tpu.memref_slice %arg8[%dma_start3A_40, %dma_start3A_41] : memref<125x128xf32, #tpu.memory_space<vmem>> -> memref<80x128xf32, #tpu.memory_space<vmem>>
    %dma_start3A_43 = arith.constant 0 : i32
    %dma_start3A_44 = tpu.memref_slice %arg14[%add3A_39, %dma_start3A_43] : memref<10240x128xf32, #tpu.memory_space<vmem_shared>> -> memref<80x128xf32, #tpu.memory_space<vmem_shared>>
    %dma_start3A_45 = arith.constant 0 : i32
    %dma_start3A_46 = tpu.memref_slice %arg14[%add3A_39, %dma_start3A_45] : memref<10240x128xf32, #tpu.memory_space<vmem_shared>> -> memref<80x128xf32, #tpu.memory_space<vmem_shared>>
    %dma_start3A_47 = arith.constant 0 : i32
    %dma_start3A_48 = arith.constant 0 : i32
    %dma_start3A_49 = tpu.memref_slice %arg8[%dma_start3A_47, %dma_start3A_48] : memref<125x128xf32, #tpu.memory_space<vmem>> -> memref<80x128xf32, #tpu.memory_space<vmem>>
    tpu.enqueue_dma source(%dma_start3A_49 : memref<80x128xf32, #tpu.memory_space<vmem>>) target(%dma_start3A_46 : memref<80x128xf32, #tpu.memory_space<vmem_shared>>) target_semaphore(%arg12 : memref<!tpu.dma_semaphore, #tpu.memory_space<semaphore_mem>>)
    %add3A_50 = arith.constant 320 : i32
    %add3A_51 = arith.addi %mul3A_2, %add3A_50 : i32
    %dma_start3A_52 = arith.constant 0 : i32
    %dma_start3A_53 = arith.constant 0 : i32
    %dma_start3A_54 = tpu.memref_slice %arg8[%dma_start3A_52, %dma_start3A_53] : memref<125x128xf32, #tpu.memory_space<vmem>> -> memref<80x128xf32, #tpu.memory_space<vmem>>
    %dma_start3A_55 = arith.constant 0 : i32
    %dma_start3A_56 = tpu.memref_slice %arg14[%add3A_51, %dma_start3A_55] : memref<10240x128xf32, #tpu.memory_space<vmem_shared>> -> memref<80x128xf32, #tpu.memory_space<vmem_shared>>
    %dma_start3A_57 = arith.constant 0 : i32
    %dma_start3A_58 = tpu.memref_slice %arg14[%add3A_51, %dma_start3A_57] : memref<10240x128xf32, #tpu.memory_space<vmem_shared>> -> memref<80x128xf32, #tpu.memory_space<vmem_shared>>
    %dma_start3A_59 = arith.constant 0 : i32
    %dma_start3A_60 = arith.constant 0 : i32
    %dma_start3A_61 = tpu.memref_slice %arg8[%dma_start3A_59, %dma_start3A_60] : memref<125x128xf32, #tpu.memory_space<vmem>> -> memref<80x128xf32, #tpu.memory_space<vmem>>
    tpu.enqueue_dma source(%dma_start3A_61 : memref<80x128xf32, #tpu.memory_space<vmem>>) target(%dma_start3A_58 : memref<80x128xf32, #tpu.memory_space<vmem_shared>>) target_semaphore(%arg12 : memref<!tpu.dma_semaphore, #tpu.memory_space<semaphore_mem>>)
    %add3A_62 = arith.constant 400 : i32
    %add3A_63 = arith.addi %mul3A_2, %add3A_62 : i32
    %dma_start3A_64 = arith.constant 0 : i32
    %dma_start3A_65 = arith.constant 0 : i32
    %dma_start3A_66 = tpu.memref_slice %arg8[%dma_start3A_64, %dma_start3A_65] : memref<125x128xf32, #tpu.memory_space<vmem>> -> memref<80x128xf32, #tpu.memory_space<vmem>>
    %dma_start3A_67 = arith.constant 0 : i32
    %dma_start3A_68 = tpu.memref_slice %arg14[%add3A_63, %dma_start3A_67] : memref<10240x128xf32, #tpu.memory_space<vmem_shared>> -> memref<80x128xf32, #tpu.memory_space<vmem_shared>>
    %dma_start3A_69 = arith.constant 0 : i32
    %dma_start3A_70 = tpu.memref_slice %arg14[%add3A_63, %dma_start3A_69] : memref<10240x128xf32, #tpu.memory_space<vmem_shared>> -> memref<80x128xf32, #tpu.memory_space<vmem_shared>>
    %dma_start3A_71 = arith.constant 0 : i32
    %dma_start3A_72 = arith.constant 0 : i32
    %dma_start3A_73 = tpu.memref_slice %arg8[%dma_start3A_71, %dma_start3A_72] : memref<125x128xf32, #tpu.memory_space<vmem>> -> memref<80x128xf32, #tpu.memory_space<vmem>>
    tpu.enqueue_dma source(%dma_start3A_73 : memref<80x128xf32, #tpu.memory_space<vmem>>) target(%dma_start3A_70 : memref<80x128xf32, #tpu.memory_space<vmem_shared>>) target_semaphore(%arg12 : memref<!tpu.dma_semaphore, #tpu.memory_space<semaphore_mem>>)
    %add3A_74 = arith.constant 480 : i32
    %add3A_75 = arith.addi %mul3A_2, %add3A_74 : i32
    %dma_start3A_76 = arith.constant 0 : i32
    %dma_start3A_77 = arith.constant 0 : i32
    %dma_start3A_78 = tpu.memref_slice %arg8[%dma_start3A_76, %dma_start3A_77] : memref<125x128xf32, #tpu.memory_space<vmem>> -> memref<80x128xf32, #tpu.memory_space<vmem>>
    %dma_start3A_79 = arith.constant 0 : i32
    %dma_start3A_80 = tpu.memref_slice %arg14[%add3A_75, %dma_start3A_79] : memref<10240x128xf32, #tpu.memory_space<vmem_shared>> -> memref<80x128xf32, #tpu.memory_space<vmem_shared>>
    %dma_start3A_81 = arith.constant 0 : i32
    %dma_start3A_82 = tpu.memref_slice %arg14[%add3A_75, %dma_start3A_81] : memref<10240x128xf32, #tpu.memory_space<vmem_shared>> -> memref<80x128xf32, #tpu.memory_space<vmem_shared>>
    %dma_start3A_83 = arith.constant 0 : i32
    %dma_start3A_84 = arith.constant 0 : i32
    %dma_start3A_85 = tpu.memref_slice %arg8[%dma_start3A_83, %dma_start3A_84] : memref<125x128xf32, #tpu.memory_space<vmem>> -> memref<80x128xf32, #tpu.memory_space<vmem>>
    tpu.enqueue_dma source(%dma_start3A_85 : memref<80x128xf32, #tpu.memory_space<vmem>>) target(%dma_start3A_82 : memref<80x128xf32, #tpu.memory_space<vmem_shared>>) target_semaphore(%arg12 : memref<!tpu.dma_semaphore, #tpu.memory_space<semaphore_mem>>)
    %add3A_86 = arith.constant 560 : i32
    %add3A_87 = arith.addi %mul3A_2, %add3A_86 : i32
    %dma_start3A_88 = arith.constant 0 : i32
    %dma_start3A_89 = arith.constant 0 : i32
    %dma_start3A_90 = tpu.memref_slice %arg8[%dma_start3A_88, %dma_start3A_89] : memref<125x128xf32, #tpu.memory_space<vmem>> -> memref<80x128xf32, #tpu.memory_space<vmem>>
    %dma_start3A_91 = arith.constant 0 : i32
    %dma_start3A_92 = tpu.memref_slice %arg14[%add3A_87, %dma_start3A_91] : memref<10240x128xf32, #tpu.memory_space<vmem_shared>> -> memref<80x128xf32, #tpu.memory_space<vmem_shared>>
    %dma_start3A_93 = arith.constant 0 : i32
    %dma_start3A_94 = tpu.memref_slice %arg14[%add3A_87, %dma_start3A_93] : memref<10240x128xf32, #tpu.memory_space<vmem_shared>> -> memref<80x128xf32, #tpu.memory_space<vmem_shared>>
    %dma_start3A_95 = arith.constant 0 : i32
    %dma_start3A_96 = arith.constant 0 : i32
    %dma_start3A_97 = tpu.memref_slice %arg8[%dma_start3A_95, %dma_start3A_96] : memref<125x128xf32, #tpu.memory_space<vmem>> -> memref<80x128xf32, #tpu.memory_space<vmem>>
    tpu.enqueue_dma source(%dma_start3A_97 : memref<80x128xf32, #tpu.memory_space<vmem>>) target(%dma_start3A_94 : memref<80x128xf32, #tpu.memory_space<vmem_shared>>) target_semaphore(%arg12 : memref<!tpu.dma_semaphore, #tpu.memory_space<semaphore_mem>>)
    %dma_wait3A = arith.constant 0 : i32
    %dma_wait3A_98 = arith.constant 0 : i32
    %dma_wait3A_99 = tpu.memref_slice %arg8[%dma_wait3A, %dma_wait3A_98] : memref<125x128xf32, #tpu.memory_space<vmem>> -> memref<80x128xf32, #tpu.memory_space<vmem>>
    %dma_wait3A_100 = arith.constant 0 : i32
    %dma_wait3A_101 = tpu.memref_slice %arg14[%mul3A_2, %dma_wait3A_100] : memref<10240x128xf32, #tpu.memory_space<vmem_shared>> -> memref<80x128xf32, #tpu.memory_space<vmem_shared>>
    %dma_wait3A_102 = arith.constant 0 : i32
    %dma_wait3A_103 = tpu.memref_slice %arg14[%mul3A_2, %dma_wait3A_102] : memref<10240x128xf32, #tpu.memory_space<vmem_shared>> -> memref<80x128xf32, #tpu.memory_space<vmem_shared>>
    %dma_wait3A_104 = arith.constant 0 : i32
    %dma_wait3A_105 = arith.constant 0 : i32
    %dma_wait3A_106 = tpu.memref_slice %arg8[%dma_wait3A_104, %dma_wait3A_105] : memref<125x128xf32, #tpu.memory_space<vmem>> -> memref<80x128xf32, #tpu.memory_space<vmem>>
    tpu.wait_dma2 semaphore(%arg12 : memref<!tpu.dma_semaphore, #tpu.memory_space<semaphore_mem>>) src(%dma_wait3A_106 : memref<80x128xf32, #tpu.memory_space<vmem>>) dst(%dma_wait3A_103 : memref<80x128xf32, #tpu.memory_space<vmem_shared>>)
    %dma_wait3A_107 = arith.constant 0 : i32
    %dma_wait3A_108 = arith.constant 0 : i32
    %dma_wait3A_109 = tpu.memref_slice %arg8[%dma_wait3A_107, %dma_wait3A_108] : memref<125x128xf32, #tpu.memory_space<vmem>> -> memref<80x128xf32, #tpu.memory_space<vmem>>
    %dma_wait3A_110 = arith.constant 0 : i32
    %dma_wait3A_111 = tpu.memref_slice %arg14[%mul3A_2, %dma_wait3A_110] : memref<10240x128xf32, #tpu.memory_space<vmem_shared>> -> memref<80x128xf32, #tpu.memory_space<vmem_shared>>
    %dma_wait3A_112 = arith.constant 0 : i32
    %dma_wait3A_113 = tpu.memref_slice %arg14[%mul3A_2, %dma_wait3A_112] : memref<10240x128xf32, #tpu.memory_space<vmem_shared>> -> memref<80x128xf32, #tpu.memory_space<vmem_shared>>
    %dma_wait3A_114 = arith.constant 0 : i32
    %dma_wait3A_115 = arith.constant 0 : i32
    %dma_wait3A_116 = tpu.memref_slice %arg8[%dma_wait3A_114, %dma_wait3A_115] : memref<125x128xf32, #tpu.memory_space<vmem>> -> memref<80x128xf32, #tpu.memory_space<vmem>>
    tpu.wait_dma2 semaphore(%arg12 : memref<!tpu.dma_semaphore, #tpu.memory_space<semaphore_mem>>) src(%dma_wait3A_116 : memref<80x128xf32, #tpu.memory_space<vmem>>) dst(%dma_wait3A_113 : memref<80x128xf32, #tpu.memory_space<vmem_shared>>)
    %dma_wait3A_117 = arith.constant 0 : i32
    %dma_wait3A_118 = arith.constant 0 : i32
    %dma_wait3A_119 = tpu.memref_slice %arg8[%dma_wait3A_117, %dma_wait3A_118] : memref<125x128xf32, #tpu.memory_space<vmem>> -> memref<80x128xf32, #tpu.memory_space<vmem>>
    %dma_wait3A_120 = arith.constant 0 : i32
    %dma_wait3A_121 = tpu.memref_slice %arg14[%mul3A_2, %dma_wait3A_120] : memref<10240x128xf32, #tpu.memory_space<vmem_shared>> -> memref<80x128xf32, #tpu.memory_space<vmem_shared>>
    %dma_wait3A_122 = arith.constant 0 : i32
    %dma_wait3A_123 = tpu.memref_slice %arg14[%mul3A_2, %dma_wait3A_122] : memref<10240x128xf32, #tpu.memory_space<vmem_shared>> -> memref<80x128xf32, #tpu.memory_space<vmem_shared>>
    %dma_wait3A_124 = arith.constant 0 : i32
    %dma_wait3A_125 = arith.constant 0 : i32
    %dma_wait3A_126 = tpu.memref_slice %arg8[%dma_wait3A_124, %dma_wait3A_125] : memref<125x128xf32, #tpu.memory_space<vmem>> -> memref<80x128xf32, #tpu.memory_space<vmem>>
    tpu.wait_dma2 semaphore(%arg12 : memref<!tpu.dma_semaphore, #tpu.memory_space<semaphore_mem>>) src(%dma_wait3A_126 : memref<80x128xf32, #tpu.memory_space<vmem>>) dst(%dma_wait3A_123 : memref<80x128xf32, #tpu.memory_space<vmem_shared>>)
    %dma_wait3A_127 = arith.constant 0 : i32
    %dma_wait3A_128 = arith.constant 0 : i32
    %dma_wait3A_129 = tpu.memref_slice %arg8[%dma_wait3A_127, %dma_wait3A_128] : memref<125x128xf32, #tpu.memory_space<vmem>> -> memref<80x128xf32, #tpu.memory_space<vmem>>
    %dma_wait3A_130 = arith.constant 0 : i32
    %dma_wait3A_131 = tpu.memref_slice %arg14[%mul3A_2, %dma_wait3A_130] : memref<10240x128xf32, #tpu.memory_space<vmem_shared>> -> memref<80x128xf32, #tpu.memory_space<vmem_shared>>
    %dma_wait3A_132 = arith.constant 0 : i32
    %dma_wait3A_133 = tpu.memref_slice %arg14[%mul3A_2, %dma_wait3A_132] : memref<10240x128xf32, #tpu.memory_space<vmem_shared>> -> memref<80x128xf32, #tpu.memory_space<vmem_shared>>
    %dma_wait3A_134 = arith.constant 0 : i32
    %dma_wait3A_135 = arith.constant 0 : i32
    %dma_wait3A_136 = tpu.memref_slice %arg8[%dma_wait3A_134, %dma_wait3A_135] : memref<125x128xf32, #tpu.memory_space<vmem>> -> memref<80x128xf32, #tpu.memory_space<vmem>>
    tpu.wait_dma2 semaphore(%arg12 : memref<!tpu.dma_semaphore, #tpu.memory_space<semaphore_mem>>) src(%dma_wait3A_136 : memref<80x128xf32, #tpu.memory_space<vmem>>) dst(%dma_wait3A_133 : memref<80x128xf32, #tpu.memory_space<vmem_shared>>)
    %dma_wait3A_137 = arith.constant 0 : i32
    %dma_wait3A_138 = arith.constant 0 : i32
    %dma_wait3A_139 = tpu.memref_slice %arg8[%dma_wait3A_137, %dma_wait3A_138] : memref<125x128xf32, #tpu.memory_space<vmem>> -> memref<80x128xf32, #tpu.memory_space<vmem>>
    %dma_wait3A_140 = arith.constant 0 : i32
    %dma_wait3A_141 = tpu.memref_slice %arg14[%mul3A_2, %dma_wait3A_140] : memref<10240x128xf32, #tpu.memory_space<vmem_shared>> -> memref<80x128xf32, #tpu.memory_space<vmem_shared>>
    %dma_wait3A_142 = arith.constant 0 : i32
    %dma_wait3A_143 = tpu.memref_slice %arg14[%mul3A_2, %dma_wait3A_142] : memref<10240x128xf32, #tpu.memory_space<vmem_shared>> -> memref<80x128xf32, #tpu.memory_space<vmem_shared>>
    %dma_wait3A_144 = arith.constant 0 : i32
    %dma_wait3A_145 = arith.constant 0 : i32
    %dma_wait3A_146 = tpu.memref_slice %arg8[%dma_wait3A_144, %dma_wait3A_145] : memref<125x128xf32, #tpu.memory_space<vmem>> -> memref<80x128xf32, #tpu.memory_space<vmem>>
    tpu.wait_dma2 semaphore(%arg12 : memref<!tpu.dma_semaphore, #tpu.memory_space<semaphore_mem>>) src(%dma_wait3A_146 : memref<80x128xf32, #tpu.memory_space<vmem>>) dst(%dma_wait3A_143 : memref<80x128xf32, #tpu.memory_space<vmem_shared>>)
    %dma_wait3A_147 = arith.constant 0 : i32
    %dma_wait3A_148 = arith.constant 0 : i32
    %dma_wait3A_149 = tpu.memref_slice %arg8[%dma_wait3A_147, %dma_wait3A_148] : memref<125x128xf32, #tpu.memory_space<vmem>> -> memref<80x128xf32, #tpu.memory_space<vmem>>
    %dma_wait3A_150 = arith.constant 0 : i32
    %dma_wait3A_151 = tpu.memref_slice %arg14[%mul3A_2, %dma_wait3A_150] : memref<10240x128xf32, #tpu.memory_space<vmem_shared>> -> memref<80x128xf32, #tpu.memory_space<vmem_shared>>
    %dma_wait3A_152 = arith.constant 0 : i32
    %dma_wait3A_153 = tpu.memref_slice %arg14[%mul3A_2, %dma_wait3A_152] : memref<10240x128xf32, #tpu.memory_space<vmem_shared>> -> memref<80x128xf32, #tpu.memory_space<vmem_shared>>
    %dma_wait3A_154 = arith.constant 0 : i32
    %dma_wait3A_155 = arith.constant 0 : i32
    %dma_wait3A_156 = tpu.memref_slice %arg8[%dma_wait3A_154, %dma_wait3A_155] : memref<125x128xf32, #tpu.memory_space<vmem>> -> memref<80x128xf32, #tpu.memory_space<vmem>>
    tpu.wait_dma2 semaphore(%arg12 : memref<!tpu.dma_semaphore, #tpu.memory_space<semaphore_mem>>) src(%dma_wait3A_156 : memref<80x128xf32, #tpu.memory_space<vmem>>) dst(%dma_wait3A_153 : memref<80x128xf32, #tpu.memory_space<vmem_shared>>)
    %dma_wait3A_157 = arith.constant 0 : i32
    %dma_wait3A_158 = arith.constant 0 : i32
    %dma_wait3A_159 = tpu.memref_slice %arg8[%dma_wait3A_157, %dma_wait3A_158] : memref<125x128xf32, #tpu.memory_space<vmem>> -> memref<80x128xf32, #tpu.memory_space<vmem>>
    %dma_wait3A_160 = arith.constant 0 : i32
    %dma_wait3A_161 = tpu.memref_slice %arg14[%mul3A_2, %dma_wait3A_160] : memref<10240x128xf32, #tpu.memory_space<vmem_shared>> -> memref<80x128xf32, #tpu.memory_space<vmem_shared>>
    %dma_wait3A_162 = arith.constant 0 : i32
    %dma_wait3A_163 = tpu.memref_slice %arg14[%mul3A_2, %dma_wait3A_162] : memref<10240x128xf32, #tpu.memory_space<vmem_shared>> -> memref<80x128xf32, #tpu.memory_space<vmem_shared>>
    %dma_wait3A_164 = arith.constant 0 : i32
    %dma_wait3A_165 = arith.constant 0 : i32
    %dma_wait3A_166 = tpu.memref_slice %arg8[%dma_wait3A_164, %dma_wait3A_165] : memref<125x128xf32, #tpu.memory_space<vmem>> -> memref<80x128xf32, #tpu.memory_space<vmem>>
    tpu.wait_dma2 semaphore(%arg12 : memref<!tpu.dma_semaphore, #tpu.memory_space<semaphore_mem>>) src(%dma_wait3A_166 : memref<80x128xf32, #tpu.memory_space<vmem>>) dst(%dma_wait3A_163 : memref<80x128xf32, #tpu.memory_space<vmem_shared>>)
    %dma_wait3A_167 = arith.constant 0 : i32
    %dma_wait3A_168 = arith.constant 0 : i32
    %dma_wait3A_169 = tpu.memref_slice %arg8[%dma_wait3A_167, %dma_wait3A_168] : memref<125x128xf32, #tpu.memory_space<vmem>> -> memref<80x128xf32, #tpu.memory_space<vmem>>
    %dma_wait3A_170 = arith.constant 0 : i32
    %dma_wait3A_171 = tpu.memref_slice %arg14[%mul3A_2, %dma_wait3A_170] : memref<10240x128xf32, #tpu.memory_space<vmem_shared>> -> memref<80x128xf32, #tpu.memory_space<vmem_shared>>
    %dma_wait3A_172 = arith.constant 0 : i32
    %dma_wait3A_173 = tpu.memref_slice %arg14[%mul3A_2, %dma_wait3A_172] : memref<10240x128xf32, #tpu.memory_space<vmem_shared>> -> memref<80x128xf32, #tpu.memory_space<vmem_shared>>
    %dma_wait3A_174 = arith.constant 0 : i32
    %dma_wait3A_175 = arith.constant 0 : i32
    %dma_wait3A_176 = tpu.memref_slice %arg8[%dma_wait3A_174, %dma_wait3A_175] : memref<125x128xf32, #tpu.memory_space<vmem>> -> memref<80x128xf32, #tpu.memory_space<vmem>>
    tpu.wait_dma2 semaphore(%arg12 : memref<!tpu.dma_semaphore, #tpu.memory_space<semaphore_mem>>) src(%dma_wait3A_176 : memref<80x128xf32, #tpu.memory_space<vmem>>) dst(%dma_wait3A_173 : memref<80x128xf32, #tpu.memory_space<vmem_shared>>)
    %barrier3A = arith.constant 0 : index
    tpu.barrier barrier_id(%barrier3A)
    %mul3A_177 = arith.constant 80 : i32
    %mul3A_178 = arith.muli %add3A, %mul3A_177 : i32
    %add3A_179 = arith.constant 0 : i32
    %add3A_180 = arith.addi %mul3A_178, %add3A_179 : i32
    "tpu.region"() ({
      %run_scoped3A = tpu.sem_alloc : memref<!tpu.dma_semaphore, #tpu.memory_space<semaphore_mem>>
      %dma_start3A_514 = arith.constant 0 : i32
      %dma_start3A_515 = tpu.memref_slice %arg3[%add3A_180, %dma_start3A_514] : memref<5120x125xi32, #tpu.memory_space<hbm>> -> memref<40x125xi32, #tpu.memory_space<hbm>>
      %dma_start3A_516 = arith.constant 0 : i32
      %dma_start3A_517 = tpu.memref_slice %arg3[%add3A_180, %dma_start3A_516] : memref<5120x125xi32, #tpu.memory_space<hbm>> -> memref<40x125xi32, #tpu.memory_space<hbm>>
      tpu.enqueue_dma source(%dma_start3A_517 : memref<40x125xi32, #tpu.memory_space<hbm>>) target(%arg6 : memref<40x125xi32, #tpu.memory_space<vmem>>) target_semaphore(%run_scoped3A : memref<!tpu.dma_semaphore, #tpu.memory_space<semaphore_mem>>)
      %dma_wait3A_518 = arith.constant 0 : i32
      %dma_wait3A_519 = tpu.memref_slice %arg3[%add3A_180, %dma_wait3A_518] : memref<5120x125xi32, #tpu.memory_space<hbm>> -> memref<40x125xi32, #tpu.memory_space<hbm>>
      %dma_wait3A_520 = arith.constant 0 : i32
      %dma_wait3A_521 = tpu.memref_slice %arg3[%add3A_180, %dma_wait3A_520] : memref<5120x125xi32, #tpu.memory_space<hbm>> -> memref<40x125xi32, #tpu.memory_space<hbm>>
      tpu.wait_dma2 semaphore(%run_scoped3A : memref<!tpu.dma_semaphore, #tpu.memory_space<semaphore_mem>>) src(%dma_wait3A_521 : memref<40x125xi32, #tpu.memory_space<hbm>>) dst(%arg6 : memref<40x125xi32, #tpu.memory_space<vmem>>)
      tpu.yield
    }) : () -> ()
    %add3A_181 = arith.constant 2560 : i32
    %add3A_182 = arith.addi %add3A_181, %add3A_180 : i32
    "tpu.region"() ({
      %run_scoped3A = tpu.sem_alloc : memref<!tpu.dma_semaphore, #tpu.memory_space<semaphore_mem>>
      %dma_start3A_514 = arith.constant 0 : i32
      %dma_start3A_515 = tpu.memref_slice %arg3[%add3A_182, %dma_start3A_514] : memref<5120x125xi32, #tpu.memory_space<hbm>> -> memref<40x125xi32, #tpu.memory_space<hbm>>
      %dma_start3A_516 = arith.constant 0 : i32
      %dma_start3A_517 = tpu.memref_slice %arg3[%add3A_182, %dma_start3A_516] : memref<5120x125xi32, #tpu.memory_space<hbm>> -> memref<40x125xi32, #tpu.memory_space<hbm>>
      tpu.enqueue_dma source(%dma_start3A_517 : memref<40x125xi32, #tpu.memory_space<hbm>>) target(%arg7 : memref<40x125xi32, #tpu.memory_space<vmem>>) target_semaphore(%run_scoped3A : memref<!tpu.dma_semaphore, #tpu.memory_space<semaphore_mem>>)
      %dma_wait3A_518 = arith.constant 0 : i32
      %dma_wait3A_519 = tpu.memref_slice %arg3[%add3A_182, %dma_wait3A_518] : memref<5120x125xi32, #tpu.memory_space<hbm>> -> memref<40x125xi32, #tpu.memory_space<hbm>>
      %dma_wait3A_520 = arith.constant 0 : i32
      %dma_wait3A_521 = tpu.memref_slice %arg3[%add3A_182, %dma_wait3A_520] : memref<5120x125xi32, #tpu.memory_space<hbm>> -> memref<40x125xi32, #tpu.memory_space<hbm>>
      tpu.wait_dma2 semaphore(%run_scoped3A : memref<!tpu.dma_semaphore, #tpu.memory_space<semaphore_mem>>) src(%dma_wait3A_521 : memref<40x125xi32, #tpu.memory_space<hbm>>) dst(%arg7 : memref<40x125xi32, #tpu.memory_space<vmem>>)
      tpu.yield
    }) : () -> ()
    %dma_start3A_183 = arith.constant 0 : i32
    %dma_start3A_184 = arith.constant 0 : i32
    %dma_start3A_185 = tpu.memref_slice %arg6[%dma_start3A_183, %dma_start3A_184] : memref<40x125xi32, #tpu.memory_space<vmem>> -> memref<1x125xi32, #tpu.memory_space<vmem>>
    %dma_start3A_186 = tpu.memref_squeeze %dma_start3A_185 : memref<1x125xi32, #tpu.memory_space<vmem>> -> memref<125xi32, #tpu.memory_space<vmem>>
    %dma_start3A_187 = arith.constant 0 : i32
    %dma_start3A_188 = arith.constant 0 : i32
    %dma_start3A_189 = tpu.memref_slice %arg2[%dma_start3A_187, %dma_start3A_188] : memref<10240x128xf32, #tpu.memory_space<hbm>> -> memref<10240x128xf32, #tpu.memory_space<hbm>>
    tpu.enqueue_indirect_dma source(%dma_start3A_189 : memref<10240x128xf32, #tpu.memory_space<hbm>>) target(%arg8 : memref<125x128xf32, #tpu.memory_space<vmem>>) offsets(%dma_start3A_186 : memref<125xi32, #tpu.memory_space<vmem>>) semaphore(%arg10 : memref<!tpu.dma_semaphore, #tpu.memory_space<semaphore_mem>>)
    %dma_wait3A_190 = arith.constant 0 : i32
    %dma_wait3A_191 = arith.constant 0 : i32
    %dma_wait3A_192 = tpu.memref_slice %arg6[%dma_wait3A_190, %dma_wait3A_191] : memref<40x125xi32, #tpu.memory_space<vmem>> -> memref<1x125xi32, #tpu.memory_space<vmem>>
    %dma_wait3A_193 = tpu.memref_squeeze %dma_wait3A_192 : memref<1x125xi32, #tpu.memory_space<vmem>> -> memref<125xi32, #tpu.memory_space<vmem>>
    %dma_wait3A_194 = arith.constant 0 : i32
    %dma_wait3A_195 = arith.constant 0 : i32
    %dma_wait3A_196 = tpu.memref_slice %arg2[%dma_wait3A_194, %dma_wait3A_195] : memref<10240x128xf32, #tpu.memory_space<hbm>> -> memref<10240x128xf32, #tpu.memory_space<hbm>>
    tpu.wait_indirect_dma semaphore(%arg10 : memref<!tpu.dma_semaphore, #tpu.memory_space<semaphore_mem>>) src(%dma_wait3A_196 : memref<10240x128xf32, #tpu.memory_space<hbm>>) dst(%arg8 : memref<125x128xf32, #tpu.memory_space<vmem>>)
    %dma_start3A_197 = arith.constant 0 : i32
    %dma_start3A_198 = arith.constant 0 : i32
    %dma_start3A_199 = tpu.memref_slice %arg7[%dma_start3A_197, %dma_start3A_198] : memref<40x125xi32, #tpu.memory_space<vmem>> -> memref<1x125xi32, #tpu.memory_space<vmem>>
    %dma_start3A_200 = tpu.memref_squeeze %dma_start3A_199 : memref<1x125xi32, #tpu.memory_space<vmem>> -> memref<125xi32, #tpu.memory_space<vmem>>
    %dma_start3A_201 = arith.constant 0 : i32
    %dma_start3A_202 = arith.constant 0 : i32
    %dma_start3A_203 = tpu.memref_slice %arg14[%dma_start3A_201, %dma_start3A_202] : memref<10240x128xf32, #tpu.memory_space<vmem_shared>> -> memref<10240x128xf32, #tpu.memory_space<vmem_shared>>
    tpu.enqueue_indirect_dma source(%arg8 : memref<125x128xf32, #tpu.memory_space<vmem>>) target(%dma_start3A_203 : memref<10240x128xf32, #tpu.memory_space<vmem_shared>>) offsets(%dma_start3A_200 : memref<125xi32, #tpu.memory_space<vmem>>) semaphore(%arg12 : memref<!tpu.dma_semaphore, #tpu.memory_space<semaphore_mem>>) {add = true}
    %dma_start3A_204 = arith.constant 1 : i32
    %dma_start3A_205 = arith.constant 0 : i32
    %dma_start3A_206 = tpu.memref_slice %arg6[%dma_start3A_204, %dma_start3A_205] : memref<40x125xi32, #tpu.memory_space<vmem>> -> memref<1x125xi32, #tpu.memory_space<vmem>>
    %dma_start3A_207 = tpu.memref_squeeze %dma_start3A_206 : memref<1x125xi32, #tpu.memory_space<vmem>> -> memref<125xi32, #tpu.memory_space<vmem>>
    %dma_start3A_208 = arith.constant 0 : i32
    %dma_start3A_209 = arith.constant 0 : i32
    %dma_start3A_210 = tpu.memref_slice %arg2[%dma_start3A_208, %dma_start3A_209] : memref<10240x128xf32, #tpu.memory_space<hbm>> -> memref<10240x128xf32, #tpu.memory_space<hbm>>
    tpu.enqueue_indirect_dma source(%dma_start3A_210 : memref<10240x128xf32, #tpu.memory_space<hbm>>) target(%arg9 : memref<125x128xf32, #tpu.memory_space<vmem>>) offsets(%dma_start3A_207 : memref<125xi32, #tpu.memory_space<vmem>>) semaphore(%arg11 : memref<!tpu.dma_semaphore, #tpu.memory_space<semaphore_mem>>)
    %dma_wait3A_211 = arith.constant 0 : i32
    %dma_wait3A_212 = arith.constant 0 : i32
    %dma_wait3A_213 = tpu.memref_slice %arg6[%dma_wait3A_211, %dma_wait3A_212] : memref<40x125xi32, #tpu.memory_space<vmem>> -> memref<1x125xi32, #tpu.memory_space<vmem>>
    %dma_wait3A_214 = tpu.memref_squeeze %dma_wait3A_213 : memref<1x125xi32, #tpu.memory_space<vmem>> -> memref<125xi32, #tpu.memory_space<vmem>>
    %dma_wait3A_215 = arith.constant 0 : i32
    %dma_wait3A_216 = arith.constant 0 : i32
    %dma_wait3A_217 = tpu.memref_slice %arg2[%dma_wait3A_215, %dma_wait3A_216] : memref<10240x128xf32, #tpu.memory_space<hbm>> -> memref<10240x128xf32, #tpu.memory_space<hbm>>
    tpu.wait_indirect_dma semaphore(%arg11 : memref<!tpu.dma_semaphore, #tpu.memory_space<semaphore_mem>>) src(%dma_wait3A_217 : memref<10240x128xf32, #tpu.memory_space<hbm>>) dst(%arg9 : memref<125x128xf32, #tpu.memory_space<vmem>>)
    %dma_start3A_218 = arith.constant 1 : i32
    %dma_start3A_219 = arith.constant 0 : i32
    %dma_start3A_220 = tpu.memref_slice %arg7[%dma_start3A_218, %dma_start3A_219] : memref<40x125xi32, #tpu.memory_space<vmem>> -> memref<1x125xi32, #tpu.memory_space<vmem>>
    %dma_start3A_221 = tpu.memref_squeeze %dma_start3A_220 : memref<1x125xi32, #tpu.memory_space<vmem>> -> memref<125xi32, #tpu.memory_space<vmem>>
    %dma_start3A_222 = arith.constant 0 : i32
    %dma_start3A_223 = arith.constant 0 : i32
    %dma_start3A_224 = tpu.memref_slice %arg14[%dma_start3A_222, %dma_start3A_223] : memref<10240x128xf32, #tpu.memory_space<vmem_shared>> -> memref<10240x128xf32, #tpu.memory_space<vmem_shared>>
    tpu.enqueue_indirect_dma source(%arg9 : memref<125x128xf32, #tpu.memory_space<vmem>>) target(%dma_start3A_224 : memref<10240x128xf32, #tpu.memory_space<vmem_shared>>) offsets(%dma_start3A_221 : memref<125xi32, #tpu.memory_space<vmem>>) semaphore(%arg13 : memref<!tpu.dma_semaphore, #tpu.memory_space<semaphore_mem>>) {add = true}
    %dma_wait3A_225 = arith.constant 0 : i32
    %dma_wait3A_226 = arith.constant 0 : i32
    %dma_wait3A_227 = tpu.memref_slice %arg7[%dma_wait3A_225, %dma_wait3A_226] : memref<40x125xi32, #tpu.memory_space<vmem>> -> memref<1x125xi32, #tpu.memory_space<vmem>>
    %dma_wait3A_228 = tpu.memref_squeeze %dma_wait3A_227 : memref<1x125xi32, #tpu.memory_space<vmem>> -> memref<125xi32, #tpu.memory_space<vmem>>
    %dma_wait3A_229 = arith.constant 0 : i32
    %dma_wait3A_230 = arith.constant 0 : i32
    %dma_wait3A_231 = tpu.memref_slice %arg14[%dma_wait3A_229, %dma_wait3A_230] : memref<10240x128xf32, #tpu.memory_space<vmem_shared>> -> memref<10240x128xf32, #tpu.memory_space<vmem_shared>>
    tpu.wait_indirect_dma semaphore(%arg12 : memref<!tpu.dma_semaphore, #tpu.memory_space<semaphore_mem>>) src(%arg8 : memref<125x128xf32, #tpu.memory_space<vmem>>) dst(%dma_wait3A_231 : memref<10240x128xf32, #tpu.memory_space<vmem_shared>>)
    %dma_start3A_232 = arith.constant 2 : i32
    %dma_start3A_233 = arith.constant 0 : i32
    %dma_start3A_234 = tpu.memref_slice %arg6[%dma_start3A_232, %dma_start3A_233] : memref<40x125xi32, #tpu.memory_space<vmem>> -> memref<1x125xi32, #tpu.memory_space<vmem>>
    %dma_start3A_235 = tpu.memref_squeeze %dma_start3A_234 : memref<1x125xi32, #tpu.memory_space<vmem>> -> memref<125xi32, #tpu.memory_space<vmem>>
    %dma_start3A_236 = arith.constant 0 : i32
    %dma_start3A_237 = arith.constant 0 : i32
    %dma_start3A_238 = tpu.memref_slice %arg2[%dma_start3A_236, %dma_start3A_237] : memref<10240x128xf32, #tpu.memory_space<hbm>> -> memref<10240x128xf32, #tpu.memory_space<hbm>>
    tpu.enqueue_indirect_dma source(%dma_start3A_238 : memref<10240x128xf32, #tpu.memory_space<hbm>>) target(%arg8 : memref<125x128xf32, #tpu.memory_space<vmem>>) offsets(%dma_start3A_235 : memref<125xi32, #tpu.memory_space<vmem>>) semaphore(%arg10 : memref<!tpu.dma_semaphore, #tpu.memory_space<semaphore_mem>>)
    %scan3A = arith.constant 0 : i32
    %scan3A_239 = arith.constant 1 : i32
    %scan3A_240 = arith.constant 19 : i32
    %scan3A_241 = arith.addi %scan3A_239, %scan3A_240 : i32
    %scan3A_242 = arith.constant 1 : i32
    scf.for %scan3A_514 = %scan3A_239 to %scan3A_241 step %scan3A_242  : i32 {
      %mul3A_515 = arith.constant 2 : i32
      %mul3A_516 = arith.muli %mul3A_515, %scan3A_514 : i32
      %dma_wait3A_517 = arith.constant 0 : i32
      %dma_wait3A_518 = arith.constant 0 : i32
      %dma_wait3A_519 = tpu.memref_slice %arg6[%dma_wait3A_517, %dma_wait3A_518] : memref<40x125xi32, #tpu.memory_space<vmem>> -> memref<1x125xi32, #tpu.memory_space<vmem>>
      %dma_wait3A_520 = tpu.memref_squeeze %dma_wait3A_519 : memref<1x125xi32, #tpu.memory_space<vmem>> -> memref<125xi32, #tpu.memory_space<vmem>>
      %dma_wait3A_521 = arith.constant 0 : i32
      %dma_wait3A_522 = arith.constant 0 : i32
      %dma_wait3A_523 = tpu.memref_slice %arg2[%dma_wait3A_521, %dma_wait3A_522] : memref<10240x128xf32, #tpu.memory_space<hbm>> -> memref<10240x128xf32, #tpu.memory_space<hbm>>
      tpu.wait_indirect_dma semaphore(%arg10 : memref<!tpu.dma_semaphore, #tpu.memory_space<semaphore_mem>>) src(%dma_wait3A_523 : memref<10240x128xf32, #tpu.memory_space<hbm>>) dst(%arg8 : memref<125x128xf32, #tpu.memory_space<vmem>>)
      %dma_start3A_524 = arith.constant 0 : i32
      %dma_start3A_525 = tpu.memref_slice %arg7[%mul3A_516, %dma_start3A_524] : memref<40x125xi32, #tpu.memory_space<vmem>> -> memref<1x125xi32, #tpu.memory_space<vmem>>
      %dma_start3A_526 = tpu.memref_squeeze %dma_start3A_525 : memref<1x125xi32, #tpu.memory_space<vmem>> -> memref<125xi32, #tpu.memory_space<vmem>>
      %dma_start3A_527 = arith.constant 0 : i32
      %dma_start3A_528 = arith.constant 0 : i32
      %dma_start3A_529 = tpu.memref_slice %arg14[%dma_start3A_527, %dma_start3A_528] : memref<10240x128xf32, #tpu.memory_space<vmem_shared>> -> memref<10240x128xf32, #tpu.memory_space<vmem_shared>>
      tpu.enqueue_indirect_dma source(%arg8 : memref<125x128xf32, #tpu.memory_space<vmem>>) target(%dma_start3A_529 : memref<10240x128xf32, #tpu.memory_space<vmem_shared>>) offsets(%dma_start3A_526 : memref<125xi32, #tpu.memory_space<vmem>>) semaphore(%arg12 : memref<!tpu.dma_semaphore, #tpu.memory_space<semaphore_mem>>) {add = true}
      %dma_wait3A_530 = arith.constant 0 : i32
      %dma_wait3A_531 = arith.constant 0 : i32
      %dma_wait3A_532 = tpu.memref_slice %arg7[%dma_wait3A_530, %dma_wait3A_531] : memref<40x125xi32, #tpu.memory_space<vmem>> -> memref<1x125xi32, #tpu.memory_space<vmem>>
      %dma_wait3A_533 = tpu.memref_squeeze %dma_wait3A_532 : memref<1x125xi32, #tpu.memory_space<vmem>> -> memref<125xi32, #tpu.memory_space<vmem>>
      %dma_wait3A_534 = arith.constant 0 : i32
      %dma_wait3A_535 = arith.constant 0 : i32
      %dma_wait3A_536 = tpu.memref_slice %arg14[%dma_wait3A_534, %dma_wait3A_535] : memref<10240x128xf32, #tpu.memory_space<vmem_shared>> -> memref<10240x128xf32, #tpu.memory_space<vmem_shared>>
      tpu.wait_indirect_dma semaphore(%arg13 : memref<!tpu.dma_semaphore, #tpu.memory_space<semaphore_mem>>) src(%arg9 : memref<125x128xf32, #tpu.memory_space<vmem>>) dst(%dma_wait3A_536 : memref<10240x128xf32, #tpu.memory_space<vmem_shared>>)
      %add3A_537 = arith.constant 1 : i32
      %add3A_538 = arith.addi %mul3A_516, %add3A_537 : i32
      %dma_start3A_539 = arith.constant 0 : i32
      %dma_start3A_540 = tpu.memref_slice %arg6[%add3A_538, %dma_start3A_539] : memref<40x125xi32, #tpu.memory_space<vmem>> -> memref<1x125xi32, #tpu.memory_space<vmem>>
      %dma_start3A_541 = tpu.memref_squeeze %dma_start3A_540 : memref<1x125xi32, #tpu.memory_space<vmem>> -> memref<125xi32, #tpu.memory_space<vmem>>
      %dma_start3A_542 = arith.constant 0 : i32
      %dma_start3A_543 = arith.constant 0 : i32
      %dma_start3A_544 = tpu.memref_slice %arg2[%dma_start3A_542, %dma_start3A_543] : memref<10240x128xf32, #tpu.memory_space<hbm>> -> memref<10240x128xf32, #tpu.memory_space<hbm>>
      tpu.enqueue_indirect_dma source(%dma_start3A_544 : memref<10240x128xf32, #tpu.memory_space<hbm>>) target(%arg9 : memref<125x128xf32, #tpu.memory_space<vmem>>) offsets(%dma_start3A_541 : memref<125xi32, #tpu.memory_space<vmem>>) semaphore(%arg11 : memref<!tpu.dma_semaphore, #tpu.memory_space<semaphore_mem>>)
      %dma_wait3A_545 = arith.constant 0 : i32
      %dma_wait3A_546 = arith.constant 0 : i32
      %dma_wait3A_547 = tpu.memref_slice %arg6[%dma_wait3A_545, %dma_wait3A_546] : memref<40x125xi32, #tpu.memory_space<vmem>> -> memref<1x125xi32, #tpu.memory_space<vmem>>
      %dma_wait3A_548 = tpu.memref_squeeze %dma_wait3A_547 : memref<1x125xi32, #tpu.memory_space<vmem>> -> memref<125xi32, #tpu.memory_space<vmem>>
      %dma_wait3A_549 = arith.constant 0 : i32
      %dma_wait3A_550 = arith.constant 0 : i32
      %dma_wait3A_551 = tpu.memref_slice %arg2[%dma_wait3A_549, %dma_wait3A_550] : memref<10240x128xf32, #tpu.memory_space<hbm>> -> memref<10240x128xf32, #tpu.memory_space<hbm>>
      tpu.wait_indirect_dma semaphore(%arg11 : memref<!tpu.dma_semaphore, #tpu.memory_space<semaphore_mem>>) src(%dma_wait3A_551 : memref<10240x128xf32, #tpu.memory_space<hbm>>) dst(%arg9 : memref<125x128xf32, #tpu.memory_space<vmem>>)
      %add3A_552 = arith.constant 1 : i32
      %add3A_553 = arith.addi %mul3A_516, %add3A_552 : i32
      %dma_start3A_554 = arith.constant 0 : i32
      %dma_start3A_555 = tpu.memref_slice %arg7[%add3A_553, %dma_start3A_554] : memref<40x125xi32, #tpu.memory_space<vmem>> -> memref<1x125xi32, #tpu.memory_space<vmem>>
      %dma_start3A_556 = tpu.memref_squeeze %dma_start3A_555 : memref<1x125xi32, #tpu.memory_space<vmem>> -> memref<125xi32, #tpu.memory_space<vmem>>
      %dma_start3A_557 = arith.constant 0 : i32
      %dma_start3A_558 = arith.constant 0 : i32
      %dma_start3A_559 = tpu.memref_slice %arg14[%dma_start3A_557, %dma_start3A_558] : memref<10240x128xf32, #tpu.memory_space<vmem_shared>> -> memref<10240x128xf32, #tpu.memory_space<vmem_shared>>
      tpu.enqueue_indirect_dma source(%arg9 : memref<125x128xf32, #tpu.memory_space<vmem>>) target(%dma_start3A_559 : memref<10240x128xf32, #tpu.memory_space<vmem_shared>>) offsets(%dma_start3A_556 : memref<125xi32, #tpu.memory_space<vmem>>) semaphore(%arg13 : memref<!tpu.dma_semaphore, #tpu.memory_space<semaphore_mem>>) {add = true}
      %dma_wait3A_560 = arith.constant 0 : i32
      %dma_wait3A_561 = arith.constant 0 : i32
      %dma_wait3A_562 = tpu.memref_slice %arg7[%dma_wait3A_560, %dma_wait3A_561] : memref<40x125xi32, #tpu.memory_space<vmem>> -> memref<1x125xi32, #tpu.memory_space<vmem>>
      %dma_wait3A_563 = tpu.memref_squeeze %dma_wait3A_562 : memref<1x125xi32, #tpu.memory_space<vmem>> -> memref<125xi32, #tpu.memory_space<vmem>>
      %dma_wait3A_564 = arith.constant 0 : i32
      %dma_wait3A_565 = arith.constant 0 : i32
      %dma_wait3A_566 = tpu.memref_slice %arg14[%dma_wait3A_564, %dma_wait3A_565] : memref<10240x128xf32, #tpu.memory_space<vmem_shared>> -> memref<10240x128xf32, #tpu.memory_space<vmem_shared>>
      tpu.wait_indirect_dma semaphore(%arg12 : memref<!tpu.dma_semaphore, #tpu.memory_space<semaphore_mem>>) src(%arg8 : memref<125x128xf32, #tpu.memory_space<vmem>>) dst(%dma_wait3A_566 : memref<10240x128xf32, #tpu.memory_space<vmem_shared>>)
      %add3A_567 = arith.constant 2 : i32
      %add3A_568 = arith.addi %mul3A_516, %add3A_567 : i32
      %min3A = arith.constant 39 : i32
      %min3A_569 = arith.minsi %add3A_568, %min3A : i32
      %dma_start3A_570 = arith.constant 0 : i32
      %dma_start3A_571 = tpu.memref_slice %arg6[%min3A_569, %dma_start3A_570] : memref<40x125xi32, #tpu.memory_space<vmem>> -> memref<1x125xi32, #tpu.memory_space<vmem>>
      %dma_start3A_572 = tpu.memref_squeeze %dma_start3A_571 : memref<1x125xi32, #tpu.memory_space<vmem>> -> memref<125xi32, #tpu.memory_space<vmem>>
      %dma_start3A_573 = arith.constant 0 : i32
      %dma_start3A_574 = arith.constant 0 : i32
      %dma_start3A_575 = tpu.memref_slice %arg2[%dma_start3A_573, %dma_start3A_574] : memref<10240x128xf32, #tpu.memory_space<hbm>> -> memref<10240x128xf32, #tpu.memory_space<hbm>>
      tpu.enqueue_indirect_dma source(%dma_start3A_575 : memref<10240x128xf32, #tpu.memory_space<hbm>>) target(%arg8 : memref<125x128xf32, #tpu.memory_space<vmem>>) offsets(%dma_start3A_572 : memref<125xi32, #tpu.memory_space<vmem>>) semaphore(%arg10 : memref<!tpu.dma_semaphore, #tpu.memory_space<semaphore_mem>>)
    }
    %scan3A_243 = arith.constant 19 : i32
    %dma_wait3A_244 = arith.constant 0 : i32
    %dma_wait3A_245 = arith.constant 0 : i32
    %dma_wait3A_246 = tpu.memref_slice %arg7[%dma_wait3A_244, %dma_wait3A_245] : memref<40x125xi32, #tpu.memory_space<vmem>> -> memref<1x125xi32, #tpu.memory_space<vmem>>
    %dma_wait3A_247 = tpu.memref_squeeze %dma_wait3A_246 : memref<1x125xi32, #tpu.memory_space<vmem>> -> memref<125xi32, #tpu.memory_space<vmem>>
    %dma_wait3A_248 = arith.constant 0 : i32
    %dma_wait3A_249 = arith.constant 0 : i32
    %dma_wait3A_250 = tpu.memref_slice %arg14[%dma_wait3A_248, %dma_wait3A_249] : memref<10240x128xf32, #tpu.memory_space<vmem_shared>> -> memref<10240x128xf32, #tpu.memory_space<vmem_shared>>
    tpu.wait_indirect_dma semaphore(%arg13 : memref<!tpu.dma_semaphore, #tpu.memory_space<semaphore_mem>>) src(%arg9 : memref<125x128xf32, #tpu.memory_space<vmem>>) dst(%dma_wait3A_250 : memref<10240x128xf32, #tpu.memory_space<vmem_shared>>)
    %dma_wait3A_251 = arith.constant 0 : i32
    %dma_wait3A_252 = arith.constant 0 : i32
    %dma_wait3A_253 = tpu.memref_slice %arg6[%dma_wait3A_251, %dma_wait3A_252] : memref<40x125xi32, #tpu.memory_space<vmem>> -> memref<1x125xi32, #tpu.memory_space<vmem>>
    %dma_wait3A_254 = tpu.memref_squeeze %dma_wait3A_253 : memref<1x125xi32, #tpu.memory_space<vmem>> -> memref<125xi32, #tpu.memory_space<vmem>>
    %dma_wait3A_255 = arith.constant 0 : i32
    %dma_wait3A_256 = arith.constant 0 : i32
    %dma_wait3A_257 = tpu.memref_slice %arg2[%dma_wait3A_255, %dma_wait3A_256] : memref<10240x128xf32, #tpu.memory_space<hbm>> -> memref<10240x128xf32, #tpu.memory_space<hbm>>
    tpu.wait_indirect_dma semaphore(%arg10 : memref<!tpu.dma_semaphore, #tpu.memory_space<semaphore_mem>>) src(%dma_wait3A_257 : memref<10240x128xf32, #tpu.memory_space<hbm>>) dst(%arg8 : memref<125x128xf32, #tpu.memory_space<vmem>>)
    %mul3A_258 = arith.constant 80 : i32
    %mul3A_259 = arith.muli %add3A, %mul3A_258 : i32
    %add3A_260 = arith.constant 40 : i32
    %add3A_261 = arith.addi %mul3A_259, %add3A_260 : i32
    "tpu.region"() ({
      %run_scoped3A = tpu.sem_alloc : memref<!tpu.dma_semaphore, #tpu.memory_space<semaphore_mem>>
      %dma_start3A_514 = arith.constant 0 : i32
      %dma_start3A_515 = tpu.memref_slice %arg3[%add3A_261, %dma_start3A_514] : memref<5120x125xi32, #tpu.memory_space<hbm>> -> memref<40x125xi32, #tpu.memory_space<hbm>>
      %dma_start3A_516 = arith.constant 0 : i32
      %dma_start3A_517 = tpu.memref_slice %arg3[%add3A_261, %dma_start3A_516] : memref<5120x125xi32, #tpu.memory_space<hbm>> -> memref<40x125xi32, #tpu.memory_space<hbm>>
      tpu.enqueue_dma source(%dma_start3A_517 : memref<40x125xi32, #tpu.memory_space<hbm>>) target(%arg6 : memref<40x125xi32, #tpu.memory_space<vmem>>) target_semaphore(%run_scoped3A : memref<!tpu.dma_semaphore, #tpu.memory_space<semaphore_mem>>)
      %dma_wait3A_518 = arith.constant 0 : i32
      %dma_wait3A_519 = tpu.memref_slice %arg3[%add3A_261, %dma_wait3A_518] : memref<5120x125xi32, #tpu.memory_space<hbm>> -> memref<40x125xi32, #tpu.memory_space<hbm>>
      %dma_wait3A_520 = arith.constant 0 : i32
      %dma_wait3A_521 = tpu.memref_slice %arg3[%add3A_261, %dma_wait3A_520] : memref<5120x125xi32, #tpu.memory_space<hbm>> -> memref<40x125xi32, #tpu.memory_space<hbm>>
      tpu.wait_dma2 semaphore(%run_scoped3A : memref<!tpu.dma_semaphore, #tpu.memory_space<semaphore_mem>>) src(%dma_wait3A_521 : memref<40x125xi32, #tpu.memory_space<hbm>>) dst(%arg6 : memref<40x125xi32, #tpu.memory_space<vmem>>)
      tpu.yield
    }) : () -> ()
    %add3A_262 = arith.constant 2560 : i32
    %add3A_263 = arith.addi %add3A_262, %add3A_261 : i32
    "tpu.region"() ({
      %run_scoped3A = tpu.sem_alloc : memref<!tpu.dma_semaphore, #tpu.memory_space<semaphore_mem>>
      %dma_start3A_514 = arith.constant 0 : i32
      %dma_start3A_515 = tpu.memref_slice %arg3[%add3A_263, %dma_start3A_514] : memref<5120x125xi32, #tpu.memory_space<hbm>> -> memref<40x125xi32, #tpu.memory_space<hbm>>
      %dma_start3A_516 = arith.constant 0 : i32
      %dma_start3A_517 = tpu.memref_slice %arg3[%add3A_263, %dma_start3A_516] : memref<5120x125xi32, #tpu.memory_space<hbm>> -> memref<40x125xi32, #tpu.memory_space<hbm>>
      tpu.enqueue_dma source(%dma_start3A_517 : memref<40x125xi32, #tpu.memory_space<hbm>>) target(%arg7 : memref<40x125xi32, #tpu.memory_space<vmem>>) target_semaphore(%run_scoped3A : memref<!tpu.dma_semaphore, #tpu.memory_space<semaphore_mem>>)
      %dma_wait3A_518 = arith.constant 0 : i32
      %dma_wait3A_519 = tpu.memref_slice %arg3[%add3A_263, %dma_wait3A_518] : memref<5120x125xi32, #tpu.memory_space<hbm>> -> memref<40x125xi32, #tpu.memory_space<hbm>>
      %dma_wait3A_520 = arith.constant 0 : i32
      %dma_wait3A_521 = tpu.memref_slice %arg3[%add3A_263, %dma_wait3A_520] : memref<5120x125xi32, #tpu.memory_space<hbm>> -> memref<40x125xi32, #tpu.memory_space<hbm>>
      tpu.wait_dma2 semaphore(%run_scoped3A : memref<!tpu.dma_semaphore, #tpu.memory_space<semaphore_mem>>) src(%dma_wait3A_521 : memref<40x125xi32, #tpu.memory_space<hbm>>) dst(%arg7 : memref<40x125xi32, #tpu.memory_space<vmem>>)
      tpu.yield
    }) : () -> ()
    %dma_start3A_264 = arith.constant 0 : i32
    %dma_start3A_265 = arith.constant 0 : i32
    %dma_start3A_266 = tpu.memref_slice %arg6[%dma_start3A_264, %dma_start3A_265] : memref<40x125xi32, #tpu.memory_space<vmem>> -> memref<1x125xi32, #tpu.memory_space<vmem>>
    %dma_start3A_267 = tpu.memref_squeeze %dma_start3A_266 : memref<1x125xi32, #tpu.memory_space<vmem>> -> memref<125xi32, #tpu.memory_space<vmem>>
    %dma_start3A_268 = arith.constant 0 : i32
    %dma_start3A_269 = arith.constant 0 : i32
    %dma_start3A_270 = tpu.memref_slice %arg2[%dma_start3A_268, %dma_start3A_269] : memref<10240x128xf32, #tpu.memory_space<hbm>> -> memref<10240x128xf32, #tpu.memory_space<hbm>>
    tpu.enqueue_indirect_dma source(%dma_start3A_270 : memref<10240x128xf32, #tpu.memory_space<hbm>>) target(%arg8 : memref<125x128xf32, #tpu.memory_space<vmem>>) offsets(%dma_start3A_267 : memref<125xi32, #tpu.memory_space<vmem>>) semaphore(%arg10 : memref<!tpu.dma_semaphore, #tpu.memory_space<semaphore_mem>>)
    %dma_wait3A_271 = arith.constant 0 : i32
    %dma_wait3A_272 = arith.constant 0 : i32
    %dma_wait3A_273 = tpu.memref_slice %arg6[%dma_wait3A_271, %dma_wait3A_272] : memref<40x125xi32, #tpu.memory_space<vmem>> -> memref<1x125xi32, #tpu.memory_space<vmem>>
    %dma_wait3A_274 = tpu.memref_squeeze %dma_wait3A_273 : memref<1x125xi32, #tpu.memory_space<vmem>> -> memref<125xi32, #tpu.memory_space<vmem>>
    %dma_wait3A_275 = arith.constant 0 : i32
    %dma_wait3A_276 = arith.constant 0 : i32
    %dma_wait3A_277 = tpu.memref_slice %arg2[%dma_wait3A_275, %dma_wait3A_276] : memref<10240x128xf32, #tpu.memory_space<hbm>> -> memref<10240x128xf32, #tpu.memory_space<hbm>>
    tpu.wait_indirect_dma semaphore(%arg10 : memref<!tpu.dma_semaphore, #tpu.memory_space<semaphore_mem>>) src(%dma_wait3A_277 : memref<10240x128xf32, #tpu.memory_space<hbm>>) dst(%arg8 : memref<125x128xf32, #tpu.memory_space<vmem>>)
    %dma_start3A_278 = arith.constant 0 : i32
    %dma_start3A_279 = arith.constant 0 : i32
    %dma_start3A_280 = tpu.memref_slice %arg7[%dma_start3A_278, %dma_start3A_279] : memref<40x125xi32, #tpu.memory_space<vmem>> -> memref<1x125xi32, #tpu.memory_space<vmem>>
    %dma_start3A_281 = tpu.memref_squeeze %dma_start3A_280 : memref<1x125xi32, #tpu.memory_space<vmem>> -> memref<125xi32, #tpu.memory_space<vmem>>
    %dma_start3A_282 = arith.constant 0 : i32
    %dma_start3A_283 = arith.constant 0 : i32
    %dma_start3A_284 = tpu.memref_slice %arg14[%dma_start3A_282, %dma_start3A_283] : memref<10240x128xf32, #tpu.memory_space<vmem_shared>> -> memref<10240x128xf32, #tpu.memory_space<vmem_shared>>
    tpu.enqueue_indirect_dma source(%arg8 : memref<125x128xf32, #tpu.memory_space<vmem>>) target(%dma_start3A_284 : memref<10240x128xf32, #tpu.memory_space<vmem_shared>>) offsets(%dma_start3A_281 : memref<125xi32, #tpu.memory_space<vmem>>) semaphore(%arg12 : memref<!tpu.dma_semaphore, #tpu.memory_space<semaphore_mem>>) {add = true}
    %dma_start3A_285 = arith.constant 1 : i32
    %dma_start3A_286 = arith.constant 0 : i32
    %dma_start3A_287 = tpu.memref_slice %arg6[%dma_start3A_285, %dma_start3A_286] : memref<40x125xi32, #tpu.memory_space<vmem>> -> memref<1x125xi32, #tpu.memory_space<vmem>>
    %dma_start3A_288 = tpu.memref_squeeze %dma_start3A_287 : memref<1x125xi32, #tpu.memory_space<vmem>> -> memref<125xi32, #tpu.memory_space<vmem>>
    %dma_start3A_289 = arith.constant 0 : i32
    %dma_start3A_290 = arith.constant 0 : i32
    %dma_start3A_291 = tpu.memref_slice %arg2[%dma_start3A_289, %dma_start3A_290] : memref<10240x128xf32, #tpu.memory_space<hbm>> -> memref<10240x128xf32, #tpu.memory_space<hbm>>
    tpu.enqueue_indirect_dma source(%dma_start3A_291 : memref<10240x128xf32, #tpu.memory_space<hbm>>) target(%arg9 : memref<125x128xf32, #tpu.memory_space<vmem>>) offsets(%dma_start3A_288 : memref<125xi32, #tpu.memory_space<vmem>>) semaphore(%arg11 : memref<!tpu.dma_semaphore, #tpu.memory_space<semaphore_mem>>)
    %dma_wait3A_292 = arith.constant 0 : i32
    %dma_wait3A_293 = arith.constant 0 : i32
    %dma_wait3A_294 = tpu.memref_slice %arg6[%dma_wait3A_292, %dma_wait3A_293] : memref<40x125xi32, #tpu.memory_space<vmem>> -> memref<1x125xi32, #tpu.memory_space<vmem>>
    %dma_wait3A_295 = tpu.memref_squeeze %dma_wait3A_294 : memref<1x125xi32, #tpu.memory_space<vmem>> -> memref<125xi32, #tpu.memory_space<vmem>>
    %dma_wait3A_296 = arith.constant 0 : i32
    %dma_wait3A_297 = arith.constant 0 : i32
    %dma_wait3A_298 = tpu.memref_slice %arg2[%dma_wait3A_296, %dma_wait3A_297] : memref<10240x128xf32, #tpu.memory_space<hbm>> -> memref<10240x128xf32, #tpu.memory_space<hbm>>
    tpu.wait_indirect_dma semaphore(%arg11 : memref<!tpu.dma_semaphore, #tpu.memory_space<semaphore_mem>>) src(%dma_wait3A_298 : memref<10240x128xf32, #tpu.memory_space<hbm>>) dst(%arg9 : memref<125x128xf32, #tpu.memory_space<vmem>>)
    %dma_start3A_299 = arith.constant 1 : i32
    %dma_start3A_300 = arith.constant 0 : i32
    %dma_start3A_301 = tpu.memref_slice %arg7[%dma_start3A_299, %dma_start3A_300] : memref<40x125xi32, #tpu.memory_space<vmem>> -> memref<1x125xi32, #tpu.memory_space<vmem>>
    %dma_start3A_302 = tpu.memref_squeeze %dma_start3A_301 : memref<1x125xi32, #tpu.memory_space<vmem>> -> memref<125xi32, #tpu.memory_space<vmem>>
    %dma_start3A_303 = arith.constant 0 : i32
    %dma_start3A_304 = arith.constant 0 : i32
    %dma_start3A_305 = tpu.memref_slice %arg14[%dma_start3A_303, %dma_start3A_304] : memref<10240x128xf32, #tpu.memory_space<vmem_shared>> -> memref<10240x128xf32, #tpu.memory_space<vmem_shared>>
    tpu.enqueue_indirect_dma source(%arg9 : memref<125x128xf32, #tpu.memory_space<vmem>>) target(%dma_start3A_305 : memref<10240x128xf32, #tpu.memory_space<vmem_shared>>) offsets(%dma_start3A_302 : memref<125xi32, #tpu.memory_space<vmem>>) semaphore(%arg13 : memref<!tpu.dma_semaphore, #tpu.memory_space<semaphore_mem>>) {add = true}
    %dma_wait3A_306 = arith.constant 0 : i32
    %dma_wait3A_307 = arith.constant 0 : i32
    %dma_wait3A_308 = tpu.memref_slice %arg7[%dma_wait3A_306, %dma_wait3A_307] : memref<40x125xi32, #tpu.memory_space<vmem>> -> memref<1x125xi32, #tpu.memory_space<vmem>>
    %dma_wait3A_309 = tpu.memref_squeeze %dma_wait3A_308 : memref<1x125xi32, #tpu.memory_space<vmem>> -> memref<125xi32, #tpu.memory_space<vmem>>
    %dma_wait3A_310 = arith.constant 0 : i32
    %dma_wait3A_311 = arith.constant 0 : i32
    %dma_wait3A_312 = tpu.memref_slice %arg14[%dma_wait3A_310, %dma_wait3A_311] : memref<10240x128xf32, #tpu.memory_space<vmem_shared>> -> memref<10240x128xf32, #tpu.memory_space<vmem_shared>>
    tpu.wait_indirect_dma semaphore(%arg12 : memref<!tpu.dma_semaphore, #tpu.memory_space<semaphore_mem>>) src(%arg8 : memref<125x128xf32, #tpu.memory_space<vmem>>) dst(%dma_wait3A_312 : memref<10240x128xf32, #tpu.memory_space<vmem_shared>>)
    %dma_start3A_313 = arith.constant 2 : i32
    %dma_start3A_314 = arith.constant 0 : i32
    %dma_start3A_315 = tpu.memref_slice %arg6[%dma_start3A_313, %dma_start3A_314] : memref<40x125xi32, #tpu.memory_space<vmem>> -> memref<1x125xi32, #tpu.memory_space<vmem>>
    %dma_start3A_316 = tpu.memref_squeeze %dma_start3A_315 : memref<1x125xi32, #tpu.memory_space<vmem>> -> memref<125xi32, #tpu.memory_space<vmem>>
    %dma_start3A_317 = arith.constant 0 : i32
    %dma_start3A_318 = arith.constant 0 : i32
    %dma_start3A_319 = tpu.memref_slice %arg2[%dma_start3A_317, %dma_start3A_318] : memref<10240x128xf32, #tpu.memory_space<hbm>> -> memref<10240x128xf32, #tpu.memory_space<hbm>>
    tpu.enqueue_indirect_dma source(%dma_start3A_319 : memref<10240x128xf32, #tpu.memory_space<hbm>>) target(%arg8 : memref<125x128xf32, #tpu.memory_space<vmem>>) offsets(%dma_start3A_316 : memref<125xi32, #tpu.memory_space<vmem>>) semaphore(%arg10 : memref<!tpu.dma_semaphore, #tpu.memory_space<semaphore_mem>>)
    %scan3A_320 = arith.constant 0 : i32
    %scan3A_321 = arith.constant 1 : i32
    %scan3A_322 = arith.constant 19 : i32
    %scan3A_323 = arith.addi %scan3A_321, %scan3A_322 : i32
    %scan3A_324 = arith.constant 1 : i32
    scf.for %scan3A_514 = %scan3A_321 to %scan3A_323 step %scan3A_324  : i32 {
      %mul3A_515 = arith.constant 2 : i32
      %mul3A_516 = arith.muli %mul3A_515, %scan3A_514 : i32
      %dma_wait3A_517 = arith.constant 0 : i32
      %dma_wait3A_518 = arith.constant 0 : i32
      %dma_wait3A_519 = tpu.memref_slice %arg6[%dma_wait3A_517, %dma_wait3A_518] : memref<40x125xi32, #tpu.memory_space<vmem>> -> memref<1x125xi32, #tpu.memory_space<vmem>>
      %dma_wait3A_520 = tpu.memref_squeeze %dma_wait3A_519 : memref<1x125xi32, #tpu.memory_space<vmem>> -> memref<125xi32, #tpu.memory_space<vmem>>
      %dma_wait3A_521 = arith.constant 0 : i32
      %dma_wait3A_522 = arith.constant 0 : i32
      %dma_wait3A_523 = tpu.memref_slice %arg2[%dma_wait3A_521, %dma_wait3A_522] : memref<10240x128xf32, #tpu.memory_space<hbm>> -> memref<10240x128xf32, #tpu.memory_space<hbm>>
      tpu.wait_indirect_dma semaphore(%arg10 : memref<!tpu.dma_semaphore, #tpu.memory_space<semaphore_mem>>) src(%dma_wait3A_523 : memref<10240x128xf32, #tpu.memory_space<hbm>>) dst(%arg8 : memref<125x128xf32, #tpu.memory_space<vmem>>)
      %dma_start3A_524 = arith.constant 0 : i32
      %dma_start3A_525 = tpu.memref_slice %arg7[%mul3A_516, %dma_start3A_524] : memref<40x125xi32, #tpu.memory_space<vmem>> -> memref<1x125xi32, #tpu.memory_space<vmem>>
      %dma_start3A_526 = tpu.memref_squeeze %dma_start3A_525 : memref<1x125xi32, #tpu.memory_space<vmem>> -> memref<125xi32, #tpu.memory_space<vmem>>
      %dma_start3A_527 = arith.constant 0 : i32
      %dma_start3A_528 = arith.constant 0 : i32
      %dma_start3A_529 = tpu.memref_slice %arg14[%dma_start3A_527, %dma_start3A_528] : memref<10240x128xf32, #tpu.memory_space<vmem_shared>> -> memref<10240x128xf32, #tpu.memory_space<vmem_shared>>
      tpu.enqueue_indirect_dma source(%arg8 : memref<125x128xf32, #tpu.memory_space<vmem>>) target(%dma_start3A_529 : memref<10240x128xf32, #tpu.memory_space<vmem_shared>>) offsets(%dma_start3A_526 : memref<125xi32, #tpu.memory_space<vmem>>) semaphore(%arg12 : memref<!tpu.dma_semaphore, #tpu.memory_space<semaphore_mem>>) {add = true}
      %dma_wait3A_530 = arith.constant 0 : i32
      %dma_wait3A_531 = arith.constant 0 : i32
      %dma_wait3A_532 = tpu.memref_slice %arg7[%dma_wait3A_530, %dma_wait3A_531] : memref<40x125xi32, #tpu.memory_space<vmem>> -> memref<1x125xi32, #tpu.memory_space<vmem>>
      %dma_wait3A_533 = tpu.memref_squeeze %dma_wait3A_532 : memref<1x125xi32, #tpu.memory_space<vmem>> -> memref<125xi32, #tpu.memory_space<vmem>>
      %dma_wait3A_534 = arith.constant 0 : i32
      %dma_wait3A_535 = arith.constant 0 : i32
      %dma_wait3A_536 = tpu.memref_slice %arg14[%dma_wait3A_534, %dma_wait3A_535] : memref<10240x128xf32, #tpu.memory_space<vmem_shared>> -> memref<10240x128xf32, #tpu.memory_space<vmem_shared>>
      tpu.wait_indirect_dma semaphore(%arg13 : memref<!tpu.dma_semaphore, #tpu.memory_space<semaphore_mem>>) src(%arg9 : memref<125x128xf32, #tpu.memory_space<vmem>>) dst(%dma_wait3A_536 : memref<10240x128xf32, #tpu.memory_space<vmem_shared>>)
      %add3A_537 = arith.constant 1 : i32
      %add3A_538 = arith.addi %mul3A_516, %add3A_537 : i32
      %dma_start3A_539 = arith.constant 0 : i32
      %dma_start3A_540 = tpu.memref_slice %arg6[%add3A_538, %dma_start3A_539] : memref<40x125xi32, #tpu.memory_space<vmem>> -> memref<1x125xi32, #tpu.memory_space<vmem>>
      %dma_start3A_541 = tpu.memref_squeeze %dma_start3A_540 : memref<1x125xi32, #tpu.memory_space<vmem>> -> memref<125xi32, #tpu.memory_space<vmem>>
      %dma_start3A_542 = arith.constant 0 : i32
      %dma_start3A_543 = arith.constant 0 : i32
      %dma_start3A_544 = tpu.memref_slice %arg2[%dma_start3A_542, %dma_start3A_543] : memref<10240x128xf32, #tpu.memory_space<hbm>> -> memref<10240x128xf32, #tpu.memory_space<hbm>>
      tpu.enqueue_indirect_dma source(%dma_start3A_544 : memref<10240x128xf32, #tpu.memory_space<hbm>>) target(%arg9 : memref<125x128xf32, #tpu.memory_space<vmem>>) offsets(%dma_start3A_541 : memref<125xi32, #tpu.memory_space<vmem>>) semaphore(%arg11 : memref<!tpu.dma_semaphore, #tpu.memory_space<semaphore_mem>>)
      %dma_wait3A_545 = arith.constant 0 : i32
      %dma_wait3A_546 = arith.constant 0 : i32
      %dma_wait3A_547 = tpu.memref_slice %arg6[%dma_wait3A_545, %dma_wait3A_546] : memref<40x125xi32, #tpu.memory_space<vmem>> -> memref<1x125xi32, #tpu.memory_space<vmem>>
      %dma_wait3A_548 = tpu.memref_squeeze %dma_wait3A_547 : memref<1x125xi32, #tpu.memory_space<vmem>> -> memref<125xi32, #tpu.memory_space<vmem>>
      %dma_wait3A_549 = arith.constant 0 : i32
      %dma_wait3A_550 = arith.constant 0 : i32
      %dma_wait3A_551 = tpu.memref_slice %arg2[%dma_wait3A_549, %dma_wait3A_550] : memref<10240x128xf32, #tpu.memory_space<hbm>> -> memref<10240x128xf32, #tpu.memory_space<hbm>>
      tpu.wait_indirect_dma semaphore(%arg11 : memref<!tpu.dma_semaphore, #tpu.memory_space<semaphore_mem>>) src(%dma_wait3A_551 : memref<10240x128xf32, #tpu.memory_space<hbm>>) dst(%arg9 : memref<125x128xf32, #tpu.memory_space<vmem>>)
      %add3A_552 = arith.constant 1 : i32
      %add3A_553 = arith.addi %mul3A_516, %add3A_552 : i32
      %dma_start3A_554 = arith.constant 0 : i32
      %dma_start3A_555 = tpu.memref_slice %arg7[%add3A_553, %dma_start3A_554] : memref<40x125xi32, #tpu.memory_space<vmem>> -> memref<1x125xi32, #tpu.memory_space<vmem>>
      %dma_start3A_556 = tpu.memref_squeeze %dma_start3A_555 : memref<1x125xi32, #tpu.memory_space<vmem>> -> memref<125xi32, #tpu.memory_space<vmem>>
      %dma_start3A_557 = arith.constant 0 : i32
      %dma_start3A_558 = arith.constant 0 : i32
      %dma_start3A_559 = tpu.memref_slice %arg14[%dma_start3A_557, %dma_start3A_558] : memref<10240x128xf32, #tpu.memory_space<vmem_shared>> -> memref<10240x128xf32, #tpu.memory_space<vmem_shared>>
      tpu.enqueue_indirect_dma source(%arg9 : memref<125x128xf32, #tpu.memory_space<vmem>>) target(%dma_start3A_559 : memref<10240x128xf32, #tpu.memory_space<vmem_shared>>) offsets(%dma_start3A_556 : memref<125xi32, #tpu.memory_space<vmem>>) semaphore(%arg13 : memref<!tpu.dma_semaphore, #tpu.memory_space<semaphore_mem>>) {add = true}
      %dma_wait3A_560 = arith.constant 0 : i32
      %dma_wait3A_561 = arith.constant 0 : i32
      %dma_wait3A_562 = tpu.memref_slice %arg7[%dma_wait3A_560, %dma_wait3A_561] : memref<40x125xi32, #tpu.memory_space<vmem>> -> memref<1x125xi32, #tpu.memory_space<vmem>>
      %dma_wait3A_563 = tpu.memref_squeeze %dma_wait3A_562 : memref<1x125xi32, #tpu.memory_space<vmem>> -> memref<125xi32, #tpu.memory_space<vmem>>
      %dma_wait3A_564 = arith.constant 0 : i32
      %dma_wait3A_565 = arith.constant 0 : i32
      %dma_wait3A_566 = tpu.memref_slice %arg14[%dma_wait3A_564, %dma_wait3A_565] : memref<10240x128xf32, #tpu.memory_space<vmem_shared>> -> memref<10240x128xf32, #tpu.memory_space<vmem_shared>>
      tpu.wait_indirect_dma semaphore(%arg12 : memref<!tpu.dma_semaphore, #tpu.memory_space<semaphore_mem>>) src(%arg8 : memref<125x128xf32, #tpu.memory_space<vmem>>) dst(%dma_wait3A_566 : memref<10240x128xf32, #tpu.memory_space<vmem_shared>>)
      %add3A_567 = arith.constant 2 : i32
      %add3A_568 = arith.addi %mul3A_516, %add3A_567 : i32
      %min3A = arith.constant 39 : i32
      %min3A_569 = arith.minsi %add3A_568, %min3A : i32
      %dma_start3A_570 = arith.constant 0 : i32
      %dma_start3A_571 = tpu.memref_slice %arg6[%min3A_569, %dma_start3A_570] : memref<40x125xi32, #tpu.memory_space<vmem>> -> memref<1x125xi32, #tpu.memory_space<vmem>>
      %dma_start3A_572 = tpu.memref_squeeze %dma_start3A_571 : memref<1x125xi32, #tpu.memory_space<vmem>> -> memref<125xi32, #tpu.memory_space<vmem>>
      %dma_start3A_573 = arith.constant 0 : i32
      %dma_start3A_574 = arith.constant 0 : i32
      %dma_start3A_575 = tpu.memref_slice %arg2[%dma_start3A_573, %dma_start3A_574] : memref<10240x128xf32, #tpu.memory_space<hbm>> -> memref<10240x128xf32, #tpu.memory_space<hbm>>
      tpu.enqueue_indirect_dma source(%dma_start3A_575 : memref<10240x128xf32, #tpu.memory_space<hbm>>) target(%arg8 : memref<125x128xf32, #tpu.memory_space<vmem>>) offsets(%dma_start3A_572 : memref<125xi32, #tpu.memory_space<vmem>>) semaphore(%arg10 : memref<!tpu.dma_semaphore, #tpu.memory_space<semaphore_mem>>)
    }
    %scan3A_325 = arith.constant 19 : i32
    %dma_wait3A_326 = arith.constant 0 : i32
    %dma_wait3A_327 = arith.constant 0 : i32
    %dma_wait3A_328 = tpu.memref_slice %arg7[%dma_wait3A_326, %dma_wait3A_327] : memref<40x125xi32, #tpu.memory_space<vmem>> -> memref<1x125xi32, #tpu.memory_space<vmem>>
    %dma_wait3A_329 = tpu.memref_squeeze %dma_wait3A_328 : memref<1x125xi32, #tpu.memory_space<vmem>> -> memref<125xi32, #tpu.memory_space<vmem>>
    %dma_wait3A_330 = arith.constant 0 : i32
    %dma_wait3A_331 = arith.constant 0 : i32
    %dma_wait3A_332 = tpu.memref_slice %arg14[%dma_wait3A_330, %dma_wait3A_331] : memref<10240x128xf32, #tpu.memory_space<vmem_shared>> -> memref<10240x128xf32, #tpu.memory_space<vmem_shared>>
    tpu.wait_indirect_dma semaphore(%arg13 : memref<!tpu.dma_semaphore, #tpu.memory_space<semaphore_mem>>) src(%arg9 : memref<125x128xf32, #tpu.memory_space<vmem>>) dst(%dma_wait3A_332 : memref<10240x128xf32, #tpu.memory_space<vmem_shared>>)
    %dma_wait3A_333 = arith.constant 0 : i32
    %dma_wait3A_334 = arith.constant 0 : i32
    %dma_wait3A_335 = tpu.memref_slice %arg6[%dma_wait3A_333, %dma_wait3A_334] : memref<40x125xi32, #tpu.memory_space<vmem>> -> memref<1x125xi32, #tpu.memory_space<vmem>>
    %dma_wait3A_336 = tpu.memref_squeeze %dma_wait3A_335 : memref<1x125xi32, #tpu.memory_space<vmem>> -> memref<125xi32, #tpu.memory_space<vmem>>
    %dma_wait3A_337 = arith.constant 0 : i32
    %dma_wait3A_338 = arith.constant 0 : i32
    %dma_wait3A_339 = tpu.memref_slice %arg2[%dma_wait3A_337, %dma_wait3A_338] : memref<10240x128xf32, #tpu.memory_space<hbm>> -> memref<10240x128xf32, #tpu.memory_space<hbm>>
    tpu.wait_indirect_dma semaphore(%arg10 : memref<!tpu.dma_semaphore, #tpu.memory_space<semaphore_mem>>) src(%dma_wait3A_339 : memref<10240x128xf32, #tpu.memory_space<hbm>>) dst(%arg8 : memref<125x128xf32, #tpu.memory_space<vmem>>)
    %barrier3A_340 = arith.constant 0 : index
    tpu.barrier barrier_id(%barrier3A_340)
    %mul3A_341 = arith.constant 10240 : i32
    %mul3A_342 = arith.muli %arg0, %mul3A_341 : i32
    %add3A_343 = arith.addi %mul3A_342, %mul3A_2 : i32
    "tpu.region"() ({
      %run_scoped3A = tpu.sem_alloc : memref<!tpu.dma_semaphore, #tpu.memory_space<semaphore_mem>>
      %dma_start3A_514 = arith.constant 0 : i32
      %dma_start3A_515 = arith.constant 0 : i32
      %dma_start3A_516 = tpu.memref_slice %arg8[%dma_start3A_514, %dma_start3A_515] : memref<125x128xf32, #tpu.memory_space<vmem>> -> memref<80x128xf32, #tpu.memory_space<vmem>>
      %dma_start3A_517 = arith.constant 0 : i32
      %dma_start3A_518 = tpu.memref_slice %arg14[%mul3A_2, %dma_start3A_517] : memref<10240x128xf32, #tpu.memory_space<vmem_shared>> -> memref<80x128xf32, #tpu.memory_space<vmem_shared>>
      %dma_start3A_519 = arith.constant 0 : i32
      %dma_start3A_520 = arith.constant 0 : i32
      %dma_start3A_521 = tpu.memref_slice %arg8[%dma_start3A_519, %dma_start3A_520] : memref<125x128xf32, #tpu.memory_space<vmem>> -> memref<80x128xf32, #tpu.memory_space<vmem>>
      %dma_start3A_522 = arith.constant 0 : i32
      %dma_start3A_523 = tpu.memref_slice %arg14[%mul3A_2, %dma_start3A_522] : memref<10240x128xf32, #tpu.memory_space<vmem_shared>> -> memref<80x128xf32, #tpu.memory_space<vmem_shared>>
      tpu.enqueue_dma source(%dma_start3A_523 : memref<80x128xf32, #tpu.memory_space<vmem_shared>>) target(%dma_start3A_521 : memref<80x128xf32, #tpu.memory_space<vmem>>) target_semaphore(%run_scoped3A : memref<!tpu.dma_semaphore, #tpu.memory_space<semaphore_mem>>)
      %dma_wait3A_524 = arith.constant 0 : i32
      %dma_wait3A_525 = arith.constant 0 : i32
      %dma_wait3A_526 = tpu.memref_slice %arg8[%dma_wait3A_524, %dma_wait3A_525] : memref<125x128xf32, #tpu.memory_space<vmem>> -> memref<80x128xf32, #tpu.memory_space<vmem>>
      %dma_wait3A_527 = arith.constant 0 : i32
      %dma_wait3A_528 = tpu.memref_slice %arg14[%mul3A_2, %dma_wait3A_527] : memref<10240x128xf32, #tpu.memory_space<vmem_shared>> -> memref<80x128xf32, #tpu.memory_space<vmem_shared>>
      %dma_wait3A_529 = arith.constant 0 : i32
      %dma_wait3A_530 = arith.constant 0 : i32
      %dma_wait3A_531 = tpu.memref_slice %arg8[%dma_wait3A_529, %dma_wait3A_530] : memref<125x128xf32, #tpu.memory_space<vmem>> -> memref<80x128xf32, #tpu.memory_space<vmem>>
      %dma_wait3A_532 = arith.constant 0 : i32
      %dma_wait3A_533 = tpu.memref_slice %arg14[%mul3A_2, %dma_wait3A_532] : memref<10240x128xf32, #tpu.memory_space<vmem_shared>> -> memref<80x128xf32, #tpu.memory_space<vmem_shared>>
      tpu.wait_dma2 semaphore(%run_scoped3A : memref<!tpu.dma_semaphore, #tpu.memory_space<semaphore_mem>>) src(%dma_wait3A_533 : memref<80x128xf32, #tpu.memory_space<vmem_shared>>) dst(%dma_wait3A_531 : memref<80x128xf32, #tpu.memory_space<vmem>>)
      tpu.yield
    }) : () -> ()
    %add3A_344 = arith.constant 80 : i32
    %add3A_345 = arith.addi %mul3A_2, %add3A_344 : i32
    %dma_start3A_346 = arith.constant 0 : i32
    %dma_start3A_347 = arith.constant 0 : i32
    %dma_start3A_348 = tpu.memref_slice %arg9[%dma_start3A_346, %dma_start3A_347] : memref<125x128xf32, #tpu.memory_space<vmem>> -> memref<80x128xf32, #tpu.memory_space<vmem>>
    %dma_start3A_349 = arith.constant 0 : i32
    %dma_start3A_350 = tpu.memref_slice %arg14[%add3A_345, %dma_start3A_349] : memref<10240x128xf32, #tpu.memory_space<vmem_shared>> -> memref<80x128xf32, #tpu.memory_space<vmem_shared>>
    %dma_start3A_351 = arith.constant 0 : i32
    %dma_start3A_352 = arith.constant 0 : i32
    %dma_start3A_353 = tpu.memref_slice %arg9[%dma_start3A_351, %dma_start3A_352] : memref<125x128xf32, #tpu.memory_space<vmem>> -> memref<80x128xf32, #tpu.memory_space<vmem>>
    %dma_start3A_354 = arith.constant 0 : i32
    %dma_start3A_355 = tpu.memref_slice %arg14[%add3A_345, %dma_start3A_354] : memref<10240x128xf32, #tpu.memory_space<vmem_shared>> -> memref<80x128xf32, #tpu.memory_space<vmem_shared>>
    tpu.enqueue_dma source(%dma_start3A_355 : memref<80x128xf32, #tpu.memory_space<vmem_shared>>) target(%dma_start3A_353 : memref<80x128xf32, #tpu.memory_space<vmem>>) target_semaphore(%arg10 : memref<!tpu.dma_semaphore, #tpu.memory_space<semaphore_mem>>)
    %add3A_356 = arith.constant 0 : i32
    %add3A_357 = arith.addi %add3A_343, %add3A_356 : i32
    "tpu.region"() ({
      %run_scoped3A = tpu.sem_alloc : memref<!tpu.dma_semaphore, #tpu.memory_space<semaphore_mem>>
      %dma_start3A_514 = arith.constant 0 : i32
      %dma_start3A_515 = arith.constant 0 : i32
      %dma_start3A_516 = tpu.memref_slice %arg8[%dma_start3A_514, %dma_start3A_515] : memref<125x128xf32, #tpu.memory_space<vmem>> -> memref<80x128xf32, #tpu.memory_space<vmem>>
      %dma_start3A_517 = arith.constant 0 : i32
      %dma_start3A_518 = tpu.memref_slice %arg5[%add3A_357, %dma_start3A_517] : memref<20480x128xf32, #tpu.memory_space<hbm>> -> memref<80x128xf32, #tpu.memory_space<hbm>>
      %dma_start3A_519 = arith.constant 0 : i32
      %dma_start3A_520 = tpu.memref_slice %arg5[%add3A_357, %dma_start3A_519] : memref<20480x128xf32, #tpu.memory_space<hbm>> -> memref<80x128xf32, #tpu.memory_space<hbm>>
      %dma_start3A_521 = arith.constant 0 : i32
      %dma_start3A_522 = arith.constant 0 : i32
      %dma_start3A_523 = tpu.memref_slice %arg8[%dma_start3A_521, %dma_start3A_522] : memref<125x128xf32, #tpu.memory_space<vmem>> -> memref<80x128xf32, #tpu.memory_space<vmem>>
      tpu.enqueue_dma source(%dma_start3A_523 : memref<80x128xf32, #tpu.memory_space<vmem>>) target(%dma_start3A_520 : memref<80x128xf32, #tpu.memory_space<hbm>>) target_semaphore(%run_scoped3A : memref<!tpu.dma_semaphore, #tpu.memory_space<semaphore_mem>>)
      %dma_wait3A_524 = arith.constant 0 : i32
      %dma_wait3A_525 = arith.constant 0 : i32
      %dma_wait3A_526 = tpu.memref_slice %arg8[%dma_wait3A_524, %dma_wait3A_525] : memref<125x128xf32, #tpu.memory_space<vmem>> -> memref<80x128xf32, #tpu.memory_space<vmem>>
      %dma_wait3A_527 = arith.constant 0 : i32
      %dma_wait3A_528 = tpu.memref_slice %arg5[%add3A_357, %dma_wait3A_527] : memref<20480x128xf32, #tpu.memory_space<hbm>> -> memref<80x128xf32, #tpu.memory_space<hbm>>
      %dma_wait3A_529 = arith.constant 0 : i32
      %dma_wait3A_530 = tpu.memref_slice %arg5[%add3A_357, %dma_wait3A_529] : memref<20480x128xf32, #tpu.memory_space<hbm>> -> memref<80x128xf32, #tpu.memory_space<hbm>>
      %dma_wait3A_531 = arith.constant 0 : i32
      %dma_wait3A_532 = arith.constant 0 : i32
      %dma_wait3A_533 = tpu.memref_slice %arg8[%dma_wait3A_531, %dma_wait3A_532] : memref<125x128xf32, #tpu.memory_space<vmem>> -> memref<80x128xf32, #tpu.memory_space<vmem>>
      tpu.wait_dma2 semaphore(%run_scoped3A : memref<!tpu.dma_semaphore, #tpu.memory_space<semaphore_mem>>) src(%dma_wait3A_533 : memref<80x128xf32, #tpu.memory_space<vmem>>) dst(%dma_wait3A_530 : memref<80x128xf32, #tpu.memory_space<hbm>>)
      tpu.yield
    }) : () -> ()
    %dma_wait3A_358 = arith.constant 0 : i32
    %dma_wait3A_359 = arith.constant 0 : i32
    %dma_wait3A_360 = tpu.memref_slice %arg9[%dma_wait3A_358, %dma_wait3A_359] : memref<125x128xf32, #tpu.memory_space<vmem>> -> memref<80x128xf32, #tpu.memory_space<vmem>>
    %dma_wait3A_361 = arith.constant 0 : i32
    %dma_wait3A_362 = tpu.memref_slice %arg14[%mul3A_2, %dma_wait3A_361] : memref<10240x128xf32, #tpu.memory_space<vmem_shared>> -> memref<80x128xf32, #tpu.memory_space<vmem_shared>>
    %dma_wait3A_363 = arith.constant 0 : i32
    %dma_wait3A_364 = arith.constant 0 : i32
    %dma_wait3A_365 = tpu.memref_slice %arg9[%dma_wait3A_363, %dma_wait3A_364] : memref<125x128xf32, #tpu.memory_space<vmem>> -> memref<80x128xf32, #tpu.memory_space<vmem>>
    %dma_wait3A_366 = arith.constant 0 : i32
    %dma_wait3A_367 = tpu.memref_slice %arg14[%mul3A_2, %dma_wait3A_366] : memref<10240x128xf32, #tpu.memory_space<vmem_shared>> -> memref<80x128xf32, #tpu.memory_space<vmem_shared>>
    tpu.wait_dma2 semaphore(%arg10 : memref<!tpu.dma_semaphore, #tpu.memory_space<semaphore_mem>>) src(%dma_wait3A_367 : memref<80x128xf32, #tpu.memory_space<vmem_shared>>) dst(%dma_wait3A_365 : memref<80x128xf32, #tpu.memory_space<vmem>>)
    %add3A_368 = arith.constant 160 : i32
    %add3A_369 = arith.addi %mul3A_2, %add3A_368 : i32
    %dma_start3A_370 = arith.constant 0 : i32
    %dma_start3A_371 = arith.constant 0 : i32
    %dma_start3A_372 = tpu.memref_slice %arg8[%dma_start3A_370, %dma_start3A_371] : memref<125x128xf32, #tpu.memory_space<vmem>> -> memref<80x128xf32, #tpu.memory_space<vmem>>
    %dma_start3A_373 = arith.constant 0 : i32
    %dma_start3A_374 = tpu.memref_slice %arg14[%add3A_369, %dma_start3A_373] : memref<10240x128xf32, #tpu.memory_space<vmem_shared>> -> memref<80x128xf32, #tpu.memory_space<vmem_shared>>
    %dma_start3A_375 = arith.constant 0 : i32
    %dma_start3A_376 = arith.constant 0 : i32
    %dma_start3A_377 = tpu.memref_slice %arg8[%dma_start3A_375, %dma_start3A_376] : memref<125x128xf32, #tpu.memory_space<vmem>> -> memref<80x128xf32, #tpu.memory_space<vmem>>
    %dma_start3A_378 = arith.constant 0 : i32
    %dma_start3A_379 = tpu.memref_slice %arg14[%add3A_369, %dma_start3A_378] : memref<10240x128xf32, #tpu.memory_space<vmem_shared>> -> memref<80x128xf32, #tpu.memory_space<vmem_shared>>
    tpu.enqueue_dma source(%dma_start3A_379 : memref<80x128xf32, #tpu.memory_space<vmem_shared>>) target(%dma_start3A_377 : memref<80x128xf32, #tpu.memory_space<vmem>>) target_semaphore(%arg10 : memref<!tpu.dma_semaphore, #tpu.memory_space<semaphore_mem>>)
    %add3A_380 = arith.constant 80 : i32
    %add3A_381 = arith.addi %add3A_343, %add3A_380 : i32
    "tpu.region"() ({
      %run_scoped3A = tpu.sem_alloc : memref<!tpu.dma_semaphore, #tpu.memory_space<semaphore_mem>>
      %dma_start3A_514 = arith.constant 0 : i32
      %dma_start3A_515 = arith.constant 0 : i32
      %dma_start3A_516 = tpu.memref_slice %arg9[%dma_start3A_514, %dma_start3A_515] : memref<125x128xf32, #tpu.memory_space<vmem>> -> memref<80x128xf32, #tpu.memory_space<vmem>>
      %dma_start3A_517 = arith.constant 0 : i32
      %dma_start3A_518 = tpu.memref_slice %arg5[%add3A_381, %dma_start3A_517] : memref<20480x128xf32, #tpu.memory_space<hbm>> -> memref<80x128xf32, #tpu.memory_space<hbm>>
      %dma_start3A_519 = arith.constant 0 : i32
      %dma_start3A_520 = tpu.memref_slice %arg5[%add3A_381, %dma_start3A_519] : memref<20480x128xf32, #tpu.memory_space<hbm>> -> memref<80x128xf32, #tpu.memory_space<hbm>>
      %dma_start3A_521 = arith.constant 0 : i32
      %dma_start3A_522 = arith.constant 0 : i32
      %dma_start3A_523 = tpu.memref_slice %arg9[%dma_start3A_521, %dma_start3A_522] : memref<125x128xf32, #tpu.memory_space<vmem>> -> memref<80x128xf32, #tpu.memory_space<vmem>>
      tpu.enqueue_dma source(%dma_start3A_523 : memref<80x128xf32, #tpu.memory_space<vmem>>) target(%dma_start3A_520 : memref<80x128xf32, #tpu.memory_space<hbm>>) target_semaphore(%run_scoped3A : memref<!tpu.dma_semaphore, #tpu.memory_space<semaphore_mem>>)
      %dma_wait3A_524 = arith.constant 0 : i32
      %dma_wait3A_525 = arith.constant 0 : i32
      %dma_wait3A_526 = tpu.memref_slice %arg9[%dma_wait3A_524, %dma_wait3A_525] : memref<125x128xf32, #tpu.memory_space<vmem>> -> memref<80x128xf32, #tpu.memory_space<vmem>>
      %dma_wait3A_527 = arith.constant 0 : i32
      %dma_wait3A_528 = tpu.memref_slice %arg5[%add3A_381, %dma_wait3A_527] : memref<20480x128xf32, #tpu.memory_space<hbm>> -> memref<80x128xf32, #tpu.memory_space<hbm>>
      %dma_wait3A_529 = arith.constant 0 : i32
      %dma_wait3A_530 = tpu.memref_slice %arg5[%add3A_381, %dma_wait3A_529] : memref<20480x128xf32, #tpu.memory_space<hbm>> -> memref<80x128xf32, #tpu.memory_space<hbm>>
      %dma_wait3A_531 = arith.constant 0 : i32
      %dma_wait3A_532 = arith.constant 0 : i32
      %dma_wait3A_533 = tpu.memref_slice %arg9[%dma_wait3A_531, %dma_wait3A_532] : memref<125x128xf32, #tpu.memory_space<vmem>> -> memref<80x128xf32, #tpu.memory_space<vmem>>
      tpu.wait_dma2 semaphore(%run_scoped3A : memref<!tpu.dma_semaphore, #tpu.memory_space<semaphore_mem>>) src(%dma_wait3A_533 : memref<80x128xf32, #tpu.memory_space<vmem>>) dst(%dma_wait3A_530 : memref<80x128xf32, #tpu.memory_space<hbm>>)
      tpu.yield
    }) : () -> ()
    %dma_wait3A_382 = arith.constant 0 : i32
    %dma_wait3A_383 = arith.constant 0 : i32
    %dma_wait3A_384 = tpu.memref_slice %arg8[%dma_wait3A_382, %dma_wait3A_383] : memref<125x128xf32, #tpu.memory_space<vmem>> -> memref<80x128xf32, #tpu.memory_space<vmem>>
    %dma_wait3A_385 = arith.constant 0 : i32
    %dma_wait3A_386 = tpu.memref_slice %arg14[%mul3A_2, %dma_wait3A_385] : memref<10240x128xf32, #tpu.memory_space<vmem_shared>> -> memref<80x128xf32, #tpu.memory_space<vmem_shared>>
    %dma_wait3A_387 = arith.constant 0 : i32
    %dma_wait3A_388 = arith.constant 0 : i32
    %dma_wait3A_389 = tpu.memref_slice %arg8[%dma_wait3A_387, %dma_wait3A_388] : memref<125x128xf32, #tpu.memory_space<vmem>> -> memref<80x128xf32, #tpu.memory_space<vmem>>
    %dma_wait3A_390 = arith.constant 0 : i32
    %dma_wait3A_391 = tpu.memref_slice %arg14[%mul3A_2, %dma_wait3A_390] : memref<10240x128xf32, #tpu.memory_space<vmem_shared>> -> memref<80x128xf32, #tpu.memory_space<vmem_shared>>
    tpu.wait_dma2 semaphore(%arg10 : memref<!tpu.dma_semaphore, #tpu.memory_space<semaphore_mem>>) src(%dma_wait3A_391 : memref<80x128xf32, #tpu.memory_space<vmem_shared>>) dst(%dma_wait3A_389 : memref<80x128xf32, #tpu.memory_space<vmem>>)
    %add3A_392 = arith.constant 240 : i32
    %add3A_393 = arith.addi %mul3A_2, %add3A_392 : i32
    %dma_start3A_394 = arith.constant 0 : i32
    %dma_start3A_395 = arith.constant 0 : i32
    %dma_start3A_396 = tpu.memref_slice %arg9[%dma_start3A_394, %dma_start3A_395] : memref<125x128xf32, #tpu.memory_space<vmem>> -> memref<80x128xf32, #tpu.memory_space<vmem>>
    %dma_start3A_397 = arith.constant 0 : i32
    %dma_start3A_398 = tpu.memref_slice %arg14[%add3A_393, %dma_start3A_397] : memref<10240x128xf32, #tpu.memory_space<vmem_shared>> -> memref<80x128xf32, #tpu.memory_space<vmem_shared>>
    %dma_start3A_399 = arith.constant 0 : i32
    %dma_start3A_400 = arith.constant 0 : i32
    %dma_start3A_401 = tpu.memref_slice %arg9[%dma_start3A_399, %dma_start3A_400] : memref<125x128xf32, #tpu.memory_space<vmem>> -> memref<80x128xf32, #tpu.memory_space<vmem>>
    %dma_start3A_402 = arith.constant 0 : i32
    %dma_start3A_403 = tpu.memref_slice %arg14[%add3A_393, %dma_start3A_402] : memref<10240x128xf32, #tpu.memory_space<vmem_shared>> -> memref<80x128xf32, #tpu.memory_space<vmem_shared>>
    tpu.enqueue_dma source(%dma_start3A_403 : memref<80x128xf32, #tpu.memory_space<vmem_shared>>) target(%dma_start3A_401 : memref<80x128xf32, #tpu.memory_space<vmem>>) target_semaphore(%arg10 : memref<!tpu.dma_semaphore, #tpu.memory_space<semaphore_mem>>)
    %add3A_404 = arith.constant 160 : i32
    %add3A_405 = arith.addi %add3A_343, %add3A_404 : i32
    "tpu.region"() ({
      %run_scoped3A = tpu.sem_alloc : memref<!tpu.dma_semaphore, #tpu.memory_space<semaphore_mem>>
      %dma_start3A_514 = arith.constant 0 : i32
      %dma_start3A_515 = arith.constant 0 : i32
      %dma_start3A_516 = tpu.memref_slice %arg8[%dma_start3A_514, %dma_start3A_515] : memref<125x128xf32, #tpu.memory_space<vmem>> -> memref<80x128xf32, #tpu.memory_space<vmem>>
      %dma_start3A_517 = arith.constant 0 : i32
      %dma_start3A_518 = tpu.memref_slice %arg5[%add3A_405, %dma_start3A_517] : memref<20480x128xf32, #tpu.memory_space<hbm>> -> memref<80x128xf32, #tpu.memory_space<hbm>>
      %dma_start3A_519 = arith.constant 0 : i32
      %dma_start3A_520 = tpu.memref_slice %arg5[%add3A_405, %dma_start3A_519] : memref<20480x128xf32, #tpu.memory_space<hbm>> -> memref<80x128xf32, #tpu.memory_space<hbm>>
      %dma_start3A_521 = arith.constant 0 : i32
      %dma_start3A_522 = arith.constant 0 : i32
      %dma_start3A_523 = tpu.memref_slice %arg8[%dma_start3A_521, %dma_start3A_522] : memref<125x128xf32, #tpu.memory_space<vmem>> -> memref<80x128xf32, #tpu.memory_space<vmem>>
      tpu.enqueue_dma source(%dma_start3A_523 : memref<80x128xf32, #tpu.memory_space<vmem>>) target(%dma_start3A_520 : memref<80x128xf32, #tpu.memory_space<hbm>>) target_semaphore(%run_scoped3A : memref<!tpu.dma_semaphore, #tpu.memory_space<semaphore_mem>>)
      %dma_wait3A_524 = arith.constant 0 : i32
      %dma_wait3A_525 = arith.constant 0 : i32
      %dma_wait3A_526 = tpu.memref_slice %arg8[%dma_wait3A_524, %dma_wait3A_525] : memref<125x128xf32, #tpu.memory_space<vmem>> -> memref<80x128xf32, #tpu.memory_space<vmem>>
      %dma_wait3A_527 = arith.constant 0 : i32
      %dma_wait3A_528 = tpu.memref_slice %arg5[%add3A_405, %dma_wait3A_527] : memref<20480x128xf32, #tpu.memory_space<hbm>> -> memref<80x128xf32, #tpu.memory_space<hbm>>
      %dma_wait3A_529 = arith.constant 0 : i32
      %dma_wait3A_530 = tpu.memref_slice %arg5[%add3A_405, %dma_wait3A_529] : memref<20480x128xf32, #tpu.memory_space<hbm>> -> memref<80x128xf32, #tpu.memory_space<hbm>>
      %dma_wait3A_531 = arith.constant 0 : i32
      %dma_wait3A_532 = arith.constant 0 : i32
      %dma_wait3A_533 = tpu.memref_slice %arg8[%dma_wait3A_531, %dma_wait3A_532] : memref<125x128xf32, #tpu.memory_space<vmem>> -> memref<80x128xf32, #tpu.memory_space<vmem>>
      tpu.wait_dma2 semaphore(%run_scoped3A : memref<!tpu.dma_semaphore, #tpu.memory_space<semaphore_mem>>) src(%dma_wait3A_533 : memref<80x128xf32, #tpu.memory_space<vmem>>) dst(%dma_wait3A_530 : memref<80x128xf32, #tpu.memory_space<hbm>>)
      tpu.yield
    }) : () -> ()
    %dma_wait3A_406 = arith.constant 0 : i32
    %dma_wait3A_407 = arith.constant 0 : i32
    %dma_wait3A_408 = tpu.memref_slice %arg9[%dma_wait3A_406, %dma_wait3A_407] : memref<125x128xf32, #tpu.memory_space<vmem>> -> memref<80x128xf32, #tpu.memory_space<vmem>>
    %dma_wait3A_409 = arith.constant 0 : i32
    %dma_wait3A_410 = tpu.memref_slice %arg14[%mul3A_2, %dma_wait3A_409] : memref<10240x128xf32, #tpu.memory_space<vmem_shared>> -> memref<80x128xf32, #tpu.memory_space<vmem_shared>>
    %dma_wait3A_411 = arith.constant 0 : i32
    %dma_wait3A_412 = arith.constant 0 : i32
    %dma_wait3A_413 = tpu.memref_slice %arg9[%dma_wait3A_411, %dma_wait3A_412] : memref<125x128xf32, #tpu.memory_space<vmem>> -> memref<80x128xf32, #tpu.memory_space<vmem>>
    %dma_wait3A_414 = arith.constant 0 : i32
    %dma_wait3A_415 = tpu.memref_slice %arg14[%mul3A_2, %dma_wait3A_414] : memref<10240x128xf32, #tpu.memory_space<vmem_shared>> -> memref<80x128xf32, #tpu.memory_space<vmem_shared>>
    tpu.wait_dma2 semaphore(%arg10 : memref<!tpu.dma_semaphore, #tpu.memory_space<semaphore_mem>>) src(%dma_wait3A_415 : memref<80x128xf32, #tpu.memory_space<vmem_shared>>) dst(%dma_wait3A_413 : memref<80x128xf32, #tpu.memory_space<vmem>>)
    %add3A_416 = arith.constant 320 : i32
    %add3A_417 = arith.addi %mul3A_2, %add3A_416 : i32
    %dma_start3A_418 = arith.constant 0 : i32
    %dma_start3A_419 = arith.constant 0 : i32
    %dma_start3A_420 = tpu.memref_slice %arg8[%dma_start3A_418, %dma_start3A_419] : memref<125x128xf32, #tpu.memory_space<vmem>> -> memref<80x128xf32, #tpu.memory_space<vmem>>
    %dma_start3A_421 = arith.constant 0 : i32
    %dma_start3A_422 = tpu.memref_slice %arg14[%add3A_417, %dma_start3A_421] : memref<10240x128xf32, #tpu.memory_space<vmem_shared>> -> memref<80x128xf32, #tpu.memory_space<vmem_shared>>
    %dma_start3A_423 = arith.constant 0 : i32
    %dma_start3A_424 = arith.constant 0 : i32
    %dma_start3A_425 = tpu.memref_slice %arg8[%dma_start3A_423, %dma_start3A_424] : memref<125x128xf32, #tpu.memory_space<vmem>> -> memref<80x128xf32, #tpu.memory_space<vmem>>
    %dma_start3A_426 = arith.constant 0 : i32
    %dma_start3A_427 = tpu.memref_slice %arg14[%add3A_417, %dma_start3A_426] : memref<10240x128xf32, #tpu.memory_space<vmem_shared>> -> memref<80x128xf32, #tpu.memory_space<vmem_shared>>
    tpu.enqueue_dma source(%dma_start3A_427 : memref<80x128xf32, #tpu.memory_space<vmem_shared>>) target(%dma_start3A_425 : memref<80x128xf32, #tpu.memory_space<vmem>>) target_semaphore(%arg10 : memref<!tpu.dma_semaphore, #tpu.memory_space<semaphore_mem>>)
    %add3A_428 = arith.constant 240 : i32
    %add3A_429 = arith.addi %add3A_343, %add3A_428 : i32
    "tpu.region"() ({
      %run_scoped3A = tpu.sem_alloc : memref<!tpu.dma_semaphore, #tpu.memory_space<semaphore_mem>>
      %dma_start3A_514 = arith.constant 0 : i32
      %dma_start3A_515 = arith.constant 0 : i32
      %dma_start3A_516 = tpu.memref_slice %arg9[%dma_start3A_514, %dma_start3A_515] : memref<125x128xf32, #tpu.memory_space<vmem>> -> memref<80x128xf32, #tpu.memory_space<vmem>>
      %dma_start3A_517 = arith.constant 0 : i32
      %dma_start3A_518 = tpu.memref_slice %arg5[%add3A_429, %dma_start3A_517] : memref<20480x128xf32, #tpu.memory_space<hbm>> -> memref<80x128xf32, #tpu.memory_space<hbm>>
      %dma_start3A_519 = arith.constant 0 : i32
      %dma_start3A_520 = tpu.memref_slice %arg5[%add3A_429, %dma_start3A_519] : memref<20480x128xf32, #tpu.memory_space<hbm>> -> memref<80x128xf32, #tpu.memory_space<hbm>>
      %dma_start3A_521 = arith.constant 0 : i32
      %dma_start3A_522 = arith.constant 0 : i32
      %dma_start3A_523 = tpu.memref_slice %arg9[%dma_start3A_521, %dma_start3A_522] : memref<125x128xf32, #tpu.memory_space<vmem>> -> memref<80x128xf32, #tpu.memory_space<vmem>>
      tpu.enqueue_dma source(%dma_start3A_523 : memref<80x128xf32, #tpu.memory_space<vmem>>) target(%dma_start3A_520 : memref<80x128xf32, #tpu.memory_space<hbm>>) target_semaphore(%run_scoped3A : memref<!tpu.dma_semaphore, #tpu.memory_space<semaphore_mem>>)
      %dma_wait3A_524 = arith.constant 0 : i32
      %dma_wait3A_525 = arith.constant 0 : i32
      %dma_wait3A_526 = tpu.memref_slice %arg9[%dma_wait3A_524, %dma_wait3A_525] : memref<125x128xf32, #tpu.memory_space<vmem>> -> memref<80x128xf32, #tpu.memory_space<vmem>>
      %dma_wait3A_527 = arith.constant 0 : i32
      %dma_wait3A_528 = tpu.memref_slice %arg5[%add3A_429, %dma_wait3A_527] : memref<20480x128xf32, #tpu.memory_space<hbm>> -> memref<80x128xf32, #tpu.memory_space<hbm>>
      %dma_wait3A_529 = arith.constant 0 : i32
      %dma_wait3A_530 = tpu.memref_slice %arg5[%add3A_429, %dma_wait3A_529] : memref<20480x128xf32, #tpu.memory_space<hbm>> -> memref<80x128xf32, #tpu.memory_space<hbm>>
      %dma_wait3A_531 = arith.constant 0 : i32
      %dma_wait3A_532 = arith.constant 0 : i32
      %dma_wait3A_533 = tpu.memref_slice %arg9[%dma_wait3A_531, %dma_wait3A_532] : memref<125x128xf32, #tpu.memory_space<vmem>> -> memref<80x128xf32, #tpu.memory_space<vmem>>
      tpu.wait_dma2 semaphore(%run_scoped3A : memref<!tpu.dma_semaphore, #tpu.memory_space<semaphore_mem>>) src(%dma_wait3A_533 : memref<80x128xf32, #tpu.memory_space<vmem>>) dst(%dma_wait3A_530 : memref<80x128xf32, #tpu.memory_space<hbm>>)
      tpu.yield
    }) : () -> ()
    %dma_wait3A_430 = arith.constant 0 : i32
    %dma_wait3A_431 = arith.constant 0 : i32
    %dma_wait3A_432 = tpu.memref_slice %arg8[%dma_wait3A_430, %dma_wait3A_431] : memref<125x128xf32, #tpu.memory_space<vmem>> -> memref<80x128xf32, #tpu.memory_space<vmem>>
    %dma_wait3A_433 = arith.constant 0 : i32
    %dma_wait3A_434 = tpu.memref_slice %arg14[%mul3A_2, %dma_wait3A_433] : memref<10240x128xf32, #tpu.memory_space<vmem_shared>> -> memref<80x128xf32, #tpu.memory_space<vmem_shared>>
    %dma_wait3A_435 = arith.constant 0 : i32
    %dma_wait3A_436 = arith.constant 0 : i32
    %dma_wait3A_437 = tpu.memref_slice %arg8[%dma_wait3A_435, %dma_wait3A_436] : memref<125x128xf32, #tpu.memory_space<vmem>> -> memref<80x128xf32, #tpu.memory_space<vmem>>
    %dma_wait3A_438 = arith.constant 0 : i32
    %dma_wait3A_439 = tpu.memref_slice %arg14[%mul3A_2, %dma_wait3A_438] : memref<10240x128xf32, #tpu.memory_space<vmem_shared>> -> memref<80x128xf32, #tpu.memory_space<vmem_shared>>
    tpu.wait_dma2 semaphore(%arg10 : memref<!tpu.dma_semaphore, #tpu.memory_space<semaphore_mem>>) src(%dma_wait3A_439 : memref<80x128xf32, #tpu.memory_space<vmem_shared>>) dst(%dma_wait3A_437 : memref<80x128xf32, #tpu.memory_space<vmem>>)
    %add3A_440 = arith.constant 400 : i32
    %add3A_441 = arith.addi %mul3A_2, %add3A_440 : i32
    %dma_start3A_442 = arith.constant 0 : i32
    %dma_start3A_443 = arith.constant 0 : i32
    %dma_start3A_444 = tpu.memref_slice %arg9[%dma_start3A_442, %dma_start3A_443] : memref<125x128xf32, #tpu.memory_space<vmem>> -> memref<80x128xf32, #tpu.memory_space<vmem>>
    %dma_start3A_445 = arith.constant 0 : i32
    %dma_start3A_446 = tpu.memref_slice %arg14[%add3A_441, %dma_start3A_445] : memref<10240x128xf32, #tpu.memory_space<vmem_shared>> -> memref<80x128xf32, #tpu.memory_space<vmem_shared>>
    %dma_start3A_447 = arith.constant 0 : i32
    %dma_start3A_448 = arith.constant 0 : i32
    %dma_start3A_449 = tpu.memref_slice %arg9[%dma_start3A_447, %dma_start3A_448] : memref<125x128xf32, #tpu.memory_space<vmem>> -> memref<80x128xf32, #tpu.memory_space<vmem>>
    %dma_start3A_450 = arith.constant 0 : i32
    %dma_start3A_451 = tpu.memref_slice %arg14[%add3A_441, %dma_start3A_450] : memref<10240x128xf32, #tpu.memory_space<vmem_shared>> -> memref<80x128xf32, #tpu.memory_space<vmem_shared>>
    tpu.enqueue_dma source(%dma_start3A_451 : memref<80x128xf32, #tpu.memory_space<vmem_shared>>) target(%dma_start3A_449 : memref<80x128xf32, #tpu.memory_space<vmem>>) target_semaphore(%arg10 : memref<!tpu.dma_semaphore, #tpu.memory_space<semaphore_mem>>)
    %add3A_452 = arith.constant 320 : i32
    %add3A_453 = arith.addi %add3A_343, %add3A_452 : i32
    "tpu.region"() ({
      %run_scoped3A = tpu.sem_alloc : memref<!tpu.dma_semaphore, #tpu.memory_space<semaphore_mem>>
      %dma_start3A_514 = arith.constant 0 : i32
      %dma_start3A_515 = arith.constant 0 : i32
      %dma_start3A_516 = tpu.memref_slice %arg8[%dma_start3A_514, %dma_start3A_515] : memref<125x128xf32, #tpu.memory_space<vmem>> -> memref<80x128xf32, #tpu.memory_space<vmem>>
      %dma_start3A_517 = arith.constant 0 : i32
      %dma_start3A_518 = tpu.memref_slice %arg5[%add3A_453, %dma_start3A_517] : memref<20480x128xf32, #tpu.memory_space<hbm>> -> memref<80x128xf32, #tpu.memory_space<hbm>>
      %dma_start3A_519 = arith.constant 0 : i32
      %dma_start3A_520 = tpu.memref_slice %arg5[%add3A_453, %dma_start3A_519] : memref<20480x128xf32, #tpu.memory_space<hbm>> -> memref<80x128xf32, #tpu.memory_space<hbm>>
      %dma_start3A_521 = arith.constant 0 : i32
      %dma_start3A_522 = arith.constant 0 : i32
      %dma_start3A_523 = tpu.memref_slice %arg8[%dma_start3A_521, %dma_start3A_522] : memref<125x128xf32, #tpu.memory_space<vmem>> -> memref<80x128xf32, #tpu.memory_space<vmem>>
      tpu.enqueue_dma source(%dma_start3A_523 : memref<80x128xf32, #tpu.memory_space<vmem>>) target(%dma_start3A_520 : memref<80x128xf32, #tpu.memory_space<hbm>>) target_semaphore(%run_scoped3A : memref<!tpu.dma_semaphore, #tpu.memory_space<semaphore_mem>>)
      %dma_wait3A_524 = arith.constant 0 : i32
      %dma_wait3A_525 = arith.constant 0 : i32
      %dma_wait3A_526 = tpu.memref_slice %arg8[%dma_wait3A_524, %dma_wait3A_525] : memref<125x128xf32, #tpu.memory_space<vmem>> -> memref<80x128xf32, #tpu.memory_space<vmem>>
      %dma_wait3A_527 = arith.constant 0 : i32
      %dma_wait3A_528 = tpu.memref_slice %arg5[%add3A_453, %dma_wait3A_527] : memref<20480x128xf32, #tpu.memory_space<hbm>> -> memref<80x128xf32, #tpu.memory_space<hbm>>
      %dma_wait3A_529 = arith.constant 0 : i32
      %dma_wait3A_530 = tpu.memref_slice %arg5[%add3A_453, %dma_wait3A_529] : memref<20480x128xf32, #tpu.memory_space<hbm>> -> memref<80x128xf32, #tpu.memory_space<hbm>>
      %dma_wait3A_531 = arith.constant 0 : i32
      %dma_wait3A_532 = arith.constant 0 : i32
      %dma_wait3A_533 = tpu.memref_slice %arg8[%dma_wait3A_531, %dma_wait3A_532] : memref<125x128xf32, #tpu.memory_space<vmem>> -> memref<80x128xf32, #tpu.memory_space<vmem>>
      tpu.wait_dma2 semaphore(%run_scoped3A : memref<!tpu.dma_semaphore, #tpu.memory_space<semaphore_mem>>) src(%dma_wait3A_533 : memref<80x128xf32, #tpu.memory_space<vmem>>) dst(%dma_wait3A_530 : memref<80x128xf32, #tpu.memory_space<hbm>>)
      tpu.yield
    }) : () -> ()
    %dma_wait3A_454 = arith.constant 0 : i32
    %dma_wait3A_455 = arith.constant 0 : i32
    %dma_wait3A_456 = tpu.memref_slice %arg9[%dma_wait3A_454, %dma_wait3A_455] : memref<125x128xf32, #tpu.memory_space<vmem>> -> memref<80x128xf32, #tpu.memory_space<vmem>>
    %dma_wait3A_457 = arith.constant 0 : i32
    %dma_wait3A_458 = tpu.memref_slice %arg14[%mul3A_2, %dma_wait3A_457] : memref<10240x128xf32, #tpu.memory_space<vmem_shared>> -> memref<80x128xf32, #tpu.memory_space<vmem_shared>>
    %dma_wait3A_459 = arith.constant 0 : i32
    %dma_wait3A_460 = arith.constant 0 : i32
    %dma_wait3A_461 = tpu.memref_slice %arg9[%dma_wait3A_459, %dma_wait3A_460] : memref<125x128xf32, #tpu.memory_space<vmem>> -> memref<80x128xf32, #tpu.memory_space<vmem>>
    %dma_wait3A_462 = arith.constant 0 : i32
    %dma_wait3A_463 = tpu.memref_slice %arg14[%mul3A_2, %dma_wait3A_462] : memref<10240x128xf32, #tpu.memory_space<vmem_shared>> -> memref<80x128xf32, #tpu.memory_space<vmem_shared>>
    tpu.wait_dma2 semaphore(%arg10 : memref<!tpu.dma_semaphore, #tpu.memory_space<semaphore_mem>>) src(%dma_wait3A_463 : memref<80x128xf32, #tpu.memory_space<vmem_shared>>) dst(%dma_wait3A_461 : memref<80x128xf32, #tpu.memory_space<vmem>>)
    %add3A_464 = arith.constant 480 : i32
    %add3A_465 = arith.addi %mul3A_2, %add3A_464 : i32
    %dma_start3A_466 = arith.constant 0 : i32
    %dma_start3A_467 = arith.constant 0 : i32
    %dma_start3A_468 = tpu.memref_slice %arg8[%dma_start3A_466, %dma_start3A_467] : memref<125x128xf32, #tpu.memory_space<vmem>> -> memref<80x128xf32, #tpu.memory_space<vmem>>
    %dma_start3A_469 = arith.constant 0 : i32
    %dma_start3A_470 = tpu.memref_slice %arg14[%add3A_465, %dma_start3A_469] : memref<10240x128xf32, #tpu.memory_space<vmem_shared>> -> memref<80x128xf32, #tpu.memory_space<vmem_shared>>
    %dma_start3A_471 = arith.constant 0 : i32
    %dma_start3A_472 = arith.constant 0 : i32
    %dma_start3A_473 = tpu.memref_slice %arg8[%dma_start3A_471, %dma_start3A_472] : memref<125x128xf32, #tpu.memory_space<vmem>> -> memref<80x128xf32, #tpu.memory_space<vmem>>
    %dma_start3A_474 = arith.constant 0 : i32
    %dma_start3A_475 = tpu.memref_slice %arg14[%add3A_465, %dma_start3A_474] : memref<10240x128xf32, #tpu.memory_space<vmem_shared>> -> memref<80x128xf32, #tpu.memory_space<vmem_shared>>
    tpu.enqueue_dma source(%dma_start3A_475 : memref<80x128xf32, #tpu.memory_space<vmem_shared>>) target(%dma_start3A_473 : memref<80x128xf32, #tpu.memory_space<vmem>>) target_semaphore(%arg10 : memref<!tpu.dma_semaphore, #tpu.memory_space<semaphore_mem>>)
    %add3A_476 = arith.constant 400 : i32
    %add3A_477 = arith.addi %add3A_343, %add3A_476 : i32
    "tpu.region"() ({
      %run_scoped3A = tpu.sem_alloc : memref<!tpu.dma_semaphore, #tpu.memory_space<semaphore_mem>>
      %dma_start3A_514 = arith.constant 0 : i32
      %dma_start3A_515 = arith.constant 0 : i32
      %dma_start3A_516 = tpu.memref_slice %arg9[%dma_start3A_514, %dma_start3A_515] : memref<125x128xf32, #tpu.memory_space<vmem>> -> memref<80x128xf32, #tpu.memory_space<vmem>>
      %dma_start3A_517 = arith.constant 0 : i32
      %dma_start3A_518 = tpu.memref_slice %arg5[%add3A_477, %dma_start3A_517] : memref<20480x128xf32, #tpu.memory_space<hbm>> -> memref<80x128xf32, #tpu.memory_space<hbm>>
      %dma_start3A_519 = arith.constant 0 : i32
      %dma_start3A_520 = tpu.memref_slice %arg5[%add3A_477, %dma_start3A_519] : memref<20480x128xf32, #tpu.memory_space<hbm>> -> memref<80x128xf32, #tpu.memory_space<hbm>>
      %dma_start3A_521 = arith.constant 0 : i32
      %dma_start3A_522 = arith.constant 0 : i32
      %dma_start3A_523 = tpu.memref_slice %arg9[%dma_start3A_521, %dma_start3A_522] : memref<125x128xf32, #tpu.memory_space<vmem>> -> memref<80x128xf32, #tpu.memory_space<vmem>>
      tpu.enqueue_dma source(%dma_start3A_523 : memref<80x128xf32, #tpu.memory_space<vmem>>) target(%dma_start3A_520 : memref<80x128xf32, #tpu.memory_space<hbm>>) target_semaphore(%run_scoped3A : memref<!tpu.dma_semaphore, #tpu.memory_space<semaphore_mem>>)
      %dma_wait3A_524 = arith.constant 0 : i32
      %dma_wait3A_525 = arith.constant 0 : i32
      %dma_wait3A_526 = tpu.memref_slice %arg9[%dma_wait3A_524, %dma_wait3A_525] : memref<125x128xf32, #tpu.memory_space<vmem>> -> memref<80x128xf32, #tpu.memory_space<vmem>>
      %dma_wait3A_527 = arith.constant 0 : i32
      %dma_wait3A_528 = tpu.memref_slice %arg5[%add3A_477, %dma_wait3A_527] : memref<20480x128xf32, #tpu.memory_space<hbm>> -> memref<80x128xf32, #tpu.memory_space<hbm>>
      %dma_wait3A_529 = arith.constant 0 : i32
      %dma_wait3A_530 = tpu.memref_slice %arg5[%add3A_477, %dma_wait3A_529] : memref<20480x128xf32, #tpu.memory_space<hbm>> -> memref<80x128xf32, #tpu.memory_space<hbm>>
      %dma_wait3A_531 = arith.constant 0 : i32
      %dma_wait3A_532 = arith.constant 0 : i32
      %dma_wait3A_533 = tpu.memref_slice %arg9[%dma_wait3A_531, %dma_wait3A_532] : memref<125x128xf32, #tpu.memory_space<vmem>> -> memref<80x128xf32, #tpu.memory_space<vmem>>
      tpu.wait_dma2 semaphore(%run_scoped3A : memref<!tpu.dma_semaphore, #tpu.memory_space<semaphore_mem>>) src(%dma_wait3A_533 : memref<80x128xf32, #tpu.memory_space<vmem>>) dst(%dma_wait3A_530 : memref<80x128xf32, #tpu.memory_space<hbm>>)
      tpu.yield
    }) : () -> ()
    %dma_wait3A_478 = arith.constant 0 : i32
    %dma_wait3A_479 = arith.constant 0 : i32
    %dma_wait3A_480 = tpu.memref_slice %arg8[%dma_wait3A_478, %dma_wait3A_479] : memref<125x128xf32, #tpu.memory_space<vmem>> -> memref<80x128xf32, #tpu.memory_space<vmem>>
    %dma_wait3A_481 = arith.constant 0 : i32
    %dma_wait3A_482 = tpu.memref_slice %arg14[%mul3A_2, %dma_wait3A_481] : memref<10240x128xf32, #tpu.memory_space<vmem_shared>> -> memref<80x128xf32, #tpu.memory_space<vmem_shared>>
    %dma_wait3A_483 = arith.constant 0 : i32
    %dma_wait3A_484 = arith.constant 0 : i32
    %dma_wait3A_485 = tpu.memref_slice %arg8[%dma_wait3A_483, %dma_wait3A_484] : memref<125x128xf32, #tpu.memory_space<vmem>> -> memref<80x128xf32, #tpu.memory_space<vmem>>
    %dma_wait3A_486 = arith.constant 0 : i32
    %dma_wait3A_487 = tpu.memref_slice %arg14[%mul3A_2, %dma_wait3A_486] : memref<10240x128xf32, #tpu.memory_space<vmem_shared>> -> memref<80x128xf32, #tpu.memory_space<vmem_shared>>
    tpu.wait_dma2 semaphore(%arg10 : memref<!tpu.dma_semaphore, #tpu.memory_space<semaphore_mem>>) src(%dma_wait3A_487 : memref<80x128xf32, #tpu.memory_space<vmem_shared>>) dst(%dma_wait3A_485 : memref<80x128xf32, #tpu.memory_space<vmem>>)
    %add3A_488 = arith.constant 560 : i32
    %add3A_489 = arith.addi %mul3A_2, %add3A_488 : i32
    %dma_start3A_490 = arith.constant 0 : i32
    %dma_start3A_491 = arith.constant 0 : i32
    %dma_start3A_492 = tpu.memref_slice %arg9[%dma_start3A_490, %dma_start3A_491] : memref<125x128xf32, #tpu.memory_space<vmem>> -> memref<80x128xf32, #tpu.memory_space<vmem>>
    %dma_start3A_493 = arith.constant 0 : i32
    %dma_start3A_494 = tpu.memref_slice %arg14[%add3A_489, %dma_start3A_493] : memref<10240x128xf32, #tpu.memory_space<vmem_shared>> -> memref<80x128xf32, #tpu.memory_space<vmem_shared>>
    %dma_start3A_495 = arith.constant 0 : i32
    %dma_start3A_496 = arith.constant 0 : i32
    %dma_start3A_497 = tpu.memref_slice %arg9[%dma_start3A_495, %dma_start3A_496] : memref<125x128xf32, #tpu.memory_space<vmem>> -> memref<80x128xf32, #tpu.memory_space<vmem>>
    %dma_start3A_498 = arith.constant 0 : i32
    %dma_start3A_499 = tpu.memref_slice %arg14[%add3A_489, %dma_start3A_498] : memref<10240x128xf32, #tpu.memory_space<vmem_shared>> -> memref<80x128xf32, #tpu.memory_space<vmem_shared>>
    tpu.enqueue_dma source(%dma_start3A_499 : memref<80x128xf32, #tpu.memory_space<vmem_shared>>) target(%dma_start3A_497 : memref<80x128xf32, #tpu.memory_space<vmem>>) target_semaphore(%arg10 : memref<!tpu.dma_semaphore, #tpu.memory_space<semaphore_mem>>)
    %add3A_500 = arith.constant 480 : i32
    %add3A_501 = arith.addi %add3A_343, %add3A_500 : i32
    "tpu.region"() ({
      %run_scoped3A = tpu.sem_alloc : memref<!tpu.dma_semaphore, #tpu.memory_space<semaphore_mem>>
      %dma_start3A_514 = arith.constant 0 : i32
      %dma_start3A_515 = arith.constant 0 : i32
      %dma_start3A_516 = tpu.memref_slice %arg8[%dma_start3A_514, %dma_start3A_515] : memref<125x128xf32, #tpu.memory_space<vmem>> -> memref<80x128xf32, #tpu.memory_space<vmem>>
      %dma_start3A_517 = arith.constant 0 : i32
      %dma_start3A_518 = tpu.memref_slice %arg5[%add3A_501, %dma_start3A_517] : memref<20480x128xf32, #tpu.memory_space<hbm>> -> memref<80x128xf32, #tpu.memory_space<hbm>>
      %dma_start3A_519 = arith.constant 0 : i32
      %dma_start3A_520 = tpu.memref_slice %arg5[%add3A_501, %dma_start3A_519] : memref<20480x128xf32, #tpu.memory_space<hbm>> -> memref<80x128xf32, #tpu.memory_space<hbm>>
      %dma_start3A_521 = arith.constant 0 : i32
      %dma_start3A_522 = arith.constant 0 : i32
      %dma_start3A_523 = tpu.memref_slice %arg8[%dma_start3A_521, %dma_start3A_522] : memref<125x128xf32, #tpu.memory_space<vmem>> -> memref<80x128xf32, #tpu.memory_space<vmem>>
      tpu.enqueue_dma source(%dma_start3A_523 : memref<80x128xf32, #tpu.memory_space<vmem>>) target(%dma_start3A_520 : memref<80x128xf32, #tpu.memory_space<hbm>>) target_semaphore(%run_scoped3A : memref<!tpu.dma_semaphore, #tpu.memory_space<semaphore_mem>>)
      %dma_wait3A_524 = arith.constant 0 : i32
      %dma_wait3A_525 = arith.constant 0 : i32
      %dma_wait3A_526 = tpu.memref_slice %arg8[%dma_wait3A_524, %dma_wait3A_525] : memref<125x128xf32, #tpu.memory_space<vmem>> -> memref<80x128xf32, #tpu.memory_space<vmem>>
      %dma_wait3A_527 = arith.constant 0 : i32
      %dma_wait3A_528 = tpu.memref_slice %arg5[%add3A_501, %dma_wait3A_527] : memref<20480x128xf32, #tpu.memory_space<hbm>> -> memref<80x128xf32, #tpu.memory_space<hbm>>
      %dma_wait3A_529 = arith.constant 0 : i32
      %dma_wait3A_530 = tpu.memref_slice %arg5[%add3A_501, %dma_wait3A_529] : memref<20480x128xf32, #tpu.memory_space<hbm>> -> memref<80x128xf32, #tpu.memory_space<hbm>>
      %dma_wait3A_531 = arith.constant 0 : i32
      %dma_wait3A_532 = arith.constant 0 : i32
      %dma_wait3A_533 = tpu.memref_slice %arg8[%dma_wait3A_531, %dma_wait3A_532] : memref<125x128xf32, #tpu.memory_space<vmem>> -> memref<80x128xf32, #tpu.memory_space<vmem>>
      tpu.wait_dma2 semaphore(%run_scoped3A : memref<!tpu.dma_semaphore, #tpu.memory_space<semaphore_mem>>) src(%dma_wait3A_533 : memref<80x128xf32, #tpu.memory_space<vmem>>) dst(%dma_wait3A_530 : memref<80x128xf32, #tpu.memory_space<hbm>>)
      tpu.yield
    }) : () -> ()
    %dma_wait3A_502 = arith.constant 0 : i32
    %dma_wait3A_503 = arith.constant 0 : i32
    %dma_wait3A_504 = tpu.memref_slice %arg9[%dma_wait3A_502, %dma_wait3A_503] : memref<125x128xf32, #tpu.memory_space<vmem>> -> memref<80x128xf32, #tpu.memory_space<vmem>>
    %dma_wait3A_505 = arith.constant 0 : i32
    %dma_wait3A_506 = tpu.memref_slice %arg14[%mul3A_2, %dma_wait3A_505] : memref<10240x128xf32, #tpu.memory_space<vmem_shared>> -> memref<80x128xf32, #tpu.memory_space<vmem_shared>>
    %dma_wait3A_507 = arith.constant 0 : i32
    %dma_wait3A_508 = arith.constant 0 : i32
    %dma_wait3A_509 = tpu.memref_slice %arg9[%dma_wait3A_507, %dma_wait3A_508] : memref<125x128xf32, #tpu.memory_space<vmem>> -> memref<80x128xf32, #tpu.memory_space<vmem>>
    %dma_wait3A_510 = arith.constant 0 : i32
    %dma_wait3A_511 = tpu.memref_slice %arg14[%mul3A_2, %dma_wait3A_510] : memref<10240x128xf32, #tpu.memory_space<vmem_shared>> -> memref<80x128xf32, #tpu.memory_space<vmem_shared>>
    tpu.wait_dma2 semaphore(%arg10 : memref<!tpu.dma_semaphore, #tpu.memory_space<semaphore_mem>>) src(%dma_wait3A_511 : memref<80x128xf32, #tpu.memory_space<vmem_shared>>) dst(%dma_wait3A_509 : memref<80x128xf32, #tpu.memory_space<vmem>>)
    %add3A_512 = arith.constant 560 : i32
    %add3A_513 = arith.addi %add3A_343, %add3A_512 : i32
    "tpu.region"() ({
      %run_scoped3A = tpu.sem_alloc : memref<!tpu.dma_semaphore, #tpu.memory_space<semaphore_mem>>
      %dma_start3A_514 = arith.constant 0 : i32
      %dma_start3A_515 = arith.constant 0 : i32
      %dma_start3A_516 = tpu.memref_slice %arg9[%dma_start3A_514, %dma_start3A_515] : memref<125x128xf32, #tpu.memory_space<vmem>> -> memref<80x128xf32, #tpu.memory_space<vmem>>
      %dma_start3A_517 = arith.constant 0 : i32
      %dma_start3A_518 = tpu.memref_slice %arg5[%add3A_513, %dma_start3A_517] : memref<20480x128xf32, #tpu.memory_space<hbm>> -> memref<80x128xf32, #tpu.memory_space<hbm>>
      %dma_start3A_519 = arith.constant 0 : i32
      %dma_start3A_520 = tpu.memref_slice %arg5[%add3A_513, %dma_start3A_519] : memref<20480x128xf32, #tpu.memory_space<hbm>> -> memref<80x128xf32, #tpu.memory_space<hbm>>
      %dma_start3A_521 = arith.constant 0 : i32
      %dma_start3A_522 = arith.constant 0 : i32
      %dma_start3A_523 = tpu.memref_slice %arg9[%dma_start3A_521, %dma_start3A_522] : memref<125x128xf32, #tpu.memory_space<vmem>> -> memref<80x128xf32, #tpu.memory_space<vmem>>
      tpu.enqueue_dma source(%dma_start3A_523 : memref<80x128xf32, #tpu.memory_space<vmem>>) target(%dma_start3A_520 : memref<80x128xf32, #tpu.memory_space<hbm>>) target_semaphore(%run_scoped3A : memref<!tpu.dma_semaphore, #tpu.memory_space<semaphore_mem>>)
      %dma_wait3A_524 = arith.constant 0 : i32
      %dma_wait3A_525 = arith.constant 0 : i32
      %dma_wait3A_526 = tpu.memref_slice %arg9[%dma_wait3A_524, %dma_wait3A_525] : memref<125x128xf32, #tpu.memory_space<vmem>> -> memref<80x128xf32, #tpu.memory_space<vmem>>
      %dma_wait3A_527 = arith.constant 0 : i32
      %dma_wait3A_528 = tpu.memref_slice %arg5[%add3A_513, %dma_wait3A_527] : memref<20480x128xf32, #tpu.memory_space<hbm>> -> memref<80x128xf32, #tpu.memory_space<hbm>>
      %dma_wait3A_529 = arith.constant 0 : i32
      %dma_wait3A_530 = tpu.memref_slice %arg5[%add3A_513, %dma_wait3A_529] : memref<20480x128xf32, #tpu.memory_space<hbm>> -> memref<80x128xf32, #tpu.memory_space<hbm>>
      %dma_wait3A_531 = arith.constant 0 : i32
      %dma_wait3A_532 = arith.constant 0 : i32
      %dma_wait3A_533 = tpu.memref_slice %arg9[%dma_wait3A_531, %dma_wait3A_532] : memref<125x128xf32, #tpu.memory_space<vmem>> -> memref<80x128xf32, #tpu.memory_space<vmem>>
      tpu.wait_dma2 semaphore(%run_scoped3A : memref<!tpu.dma_semaphore, #tpu.memory_space<semaphore_mem>>) src(%dma_wait3A_533 : memref<80x128xf32, #tpu.memory_space<vmem>>) dst(%dma_wait3A_530 : memref<80x128xf32, #tpu.memory_space<hbm>>)
      tpu.yield
    }) : () -> ()
    return
  }
}

#map = affine_map<(d0, d1) -> (0, 0)>
module attributes {stable_mosaic.version = 14 : i64} {
  func.func @k(%arg0: i32, %arg1: i32, %arg2: memref<10240x128xf32, #tpu.memory_space<hbm>>, %arg3: memref<5120x125xi32, #tpu.memory_space<hbm>>, %arg4: memref<128x128xf32, #tpu.memory_space<hbm>>, %arg5: memref<20480x128xf32, #tpu.memory_space<hbm>>, %arg6: memref<40x125xi32, #tpu.memory_space<vmem>>, %arg7: memref<40x125xi32, #tpu.memory_space<vmem>>, %arg8: memref<125x128xf32, #tpu.memory_space<vmem>>, %arg9: memref<125x128xf32, #tpu.memory_space<vmem>>, %arg10: memref<!tpu.dma_semaphore, #tpu.memory_space<semaphore_mem>>, %arg11: memref<!tpu.dma_semaphore, #tpu.memory_space<semaphore_mem>>, %arg12: memref<!tpu.dma_semaphore, #tpu.memory_space<semaphore_mem>>, %arg13: memref<!tpu.dma_semaphore, #tpu.memory_space<semaphore_mem>>, %arg14: memref<10240x128xf32, #tpu.memory_space<vmem_shared>>) attributes {dimension_semantics = [#tpu.dimension_semantics<core_parallel>, #tpu.dimension_semantics<subcore_parallel>], iteration_bounds = array<i64: 2, 16>, scalar_prefetch = 0 : i64, scratch_operands = 9 : i64, tpu.core_type = #tpu.core_type<sc_vector_subcore>, window_params = [{transform_indices = #map}, {transform_indices = #map}, {transform_indices = #map}, {transform_indices = #map}]} {
    %mul3A = arith.constant 16 : i32
    %mul3A_0 = arith.muli %arg0, %mul3A : i32
    %add3A = arith.addi %mul3A_0, %arg1 : i32
    %mul3A_1 = arith.constant 640 : i32
    %mul3A_2 = arith.muli %arg1, %mul3A_1 : i32
    "tpu.region"() ({
      %run_scoped3A = tpu.sem_alloc : memref<!tpu.dma_semaphore, #tpu.memory_space<semaphore_mem>>
      %dma_start3A_514 = arith.constant 0 : i32
      %dma_start3A_515 = arith.constant 0 : i32
      %dma_start3A_516 = tpu.memref_slice %arg8[%dma_start3A_514, %dma_start3A_515] : memref<125x128xf32, #tpu.memory_space<vmem>> -> memref<80x128xf32, #tpu.memory_space<vmem>>
      %dma_start3A_517 = arith.constant 0 : i32
      %dma_start3A_518 = arith.constant 0 : i32
      %dma_start3A_519 = tpu.memref_slice %arg4[%dma_start3A_517, %dma_start3A_518] : memref<128x128xf32, #tpu.memory_space<hbm>> -> memref<80x128xf32, #tpu.memory_space<hbm>>
      %dma_start3A_520 = arith.constant 0 : i32
      %dma_start3A_521 = arith.constant 0 : i32
      %dma_start3A_522 = tpu.memref_slice %arg8[%dma_start3A_520, %dma_start3A_521] : memref<125x128xf32, #tpu.memory_space<vmem>> -> memref<80x128xf32, #tpu.memory_space<vmem>>
      %dma_start3A_523 = arith.constant 0 : i32
      %dma_start3A_524 = arith.constant 0 : i32
      %dma_start3A_525 = tpu.memref_slice %arg4[%dma_start3A_523, %dma_start3A_524] : memref<128x128xf32, #tpu.memory_space<hbm>> -> memref<80x128xf32, #tpu.memory_space<hbm>>
      tpu.enqueue_dma source(%dma_start3A_525 : memref<80x128xf32, #tpu.memory_space<hbm>>) target(%dma_start3A_522 : memref<80x128xf32, #tpu.memory_space<vmem>>) target_semaphore(%run_scoped3A : memref<!tpu.dma_semaphore, #tpu.memory_space<semaphore_mem>>)
      %dma_wait3A_526 = arith.constant 0 : i32
      %dma_wait3A_527 = arith.constant 0 : i32
      %dma_wait3A_528 = tpu.memref_slice %arg8[%dma_wait3A_526, %dma_wait3A_527] : memref<125x128xf32, #tpu.memory_space<vmem>> -> memref<80x128xf32, #tpu.memory_space<vmem>>
      %dma_wait3A_529 = arith.constant 0 : i32
      %dma_wait3A_530 = arith.constant 0 : i32
      %dma_wait3A_531 = tpu.memref_slice %arg4[%dma_wait3A_529, %dma_wait3A_530] : memref<128x128xf32, #tpu.memory_space<hbm>> -> memref<80x128xf32, #tpu.memory_space<hbm>>
      %dma_wait3A_532 = arith.constant 0 : i32
      %dma_wait3A_533 = arith.constant 0 : i32
      %dma_wait3A_534 = tpu.memref_slice %arg8[%dma_wait3A_532, %dma_wait3A_533] : memref<125x128xf32, #tpu.memory_space<vmem>> -> memref<80x128xf32, #tpu.memory_space<vmem>>
      %dma_wait3A_535 = arith.constant 0 : i32
      %dma_wait3A_536 = arith.constant 0 : i32
      %dma_wait3A_537 = tpu.memref_slice %arg4[%dma_wait3A_535, %dma_wait3A_536] : memref<128x128xf32, #tpu.memory_space<hbm>> -> memref<80x128xf32, #tpu.memory_space<hbm>>
      tpu.wait_dma2 semaphore(%run_scoped3A : memref<!tpu.dma_semaphore, #tpu.memory_space<semaphore_mem>>) src(%dma_wait3A_537 : memref<80x128xf32, #tpu.memory_space<hbm>>) dst(%dma_wait3A_534 : memref<80x128xf32, #tpu.memory_space<vmem>>)
      tpu.yield
    }) : () -> ()
    %add3A_3 = arith.constant 0 : i32
    %add3A_4 = arith.addi %mul3A_2, %add3A_3 : i32
    %dma_start3A = arith.constant 0 : i32
    %dma_start3A_5 = arith.constant 0 : i32
    %dma_start3A_6 = tpu.memref_slice %arg8[%dma_start3A, %dma_start3A_5] : memref<125x128xf32, #tpu.memory_space<vmem>> -> memref<80x128xf32, #tpu.memory_space<vmem>>
    %dma_start3A_7 = arith.constant 0 : i32
    %dma_start3A_8 = tpu.memref_slice %arg14[%add3A_4, %dma_start3A_7] : memref<10240x128xf32, #tpu.memory_space<vmem_shared>> -> memref<80x128xf32, #tpu.memory_space<vmem_shared>>
    %dma_start3A_9 = arith.constant 0 : i32
    %dma_start3A_10 = tpu.memref_slice %arg14[%add3A_4, %dma_start3A_9] : memref<10240x128xf32, #tpu.memory_space<vmem_shared>> -> memref<80x128xf32, #tpu.memory_space<vmem_shared>>
    %dma_start3A_11 = arith.constant 0 : i32
    %dma_start3A_12 = arith.constant 0 : i32
    %dma_start3A_13 = tpu.memref_slice %arg8[%dma_start3A_11, %dma_start3A_12] : memref<125x128xf32, #tpu.memory_space<vmem>> -> memref<80x128xf32, #tpu.memory_space<vmem>>
    tpu.enqueue_dma source(%dma_start3A_13 : memref<80x128xf32, #tpu.memory_space<vmem>>) target(%dma_start3A_10 : memref<80x128xf32, #tpu.memory_space<vmem_shared>>) target_semaphore(%arg12 : memref<!tpu.dma_semaphore, #tpu.memory_space<semaphore_mem>>)
    %add3A_14 = arith.constant 80 : i32
    %add3A_15 = arith.addi %mul3A_2, %add3A_14 : i32
    %dma_start3A_16 = arith.constant 0 : i32
    %dma_start3A_17 = arith.constant 0 : i32
    %dma_start3A_18 = tpu.memref_slice %arg8[%dma_start3A_16, %dma_start3A_17] : memref<125x128xf32, #tpu.memory_space<vmem>> -> memref<80x128xf32, #tpu.memory_space<vmem>>
    %dma_start3A_19 = arith.constant 0 : i32
    %dma_start3A_20 = tpu.memref_slice %arg14[%add3A_15, %dma_start3A_19] : memref<10240x128xf32, #tpu.memory_space<vmem_shared>> -> memref<80x128xf32, #tpu.memory_space<vmem_shared>>
    %dma_start3A_21 = arith.constant 0 : i32
    %dma_start3A_22 = tpu.memref_slice %arg14[%add3A_15, %dma_start3A_21] : memref<10240x128xf32, #tpu.memory_space<vmem_shared>> -> memref<80x128xf32, #tpu.memory_space<vmem_shared>>
    %dma_start3A_23 = arith.constant 0 : i32
    %dma_start3A_24 = arith.constant 0 : i32
    %dma_start3A_25 = tpu.memref_slice %arg8[%dma_start3A_23, %dma_start3A_24] : memref<125x128xf32, #tpu.memory_space<vmem>> -> memref<80x128xf32, #tpu.memory_space<vmem>>
    tpu.enqueue_dma source(%dma_start3A_25 : memref<80x128xf32, #tpu.memory_space<vmem>>) target(%dma_start3A_22 : memref<80x128xf32, #tpu.memory_space<vmem_shared>>) target_semaphore(%arg12 : memref<!tpu.dma_semaphore, #tpu.memory_space<semaphore_mem>>)
    %add3A_26 = arith.constant 160 : i32
    %add3A_27 = arith.addi %mul3A_2, %add3A_26 : i32
    %dma_start3A_28 = arith.constant 0 : i32
    %dma_start3A_29 = arith.constant 0 : i32
    %dma_start3A_30 = tpu.memref_slice %arg8[%dma_start3A_28, %dma_start3A_29] : memref<125x128xf32, #tpu.memory_space<vmem>> -> memref<80x128xf32, #tpu.memory_space<vmem>>
    %dma_start3A_31 = arith.constant 0 : i32
    %dma_start3A_32 = tpu.memref_slice %arg14[%add3A_27, %dma_start3A_31] : memref<10240x128xf32, #tpu.memory_space<vmem_shared>> -> memref<80x128xf32, #tpu.memory_space<vmem_shared>>
    %dma_start3A_33 = arith.constant 0 : i32
    %dma_start3A_34 = tpu.memref_slice %arg14[%add3A_27, %dma_start3A_33] : memref<10240x128xf32, #tpu.memory_space<vmem_shared>> -> memref<80x128xf32, #tpu.memory_space<vmem_shared>>
    %dma_start3A_35 = arith.constant 0 : i32
    %dma_start3A_36 = arith.constant 0 : i32
    %dma_start3A_37 = tpu.memref_slice %arg8[%dma_start3A_35, %dma_start3A_36] : memref<125x128xf32, #tpu.memory_space<vmem>> -> memref<80x128xf32, #tpu.memory_space<vmem>>
    tpu.enqueue_dma source(%dma_start3A_37 : memref<80x128xf32, #tpu.memory_space<vmem>>) target(%dma_start3A_34 : memref<80x128xf32, #tpu.memory_space<vmem_shared>>) target_semaphore(%arg12 : memref<!tpu.dma_semaphore, #tpu.memory_space<semaphore_mem>>)
    %add3A_38 = arith.constant 240 : i32
    %add3A_39 = arith.addi %mul3A_2, %add3A_38 : i32
    %dma_start3A_40 = arith.constant 0 : i32
    %dma_start3A_41 = arith.constant 0 : i32
    %dma_start3A_42 = tpu.memref_slice %arg8[%dma_start3A_40, %dma_start3A_41] : memref<125x128xf32, #tpu.memory_space<vmem>> -> memref<80x128xf32, #tpu.memory_space<vmem>>
    %dma_start3A_43 = arith.constant 0 : i32
    %dma_start3A_44 = tpu.memref_slice %arg14[%add3A_39, %dma_start3A_43] : memref<10240x128xf32, #tpu.memory_space<vmem_shared>> -> memref<80x128xf32, #tpu.memory_space<vmem_shared>>
    %dma_start3A_45 = arith.constant 0 : i32
    %dma_start3A_46 = tpu.memref_slice %arg14[%add3A_39, %dma_start3A_45] : memref<10240x128xf32, #tpu.memory_space<vmem_shared>> -> memref<80x128xf32, #tpu.memory_space<vmem_shared>>
    %dma_start3A_47 = arith.constant 0 : i32
    %dma_start3A_48 = arith.constant 0 : i32
    %dma_start3A_49 = tpu.memref_slice %arg8[%dma_start3A_47, %dma_start3A_48] : memref<125x128xf32, #tpu.memory_space<vmem>> -> memref<80x128xf32, #tpu.memory_space<vmem>>
    tpu.enqueue_dma source(%dma_start3A_49 : memref<80x128xf32, #tpu.memory_space<vmem>>) target(%dma_start3A_46 : memref<80x128xf32, #tpu.memory_space<vmem_shared>>) target_semaphore(%arg12 : memref<!tpu.dma_semaphore, #tpu.memory_space<semaphore_mem>>)
    %add3A_50 = arith.constant 320 : i32
    %add3A_51 = arith.addi %mul3A_2, %add3A_50 : i32
    %dma_start3A_52 = arith.constant 0 : i32
    %dma_start3A_53 = arith.constant 0 : i32
    %dma_start3A_54 = tpu.memref_slice %arg8[%dma_start3A_52, %dma_start3A_53] : memref<125x128xf32, #tpu.memory_space<vmem>> -> memref<80x128xf32, #tpu.memory_space<vmem>>
    %dma_start3A_55 = arith.constant 0 : i32
    %dma_start3A_56 = tpu.memref_slice %arg14[%add3A_51, %dma_start3A_55] : memref<10240x128xf32, #tpu.memory_space<vmem_shared>> -> memref<80x128xf32, #tpu.memory_space<vmem_shared>>
    %dma_start3A_57 = arith.constant 0 : i32
    %dma_start3A_58 = tpu.memref_slice %arg14[%add3A_51, %dma_start3A_57] : memref<10240x128xf32, #tpu.memory_space<vmem_shared>> -> memref<80x128xf32, #tpu.memory_space<vmem_shared>>
    %dma_start3A_59 = arith.constant 0 : i32
    %dma_start3A_60 = arith.constant 0 : i32
    %dma_start3A_61 = tpu.memref_slice %arg8[%dma_start3A_59, %dma_start3A_60] : memref<125x128xf32, #tpu.memory_space<vmem>> -> memref<80x128xf32, #tpu.memory_space<vmem>>
    tpu.enqueue_dma source(%dma_start3A_61 : memref<80x128xf32, #tpu.memory_space<vmem>>) target(%dma_start3A_58 : memref<80x128xf32, #tpu.memory_space<vmem_shared>>) target_semaphore(%arg12 : memref<!tpu.dma_semaphore, #tpu.memory_space<semaphore_mem>>)
    %add3A_62 = arith.constant 400 : i32
    %add3A_63 = arith.addi %mul3A_2, %add3A_62 : i32
    %dma_start3A_64 = arith.constant 0 : i32
    %dma_start3A_65 = arith.constant 0 : i32
    %dma_start3A_66 = tpu.memref_slice %arg8[%dma_start3A_64, %dma_start3A_65] : memref<125x128xf32, #tpu.memory_space<vmem>> -> memref<80x128xf32, #tpu.memory_space<vmem>>
    %dma_start3A_67 = arith.constant 0 : i32
    %dma_start3A_68 = tpu.memref_slice %arg14[%add3A_63, %dma_start3A_67] : memref<10240x128xf32, #tpu.memory_space<vmem_shared>> -> memref<80x128xf32, #tpu.memory_space<vmem_shared>>
    %dma_start3A_69 = arith.constant 0 : i32
    %dma_start3A_70 = tpu.memref_slice %arg14[%add3A_63, %dma_start3A_69] : memref<10240x128xf32, #tpu.memory_space<vmem_shared>> -> memref<80x128xf32, #tpu.memory_space<vmem_shared>>
    %dma_start3A_71 = arith.constant 0 : i32
    %dma_start3A_72 = arith.constant 0 : i32
    %dma_start3A_73 = tpu.memref_slice %arg8[%dma_start3A_71, %dma_start3A_72] : memref<125x128xf32, #tpu.memory_space<vmem>> -> memref<80x128xf32, #tpu.memory_space<vmem>>
    tpu.enqueue_dma source(%dma_start3A_73 : memref<80x128xf32, #tpu.memory_space<vmem>>) target(%dma_start3A_70 : memref<80x128xf32, #tpu.memory_space<vmem_shared>>) target_semaphore(%arg12 : memref<!tpu.dma_semaphore, #tpu.memory_space<semaphore_mem>>)
    %add3A_74 = arith.constant 480 : i32
    %add3A_75 = arith.addi %mul3A_2, %add3A_74 : i32
    %dma_start3A_76 = arith.constant 0 : i32
    %dma_start3A_77 = arith.constant 0 : i32
    %dma_start3A_78 = tpu.memref_slice %arg8[%dma_start3A_76, %dma_start3A_77] : memref<125x128xf32, #tpu.memory_space<vmem>> -> memref<80x128xf32, #tpu.memory_space<vmem>>
    %dma_start3A_79 = arith.constant 0 : i32
    %dma_start3A_80 = tpu.memref_slice %arg14[%add3A_75, %dma_start3A_79] : memref<10240x128xf32, #tpu.memory_space<vmem_shared>> -> memref<80x128xf32, #tpu.memory_space<vmem_shared>>
    %dma_start3A_81 = arith.constant 0 : i32
    %dma_start3A_82 = tpu.memref_slice %arg14[%add3A_75, %dma_start3A_81] : memref<10240x128xf32, #tpu.memory_space<vmem_shared>> -> memref<80x128xf32, #tpu.memory_space<vmem_shared>>
    %dma_start3A_83 = arith.constant 0 : i32
    %dma_start3A_84 = arith.constant 0 : i32
    %dma_start3A_85 = tpu.memref_slice %arg8[%dma_start3A_83, %dma_start3A_84] : memref<125x128xf32, #tpu.memory_space<vmem>> -> memref<80x128xf32, #tpu.memory_space<vmem>>
    tpu.enqueue_dma source(%dma_start3A_85 : memref<80x128xf32, #tpu.memory_space<vmem>>) target(%dma_start3A_82 : memref<80x128xf32, #tpu.memory_space<vmem_shared>>) target_semaphore(%arg12 : memref<!tpu.dma_semaphore, #tpu.memory_space<semaphore_mem>>)
    %add3A_86 = arith.constant 560 : i32
    %add3A_87 = arith.addi %mul3A_2, %add3A_86 : i32
    %dma_start3A_88 = arith.constant 0 : i32
    %dma_start3A_89 = arith.constant 0 : i32
    %dma_start3A_90 = tpu.memref_slice %arg8[%dma_start3A_88, %dma_start3A_89] : memref<125x128xf32, #tpu.memory_space<vmem>> -> memref<80x128xf32, #tpu.memory_space<vmem>>
    %dma_start3A_91 = arith.constant 0 : i32
    %dma_start3A_92 = tpu.memref_slice %arg14[%add3A_87, %dma_start3A_91] : memref<10240x128xf32, #tpu.memory_space<vmem_shared>> -> memref<80x128xf32, #tpu.memory_space<vmem_shared>>
    %dma_start3A_93 = arith.constant 0 : i32
    %dma_start3A_94 = tpu.memref_slice %arg14[%add3A_87, %dma_start3A_93] : memref<10240x128xf32, #tpu.memory_space<vmem_shared>> -> memref<80x128xf32, #tpu.memory_space<vmem_shared>>
    %dma_start3A_95 = arith.constant 0 : i32
    %dma_start3A_96 = arith.constant 0 : i32
    %dma_start3A_97 = tpu.memref_slice %arg8[%dma_start3A_95, %dma_start3A_96] : memref<125x128xf32, #tpu.memory_space<vmem>> -> memref<80x128xf32, #tpu.memory_space<vmem>>
    tpu.enqueue_dma source(%dma_start3A_97 : memref<80x128xf32, #tpu.memory_space<vmem>>) target(%dma_start3A_94 : memref<80x128xf32, #tpu.memory_space<vmem_shared>>) target_semaphore(%arg12 : memref<!tpu.dma_semaphore, #tpu.memory_space<semaphore_mem>>)
    %dma_wait3A = arith.constant 0 : i32
    %dma_wait3A_98 = arith.constant 0 : i32
    %dma_wait3A_99 = tpu.memref_slice %arg8[%dma_wait3A, %dma_wait3A_98] : memref<125x128xf32, #tpu.memory_space<vmem>> -> memref<80x128xf32, #tpu.memory_space<vmem>>
    %dma_wait3A_100 = arith.constant 0 : i32
    %dma_wait3A_101 = tpu.memref_slice %arg14[%mul3A_2, %dma_wait3A_100] : memref<10240x128xf32, #tpu.memory_space<vmem_shared>> -> memref<80x128xf32, #tpu.memory_space<vmem_shared>>
    %dma_wait3A_102 = arith.constant 0 : i32
    %dma_wait3A_103 = tpu.memref_slice %arg14[%mul3A_2, %dma_wait3A_102] : memref<10240x128xf32, #tpu.memory_space<vmem_shared>> -> memref<80x128xf32, #tpu.memory_space<vmem_shared>>
    %dma_wait3A_104 = arith.constant 0 : i32
    %dma_wait3A_105 = arith.constant 0 : i32
    %dma_wait3A_106 = tpu.memref_slice %arg8[%dma_wait3A_104, %dma_wait3A_105] : memref<125x128xf32, #tpu.memory_space<vmem>> -> memref<80x128xf32, #tpu.memory_space<vmem>>
    tpu.wait_dma2 semaphore(%arg12 : memref<!tpu.dma_semaphore, #tpu.memory_space<semaphore_mem>>) src(%dma_wait3A_106 : memref<80x128xf32, #tpu.memory_space<vmem>>) dst(%dma_wait3A_103 : memref<80x128xf32, #tpu.memory_space<vmem_shared>>)
    %dma_wait3A_107 = arith.constant 0 : i32
    %dma_wait3A_108 = arith.constant 0 : i32
    %dma_wait3A_109 = tpu.memref_slice %arg8[%dma_wait3A_107, %dma_wait3A_108] : memref<125x128xf32, #tpu.memory_space<vmem>> -> memref<80x128xf32, #tpu.memory_space<vmem>>
    %dma_wait3A_110 = arith.constant 0 : i32
    %dma_wait3A_111 = tpu.memref_slice %arg14[%mul3A_2, %dma_wait3A_110] : memref<10240x128xf32, #tpu.memory_space<vmem_shared>> -> memref<80x128xf32, #tpu.memory_space<vmem_shared>>
    %dma_wait3A_112 = arith.constant 0 : i32
    %dma_wait3A_113 = tpu.memref_slice %arg14[%mul3A_2, %dma_wait3A_112] : memref<10240x128xf32, #tpu.memory_space<vmem_shared>> -> memref<80x128xf32, #tpu.memory_space<vmem_shared>>
    %dma_wait3A_114 = arith.constant 0 : i32
    %dma_wait3A_115 = arith.constant 0 : i32
    %dma_wait3A_116 = tpu.memref_slice %arg8[%dma_wait3A_114, %dma_wait3A_115] : memref<125x128xf32, #tpu.memory_space<vmem>> -> memref<80x128xf32, #tpu.memory_space<vmem>>
    tpu.wait_dma2 semaphore(%arg12 : memref<!tpu.dma_semaphore, #tpu.memory_space<semaphore_mem>>) src(%dma_wait3A_116 : memref<80x128xf32, #tpu.memory_space<vmem>>) dst(%dma_wait3A_113 : memref<80x128xf32, #tpu.memory_space<vmem_shared>>)
    %dma_wait3A_117 = arith.constant 0 : i32
    %dma_wait3A_118 = arith.constant 0 : i32
    %dma_wait3A_119 = tpu.memref_slice %arg8[%dma_wait3A_117, %dma_wait3A_118] : memref<125x128xf32, #tpu.memory_space<vmem>> -> memref<80x128xf32, #tpu.memory_space<vmem>>
    %dma_wait3A_120 = arith.constant 0 : i32
    %dma_wait3A_121 = tpu.memref_slice %arg14[%mul3A_2, %dma_wait3A_120] : memref<10240x128xf32, #tpu.memory_space<vmem_shared>> -> memref<80x128xf32, #tpu.memory_space<vmem_shared>>
    %dma_wait3A_122 = arith.constant 0 : i32
    %dma_wait3A_123 = tpu.memref_slice %arg14[%mul3A_2, %dma_wait3A_122] : memref<10240x128xf32, #tpu.memory_space<vmem_shared>> -> memref<80x128xf32, #tpu.memory_space<vmem_shared>>
    %dma_wait3A_124 = arith.constant 0 : i32
    %dma_wait3A_125 = arith.constant 0 : i32
    %dma_wait3A_126 = tpu.memref_slice %arg8[%dma_wait3A_124, %dma_wait3A_125] : memref<125x128xf32, #tpu.memory_space<vmem>> -> memref<80x128xf32, #tpu.memory_space<vmem>>
    tpu.wait_dma2 semaphore(%arg12 : memref<!tpu.dma_semaphore, #tpu.memory_space<semaphore_mem>>) src(%dma_wait3A_126 : memref<80x128xf32, #tpu.memory_space<vmem>>) dst(%dma_wait3A_123 : memref<80x128xf32, #tpu.memory_space<vmem_shared>>)
    %dma_wait3A_127 = arith.constant 0 : i32
    %dma_wait3A_128 = arith.constant 0 : i32
    %dma_wait3A_129 = tpu.memref_slice %arg8[%dma_wait3A_127, %dma_wait3A_128] : memref<125x128xf32, #tpu.memory_space<vmem>> -> memref<80x128xf32, #tpu.memory_space<vmem>>
    %dma_wait3A_130 = arith.constant 0 : i32
    %dma_wait3A_131 = tpu.memref_slice %arg14[%mul3A_2, %dma_wait3A_130] : memref<10240x128xf32, #tpu.memory_space<vmem_shared>> -> memref<80x128xf32, #tpu.memory_space<vmem_shared>>
    %dma_wait3A_132 = arith.constant 0 : i32
    %dma_wait3A_133 = tpu.memref_slice %arg14[%mul3A_2, %dma_wait3A_132] : memref<10240x128xf32, #tpu.memory_space<vmem_shared>> -> memref<80x128xf32, #tpu.memory_space<vmem_shared>>
    %dma_wait3A_134 = arith.constant 0 : i32
    %dma_wait3A_135 = arith.constant 0 : i32
    %dma_wait3A_136 = tpu.memref_slice %arg8[%dma_wait3A_134, %dma_wait3A_135] : memref<125x128xf32, #tpu.memory_space<vmem>> -> memref<80x128xf32, #tpu.memory_space<vmem>>
    tpu.wait_dma2 semaphore(%arg12 : memref<!tpu.dma_semaphore, #tpu.memory_space<semaphore_mem>>) src(%dma_wait3A_136 : memref<80x128xf32, #tpu.memory_space<vmem>>) dst(%dma_wait3A_133 : memref<80x128xf32, #tpu.memory_space<vmem_shared>>)
    %dma_wait3A_137 = arith.constant 0 : i32
    %dma_wait3A_138 = arith.constant 0 : i32
    %dma_wait3A_139 = tpu.memref_slice %arg8[%dma_wait3A_137, %dma_wait3A_138] : memref<125x128xf32, #tpu.memory_space<vmem>> -> memref<80x128xf32, #tpu.memory_space<vmem>>
    %dma_wait3A_140 = arith.constant 0 : i32
    %dma_wait3A_141 = tpu.memref_slice %arg14[%mul3A_2, %dma_wait3A_140] : memref<10240x128xf32, #tpu.memory_space<vmem_shared>> -> memref<80x128xf32, #tpu.memory_space<vmem_shared>>
    %dma_wait3A_142 = arith.constant 0 : i32
    %dma_wait3A_143 = tpu.memref_slice %arg14[%mul3A_2, %dma_wait3A_142] : memref<10240x128xf32, #tpu.memory_space<vmem_shared>> -> memref<80x128xf32, #tpu.memory_space<vmem_shared>>
    %dma_wait3A_144 = arith.constant 0 : i32
    %dma_wait3A_145 = arith.constant 0 : i32
    %dma_wait3A_146 = tpu.memref_slice %arg8[%dma_wait3A_144, %dma_wait3A_145] : memref<125x128xf32, #tpu.memory_space<vmem>> -> memref<80x128xf32, #tpu.memory_space<vmem>>
    tpu.wait_dma2 semaphore(%arg12 : memref<!tpu.dma_semaphore, #tpu.memory_space<semaphore_mem>>) src(%dma_wait3A_146 : memref<80x128xf32, #tpu.memory_space<vmem>>) dst(%dma_wait3A_143 : memref<80x128xf32, #tpu.memory_space<vmem_shared>>)
    %dma_wait3A_147 = arith.constant 0 : i32
    %dma_wait3A_148 = arith.constant 0 : i32
    %dma_wait3A_149 = tpu.memref_slice %arg8[%dma_wait3A_147, %dma_wait3A_148] : memref<125x128xf32, #tpu.memory_space<vmem>> -> memref<80x128xf32, #tpu.memory_space<vmem>>
    %dma_wait3A_150 = arith.constant 0 : i32
    %dma_wait3A_151 = tpu.memref_slice %arg14[%mul3A_2, %dma_wait3A_150] : memref<10240x128xf32, #tpu.memory_space<vmem_shared>> -> memref<80x128xf32, #tpu.memory_space<vmem_shared>>
    %dma_wait3A_152 = arith.constant 0 : i32
    %dma_wait3A_153 = tpu.memref_slice %arg14[%mul3A_2, %dma_wait3A_152] : memref<10240x128xf32, #tpu.memory_space<vmem_shared>> -> memref<80x128xf32, #tpu.memory_space<vmem_shared>>
    %dma_wait3A_154 = arith.constant 0 : i32
    %dma_wait3A_155 = arith.constant 0 : i32
    %dma_wait3A_156 = tpu.memref_slice %arg8[%dma_wait3A_154, %dma_wait3A_155] : memref<125x128xf32, #tpu.memory_space<vmem>> -> memref<80x128xf32, #tpu.memory_space<vmem>>
    tpu.wait_dma2 semaphore(%arg12 : memref<!tpu.dma_semaphore, #tpu.memory_space<semaphore_mem>>) src(%dma_wait3A_156 : memref<80x128xf32, #tpu.memory_space<vmem>>) dst(%dma_wait3A_153 : memref<80x128xf32, #tpu.memory_space<vmem_shared>>)
    %dma_wait3A_157 = arith.constant 0 : i32
    %dma_wait3A_158 = arith.constant 0 : i32
    %dma_wait3A_159 = tpu.memref_slice %arg8[%dma_wait3A_157, %dma_wait3A_158] : memref<125x128xf32, #tpu.memory_space<vmem>> -> memref<80x128xf32, #tpu.memory_space<vmem>>
    %dma_wait3A_160 = arith.constant 0 : i32
    %dma_wait3A_161 = tpu.memref_slice %arg14[%mul3A_2, %dma_wait3A_160] : memref<10240x128xf32, #tpu.memory_space<vmem_shared>> -> memref<80x128xf32, #tpu.memory_space<vmem_shared>>
    %dma_wait3A_162 = arith.constant 0 : i32
    %dma_wait3A_163 = tpu.memref_slice %arg14[%mul3A_2, %dma_wait3A_162] : memref<10240x128xf32, #tpu.memory_space<vmem_shared>> -> memref<80x128xf32, #tpu.memory_space<vmem_shared>>
    %dma_wait3A_164 = arith.constant 0 : i32
    %dma_wait3A_165 = arith.constant 0 : i32
    %dma_wait3A_166 = tpu.memref_slice %arg8[%dma_wait3A_164, %dma_wait3A_165] : memref<125x128xf32, #tpu.memory_space<vmem>> -> memref<80x128xf32, #tpu.memory_space<vmem>>
    tpu.wait_dma2 semaphore(%arg12 : memref<!tpu.dma_semaphore, #tpu.memory_space<semaphore_mem>>) src(%dma_wait3A_166 : memref<80x128xf32, #tpu.memory_space<vmem>>) dst(%dma_wait3A_163 : memref<80x128xf32, #tpu.memory_space<vmem_shared>>)
    %dma_wait3A_167 = arith.constant 0 : i32
    %dma_wait3A_168 = arith.constant 0 : i32
    %dma_wait3A_169 = tpu.memref_slice %arg8[%dma_wait3A_167, %dma_wait3A_168] : memref<125x128xf32, #tpu.memory_space<vmem>> -> memref<80x128xf32, #tpu.memory_space<vmem>>
    %dma_wait3A_170 = arith.constant 0 : i32
    %dma_wait3A_171 = tpu.memref_slice %arg14[%mul3A_2, %dma_wait3A_170] : memref<10240x128xf32, #tpu.memory_space<vmem_shared>> -> memref<80x128xf32, #tpu.memory_space<vmem_shared>>
    %dma_wait3A_172 = arith.constant 0 : i32
    %dma_wait3A_173 = tpu.memref_slice %arg14[%mul3A_2, %dma_wait3A_172] : memref<10240x128xf32, #tpu.memory_space<vmem_shared>> -> memref<80x128xf32, #tpu.memory_space<vmem_shared>>
    %dma_wait3A_174 = arith.constant 0 : i32
    %dma_wait3A_175 = arith.constant 0 : i32
    %dma_wait3A_176 = tpu.memref_slice %arg8[%dma_wait3A_174, %dma_wait3A_175] : memref<125x128xf32, #tpu.memory_space<vmem>> -> memref<80x128xf32, #tpu.memory_space<vmem>>
    tpu.wait_dma2 semaphore(%arg12 : memref<!tpu.dma_semaphore, #tpu.memory_space<semaphore_mem>>) src(%dma_wait3A_176 : memref<80x128xf32, #tpu.memory_space<vmem>>) dst(%dma_wait3A_173 : memref<80x128xf32, #tpu.memory_space<vmem_shared>>)
    %barrier3A = arith.constant 0 : index
    tpu.barrier barrier_id(%barrier3A)
    %mul3A_177 = arith.constant 80 : i32
    %mul3A_178 = arith.muli %add3A, %mul3A_177 : i32
    %add3A_179 = arith.constant 0 : i32
    %add3A_180 = arith.addi %mul3A_178, %add3A_179 : i32
    "tpu.region"() ({
      %run_scoped3A = tpu.sem_alloc : memref<!tpu.dma_semaphore, #tpu.memory_space<semaphore_mem>>
      %dma_start3A_514 = arith.constant 0 : i32
      %dma_start3A_515 = tpu.memref_slice %arg3[%add3A_180, %dma_start3A_514] : memref<5120x125xi32, #tpu.memory_space<hbm>> -> memref<40x125xi32, #tpu.memory_space<hbm>>
      %dma_start3A_516 = arith.constant 0 : i32
      %dma_start3A_517 = tpu.memref_slice %arg3[%add3A_180, %dma_start3A_516] : memref<5120x125xi32, #tpu.memory_space<hbm>> -> memref<40x125xi32, #tpu.memory_space<hbm>>
      tpu.enqueue_dma source(%dma_start3A_517 : memref<40x125xi32, #tpu.memory_space<hbm>>) target(%arg6 : memref<40x125xi32, #tpu.memory_space<vmem>>) target_semaphore(%run_scoped3A : memref<!tpu.dma_semaphore, #tpu.memory_space<semaphore_mem>>)
      %dma_wait3A_518 = arith.constant 0 : i32
      %dma_wait3A_519 = tpu.memref_slice %arg3[%add3A_180, %dma_wait3A_518] : memref<5120x125xi32, #tpu.memory_space<hbm>> -> memref<40x125xi32, #tpu.memory_space<hbm>>
      %dma_wait3A_520 = arith.constant 0 : i32
      %dma_wait3A_521 = tpu.memref_slice %arg3[%add3A_180, %dma_wait3A_520] : memref<5120x125xi32, #tpu.memory_space<hbm>> -> memref<40x125xi32, #tpu.memory_space<hbm>>
      tpu.wait_dma2 semaphore(%run_scoped3A : memref<!tpu.dma_semaphore, #tpu.memory_space<semaphore_mem>>) src(%dma_wait3A_521 : memref<40x125xi32, #tpu.memory_space<hbm>>) dst(%arg6 : memref<40x125xi32, #tpu.memory_space<vmem>>)
      tpu.yield
    }) : () -> ()
    %add3A_181 = arith.constant 2560 : i32
    %add3A_182 = arith.addi %add3A_181, %add3A_180 : i32
    "tpu.region"() ({
      %run_scoped3A = tpu.sem_alloc : memref<!tpu.dma_semaphore, #tpu.memory_space<semaphore_mem>>
      %dma_start3A_514 = arith.constant 0 : i32
      %dma_start3A_515 = tpu.memref_slice %arg3[%add3A_182, %dma_start3A_514] : memref<5120x125xi32, #tpu.memory_space<hbm>> -> memref<40x125xi32, #tpu.memory_space<hbm>>
      %dma_start3A_516 = arith.constant 0 : i32
      %dma_start3A_517 = tpu.memref_slice %arg3[%add3A_182, %dma_start3A_516] : memref<5120x125xi32, #tpu.memory_space<hbm>> -> memref<40x125xi32, #tpu.memory_space<hbm>>
      tpu.enqueue_dma source(%dma_start3A_517 : memref<40x125xi32, #tpu.memory_space<hbm>>) target(%arg7 : memref<40x125xi32, #tpu.memory_space<vmem>>) target_semaphore(%run_scoped3A : memref<!tpu.dma_semaphore, #tpu.memory_space<semaphore_mem>>)
      %dma_wait3A_518 = arith.constant 0 : i32
      %dma_wait3A_519 = tpu.memref_slice %arg3[%add3A_182, %dma_wait3A_518] : memref<5120x125xi32, #tpu.memory_space<hbm>> -> memref<40x125xi32, #tpu.memory_space<hbm>>
      %dma_wait3A_520 = arith.constant 0 : i32
      %dma_wait3A_521 = tpu.memref_slice %arg3[%add3A_182, %dma_wait3A_520] : memref<5120x125xi32, #tpu.memory_space<hbm>> -> memref<40x125xi32, #tpu.memory_space<hbm>>
      tpu.wait_dma2 semaphore(%run_scoped3A : memref<!tpu.dma_semaphore, #tpu.memory_space<semaphore_mem>>) src(%dma_wait3A_521 : memref<40x125xi32, #tpu.memory_space<hbm>>) dst(%arg7 : memref<40x125xi32, #tpu.memory_space<vmem>>)
      tpu.yield
    }) : () -> ()
    %dma_start3A_183 = arith.constant 0 : i32
    %dma_start3A_184 = arith.constant 0 : i32
    %dma_start3A_185 = tpu.memref_slice %arg6[%dma_start3A_183, %dma_start3A_184] : memref<40x125xi32, #tpu.memory_space<vmem>> -> memref<1x125xi32, #tpu.memory_space<vmem>>
    %dma_start3A_186 = tpu.memref_squeeze %dma_start3A_185 : memref<1x125xi32, #tpu.memory_space<vmem>> -> memref<125xi32, #tpu.memory_space<vmem>>
    %dma_start3A_187 = arith.constant 0 : i32
    %dma_start3A_188 = arith.constant 0 : i32
    %dma_start3A_189 = tpu.memref_slice %arg2[%dma_start3A_187, %dma_start3A_188] : memref<10240x128xf32, #tpu.memory_space<hbm>> -> memref<10240x128xf32, #tpu.memory_space<hbm>>
    tpu.enqueue_indirect_dma source(%dma_start3A_189 : memref<10240x128xf32, #tpu.memory_space<hbm>>) target(%arg8 : memref<125x128xf32, #tpu.memory_space<vmem>>) offsets(%dma_start3A_186 : memref<125xi32, #tpu.memory_space<vmem>>) semaphore(%arg10 : memref<!tpu.dma_semaphore, #tpu.memory_space<semaphore_mem>>)
    %dma_wait3A_190 = arith.constant 0 : i32
    %dma_wait3A_191 = arith.constant 0 : i32
    %dma_wait3A_192 = tpu.memref_slice %arg6[%dma_wait3A_190, %dma_wait3A_191] : memref<40x125xi32, #tpu.memory_space<vmem>> -> memref<1x125xi32, #tpu.memory_space<vmem>>
    %dma_wait3A_193 = tpu.memref_squeeze %dma_wait3A_192 : memref<1x125xi32, #tpu.memory_space<vmem>> -> memref<125xi32, #tpu.memory_space<vmem>>
    %dma_wait3A_194 = arith.constant 0 : i32
    %dma_wait3A_195 = arith.constant 0 : i32
    %dma_wait3A_196 = tpu.memref_slice %arg2[%dma_wait3A_194, %dma_wait3A_195] : memref<10240x128xf32, #tpu.memory_space<hbm>> -> memref<10240x128xf32, #tpu.memory_space<hbm>>
    tpu.wait_indirect_dma semaphore(%arg10 : memref<!tpu.dma_semaphore, #tpu.memory_space<semaphore_mem>>) src(%dma_wait3A_196 : memref<10240x128xf32, #tpu.memory_space<hbm>>) dst(%arg8 : memref<125x128xf32, #tpu.memory_space<vmem>>)
    %dma_start3A_197 = arith.constant 0 : i32
    %dma_start3A_198 = arith.constant 0 : i32
    %dma_start3A_199 = tpu.memref_slice %arg7[%dma_start3A_197, %dma_start3A_198] : memref<40x125xi32, #tpu.memory_space<vmem>> -> memref<1x125xi32, #tpu.memory_space<vmem>>
    %dma_start3A_200 = tpu.memref_squeeze %dma_start3A_199 : memref<1x125xi32, #tpu.memory_space<vmem>> -> memref<125xi32, #tpu.memory_space<vmem>>
    %dma_start3A_201 = arith.constant 0 : i32
    %dma_start3A_202 = arith.constant 0 : i32
    %dma_start3A_203 = tpu.memref_slice %arg14[%dma_start3A_201, %dma_start3A_202] : memref<10240x128xf32, #tpu.memory_space<vmem_shared>> -> memref<10240x128xf32, #tpu.memory_space<vmem_shared>>
    tpu.enqueue_indirect_dma source(%arg8 : memref<125x128xf32, #tpu.memory_space<vmem>>) target(%dma_start3A_203 : memref<10240x128xf32, #tpu.memory_space<vmem_shared>>) offsets(%dma_start3A_200 : memref<125xi32, #tpu.memory_space<vmem>>) semaphore(%arg12 : memref<!tpu.dma_semaphore, #tpu.memory_space<semaphore_mem>>) {add = true}
    %dma_start3A_204 = arith.constant 1 : i32
    %dma_start3A_205 = arith.constant 0 : i32
    %dma_start3A_206 = tpu.memref_slice %arg6[%dma_start3A_204, %dma_start3A_205] : memref<40x125xi32, #tpu.memory_space<vmem>> -> memref<1x125xi32, #tpu.memory_space<vmem>>
    %dma_start3A_207 = tpu.memref_squeeze %dma_start3A_206 : memref<1x125xi32, #tpu.memory_space<vmem>> -> memref<125xi32, #tpu.memory_space<vmem>>
    %dma_start3A_208 = arith.constant 0 : i32
    %dma_start3A_209 = arith.constant 0 : i32
    %dma_start3A_210 = tpu.memref_slice %arg2[%dma_start3A_208, %dma_start3A_209] : memref<10240x128xf32, #tpu.memory_space<hbm>> -> memref<10240x128xf32, #tpu.memory_space<hbm>>
    tpu.enqueue_indirect_dma source(%dma_start3A_210 : memref<10240x128xf32, #tpu.memory_space<hbm>>) target(%arg9 : memref<125x128xf32, #tpu.memory_space<vmem>>) offsets(%dma_start3A_207 : memref<125xi32, #tpu.memory_space<vmem>>) semaphore(%arg11 : memref<!tpu.dma_semaphore, #tpu.memory_space<semaphore_mem>>)
    %dma_wait3A_211 = arith.constant 0 : i32
    %dma_wait3A_212 = arith.constant 0 : i32
    %dma_wait3A_213 = tpu.memref_slice %arg6[%dma_wait3A_211, %dma_wait3A_212] : memref<40x125xi32, #tpu.memory_space<vmem>> -> memref<1x125xi32, #tpu.memory_space<vmem>>
    %dma_wait3A_214 = tpu.memref_squeeze %dma_wait3A_213 : memref<1x125xi32, #tpu.memory_space<vmem>> -> memref<125xi32, #tpu.memory_space<vmem>>
    %dma_wait3A_215 = arith.constant 0 : i32
    %dma_wait3A_216 = arith.constant 0 : i32
    %dma_wait3A_217 = tpu.memref_slice %arg2[%dma_wait3A_215, %dma_wait3A_216] : memref<10240x128xf32, #tpu.memory_space<hbm>> -> memref<10240x128xf32, #tpu.memory_space<hbm>>
    tpu.wait_indirect_dma semaphore(%arg11 : memref<!tpu.dma_semaphore, #tpu.memory_space<semaphore_mem>>) src(%dma_wait3A_217 : memref<10240x128xf32, #tpu.memory_space<hbm>>) dst(%arg9 : memref<125x128xf32, #tpu.memory_space<vmem>>)
    %dma_start3A_218 = arith.constant 1 : i32
    %dma_start3A_219 = arith.constant 0 : i32
    %dma_start3A_220 = tpu.memref_slice %arg7[%dma_start3A_218, %dma_start3A_219] : memref<40x125xi32, #tpu.memory_space<vmem>> -> memref<1x125xi32, #tpu.memory_space<vmem>>
    %dma_start3A_221 = tpu.memref_squeeze %dma_start3A_220 : memref<1x125xi32, #tpu.memory_space<vmem>> -> memref<125xi32, #tpu.memory_space<vmem>>
    %dma_start3A_222 = arith.constant 0 : i32
    %dma_start3A_223 = arith.constant 0 : i32
    %dma_start3A_224 = tpu.memref_slice %arg14[%dma_start3A_222, %dma_start3A_223] : memref<10240x128xf32, #tpu.memory_space<vmem_shared>> -> memref<10240x128xf32, #tpu.memory_space<vmem_shared>>
    tpu.enqueue_indirect_dma source(%arg9 : memref<125x128xf32, #tpu.memory_space<vmem>>) target(%dma_start3A_224 : memref<10240x128xf32, #tpu.memory_space<vmem_shared>>) offsets(%dma_start3A_221 : memref<125xi32, #tpu.memory_space<vmem>>) semaphore(%arg13 : memref<!tpu.dma_semaphore, #tpu.memory_space<semaphore_mem>>) {add = true}
    %dma_wait3A_225 = arith.constant 0 : i32
    %dma_wait3A_226 = arith.constant 0 : i32
    %dma_wait3A_227 = tpu.memref_slice %arg7[%dma_wait3A_225, %dma_wait3A_226] : memref<40x125xi32, #tpu.memory_space<vmem>> -> memref<1x125xi32, #tpu.memory_space<vmem>>
    %dma_wait3A_228 = tpu.memref_squeeze %dma_wait3A_227 : memref<1x125xi32, #tpu.memory_space<vmem>> -> memref<125xi32, #tpu.memory_space<vmem>>
    %dma_wait3A_229 = arith.constant 0 : i32
    %dma_wait3A_230 = arith.constant 0 : i32
    %dma_wait3A_231 = tpu.memref_slice %arg14[%dma_wait3A_229, %dma_wait3A_230] : memref<10240x128xf32, #tpu.memory_space<vmem_shared>> -> memref<10240x128xf32, #tpu.memory_space<vmem_shared>>
    tpu.wait_indirect_dma semaphore(%arg12 : memref<!tpu.dma_semaphore, #tpu.memory_space<semaphore_mem>>) src(%arg8 : memref<125x128xf32, #tpu.memory_space<vmem>>) dst(%dma_wait3A_231 : memref<10240x128xf32, #tpu.memory_space<vmem_shared>>)
    %dma_start3A_232 = arith.constant 2 : i32
    %dma_start3A_233 = arith.constant 0 : i32
    %dma_start3A_234 = tpu.memref_slice %arg6[%dma_start3A_232, %dma_start3A_233] : memref<40x125xi32, #tpu.memory_space<vmem>> -> memref<1x125xi32, #tpu.memory_space<vmem>>
    %dma_start3A_235 = tpu.memref_squeeze %dma_start3A_234 : memref<1x125xi32, #tpu.memory_space<vmem>> -> memref<125xi32, #tpu.memory_space<vmem>>
    %dma_start3A_236 = arith.constant 0 : i32
    %dma_start3A_237 = arith.constant 0 : i32
    %dma_start3A_238 = tpu.memref_slice %arg2[%dma_start3A_236, %dma_start3A_237] : memref<10240x128xf32, #tpu.memory_space<hbm>> -> memref<10240x128xf32, #tpu.memory_space<hbm>>
    tpu.enqueue_indirect_dma source(%dma_start3A_238 : memref<10240x128xf32, #tpu.memory_space<hbm>>) target(%arg8 : memref<125x128xf32, #tpu.memory_space<vmem>>) offsets(%dma_start3A_235 : memref<125xi32, #tpu.memory_space<vmem>>) semaphore(%arg10 : memref<!tpu.dma_semaphore, #tpu.memory_space<semaphore_mem>>)
    %scan3A = arith.constant 0 : i32
    %scan3A_239 = arith.constant 1 : i32
    %scan3A_240 = arith.constant 19 : i32
    %scan3A_241 = arith.addi %scan3A_239, %scan3A_240 : i32
    %scan3A_242 = arith.constant 1 : i32
    scf.for %scan3A_514 = %scan3A_239 to %scan3A_241 step %scan3A_242  : i32 {
      %mul3A_515 = arith.constant 2 : i32
      %mul3A_516 = arith.muli %mul3A_515, %scan3A_514 : i32
      %dma_wait3A_517 = arith.constant 0 : i32
      %dma_wait3A_518 = arith.constant 0 : i32
      %dma_wait3A_519 = tpu.memref_slice %arg6[%dma_wait3A_517, %dma_wait3A_518] : memref<40x125xi32, #tpu.memory_space<vmem>> -> memref<1x125xi32, #tpu.memory_space<vmem>>
      %dma_wait3A_520 = tpu.memref_squeeze %dma_wait3A_519 : memref<1x125xi32, #tpu.memory_space<vmem>> -> memref<125xi32, #tpu.memory_space<vmem>>
      %dma_wait3A_521 = arith.constant 0 : i32
      %dma_wait3A_522 = arith.constant 0 : i32
      %dma_wait3A_523 = tpu.memref_slice %arg2[%dma_wait3A_521, %dma_wait3A_522] : memref<10240x128xf32, #tpu.memory_space<hbm>> -> memref<10240x128xf32, #tpu.memory_space<hbm>>
      tpu.wait_indirect_dma semaphore(%arg10 : memref<!tpu.dma_semaphore, #tpu.memory_space<semaphore_mem>>) src(%dma_wait3A_523 : memref<10240x128xf32, #tpu.memory_space<hbm>>) dst(%arg8 : memref<125x128xf32, #tpu.memory_space<vmem>>)
      %dma_start3A_524 = arith.constant 0 : i32
      %dma_start3A_525 = tpu.memref_slice %arg7[%mul3A_516, %dma_start3A_524] : memref<40x125xi32, #tpu.memory_space<vmem>> -> memref<1x125xi32, #tpu.memory_space<vmem>>
      %dma_start3A_526 = tpu.memref_squeeze %dma_start3A_525 : memref<1x125xi32, #tpu.memory_space<vmem>> -> memref<125xi32, #tpu.memory_space<vmem>>
      %dma_start3A_527 = arith.constant 0 : i32
      %dma_start3A_528 = arith.constant 0 : i32
      %dma_start3A_529 = tpu.memref_slice %arg14[%dma_start3A_527, %dma_start3A_528] : memref<10240x128xf32, #tpu.memory_space<vmem_shared>> -> memref<10240x128xf32, #tpu.memory_space<vmem_shared>>
      tpu.enqueue_indirect_dma source(%arg8 : memref<125x128xf32, #tpu.memory_space<vmem>>) target(%dma_start3A_529 : memref<10240x128xf32, #tpu.memory_space<vmem_shared>>) offsets(%dma_start3A_526 : memref<125xi32, #tpu.memory_space<vmem>>) semaphore(%arg12 : memref<!tpu.dma_semaphore, #tpu.memory_space<semaphore_mem>>) {add = true}
      %dma_wait3A_530 = arith.constant 0 : i32
      %dma_wait3A_531 = arith.constant 0 : i32
      %dma_wait3A_532 = tpu.memref_slice %arg7[%dma_wait3A_530, %dma_wait3A_531] : memref<40x125xi32, #tpu.memory_space<vmem>> -> memref<1x125xi32, #tpu.memory_space<vmem>>
      %dma_wait3A_533 = tpu.memref_squeeze %dma_wait3A_532 : memref<1x125xi32, #tpu.memory_space<vmem>> -> memref<125xi32, #tpu.memory_space<vmem>>
      %dma_wait3A_534 = arith.constant 0 : i32
      %dma_wait3A_535 = arith.constant 0 : i32
      %dma_wait3A_536 = tpu.memref_slice %arg14[%dma_wait3A_534, %dma_wait3A_535] : memref<10240x128xf32, #tpu.memory_space<vmem_shared>> -> memref<10240x128xf32, #tpu.memory_space<vmem_shared>>
      tpu.wait_indirect_dma semaphore(%arg13 : memref<!tpu.dma_semaphore, #tpu.memory_space<semaphore_mem>>) src(%arg9 : memref<125x128xf32, #tpu.memory_space<vmem>>) dst(%dma_wait3A_536 : memref<10240x128xf32, #tpu.memory_space<vmem_shared>>)
      %add3A_537 = arith.constant 1 : i32
      %add3A_538 = arith.addi %mul3A_516, %add3A_537 : i32
      %dma_start3A_539 = arith.constant 0 : i32
      %dma_start3A_540 = tpu.memref_slice %arg6[%add3A_538, %dma_start3A_539] : memref<40x125xi32, #tpu.memory_space<vmem>> -> memref<1x125xi32, #tpu.memory_space<vmem>>
      %dma_start3A_541 = tpu.memref_squeeze %dma_start3A_540 : memref<1x125xi32, #tpu.memory_space<vmem>> -> memref<125xi32, #tpu.memory_space<vmem>>
      %dma_start3A_542 = arith.constant 0 : i32
      %dma_start3A_543 = arith.constant 0 : i32
      %dma_start3A_544 = tpu.memref_slice %arg2[%dma_start3A_542, %dma_start3A_543] : memref<10240x128xf32, #tpu.memory_space<hbm>> -> memref<10240x128xf32, #tpu.memory_space<hbm>>
      tpu.enqueue_indirect_dma source(%dma_start3A_544 : memref<10240x128xf32, #tpu.memory_space<hbm>>) target(%arg9 : memref<125x128xf32, #tpu.memory_space<vmem>>) offsets(%dma_start3A_541 : memref<125xi32, #tpu.memory_space<vmem>>) semaphore(%arg11 : memref<!tpu.dma_semaphore, #tpu.memory_space<semaphore_mem>>)
      %dma_wait3A_545 = arith.constant 0 : i32
      %dma_wait3A_546 = arith.constant 0 : i32
      %dma_wait3A_547 = tpu.memref_slice %arg6[%dma_wait3A_545, %dma_wait3A_546] : memref<40x125xi32, #tpu.memory_space<vmem>> -> memref<1x125xi32, #tpu.memory_space<vmem>>
      %dma_wait3A_548 = tpu.memref_squeeze %dma_wait3A_547 : memref<1x125xi32, #tpu.memory_space<vmem>> -> memref<125xi32, #tpu.memory_space<vmem>>
      %dma_wait3A_549 = arith.constant 0 : i32
      %dma_wait3A_550 = arith.constant 0 : i32
      %dma_wait3A_551 = tpu.memref_slice %arg2[%dma_wait3A_549, %dma_wait3A_550] : memref<10240x128xf32, #tpu.memory_space<hbm>> -> memref<10240x128xf32, #tpu.memory_space<hbm>>
      tpu.wait_indirect_dma semaphore(%arg11 : memref<!tpu.dma_semaphore, #tpu.memory_space<semaphore_mem>>) src(%dma_wait3A_551 : memref<10240x128xf32, #tpu.memory_space<hbm>>) dst(%arg9 : memref<125x128xf32, #tpu.memory_space<vmem>>)
      %add3A_552 = arith.constant 1 : i32
      %add3A_553 = arith.addi %mul3A_516, %add3A_552 : i32
      %dma_start3A_554 = arith.constant 0 : i32
      %dma_start3A_555 = tpu.memref_slice %arg7[%add3A_553, %dma_start3A_554] : memref<40x125xi32, #tpu.memory_space<vmem>> -> memref<1x125xi32, #tpu.memory_space<vmem>>
      %dma_start3A_556 = tpu.memref_squeeze %dma_start3A_555 : memref<1x125xi32, #tpu.memory_space<vmem>> -> memref<125xi32, #tpu.memory_space<vmem>>
      %dma_start3A_557 = arith.constant 0 : i32
      %dma_start3A_558 = arith.constant 0 : i32
      %dma_start3A_559 = tpu.memref_slice %arg14[%dma_start3A_557, %dma_start3A_558] : memref<10240x128xf32, #tpu.memory_space<vmem_shared>> -> memref<10240x128xf32, #tpu.memory_space<vmem_shared>>
      tpu.enqueue_indirect_dma source(%arg9 : memref<125x128xf32, #tpu.memory_space<vmem>>) target(%dma_start3A_559 : memref<10240x128xf32, #tpu.memory_space<vmem_shared>>) offsets(%dma_start3A_556 : memref<125xi32, #tpu.memory_space<vmem>>) semaphore(%arg13 : memref<!tpu.dma_semaphore, #tpu.memory_space<semaphore_mem>>) {add = true}
      %dma_wait3A_560 = arith.constant 0 : i32
      %dma_wait3A_561 = arith.constant 0 : i32
      %dma_wait3A_562 = tpu.memref_slice %arg7[%dma_wait3A_560, %dma_wait3A_561] : memref<40x125xi32, #tpu.memory_space<vmem>> -> memref<1x125xi32, #tpu.memory_space<vmem>>
      %dma_wait3A_563 = tpu.memref_squeeze %dma_wait3A_562 : memref<1x125xi32, #tpu.memory_space<vmem>> -> memref<125xi32, #tpu.memory_space<vmem>>
      %dma_wait3A_564 = arith.constant 0 : i32
      %dma_wait3A_565 = arith.constant 0 : i32
      %dma_wait3A_566 = tpu.memref_slice %arg14[%dma_wait3A_564, %dma_wait3A_565] : memref<10240x128xf32, #tpu.memory_space<vmem_shared>> -> memref<10240x128xf32, #tpu.memory_space<vmem_shared>>
      tpu.wait_indirect_dma semaphore(%arg12 : memref<!tpu.dma_semaphore, #tpu.memory_space<semaphore_mem>>) src(%arg8 : memref<125x128xf32, #tpu.memory_space<vmem>>) dst(%dma_wait3A_566 : memref<10240x128xf32, #tpu.memory_space<vmem_shared>>)
      %add3A_567 = arith.constant 2 : i32
      %add3A_568 = arith.addi %mul3A_516, %add3A_567 : i32
      %min3A = arith.constant 39 : i32
      %min3A_569 = arith.minsi %add3A_568, %min3A : i32
      %dma_start3A_570 = arith.constant 0 : i32
      %dma_start3A_571 = tpu.memref_slice %arg6[%min3A_569, %dma_start3A_570] : memref<40x125xi32, #tpu.memory_space<vmem>> -> memref<1x125xi32, #tpu.memory_space<vmem>>
      %dma_start3A_572 = tpu.memref_squeeze %dma_start3A_571 : memref<1x125xi32, #tpu.memory_space<vmem>> -> memref<125xi32, #tpu.memory_space<vmem>>
      %dma_start3A_573 = arith.constant 0 : i32
      %dma_start3A_574 = arith.constant 0 : i32
      %dma_start3A_575 = tpu.memref_slice %arg2[%dma_start3A_573, %dma_start3A_574] : memref<10240x128xf32, #tpu.memory_space<hbm>> -> memref<10240x128xf32, #tpu.memory_space<hbm>>
      tpu.enqueue_indirect_dma source(%dma_start3A_575 : memref<10240x128xf32, #tpu.memory_space<hbm>>) target(%arg8 : memref<125x128xf32, #tpu.memory_space<vmem>>) offsets(%dma_start3A_572 : memref<125xi32, #tpu.memory_space<vmem>>) semaphore(%arg10 : memref<!tpu.dma_semaphore, #tpu.memory_space<semaphore_mem>>)
    }
    %scan3A_243 = arith.constant 19 : i32
    %dma_wait3A_244 = arith.constant 0 : i32
    %dma_wait3A_245 = arith.constant 0 : i32
    %dma_wait3A_246 = tpu.memref_slice %arg7[%dma_wait3A_244, %dma_wait3A_245] : memref<40x125xi32, #tpu.memory_space<vmem>> -> memref<1x125xi32, #tpu.memory_space<vmem>>
    %dma_wait3A_247 = tpu.memref_squeeze %dma_wait3A_246 : memref<1x125xi32, #tpu.memory_space<vmem>> -> memref<125xi32, #tpu.memory_space<vmem>>
    %dma_wait3A_248 = arith.constant 0 : i32
    %dma_wait3A_249 = arith.constant 0 : i32
    %dma_wait3A_250 = tpu.memref_slice %arg14[%dma_wait3A_248, %dma_wait3A_249] : memref<10240x128xf32, #tpu.memory_space<vmem_shared>> -> memref<10240x128xf32, #tpu.memory_space<vmem_shared>>
    tpu.wait_indirect_dma semaphore(%arg13 : memref<!tpu.dma_semaphore, #tpu.memory_space<semaphore_mem>>) src(%arg9 : memref<125x128xf32, #tpu.memory_space<vmem>>) dst(%dma_wait3A_250 : memref<10240x128xf32, #tpu.memory_space<vmem_shared>>)
    %dma_wait3A_251 = arith.constant 0 : i32
    %dma_wait3A_252 = arith.constant 0 : i32
    %dma_wait3A_253 = tpu.memref_slice %arg6[%dma_wait3A_251, %dma_wait3A_252] : memref<40x125xi32, #tpu.memory_space<vmem>> -> memref<1x125xi32, #tpu.memory_space<vmem>>
    %dma_wait3A_254 = tpu.memref_squeeze %dma_wait3A_253 : memref<1x125xi32, #tpu.memory_space<vmem>> -> memref<125xi32, #tpu.memory_space<vmem>>
    %dma_wait3A_255 = arith.constant 0 : i32
    %dma_wait3A_256 = arith.constant 0 : i32
    %dma_wait3A_257 = tpu.memref_slice %arg2[%dma_wait3A_255, %dma_wait3A_256] : memref<10240x128xf32, #tpu.memory_space<hbm>> -> memref<10240x128xf32, #tpu.memory_space<hbm>>
    tpu.wait_indirect_dma semaphore(%arg10 : memref<!tpu.dma_semaphore, #tpu.memory_space<semaphore_mem>>) src(%dma_wait3A_257 : memref<10240x128xf32, #tpu.memory_space<hbm>>) dst(%arg8 : memref<125x128xf32, #tpu.memory_space<vmem>>)
    %mul3A_258 = arith.constant 80 : i32
    %mul3A_259 = arith.muli %add3A, %mul3A_258 : i32
    %add3A_260 = arith.constant 40 : i32
    %add3A_261 = arith.addi %mul3A_259, %add3A_260 : i32
    "tpu.region"() ({
      %run_scoped3A = tpu.sem_alloc : memref<!tpu.dma_semaphore, #tpu.memory_space<semaphore_mem>>
      %dma_start3A_514 = arith.constant 0 : i32
      %dma_start3A_515 = tpu.memref_slice %arg3[%add3A_261, %dma_start3A_514] : memref<5120x125xi32, #tpu.memory_space<hbm>> -> memref<40x125xi32, #tpu.memory_space<hbm>>
      %dma_start3A_516 = arith.constant 0 : i32
      %dma_start3A_517 = tpu.memref_slice %arg3[%add3A_261, %dma_start3A_516] : memref<5120x125xi32, #tpu.memory_space<hbm>> -> memref<40x125xi32, #tpu.memory_space<hbm>>
      tpu.enqueue_dma source(%dma_start3A_517 : memref<40x125xi32, #tpu.memory_space<hbm>>) target(%arg6 : memref<40x125xi32, #tpu.memory_space<vmem>>) target_semaphore(%run_scoped3A : memref<!tpu.dma_semaphore, #tpu.memory_space<semaphore_mem>>)
      %dma_wait3A_518 = arith.constant 0 : i32
      %dma_wait3A_519 = tpu.memref_slice %arg3[%add3A_261, %dma_wait3A_518] : memref<5120x125xi32, #tpu.memory_space<hbm>> -> memref<40x125xi32, #tpu.memory_space<hbm>>
      %dma_wait3A_520 = arith.constant 0 : i32
      %dma_wait3A_521 = tpu.memref_slice %arg3[%add3A_261, %dma_wait3A_520] : memref<5120x125xi32, #tpu.memory_space<hbm>> -> memref<40x125xi32, #tpu.memory_space<hbm>>
      tpu.wait_dma2 semaphore(%run_scoped3A : memref<!tpu.dma_semaphore, #tpu.memory_space<semaphore_mem>>) src(%dma_wait3A_521 : memref<40x125xi32, #tpu.memory_space<hbm>>) dst(%arg6 : memref<40x125xi32, #tpu.memory_space<vmem>>)
      tpu.yield
    }) : () -> ()
    %add3A_262 = arith.constant 2560 : i32
    %add3A_263 = arith.addi %add3A_262, %add3A_261 : i32
    "tpu.region"() ({
      %run_scoped3A = tpu.sem_alloc : memref<!tpu.dma_semaphore, #tpu.memory_space<semaphore_mem>>
      %dma_start3A_514 = arith.constant 0 : i32
      %dma_start3A_515 = tpu.memref_slice %arg3[%add3A_263, %dma_start3A_514] : memref<5120x125xi32, #tpu.memory_space<hbm>> -> memref<40x125xi32, #tpu.memory_space<hbm>>
      %dma_start3A_516 = arith.constant 0 : i32
      %dma_start3A_517 = tpu.memref_slice %arg3[%add3A_263, %dma_start3A_516] : memref<5120x125xi32, #tpu.memory_space<hbm>> -> memref<40x125xi32, #tpu.memory_space<hbm>>
      tpu.enqueue_dma source(%dma_start3A_517 : memref<40x125xi32, #tpu.memory_space<hbm>>) target(%arg7 : memref<40x125xi32, #tpu.memory_space<vmem>>) target_semaphore(%run_scoped3A : memref<!tpu.dma_semaphore, #tpu.memory_space<semaphore_mem>>)
      %dma_wait3A_518 = arith.constant 0 : i32
      %dma_wait3A_519 = tpu.memref_slice %arg3[%add3A_263, %dma_wait3A_518] : memref<5120x125xi32, #tpu.memory_space<hbm>> -> memref<40x125xi32, #tpu.memory_space<hbm>>
      %dma_wait3A_520 = arith.constant 0 : i32
      %dma_wait3A_521 = tpu.memref_slice %arg3[%add3A_263, %dma_wait3A_520] : memref<5120x125xi32, #tpu.memory_space<hbm>> -> memref<40x125xi32, #tpu.memory_space<hbm>>
      tpu.wait_dma2 semaphore(%run_scoped3A : memref<!tpu.dma_semaphore, #tpu.memory_space<semaphore_mem>>) src(%dma_wait3A_521 : memref<40x125xi32, #tpu.memory_space<hbm>>) dst(%arg7 : memref<40x125xi32, #tpu.memory_space<vmem>>)
      tpu.yield
    }) : () -> ()
    %dma_start3A_264 = arith.constant 0 : i32
    %dma_start3A_265 = arith.constant 0 : i32
    %dma_start3A_266 = tpu.memref_slice %arg6[%dma_start3A_264, %dma_start3A_265] : memref<40x125xi32, #tpu.memory_space<vmem>> -> memref<1x125xi32, #tpu.memory_space<vmem>>
    %dma_start3A_267 = tpu.memref_squeeze %dma_start3A_266 : memref<1x125xi32, #tpu.memory_space<vmem>> -> memref<125xi32, #tpu.memory_space<vmem>>
    %dma_start3A_268 = arith.constant 0 : i32
    %dma_start3A_269 = arith.constant 0 : i32
    %dma_start3A_270 = tpu.memref_slice %arg2[%dma_start3A_268, %dma_start3A_269] : memref<10240x128xf32, #tpu.memory_space<hbm>> -> memref<10240x128xf32, #tpu.memory_space<hbm>>
    tpu.enqueue_indirect_dma source(%dma_start3A_270 : memref<10240x128xf32, #tpu.memory_space<hbm>>) target(%arg8 : memref<125x128xf32, #tpu.memory_space<vmem>>) offsets(%dma_start3A_267 : memref<125xi32, #tpu.memory_space<vmem>>) semaphore(%arg10 : memref<!tpu.dma_semaphore, #tpu.memory_space<semaphore_mem>>)
    %dma_wait3A_271 = arith.constant 0 : i32
    %dma_wait3A_272 = arith.constant 0 : i32
    %dma_wait3A_273 = tpu.memref_slice %arg6[%dma_wait3A_271, %dma_wait3A_272] : memref<40x125xi32, #tpu.memory_space<vmem>> -> memref<1x125xi32, #tpu.memory_space<vmem>>
    %dma_wait3A_274 = tpu.memref_squeeze %dma_wait3A_273 : memref<1x125xi32, #tpu.memory_space<vmem>> -> memref<125xi32, #tpu.memory_space<vmem>>
    %dma_wait3A_275 = arith.constant 0 : i32
    %dma_wait3A_276 = arith.constant 0 : i32
    %dma_wait3A_277 = tpu.memref_slice %arg2[%dma_wait3A_275, %dma_wait3A_276] : memref<10240x128xf32, #tpu.memory_space<hbm>> -> memref<10240x128xf32, #tpu.memory_space<hbm>>
    tpu.wait_indirect_dma semaphore(%arg10 : memref<!tpu.dma_semaphore, #tpu.memory_space<semaphore_mem>>) src(%dma_wait3A_277 : memref<10240x128xf32, #tpu.memory_space<hbm>>) dst(%arg8 : memref<125x128xf32, #tpu.memory_space<vmem>>)
    %dma_start3A_278 = arith.constant 0 : i32
    %dma_start3A_279 = arith.constant 0 : i32
    %dma_start3A_280 = tpu.memref_slice %arg7[%dma_start3A_278, %dma_start3A_279] : memref<40x125xi32, #tpu.memory_space<vmem>> -> memref<1x125xi32, #tpu.memory_space<vmem>>
    %dma_start3A_281 = tpu.memref_squeeze %dma_start3A_280 : memref<1x125xi32, #tpu.memory_space<vmem>> -> memref<125xi32, #tpu.memory_space<vmem>>
    %dma_start3A_282 = arith.constant 0 : i32
    %dma_start3A_283 = arith.constant 0 : i32
    %dma_start3A_284 = tpu.memref_slice %arg14[%dma_start3A_282, %dma_start3A_283] : memref<10240x128xf32, #tpu.memory_space<vmem_shared>> -> memref<10240x128xf32, #tpu.memory_space<vmem_shared>>
    tpu.enqueue_indirect_dma source(%arg8 : memref<125x128xf32, #tpu.memory_space<vmem>>) target(%dma_start3A_284 : memref<10240x128xf32, #tpu.memory_space<vmem_shared>>) offsets(%dma_start3A_281 : memref<125xi32, #tpu.memory_space<vmem>>) semaphore(%arg12 : memref<!tpu.dma_semaphore, #tpu.memory_space<semaphore_mem>>) {add = true}
    %dma_start3A_285 = arith.constant 1 : i32
    %dma_start3A_286 = arith.constant 0 : i32
    %dma_start3A_287 = tpu.memref_slice %arg6[%dma_start3A_285, %dma_start3A_286] : memref<40x125xi32, #tpu.memory_space<vmem>> -> memref<1x125xi32, #tpu.memory_space<vmem>>
    %dma_start3A_288 = tpu.memref_squeeze %dma_start3A_287 : memref<1x125xi32, #tpu.memory_space<vmem>> -> memref<125xi32, #tpu.memory_space<vmem>>
    %dma_start3A_289 = arith.constant 0 : i32
    %dma_start3A_290 = arith.constant 0 : i32
    %dma_start3A_291 = tpu.memref_slice %arg2[%dma_start3A_289, %dma_start3A_290] : memref<10240x128xf32, #tpu.memory_space<hbm>> -> memref<10240x128xf32, #tpu.memory_space<hbm>>
    tpu.enqueue_indirect_dma source(%dma_start3A_291 : memref<10240x128xf32, #tpu.memory_space<hbm>>) target(%arg9 : memref<125x128xf32, #tpu.memory_space<vmem>>) offsets(%dma_start3A_288 : memref<125xi32, #tpu.memory_space<vmem>>) semaphore(%arg11 : memref<!tpu.dma_semaphore, #tpu.memory_space<semaphore_mem>>)
    %dma_wait3A_292 = arith.constant 0 : i32
    %dma_wait3A_293 = arith.constant 0 : i32
    %dma_wait3A_294 = tpu.memref_slice %arg6[%dma_wait3A_292, %dma_wait3A_293] : memref<40x125xi32, #tpu.memory_space<vmem>> -> memref<1x125xi32, #tpu.memory_space<vmem>>
    %dma_wait3A_295 = tpu.memref_squeeze %dma_wait3A_294 : memref<1x125xi32, #tpu.memory_space<vmem>> -> memref<125xi32, #tpu.memory_space<vmem>>
    %dma_wait3A_296 = arith.constant 0 : i32
    %dma_wait3A_297 = arith.constant 0 : i32
    %dma_wait3A_298 = tpu.memref_slice %arg2[%dma_wait3A_296, %dma_wait3A_297] : memref<10240x128xf32, #tpu.memory_space<hbm>> -> memref<10240x128xf32, #tpu.memory_space<hbm>>
    tpu.wait_indirect_dma semaphore(%arg11 : memref<!tpu.dma_semaphore, #tpu.memory_space<semaphore_mem>>) src(%dma_wait3A_298 : memref<10240x128xf32, #tpu.memory_space<hbm>>) dst(%arg9 : memref<125x128xf32, #tpu.memory_space<vmem>>)
    %dma_start3A_299 = arith.constant 1 : i32
    %dma_start3A_300 = arith.constant 0 : i32
    %dma_start3A_301 = tpu.memref_slice %arg7[%dma_start3A_299, %dma_start3A_300] : memref<40x125xi32, #tpu.memory_space<vmem>> -> memref<1x125xi32, #tpu.memory_space<vmem>>
    %dma_start3A_302 = tpu.memref_squeeze %dma_start3A_301 : memref<1x125xi32, #tpu.memory_space<vmem>> -> memref<125xi32, #tpu.memory_space<vmem>>
    %dma_start3A_303 = arith.constant 0 : i32
    %dma_start3A_304 = arith.constant 0 : i32
    %dma_start3A_305 = tpu.memref_slice %arg14[%dma_start3A_303, %dma_start3A_304] : memref<10240x128xf32, #tpu.memory_space<vmem_shared>> -> memref<10240x128xf32, #tpu.memory_space<vmem_shared>>
    tpu.enqueue_indirect_dma source(%arg9 : memref<125x128xf32, #tpu.memory_space<vmem>>) target(%dma_start3A_305 : memref<10240x128xf32, #tpu.memory_space<vmem_shared>>) offsets(%dma_start3A_302 : memref<125xi32, #tpu.memory_space<vmem>>) semaphore(%arg13 : memref<!tpu.dma_semaphore, #tpu.memory_space<semaphore_mem>>) {add = true}
    %dma_wait3A_306 = arith.constant 0 : i32
    %dma_wait3A_307 = arith.constant 0 : i32
    %dma_wait3A_308 = tpu.memref_slice %arg7[%dma_wait3A_306, %dma_wait3A_307] : memref<40x125xi32, #tpu.memory_space<vmem>> -> memref<1x125xi32, #tpu.memory_space<vmem>>
    %dma_wait3A_309 = tpu.memref_squeeze %dma_wait3A_308 : memref<1x125xi32, #tpu.memory_space<vmem>> -> memref<125xi32, #tpu.memory_space<vmem>>
    %dma_wait3A_310 = arith.constant 0 : i32
    %dma_wait3A_311 = arith.constant 0 : i32
    %dma_wait3A_312 = tpu.memref_slice %arg14[%dma_wait3A_310, %dma_wait3A_311] : memref<10240x128xf32, #tpu.memory_space<vmem_shared>> -> memref<10240x128xf32, #tpu.memory_space<vmem_shared>>
    tpu.wait_indirect_dma semaphore(%arg12 : memref<!tpu.dma_semaphore, #tpu.memory_space<semaphore_mem>>) src(%arg8 : memref<125x128xf32, #tpu.memory_space<vmem>>) dst(%dma_wait3A_312 : memref<10240x128xf32, #tpu.memory_space<vmem_shared>>)
    %dma_start3A_313 = arith.constant 2 : i32
    %dma_start3A_314 = arith.constant 0 : i32
    %dma_start3A_315 = tpu.memref_slice %arg6[%dma_start3A_313, %dma_start3A_314] : memref<40x125xi32, #tpu.memory_space<vmem>> -> memref<1x125xi32, #tpu.memory_space<vmem>>
    %dma_start3A_316 = tpu.memref_squeeze %dma_start3A_315 : memref<1x125xi32, #tpu.memory_space<vmem>> -> memref<125xi32, #tpu.memory_space<vmem>>
    %dma_start3A_317 = arith.constant 0 : i32
    %dma_start3A_318 = arith.constant 0 : i32
    %dma_start3A_319 = tpu.memref_slice %arg2[%dma_start3A_317, %dma_start3A_318] : memref<10240x128xf32, #tpu.memory_space<hbm>> -> memref<10240x128xf32, #tpu.memory_space<hbm>>
    tpu.enqueue_indirect_dma source(%dma_start3A_319 : memref<10240x128xf32, #tpu.memory_space<hbm>>) target(%arg8 : memref<125x128xf32, #tpu.memory_space<vmem>>) offsets(%dma_start3A_316 : memref<125xi32, #tpu.memory_space<vmem>>) semaphore(%arg10 : memref<!tpu.dma_semaphore, #tpu.memory_space<semaphore_mem>>)
    %scan3A_320 = arith.constant 0 : i32
    %scan3A_321 = arith.constant 1 : i32
    %scan3A_322 = arith.constant 19 : i32
    %scan3A_323 = arith.addi %scan3A_321, %scan3A_322 : i32
    %scan3A_324 = arith.constant 1 : i32
    scf.for %scan3A_514 = %scan3A_321 to %scan3A_323 step %scan3A_324  : i32 {
      %mul3A_515 = arith.constant 2 : i32
      %mul3A_516 = arith.muli %mul3A_515, %scan3A_514 : i32
      %dma_wait3A_517 = arith.constant 0 : i32
      %dma_wait3A_518 = arith.constant 0 : i32
      %dma_wait3A_519 = tpu.memref_slice %arg6[%dma_wait3A_517, %dma_wait3A_518] : memref<40x125xi32, #tpu.memory_space<vmem>> -> memref<1x125xi32, #tpu.memory_space<vmem>>
      %dma_wait3A_520 = tpu.memref_squeeze %dma_wait3A_519 : memref<1x125xi32, #tpu.memory_space<vmem>> -> memref<125xi32, #tpu.memory_space<vmem>>
      %dma_wait3A_521 = arith.constant 0 : i32
      %dma_wait3A_522 = arith.constant 0 : i32
      %dma_wait3A_523 = tpu.memref_slice %arg2[%dma_wait3A_521, %dma_wait3A_522] : memref<10240x128xf32, #tpu.memory_space<hbm>> -> memref<10240x128xf32, #tpu.memory_space<hbm>>
      tpu.wait_indirect_dma semaphore(%arg10 : memref<!tpu.dma_semaphore, #tpu.memory_space<semaphore_mem>>) src(%dma_wait3A_523 : memref<10240x128xf32, #tpu.memory_space<hbm>>) dst(%arg8 : memref<125x128xf32, #tpu.memory_space<vmem>>)
      %dma_start3A_524 = arith.constant 0 : i32
      %dma_start3A_525 = tpu.memref_slice %arg7[%mul3A_516, %dma_start3A_524] : memref<40x125xi32, #tpu.memory_space<vmem>> -> memref<1x125xi32, #tpu.memory_space<vmem>>
      %dma_start3A_526 = tpu.memref_squeeze %dma_start3A_525 : memref<1x125xi32, #tpu.memory_space<vmem>> -> memref<125xi32, #tpu.memory_space<vmem>>
      %dma_start3A_527 = arith.constant 0 : i32
      %dma_start3A_528 = arith.constant 0 : i32
      %dma_start3A_529 = tpu.memref_slice %arg14[%dma_start3A_527, %dma_start3A_528] : memref<10240x128xf32, #tpu.memory_space<vmem_shared>> -> memref<10240x128xf32, #tpu.memory_space<vmem_shared>>
      tpu.enqueue_indirect_dma source(%arg8 : memref<125x128xf32, #tpu.memory_space<vmem>>) target(%dma_start3A_529 : memref<10240x128xf32, #tpu.memory_space<vmem_shared>>) offsets(%dma_start3A_526 : memref<125xi32, #tpu.memory_space<vmem>>) semaphore(%arg12 : memref<!tpu.dma_semaphore, #tpu.memory_space<semaphore_mem>>) {add = true}
      %dma_wait3A_530 = arith.constant 0 : i32
      %dma_wait3A_531 = arith.constant 0 : i32
      %dma_wait3A_532 = tpu.memref_slice %arg7[%dma_wait3A_530, %dma_wait3A_531] : memref<40x125xi32, #tpu.memory_space<vmem>> -> memref<1x125xi32, #tpu.memory_space<vmem>>
      %dma_wait3A_533 = tpu.memref_squeeze %dma_wait3A_532 : memref<1x125xi32, #tpu.memory_space<vmem>> -> memref<125xi32, #tpu.memory_space<vmem>>
      %dma_wait3A_534 = arith.constant 0 : i32
      %dma_wait3A_535 = arith.constant 0 : i32
      %dma_wait3A_536 = tpu.memref_slice %arg14[%dma_wait3A_534, %dma_wait3A_535] : memref<10240x128xf32, #tpu.memory_space<vmem_shared>> -> memref<10240x128xf32, #tpu.memory_space<vmem_shared>>
      tpu.wait_indirect_dma semaphore(%arg13 : memref<!tpu.dma_semaphore, #tpu.memory_space<semaphore_mem>>) src(%arg9 : memref<125x128xf32, #tpu.memory_space<vmem>>) dst(%dma_wait3A_536 : memref<10240x128xf32, #tpu.memory_space<vmem_shared>>)
      %add3A_537 = arith.constant 1 : i32
      %add3A_538 = arith.addi %mul3A_516, %add3A_537 : i32
      %dma_start3A_539 = arith.constant 0 : i32
      %dma_start3A_540 = tpu.memref_slice %arg6[%add3A_538, %dma_start3A_539] : memref<40x125xi32, #tpu.memory_space<vmem>> -> memref<1x125xi32, #tpu.memory_space<vmem>>
      %dma_start3A_541 = tpu.memref_squeeze %dma_start3A_540 : memref<1x125xi32, #tpu.memory_space<vmem>> -> memref<125xi32, #tpu.memory_space<vmem>>
      %dma_start3A_542 = arith.constant 0 : i32
      %dma_start3A_543 = arith.constant 0 : i32
      %dma_start3A_544 = tpu.memref_slice %arg2[%dma_start3A_542, %dma_start3A_543] : memref<10240x128xf32, #tpu.memory_space<hbm>> -> memref<10240x128xf32, #tpu.memory_space<hbm>>
      tpu.enqueue_indirect_dma source(%dma_start3A_544 : memref<10240x128xf32, #tpu.memory_space<hbm>>) target(%arg9 : memref<125x128xf32, #tpu.memory_space<vmem>>) offsets(%dma_start3A_541 : memref<125xi32, #tpu.memory_space<vmem>>) semaphore(%arg11 : memref<!tpu.dma_semaphore, #tpu.memory_space<semaphore_mem>>)
      %dma_wait3A_545 = arith.constant 0 : i32
      %dma_wait3A_546 = arith.constant 0 : i32
      %dma_wait3A_547 = tpu.memref_slice %arg6[%dma_wait3A_545, %dma_wait3A_546] : memref<40x125xi32, #tpu.memory_space<vmem>> -> memref<1x125xi32, #tpu.memory_space<vmem>>
      %dma_wait3A_548 = tpu.memref_squeeze %dma_wait3A_547 : memref<1x125xi32, #tpu.memory_space<vmem>> -> memref<125xi32, #tpu.memory_space<vmem>>
      %dma_wait3A_549 = arith.constant 0 : i32
      %dma_wait3A_550 = arith.constant 0 : i32
      %dma_wait3A_551 = tpu.memref_slice %arg2[%dma_wait3A_549, %dma_wait3A_550] : memref<10240x128xf32, #tpu.memory_space<hbm>> -> memref<10240x128xf32, #tpu.memory_space<hbm>>
      tpu.wait_indirect_dma semaphore(%arg11 : memref<!tpu.dma_semaphore, #tpu.memory_space<semaphore_mem>>) src(%dma_wait3A_551 : memref<10240x128xf32, #tpu.memory_space<hbm>>) dst(%arg9 : memref<125x128xf32, #tpu.memory_space<vmem>>)
      %add3A_552 = arith.constant 1 : i32
      %add3A_553 = arith.addi %mul3A_516, %add3A_552 : i32
      %dma_start3A_554 = arith.constant 0 : i32
      %dma_start3A_555 = tpu.memref_slice %arg7[%add3A_553, %dma_start3A_554] : memref<40x125xi32, #tpu.memory_space<vmem>> -> memref<1x125xi32, #tpu.memory_space<vmem>>
      %dma_start3A_556 = tpu.memref_squeeze %dma_start3A_555 : memref<1x125xi32, #tpu.memory_space<vmem>> -> memref<125xi32, #tpu.memory_space<vmem>>
      %dma_start3A_557 = arith.constant 0 : i32
      %dma_start3A_558 = arith.constant 0 : i32
      %dma_start3A_559 = tpu.memref_slice %arg14[%dma_start3A_557, %dma_start3A_558] : memref<10240x128xf32, #tpu.memory_space<vmem_shared>> -> memref<10240x128xf32, #tpu.memory_space<vmem_shared>>
      tpu.enqueue_indirect_dma source(%arg9 : memref<125x128xf32, #tpu.memory_space<vmem>>) target(%dma_start3A_559 : memref<10240x128xf32, #tpu.memory_space<vmem_shared>>) offsets(%dma_start3A_556 : memref<125xi32, #tpu.memory_space<vmem>>) semaphore(%arg13 : memref<!tpu.dma_semaphore, #tpu.memory_space<semaphore_mem>>) {add = true}
      %dma_wait3A_560 = arith.constant 0 : i32
      %dma_wait3A_561 = arith.constant 0 : i32
      %dma_wait3A_562 = tpu.memref_slice %arg7[%dma_wait3A_560, %dma_wait3A_561] : memref<40x125xi32, #tpu.memory_space<vmem>> -> memref<1x125xi32, #tpu.memory_space<vmem>>
      %dma_wait3A_563 = tpu.memref_squeeze %dma_wait3A_562 : memref<1x125xi32, #tpu.memory_space<vmem>> -> memref<125xi32, #tpu.memory_space<vmem>>
      %dma_wait3A_564 = arith.constant 0 : i32
      %dma_wait3A_565 = arith.constant 0 : i32
      %dma_wait3A_566 = tpu.memref_slice %arg14[%dma_wait3A_564, %dma_wait3A_565] : memref<10240x128xf32, #tpu.memory_space<vmem_shared>> -> memref<10240x128xf32, #tpu.memory_space<vmem_shared>>
      tpu.wait_indirect_dma semaphore(%arg12 : memref<!tpu.dma_semaphore, #tpu.memory_space<semaphore_mem>>) src(%arg8 : memref<125x128xf32, #tpu.memory_space<vmem>>) dst(%dma_wait3A_566 : memref<10240x128xf32, #tpu.memory_space<vmem_shared>>)
      %add3A_567 = arith.constant 2 : i32
      %add3A_568 = arith.addi %mul3A_516, %add3A_567 : i32
      %min3A = arith.constant 39 : i32
      %min3A_569 = arith.minsi %add3A_568, %min3A : i32
      %dma_start3A_570 = arith.constant 0 : i32
      %dma_start3A_571 = tpu.memref_slice %arg6[%min3A_569, %dma_start3A_570] : memref<40x125xi32, #tpu.memory_space<vmem>> -> memref<1x125xi32, #tpu.memory_space<vmem>>
      %dma_start3A_572 = tpu.memref_squeeze %dma_start3A_571 : memref<1x125xi32, #tpu.memory_space<vmem>> -> memref<125xi32, #tpu.memory_space<vmem>>
      %dma_start3A_573 = arith.constant 0 : i32
      %dma_start3A_574 = arith.constant 0 : i32
      %dma_start3A_575 = tpu.memref_slice %arg2[%dma_start3A_573, %dma_start3A_574] : memref<10240x128xf32, #tpu.memory_space<hbm>> -> memref<10240x128xf32, #tpu.memory_space<hbm>>
      tpu.enqueue_indirect_dma source(%dma_start3A_575 : memref<10240x128xf32, #tpu.memory_space<hbm>>) target(%arg8 : memref<125x128xf32, #tpu.memory_space<vmem>>) offsets(%dma_start3A_572 : memref<125xi32, #tpu.memory_space<vmem>>) semaphore(%arg10 : memref<!tpu.dma_semaphore, #tpu.memory_space<semaphore_mem>>)
    }
    %scan3A_325 = arith.constant 19 : i32
    %dma_wait3A_326 = arith.constant 0 : i32
    %dma_wait3A_327 = arith.constant 0 : i32
    %dma_wait3A_328 = tpu.memref_slice %arg7[%dma_wait3A_326, %dma_wait3A_327] : memref<40x125xi32, #tpu.memory_space<vmem>> -> memref<1x125xi32, #tpu.memory_space<vmem>>
    %dma_wait3A_329 = tpu.memref_squeeze %dma_wait3A_328 : memref<1x125xi32, #tpu.memory_space<vmem>> -> memref<125xi32, #tpu.memory_space<vmem>>
    %dma_wait3A_330 = arith.constant 0 : i32
    %dma_wait3A_331 = arith.constant 0 : i32
    %dma_wait3A_332 = tpu.memref_slice %arg14[%dma_wait3A_330, %dma_wait3A_331] : memref<10240x128xf32, #tpu.memory_space<vmem_shared>> -> memref<10240x128xf32, #tpu.memory_space<vmem_shared>>
    tpu.wait_indirect_dma semaphore(%arg13 : memref<!tpu.dma_semaphore, #tpu.memory_space<semaphore_mem>>) src(%arg9 : memref<125x128xf32, #tpu.memory_space<vmem>>) dst(%dma_wait3A_332 : memref<10240x128xf32, #tpu.memory_space<vmem_shared>>)
    %dma_wait3A_333 = arith.constant 0 : i32
    %dma_wait3A_334 = arith.constant 0 : i32
    %dma_wait3A_335 = tpu.memref_slice %arg6[%dma_wait3A_333, %dma_wait3A_334] : memref<40x125xi32, #tpu.memory_space<vmem>> -> memref<1x125xi32, #tpu.memory_space<vmem>>
    %dma_wait3A_336 = tpu.memref_squeeze %dma_wait3A_335 : memref<1x125xi32, #tpu.memory_space<vmem>> -> memref<125xi32, #tpu.memory_space<vmem>>
    %dma_wait3A_337 = arith.constant 0 : i32
    %dma_wait3A_338 = arith.constant 0 : i32
    %dma_wait3A_339 = tpu.memref_slice %arg2[%dma_wait3A_337, %dma_wait3A_338] : memref<10240x128xf32, #tpu.memory_space<hbm>> -> memref<10240x128xf32, #tpu.memory_space<hbm>>
    tpu.wait_indirect_dma semaphore(%arg10 : memref<!tpu.dma_semaphore, #tpu.memory_space<semaphore_mem>>) src(%dma_wait3A_339 : memref<10240x128xf32, #tpu.memory_space<hbm>>) dst(%arg8 : memref<125x128xf32, #tpu.memory_space<vmem>>)
    %barrier3A_340 = arith.constant 0 : index
    tpu.barrier barrier_id(%barrier3A_340)
    %mul3A_341 = arith.constant 10240 : i32
    %mul3A_342 = arith.muli %arg0, %mul3A_341 : i32
    %add3A_343 = arith.addi %mul3A_342, %mul3A_2 : i32
    "tpu.region"() ({
      %run_scoped3A = tpu.sem_alloc : memref<!tpu.dma_semaphore, #tpu.memory_space<semaphore_mem>>
      %dma_start3A_514 = arith.constant 0 : i32
      %dma_start3A_515 = arith.constant 0 : i32
      %dma_start3A_516 = tpu.memref_slice %arg8[%dma_start3A_514, %dma_start3A_515] : memref<125x128xf32, #tpu.memory_space<vmem>> -> memref<80x128xf32, #tpu.memory_space<vmem>>
      %dma_start3A_517 = arith.constant 0 : i32
      %dma_start3A_518 = tpu.memref_slice %arg14[%mul3A_2, %dma_start3A_517] : memref<10240x128xf32, #tpu.memory_space<vmem_shared>> -> memref<80x128xf32, #tpu.memory_space<vmem_shared>>
      %dma_start3A_519 = arith.constant 0 : i32
      %dma_start3A_520 = arith.constant 0 : i32
      %dma_start3A_521 = tpu.memref_slice %arg8[%dma_start3A_519, %dma_start3A_520] : memref<125x128xf32, #tpu.memory_space<vmem>> -> memref<80x128xf32, #tpu.memory_space<vmem>>
      %dma_start3A_522 = arith.constant 0 : i32
      %dma_start3A_523 = tpu.memref_slice %arg14[%mul3A_2, %dma_start3A_522] : memref<10240x128xf32, #tpu.memory_space<vmem_shared>> -> memref<80x128xf32, #tpu.memory_space<vmem_shared>>
      tpu.enqueue_dma source(%dma_start3A_523 : memref<80x128xf32, #tpu.memory_space<vmem_shared>>) target(%dma_start3A_521 : memref<80x128xf32, #tpu.memory_space<vmem>>) target_semaphore(%run_scoped3A : memref<!tpu.dma_semaphore, #tpu.memory_space<semaphore_mem>>)
      %dma_wait3A_524 = arith.constant 0 : i32
      %dma_wait3A_525 = arith.constant 0 : i32
      %dma_wait3A_526 = tpu.memref_slice %arg8[%dma_wait3A_524, %dma_wait3A_525] : memref<125x128xf32, #tpu.memory_space<vmem>> -> memref<80x128xf32, #tpu.memory_space<vmem>>
      %dma_wait3A_527 = arith.constant 0 : i32
      %dma_wait3A_528 = tpu.memref_slice %arg14[%mul3A_2, %dma_wait3A_527] : memref<10240x128xf32, #tpu.memory_space<vmem_shared>> -> memref<80x128xf32, #tpu.memory_space<vmem_shared>>
      %dma_wait3A_529 = arith.constant 0 : i32
      %dma_wait3A_530 = arith.constant 0 : i32
      %dma_wait3A_531 = tpu.memref_slice %arg8[%dma_wait3A_529, %dma_wait3A_530] : memref<125x128xf32, #tpu.memory_space<vmem>> -> memref<80x128xf32, #tpu.memory_space<vmem>>
      %dma_wait3A_532 = arith.constant 0 : i32
      %dma_wait3A_533 = tpu.memref_slice %arg14[%mul3A_2, %dma_wait3A_532] : memref<10240x128xf32, #tpu.memory_space<vmem_shared>> -> memref<80x128xf32, #tpu.memory_space<vmem_shared>>
      tpu.wait_dma2 semaphore(%run_scoped3A : memref<!tpu.dma_semaphore, #tpu.memory_space<semaphore_mem>>) src(%dma_wait3A_533 : memref<80x128xf32, #tpu.memory_space<vmem_shared>>) dst(%dma_wait3A_531 : memref<80x128xf32, #tpu.memory_space<vmem>>)
      tpu.yield
    }) : () -> ()
    %add3A_344 = arith.constant 80 : i32
    %add3A_345 = arith.addi %mul3A_2, %add3A_344 : i32
    %dma_start3A_346 = arith.constant 0 : i32
    %dma_start3A_347 = arith.constant 0 : i32
    %dma_start3A_348 = tpu.memref_slice %arg9[%dma_start3A_346, %dma_start3A_347] : memref<125x128xf32, #tpu.memory_space<vmem>> -> memref<80x128xf32, #tpu.memory_space<vmem>>
    %dma_start3A_349 = arith.constant 0 : i32
    %dma_start3A_350 = tpu.memref_slice %arg14[%add3A_345, %dma_start3A_349] : memref<10240x128xf32, #tpu.memory_space<vmem_shared>> -> memref<80x128xf32, #tpu.memory_space<vmem_shared>>
    %dma_start3A_351 = arith.constant 0 : i32
    %dma_start3A_352 = arith.constant 0 : i32
    %dma_start3A_353 = tpu.memref_slice %arg9[%dma_start3A_351, %dma_start3A_352] : memref<125x128xf32, #tpu.memory_space<vmem>> -> memref<80x128xf32, #tpu.memory_space<vmem>>
    %dma_start3A_354 = arith.constant 0 : i32
    %dma_start3A_355 = tpu.memref_slice %arg14[%add3A_345, %dma_start3A_354] : memref<10240x128xf32, #tpu.memory_space<vmem_shared>> -> memref<80x128xf32, #tpu.memory_space<vmem_shared>>
    tpu.enqueue_dma source(%dma_start3A_355 : memref<80x128xf32, #tpu.memory_space<vmem_shared>>) target(%dma_start3A_353 : memref<80x128xf32, #tpu.memory_space<vmem>>) target_semaphore(%arg10 : memref<!tpu.dma_semaphore, #tpu.memory_space<semaphore_mem>>)
    %add3A_356 = arith.constant 0 : i32
    %add3A_357 = arith.addi %add3A_343, %add3A_356 : i32
    "tpu.region"() ({
      %run_scoped3A = tpu.sem_alloc : memref<!tpu.dma_semaphore, #tpu.memory_space<semaphore_mem>>
      %dma_start3A_514 = arith.constant 0 : i32
      %dma_start3A_515 = arith.constant 0 : i32
      %dma_start3A_516 = tpu.memref_slice %arg8[%dma_start3A_514, %dma_start3A_515] : memref<125x128xf32, #tpu.memory_space<vmem>> -> memref<80x128xf32, #tpu.memory_space<vmem>>
      %dma_start3A_517 = arith.constant 0 : i32
      %dma_start3A_518 = tpu.memref_slice %arg5[%add3A_357, %dma_start3A_517] : memref<20480x128xf32, #tpu.memory_space<hbm>> -> memref<80x128xf32, #tpu.memory_space<hbm>>
      %dma_start3A_519 = arith.constant 0 : i32
      %dma_start3A_520 = tpu.memref_slice %arg5[%add3A_357, %dma_start3A_519] : memref<20480x128xf32, #tpu.memory_space<hbm>> -> memref<80x128xf32, #tpu.memory_space<hbm>>
      %dma_start3A_521 = arith.constant 0 : i32
      %dma_start3A_522 = arith.constant 0 : i32
      %dma_start3A_523 = tpu.memref_slice %arg8[%dma_start3A_521, %dma_start3A_522] : memref<125x128xf32, #tpu.memory_space<vmem>> -> memref<80x128xf32, #tpu.memory_space<vmem>>
      tpu.enqueue_dma source(%dma_start3A_523 : memref<80x128xf32, #tpu.memory_space<vmem>>) target(%dma_start3A_520 : memref<80x128xf32, #tpu.memory_space<hbm>>) target_semaphore(%run_scoped3A : memref<!tpu.dma_semaphore, #tpu.memory_space<semaphore_mem>>)
      %dma_wait3A_524 = arith.constant 0 : i32
      %dma_wait3A_525 = arith.constant 0 : i32
      %dma_wait3A_526 = tpu.memref_slice %arg8[%dma_wait3A_524, %dma_wait3A_525] : memref<125x128xf32, #tpu.memory_space<vmem>> -> memref<80x128xf32, #tpu.memory_space<vmem>>
      %dma_wait3A_527 = arith.constant 0 : i32
      %dma_wait3A_528 = tpu.memref_slice %arg5[%add3A_357, %dma_wait3A_527] : memref<20480x128xf32, #tpu.memory_space<hbm>> -> memref<80x128xf32, #tpu.memory_space<hbm>>
      %dma_wait3A_529 = arith.constant 0 : i32
      %dma_wait3A_530 = tpu.memref_slice %arg5[%add3A_357, %dma_wait3A_529] : memref<20480x128xf32, #tpu.memory_space<hbm>> -> memref<80x128xf32, #tpu.memory_space<hbm>>
      %dma_wait3A_531 = arith.constant 0 : i32
      %dma_wait3A_532 = arith.constant 0 : i32
      %dma_wait3A_533 = tpu.memref_slice %arg8[%dma_wait3A_531, %dma_wait3A_532] : memref<125x128xf32, #tpu.memory_space<vmem>> -> memref<80x128xf32, #tpu.memory_space<vmem>>
      tpu.wait_dma2 semaphore(%run_scoped3A : memref<!tpu.dma_semaphore, #tpu.memory_space<semaphore_mem>>) src(%dma_wait3A_533 : memref<80x128xf32, #tpu.memory_space<vmem>>) dst(%dma_wait3A_530 : memref<80x128xf32, #tpu.memory_space<hbm>>)
      tpu.yield
    }) : () -> ()
    %dma_wait3A_358 = arith.constant 0 : i32
    %dma_wait3A_359 = arith.constant 0 : i32
    %dma_wait3A_360 = tpu.memref_slice %arg9[%dma_wait3A_358, %dma_wait3A_359] : memref<125x128xf32, #tpu.memory_space<vmem>> -> memref<80x128xf32, #tpu.memory_space<vmem>>
    %dma_wait3A_361 = arith.constant 0 : i32
    %dma_wait3A_362 = tpu.memref_slice %arg14[%mul3A_2, %dma_wait3A_361] : memref<10240x128xf32, #tpu.memory_space<vmem_shared>> -> memref<80x128xf32, #tpu.memory_space<vmem_shared>>
    %dma_wait3A_363 = arith.constant 0 : i32
    %dma_wait3A_364 = arith.constant 0 : i32
    %dma_wait3A_365 = tpu.memref_slice %arg9[%dma_wait3A_363, %dma_wait3A_364] : memref<125x128xf32, #tpu.memory_space<vmem>> -> memref<80x128xf32, #tpu.memory_space<vmem>>
    %dma_wait3A_366 = arith.constant 0 : i32
    %dma_wait3A_367 = tpu.memref_slice %arg14[%mul3A_2, %dma_wait3A_366] : memref<10240x128xf32, #tpu.memory_space<vmem_shared>> -> memref<80x128xf32, #tpu.memory_space<vmem_shared>>
    tpu.wait_dma2 semaphore(%arg10 : memref<!tpu.dma_semaphore, #tpu.memory_space<semaphore_mem>>) src(%dma_wait3A_367 : memref<80x128xf32, #tpu.memory_space<vmem_shared>>) dst(%dma_wait3A_365 : memref<80x128xf32, #tpu.memory_space<vmem>>)
    %add3A_368 = arith.constant 160 : i32
    %add3A_369 = arith.addi %mul3A_2, %add3A_368 : i32
    %dma_start3A_370 = arith.constant 0 : i32
    %dma_start3A_371 = arith.constant 0 : i32
    %dma_start3A_372 = tpu.memref_slice %arg8[%dma_start3A_370, %dma_start3A_371] : memref<125x128xf32, #tpu.memory_space<vmem>> -> memref<80x128xf32, #tpu.memory_space<vmem>>
    %dma_start3A_373 = arith.constant 0 : i32
    %dma_start3A_374 = tpu.memref_slice %arg14[%add3A_369, %dma_start3A_373] : memref<10240x128xf32, #tpu.memory_space<vmem_shared>> -> memref<80x128xf32, #tpu.memory_space<vmem_shared>>
    %dma_start3A_375 = arith.constant 0 : i32
    %dma_start3A_376 = arith.constant 0 : i32
    %dma_start3A_377 = tpu.memref_slice %arg8[%dma_start3A_375, %dma_start3A_376] : memref<125x128xf32, #tpu.memory_space<vmem>> -> memref<80x128xf32, #tpu.memory_space<vmem>>
    %dma_start3A_378 = arith.constant 0 : i32
    %dma_start3A_379 = tpu.memref_slice %arg14[%add3A_369, %dma_start3A_378] : memref<10240x128xf32, #tpu.memory_space<vmem_shared>> -> memref<80x128xf32, #tpu.memory_space<vmem_shared>>
    tpu.enqueue_dma source(%dma_start3A_379 : memref<80x128xf32, #tpu.memory_space<vmem_shared>>) target(%dma_start3A_377 : memref<80x128xf32, #tpu.memory_space<vmem>>) target_semaphore(%arg10 : memref<!tpu.dma_semaphore, #tpu.memory_space<semaphore_mem>>)
    %add3A_380 = arith.constant 80 : i32
    %add3A_381 = arith.addi %add3A_343, %add3A_380 : i32
    "tpu.region"() ({
      %run_scoped3A = tpu.sem_alloc : memref<!tpu.dma_semaphore, #tpu.memory_space<semaphore_mem>>
      %dma_start3A_514 = arith.constant 0 : i32
      %dma_start3A_515 = arith.constant 0 : i32
      %dma_start3A_516 = tpu.memref_slice %arg9[%dma_start3A_514, %dma_start3A_515] : memref<125x128xf32, #tpu.memory_space<vmem>> -> memref<80x128xf32, #tpu.memory_space<vmem>>
      %dma_start3A_517 = arith.constant 0 : i32
      %dma_start3A_518 = tpu.memref_slice %arg5[%add3A_381, %dma_start3A_517] : memref<20480x128xf32, #tpu.memory_space<hbm>> -> memref<80x128xf32, #tpu.memory_space<hbm>>
      %dma_start3A_519 = arith.constant 0 : i32
      %dma_start3A_520 = tpu.memref_slice %arg5[%add3A_381, %dma_start3A_519] : memref<20480x128xf32, #tpu.memory_space<hbm>> -> memref<80x128xf32, #tpu.memory_space<hbm>>
      %dma_start3A_521 = arith.constant 0 : i32
      %dma_start3A_522 = arith.constant 0 : i32
      %dma_start3A_523 = tpu.memref_slice %arg9[%dma_start3A_521, %dma_start3A_522] : memref<125x128xf32, #tpu.memory_space<vmem>> -> memref<80x128xf32, #tpu.memory_space<vmem>>
      tpu.enqueue_dma source(%dma_start3A_523 : memref<80x128xf32, #tpu.memory_space<vmem>>) target(%dma_start3A_520 : memref<80x128xf32, #tpu.memory_space<hbm>>) target_semaphore(%run_scoped3A : memref<!tpu.dma_semaphore, #tpu.memory_space<semaphore_mem>>)
      %dma_wait3A_524 = arith.constant 0 : i32
      %dma_wait3A_525 = arith.constant 0 : i32
      %dma_wait3A_526 = tpu.memref_slice %arg9[%dma_wait3A_524, %dma_wait3A_525] : memref<125x128xf32, #tpu.memory_space<vmem>> -> memref<80x128xf32, #tpu.memory_space<vmem>>
      %dma_wait3A_527 = arith.constant 0 : i32
      %dma_wait3A_528 = tpu.memref_slice %arg5[%add3A_381, %dma_wait3A_527] : memref<20480x128xf32, #tpu.memory_space<hbm>> -> memref<80x128xf32, #tpu.memory_space<hbm>>
      %dma_wait3A_529 = arith.constant 0 : i32
      %dma_wait3A_530 = tpu.memref_slice %arg5[%add3A_381, %dma_wait3A_529] : memref<20480x128xf32, #tpu.memory_space<hbm>> -> memref<80x128xf32, #tpu.memory_space<hbm>>
      %dma_wait3A_531 = arith.constant 0 : i32
      %dma_wait3A_532 = arith.constant 0 : i32
      %dma_wait3A_533 = tpu.memref_slice %arg9[%dma_wait3A_531, %dma_wait3A_532] : memref<125x128xf32, #tpu.memory_space<vmem>> -> memref<80x128xf32, #tpu.memory_space<vmem>>
      tpu.wait_dma2 semaphore(%run_scoped3A : memref<!tpu.dma_semaphore, #tpu.memory_space<semaphore_mem>>) src(%dma_wait3A_533 : memref<80x128xf32, #tpu.memory_space<vmem>>) dst(%dma_wait3A_530 : memref<80x128xf32, #tpu.memory_space<hbm>>)
      tpu.yield
    }) : () -> ()
    %dma_wait3A_382 = arith.constant 0 : i32
    %dma_wait3A_383 = arith.constant 0 : i32
    %dma_wait3A_384 = tpu.memref_slice %arg8[%dma_wait3A_382, %dma_wait3A_383] : memref<125x128xf32, #tpu.memory_space<vmem>> -> memref<80x128xf32, #tpu.memory_space<vmem>>
    %dma_wait3A_385 = arith.constant 0 : i32
    %dma_wait3A_386 = tpu.memref_slice %arg14[%mul3A_2, %dma_wait3A_385] : memref<10240x128xf32, #tpu.memory_space<vmem_shared>> -> memref<80x128xf32, #tpu.memory_space<vmem_shared>>
    %dma_wait3A_387 = arith.constant 0 : i32
    %dma_wait3A_388 = arith.constant 0 : i32
    %dma_wait3A_389 = tpu.memref_slice %arg8[%dma_wait3A_387, %dma_wait3A_388] : memref<125x128xf32, #tpu.memory_space<vmem>> -> memref<80x128xf32, #tpu.memory_space<vmem>>
    %dma_wait3A_390 = arith.constant 0 : i32
    %dma_wait3A_391 = tpu.memref_slice %arg14[%mul3A_2, %dma_wait3A_390] : memref<10240x128xf32, #tpu.memory_space<vmem_shared>> -> memref<80x128xf32, #tpu.memory_space<vmem_shared>>
    tpu.wait_dma2 semaphore(%arg10 : memref<!tpu.dma_semaphore, #tpu.memory_space<semaphore_mem>>) src(%dma_wait3A_391 : memref<80x128xf32, #tpu.memory_space<vmem_shared>>) dst(%dma_wait3A_389 : memref<80x128xf32, #tpu.memory_space<vmem>>)
    %add3A_392 = arith.constant 240 : i32
    %add3A_393 = arith.addi %mul3A_2, %add3A_392 : i32
    %dma_start3A_394 = arith.constant 0 : i32
    %dma_start3A_395 = arith.constant 0 : i32
    %dma_start3A_396 = tpu.memref_slice %arg9[%dma_start3A_394, %dma_start3A_395] : memref<125x128xf32, #tpu.memory_space<vmem>> -> memref<80x128xf32, #tpu.memory_space<vmem>>
    %dma_start3A_397 = arith.constant 0 : i32
    %dma_start3A_398 = tpu.memref_slice %arg14[%add3A_393, %dma_start3A_397] : memref<10240x128xf32, #tpu.memory_space<vmem_shared>> -> memref<80x128xf32, #tpu.memory_space<vmem_shared>>
    %dma_start3A_399 = arith.constant 0 : i32
    %dma_start3A_400 = arith.constant 0 : i32
    %dma_start3A_401 = tpu.memref_slice %arg9[%dma_start3A_399, %dma_start3A_400] : memref<125x128xf32, #tpu.memory_space<vmem>> -> memref<80x128xf32, #tpu.memory_space<vmem>>
    %dma_start3A_402 = arith.constant 0 : i32
    %dma_start3A_403 = tpu.memref_slice %arg14[%add3A_393, %dma_start3A_402] : memref<10240x128xf32, #tpu.memory_space<vmem_shared>> -> memref<80x128xf32, #tpu.memory_space<vmem_shared>>
    tpu.enqueue_dma source(%dma_start3A_403 : memref<80x128xf32, #tpu.memory_space<vmem_shared>>) target(%dma_start3A_401 : memref<80x128xf32, #tpu.memory_space<vmem>>) target_semaphore(%arg10 : memref<!tpu.dma_semaphore, #tpu.memory_space<semaphore_mem>>)
    %add3A_404 = arith.constant 160 : i32
    %add3A_405 = arith.addi %add3A_343, %add3A_404 : i32
    "tpu.region"() ({
      %run_scoped3A = tpu.sem_alloc : memref<!tpu.dma_semaphore, #tpu.memory_space<semaphore_mem>>
      %dma_start3A_514 = arith.constant 0 : i32
      %dma_start3A_515 = arith.constant 0 : i32
      %dma_start3A_516 = tpu.memref_slice %arg8[%dma_start3A_514, %dma_start3A_515] : memref<125x128xf32, #tpu.memory_space<vmem>> -> memref<80x128xf32, #tpu.memory_space<vmem>>
      %dma_start3A_517 = arith.constant 0 : i32
      %dma_start3A_518 = tpu.memref_slice %arg5[%add3A_405, %dma_start3A_517] : memref<20480x128xf32, #tpu.memory_space<hbm>> -> memref<80x128xf32, #tpu.memory_space<hbm>>
      %dma_start3A_519 = arith.constant 0 : i32
      %dma_start3A_520 = tpu.memref_slice %arg5[%add3A_405, %dma_start3A_519] : memref<20480x128xf32, #tpu.memory_space<hbm>> -> memref<80x128xf32, #tpu.memory_space<hbm>>
      %dma_start3A_521 = arith.constant 0 : i32
      %dma_start3A_522 = arith.constant 0 : i32
      %dma_start3A_523 = tpu.memref_slice %arg8[%dma_start3A_521, %dma_start3A_522] : memref<125x128xf32, #tpu.memory_space<vmem>> -> memref<80x128xf32, #tpu.memory_space<vmem>>
      tpu.enqueue_dma source(%dma_start3A_523 : memref<80x128xf32, #tpu.memory_space<vmem>>) target(%dma_start3A_520 : memref<80x128xf32, #tpu.memory_space<hbm>>) target_semaphore(%run_scoped3A : memref<!tpu.dma_semaphore, #tpu.memory_space<semaphore_mem>>)
      %dma_wait3A_524 = arith.constant 0 : i32
      %dma_wait3A_525 = arith.constant 0 : i32
      %dma_wait3A_526 = tpu.memref_slice %arg8[%dma_wait3A_524, %dma_wait3A_525] : memref<125x128xf32, #tpu.memory_space<vmem>> -> memref<80x128xf32, #tpu.memory_space<vmem>>
      %dma_wait3A_527 = arith.constant 0 : i32
      %dma_wait3A_528 = tpu.memref_slice %arg5[%add3A_405, %dma_wait3A_527] : memref<20480x128xf32, #tpu.memory_space<hbm>> -> memref<80x128xf32, #tpu.memory_space<hbm>>
      %dma_wait3A_529 = arith.constant 0 : i32
      %dma_wait3A_530 = tpu.memref_slice %arg5[%add3A_405, %dma_wait3A_529] : memref<20480x128xf32, #tpu.memory_space<hbm>> -> memref<80x128xf32, #tpu.memory_space<hbm>>
      %dma_wait3A_531 = arith.constant 0 : i32
      %dma_wait3A_532 = arith.constant 0 : i32
      %dma_wait3A_533 = tpu.memref_slice %arg8[%dma_wait3A_531, %dma_wait3A_532] : memref<125x128xf32, #tpu.memory_space<vmem>> -> memref<80x128xf32, #tpu.memory_space<vmem>>
      tpu.wait_dma2 semaphore(%run_scoped3A : memref<!tpu.dma_semaphore, #tpu.memory_space<semaphore_mem>>) src(%dma_wait3A_533 : memref<80x128xf32, #tpu.memory_space<vmem>>) dst(%dma_wait3A_530 : memref<80x128xf32, #tpu.memory_space<hbm>>)
      tpu.yield
    }) : () -> ()
    %dma_wait3A_406 = arith.constant 0 : i32
    %dma_wait3A_407 = arith.constant 0 : i32
    %dma_wait3A_408 = tpu.memref_slice %arg9[%dma_wait3A_406, %dma_wait3A_407] : memref<125x128xf32, #tpu.memory_space<vmem>> -> memref<80x128xf32, #tpu.memory_space<vmem>>
    %dma_wait3A_409 = arith.constant 0 : i32
    %dma_wait3A_410 = tpu.memref_slice %arg14[%mul3A_2, %dma_wait3A_409] : memref<10240x128xf32, #tpu.memory_space<vmem_shared>> -> memref<80x128xf32, #tpu.memory_space<vmem_shared>>
    %dma_wait3A_411 = arith.constant 0 : i32
    %dma_wait3A_412 = arith.constant 0 : i32
    %dma_wait3A_413 = tpu.memref_slice %arg9[%dma_wait3A_411, %dma_wait3A_412] : memref<125x128xf32, #tpu.memory_space<vmem>> -> memref<80x128xf32, #tpu.memory_space<vmem>>
    %dma_wait3A_414 = arith.constant 0 : i32
    %dma_wait3A_415 = tpu.memref_slice %arg14[%mul3A_2, %dma_wait3A_414] : memref<10240x128xf32, #tpu.memory_space<vmem_shared>> -> memref<80x128xf32, #tpu.memory_space<vmem_shared>>
    tpu.wait_dma2 semaphore(%arg10 : memref<!tpu.dma_semaphore, #tpu.memory_space<semaphore_mem>>) src(%dma_wait3A_415 : memref<80x128xf32, #tpu.memory_space<vmem_shared>>) dst(%dma_wait3A_413 : memref<80x128xf32, #tpu.memory_space<vmem>>)
    %add3A_416 = arith.constant 320 : i32
    %add3A_417 = arith.addi %mul3A_2, %add3A_416 : i32
    %dma_start3A_418 = arith.constant 0 : i32
    %dma_start3A_419 = arith.constant 0 : i32
    %dma_start3A_420 = tpu.memref_slice %arg8[%dma_start3A_418, %dma_start3A_419] : memref<125x128xf32, #tpu.memory_space<vmem>> -> memref<80x128xf32, #tpu.memory_space<vmem>>
    %dma_start3A_421 = arith.constant 0 : i32
    %dma_start3A_422 = tpu.memref_slice %arg14[%add3A_417, %dma_start3A_421] : memref<10240x128xf32, #tpu.memory_space<vmem_shared>> -> memref<80x128xf32, #tpu.memory_space<vmem_shared>>
    %dma_start3A_423 = arith.constant 0 : i32
    %dma_start3A_424 = arith.constant 0 : i32
    %dma_start3A_425 = tpu.memref_slice %arg8[%dma_start3A_423, %dma_start3A_424] : memref<125x128xf32, #tpu.memory_space<vmem>> -> memref<80x128xf32, #tpu.memory_space<vmem>>
    %dma_start3A_426 = arith.constant 0 : i32
    %dma_start3A_427 = tpu.memref_slice %arg14[%add3A_417, %dma_start3A_426] : memref<10240x128xf32, #tpu.memory_space<vmem_shared>> -> memref<80x128xf32, #tpu.memory_space<vmem_shared>>
    tpu.enqueue_dma source(%dma_start3A_427 : memref<80x128xf32, #tpu.memory_space<vmem_shared>>) target(%dma_start3A_425 : memref<80x128xf32, #tpu.memory_space<vmem>>) target_semaphore(%arg10 : memref<!tpu.dma_semaphore, #tpu.memory_space<semaphore_mem>>)
    %add3A_428 = arith.constant 240 : i32
    %add3A_429 = arith.addi %add3A_343, %add3A_428 : i32
    "tpu.region"() ({
      %run_scoped3A = tpu.sem_alloc : memref<!tpu.dma_semaphore, #tpu.memory_space<semaphore_mem>>
      %dma_start3A_514 = arith.constant 0 : i32
      %dma_start3A_515 = arith.constant 0 : i32
      %dma_start3A_516 = tpu.memref_slice %arg9[%dma_start3A_514, %dma_start3A_515] : memref<125x128xf32, #tpu.memory_space<vmem>> -> memref<80x128xf32, #tpu.memory_space<vmem>>
      %dma_start3A_517 = arith.constant 0 : i32
      %dma_start3A_518 = tpu.memref_slice %arg5[%add3A_429, %dma_start3A_517] : memref<20480x128xf32, #tpu.memory_space<hbm>> -> memref<80x128xf32, #tpu.memory_space<hbm>>
      %dma_start3A_519 = arith.constant 0 : i32
      %dma_start3A_520 = tpu.memref_slice %arg5[%add3A_429, %dma_start3A_519] : memref<20480x128xf32, #tpu.memory_space<hbm>> -> memref<80x128xf32, #tpu.memory_space<hbm>>
      %dma_start3A_521 = arith.constant 0 : i32
      %dma_start3A_522 = arith.constant 0 : i32
      %dma_start3A_523 = tpu.memref_slice %arg9[%dma_start3A_521, %dma_start3A_522] : memref<125x128xf32, #tpu.memory_space<vmem>> -> memref<80x128xf32, #tpu.memory_space<vmem>>
      tpu.enqueue_dma source(%dma_start3A_523 : memref<80x128xf32, #tpu.memory_space<vmem>>) target(%dma_start3A_520 : memref<80x128xf32, #tpu.memory_space<hbm>>) target_semaphore(%run_scoped3A : memref<!tpu.dma_semaphore, #tpu.memory_space<semaphore_mem>>)
      %dma_wait3A_524 = arith.constant 0 : i32
      %dma_wait3A_525 = arith.constant 0 : i32
      %dma_wait3A_526 = tpu.memref_slice %arg9[%dma_wait3A_524, %dma_wait3A_525] : memref<125x128xf32, #tpu.memory_space<vmem>> -> memref<80x128xf32, #tpu.memory_space<vmem>>
      %dma_wait3A_527 = arith.constant 0 : i32
      %dma_wait3A_528 = tpu.memref_slice %arg5[%add3A_429, %dma_wait3A_527] : memref<20480x128xf32, #tpu.memory_space<hbm>> -> memref<80x128xf32, #tpu.memory_space<hbm>>
      %dma_wait3A_529 = arith.constant 0 : i32
      %dma_wait3A_530 = tpu.memref_slice %arg5[%add3A_429, %dma_wait3A_529] : memref<20480x128xf32, #tpu.memory_space<hbm>> -> memref<80x128xf32, #tpu.memory_space<hbm>>
      %dma_wait3A_531 = arith.constant 0 : i32
      %dma_wait3A_532 = arith.constant 0 : i32
      %dma_wait3A_533 = tpu.memref_slice %arg9[%dma_wait3A_531, %dma_wait3A_532] : memref<125x128xf32, #tpu.memory_space<vmem>> -> memref<80x128xf32, #tpu.memory_space<vmem>>
      tpu.wait_dma2 semaphore(%run_scoped3A : memref<!tpu.dma_semaphore, #tpu.memory_space<semaphore_mem>>) src(%dma_wait3A_533 : memref<80x128xf32, #tpu.memory_space<vmem>>) dst(%dma_wait3A_530 : memref<80x128xf32, #tpu.memory_space<hbm>>)
      tpu.yield
    }) : () -> ()
    %dma_wait3A_430 = arith.constant 0 : i32
    %dma_wait3A_431 = arith.constant 0 : i32
    %dma_wait3A_432 = tpu.memref_slice %arg8[%dma_wait3A_430, %dma_wait3A_431] : memref<125x128xf32, #tpu.memory_space<vmem>> -> memref<80x128xf32, #tpu.memory_space<vmem>>
    %dma_wait3A_433 = arith.constant 0 : i32
    %dma_wait3A_434 = tpu.memref_slice %arg14[%mul3A_2, %dma_wait3A_433] : memref<10240x128xf32, #tpu.memory_space<vmem_shared>> -> memref<80x128xf32, #tpu.memory_space<vmem_shared>>
    %dma_wait3A_435 = arith.constant 0 : i32
    %dma_wait3A_436 = arith.constant 0 : i32
    %dma_wait3A_437 = tpu.memref_slice %arg8[%dma_wait3A_435, %dma_wait3A_436] : memref<125x128xf32, #tpu.memory_space<vmem>> -> memref<80x128xf32, #tpu.memory_space<vmem>>
    %dma_wait3A_438 = arith.constant 0 : i32
    %dma_wait3A_439 = tpu.memref_slice %arg14[%mul3A_2, %dma_wait3A_438] : memref<10240x128xf32, #tpu.memory_space<vmem_shared>> -> memref<80x128xf32, #tpu.memory_space<vmem_shared>>
    tpu.wait_dma2 semaphore(%arg10 : memref<!tpu.dma_semaphore, #tpu.memory_space<semaphore_mem>>) src(%dma_wait3A_439 : memref<80x128xf32, #tpu.memory_space<vmem_shared>>) dst(%dma_wait3A_437 : memref<80x128xf32, #tpu.memory_space<vmem>>)
    %add3A_440 = arith.constant 400 : i32
    %add3A_441 = arith.addi %mul3A_2, %add3A_440 : i32
    %dma_start3A_442 = arith.constant 0 : i32
    %dma_start3A_443 = arith.constant 0 : i32
    %dma_start3A_444 = tpu.memref_slice %arg9[%dma_start3A_442, %dma_start3A_443] : memref<125x128xf32, #tpu.memory_space<vmem>> -> memref<80x128xf32, #tpu.memory_space<vmem>>
    %dma_start3A_445 = arith.constant 0 : i32
    %dma_start3A_446 = tpu.memref_slice %arg14[%add3A_441, %dma_start3A_445] : memref<10240x128xf32, #tpu.memory_space<vmem_shared>> -> memref<80x128xf32, #tpu.memory_space<vmem_shared>>
    %dma_start3A_447 = arith.constant 0 : i32
    %dma_start3A_448 = arith.constant 0 : i32
    %dma_start3A_449 = tpu.memref_slice %arg9[%dma_start3A_447, %dma_start3A_448] : memref<125x128xf32, #tpu.memory_space<vmem>> -> memref<80x128xf32, #tpu.memory_space<vmem>>
    %dma_start3A_450 = arith.constant 0 : i32
    %dma_start3A_451 = tpu.memref_slice %arg14[%add3A_441, %dma_start3A_450] : memref<10240x128xf32, #tpu.memory_space<vmem_shared>> -> memref<80x128xf32, #tpu.memory_space<vmem_shared>>
    tpu.enqueue_dma source(%dma_start3A_451 : memref<80x128xf32, #tpu.memory_space<vmem_shared>>) target(%dma_start3A_449 : memref<80x128xf32, #tpu.memory_space<vmem>>) target_semaphore(%arg10 : memref<!tpu.dma_semaphore, #tpu.memory_space<semaphore_mem>>)
    %add3A_452 = arith.constant 320 : i32
    %add3A_453 = arith.addi %add3A_343, %add3A_452 : i32
    "tpu.region"() ({
      %run_scoped3A = tpu.sem_alloc : memref<!tpu.dma_semaphore, #tpu.memory_space<semaphore_mem>>
      %dma_start3A_514 = arith.constant 0 : i32
      %dma_start3A_515 = arith.constant 0 : i32
      %dma_start3A_516 = tpu.memref_slice %arg8[%dma_start3A_514, %dma_start3A_515] : memref<125x128xf32, #tpu.memory_space<vmem>> -> memref<80x128xf32, #tpu.memory_space<vmem>>
      %dma_start3A_517 = arith.constant 0 : i32
      %dma_start3A_518 = tpu.memref_slice %arg5[%add3A_453, %dma_start3A_517] : memref<20480x128xf32, #tpu.memory_space<hbm>> -> memref<80x128xf32, #tpu.memory_space<hbm>>
      %dma_start3A_519 = arith.constant 0 : i32
      %dma_start3A_520 = tpu.memref_slice %arg5[%add3A_453, %dma_start3A_519] : memref<20480x128xf32, #tpu.memory_space<hbm>> -> memref<80x128xf32, #tpu.memory_space<hbm>>
      %dma_start3A_521 = arith.constant 0 : i32
      %dma_start3A_522 = arith.constant 0 : i32
      %dma_start3A_523 = tpu.memref_slice %arg8[%dma_start3A_521, %dma_start3A_522] : memref<125x128xf32, #tpu.memory_space<vmem>> -> memref<80x128xf32, #tpu.memory_space<vmem>>
      tpu.enqueue_dma source(%dma_start3A_523 : memref<80x128xf32, #tpu.memory_space<vmem>>) target(%dma_start3A_520 : memref<80x128xf32, #tpu.memory_space<hbm>>) target_semaphore(%run_scoped3A : memref<!tpu.dma_semaphore, #tpu.memory_space<semaphore_mem>>)
      %dma_wait3A_524 = arith.constant 0 : i32
      %dma_wait3A_525 = arith.constant 0 : i32
      %dma_wait3A_526 = tpu.memref_slice %arg8[%dma_wait3A_524, %dma_wait3A_525] : memref<125x128xf32, #tpu.memory_space<vmem>> -> memref<80x128xf32, #tpu.memory_space<vmem>>
      %dma_wait3A_527 = arith.constant 0 : i32
      %dma_wait3A_528 = tpu.memref_slice %arg5[%add3A_453, %dma_wait3A_527] : memref<20480x128xf32, #tpu.memory_space<hbm>> -> memref<80x128xf32, #tpu.memory_space<hbm>>
      %dma_wait3A_529 = arith.constant 0 : i32
      %dma_wait3A_530 = tpu.memref_slice %arg5[%add3A_453, %dma_wait3A_529] : memref<20480x128xf32, #tpu.memory_space<hbm>> -> memref<80x128xf32, #tpu.memory_space<hbm>>
      %dma_wait3A_531 = arith.constant 0 : i32
      %dma_wait3A_532 = arith.constant 0 : i32
      %dma_wait3A_533 = tpu.memref_slice %arg8[%dma_wait3A_531, %dma_wait3A_532] : memref<125x128xf32, #tpu.memory_space<vmem>> -> memref<80x128xf32, #tpu.memory_space<vmem>>
      tpu.wait_dma2 semaphore(%run_scoped3A : memref<!tpu.dma_semaphore, #tpu.memory_space<semaphore_mem>>) src(%dma_wait3A_533 : memref<80x128xf32, #tpu.memory_space<vmem>>) dst(%dma_wait3A_530 : memref<80x128xf32, #tpu.memory_space<hbm>>)
      tpu.yield
    }) : () -> ()
    %dma_wait3A_454 = arith.constant 0 : i32
    %dma_wait3A_455 = arith.constant 0 : i32
    %dma_wait3A_456 = tpu.memref_slice %arg9[%dma_wait3A_454, %dma_wait3A_455] : memref<125x128xf32, #tpu.memory_space<vmem>> -> memref<80x128xf32, #tpu.memory_space<vmem>>
    %dma_wait3A_457 = arith.constant 0 : i32
    %dma_wait3A_458 = tpu.memref_slice %arg14[%mul3A_2, %dma_wait3A_457] : memref<10240x128xf32, #tpu.memory_space<vmem_shared>> -> memref<80x128xf32, #tpu.memory_space<vmem_shared>>
    %dma_wait3A_459 = arith.constant 0 : i32
    %dma_wait3A_460 = arith.constant 0 : i32
    %dma_wait3A_461 = tpu.memref_slice %arg9[%dma_wait3A_459, %dma_wait3A_460] : memref<125x128xf32, #tpu.memory_space<vmem>> -> memref<80x128xf32, #tpu.memory_space<vmem>>
    %dma_wait3A_462 = arith.constant 0 : i32
    %dma_wait3A_463 = tpu.memref_slice %arg14[%mul3A_2, %dma_wait3A_462] : memref<10240x128xf32, #tpu.memory_space<vmem_shared>> -> memref<80x128xf32, #tpu.memory_space<vmem_shared>>
    tpu.wait_dma2 semaphore(%arg10 : memref<!tpu.dma_semaphore, #tpu.memory_space<semaphore_mem>>) src(%dma_wait3A_463 : memref<80x128xf32, #tpu.memory_space<vmem_shared>>) dst(%dma_wait3A_461 : memref<80x128xf32, #tpu.memory_space<vmem>>)
    %add3A_464 = arith.constant 480 : i32
    %add3A_465 = arith.addi %mul3A_2, %add3A_464 : i32
    %dma_start3A_466 = arith.constant 0 : i32
    %dma_start3A_467 = arith.constant 0 : i32
    %dma_start3A_468 = tpu.memref_slice %arg8[%dma_start3A_466, %dma_start3A_467] : memref<125x128xf32, #tpu.memory_space<vmem>> -> memref<80x128xf32, #tpu.memory_space<vmem>>
    %dma_start3A_469 = arith.constant 0 : i32
    %dma_start3A_470 = tpu.memref_slice %arg14[%add3A_465, %dma_start3A_469] : memref<10240x128xf32, #tpu.memory_space<vmem_shared>> -> memref<80x128xf32, #tpu.memory_space<vmem_shared>>
    %dma_start3A_471 = arith.constant 0 : i32
    %dma_start3A_472 = arith.constant 0 : i32
    %dma_start3A_473 = tpu.memref_slice %arg8[%dma_start3A_471, %dma_start3A_472] : memref<125x128xf32, #tpu.memory_space<vmem>> -> memref<80x128xf32, #tpu.memory_space<vmem>>
    %dma_start3A_474 = arith.constant 0 : i32
    %dma_start3A_475 = tpu.memref_slice %arg14[%add3A_465, %dma_start3A_474] : memref<10240x128xf32, #tpu.memory_space<vmem_shared>> -> memref<80x128xf32, #tpu.memory_space<vmem_shared>>
    tpu.enqueue_dma source(%dma_start3A_475 : memref<80x128xf32, #tpu.memory_space<vmem_shared>>) target(%dma_start3A_473 : memref<80x128xf32, #tpu.memory_space<vmem>>) target_semaphore(%arg10 : memref<!tpu.dma_semaphore, #tpu.memory_space<semaphore_mem>>)
    %add3A_476 = arith.constant 400 : i32
    %add3A_477 = arith.addi %add3A_343, %add3A_476 : i32
    "tpu.region"() ({
      %run_scoped3A = tpu.sem_alloc : memref<!tpu.dma_semaphore, #tpu.memory_space<semaphore_mem>>
      %dma_start3A_514 = arith.constant 0 : i32
      %dma_start3A_515 = arith.constant 0 : i32
      %dma_start3A_516 = tpu.memref_slice %arg9[%dma_start3A_514, %dma_start3A_515] : memref<125x128xf32, #tpu.memory_space<vmem>> -> memref<80x128xf32, #tpu.memory_space<vmem>>
      %dma_start3A_517 = arith.constant 0 : i32
      %dma_start3A_518 = tpu.memref_slice %arg5[%add3A_477, %dma_start3A_517] : memref<20480x128xf32, #tpu.memory_space<hbm>> -> memref<80x128xf32, #tpu.memory_space<hbm>>
      %dma_start3A_519 = arith.constant 0 : i32
      %dma_start3A_520 = tpu.memref_slice %arg5[%add3A_477, %dma_start3A_519] : memref<20480x128xf32, #tpu.memory_space<hbm>> -> memref<80x128xf32, #tpu.memory_space<hbm>>
      %dma_start3A_521 = arith.constant 0 : i32
      %dma_start3A_522 = arith.constant 0 : i32
      %dma_start3A_523 = tpu.memref_slice %arg9[%dma_start3A_521, %dma_start3A_522] : memref<125x128xf32, #tpu.memory_space<vmem>> -> memref<80x128xf32, #tpu.memory_space<vmem>>
      tpu.enqueue_dma source(%dma_start3A_523 : memref<80x128xf32, #tpu.memory_space<vmem>>) target(%dma_start3A_520 : memref<80x128xf32, #tpu.memory_space<hbm>>) target_semaphore(%run_scoped3A : memref<!tpu.dma_semaphore, #tpu.memory_space<semaphore_mem>>)
      %dma_wait3A_524 = arith.constant 0 : i32
      %dma_wait3A_525 = arith.constant 0 : i32
      %dma_wait3A_526 = tpu.memref_slice %arg9[%dma_wait3A_524, %dma_wait3A_525] : memref<125x128xf32, #tpu.memory_space<vmem>> -> memref<80x128xf32, #tpu.memory_space<vmem>>
      %dma_wait3A_527 = arith.constant 0 : i32
      %dma_wait3A_528 = tpu.memref_slice %arg5[%add3A_477, %dma_wait3A_527] : memref<20480x128xf32, #tpu.memory_space<hbm>> -> memref<80x128xf32, #tpu.memory_space<hbm>>
      %dma_wait3A_529 = arith.constant 0 : i32
      %dma_wait3A_530 = tpu.memref_slice %arg5[%add3A_477, %dma_wait3A_529] : memref<20480x128xf32, #tpu.memory_space<hbm>> -> memref<80x128xf32, #tpu.memory_space<hbm>>
      %dma_wait3A_531 = arith.constant 0 : i32
      %dma_wait3A_532 = arith.constant 0 : i32
      %dma_wait3A_533 = tpu.memref_slice %arg9[%dma_wait3A_531, %dma_wait3A_532] : memref<125x128xf32, #tpu.memory_space<vmem>> -> memref<80x128xf32, #tpu.memory_space<vmem>>
      tpu.wait_dma2 semaphore(%run_scoped3A : memref<!tpu.dma_semaphore, #tpu.memory_space<semaphore_mem>>) src(%dma_wait3A_533 : memref<80x128xf32, #tpu.memory_space<vmem>>) dst(%dma_wait3A_530 : memref<80x128xf32, #tpu.memory_space<hbm>>)
      tpu.yield
    }) : () -> ()
    %dma_wait3A_478 = arith.constant 0 : i32
    %dma_wait3A_479 = arith.constant 0 : i32
    %dma_wait3A_480 = tpu.memref_slice %arg8[%dma_wait3A_478, %dma_wait3A_479] : memref<125x128xf32, #tpu.memory_space<vmem>> -> memref<80x128xf32, #tpu.memory_space<vmem>>
    %dma_wait3A_481 = arith.constant 0 : i32
    %dma_wait3A_482 = tpu.memref_slice %arg14[%mul3A_2, %dma_wait3A_481] : memref<10240x128xf32, #tpu.memory_space<vmem_shared>> -> memref<80x128xf32, #tpu.memory_space<vmem_shared>>
    %dma_wait3A_483 = arith.constant 0 : i32
    %dma_wait3A_484 = arith.constant 0 : i32
    %dma_wait3A_485 = tpu.memref_slice %arg8[%dma_wait3A_483, %dma_wait3A_484] : memref<125x128xf32, #tpu.memory_space<vmem>> -> memref<80x128xf32, #tpu.memory_space<vmem>>
    %dma_wait3A_486 = arith.constant 0 : i32
    %dma_wait3A_487 = tpu.memref_slice %arg14[%mul3A_2, %dma_wait3A_486] : memref<10240x128xf32, #tpu.memory_space<vmem_shared>> -> memref<80x128xf32, #tpu.memory_space<vmem_shared>>
    tpu.wait_dma2 semaphore(%arg10 : memref<!tpu.dma_semaphore, #tpu.memory_space<semaphore_mem>>) src(%dma_wait3A_487 : memref<80x128xf32, #tpu.memory_space<vmem_shared>>) dst(%dma_wait3A_485 : memref<80x128xf32, #tpu.memory_space<vmem>>)
    %add3A_488 = arith.constant 560 : i32
    %add3A_489 = arith.addi %mul3A_2, %add3A_488 : i32
    %dma_start3A_490 = arith.constant 0 : i32
    %dma_start3A_491 = arith.constant 0 : i32
    %dma_start3A_492 = tpu.memref_slice %arg9[%dma_start3A_490, %dma_start3A_491] : memref<125x128xf32, #tpu.memory_space<vmem>> -> memref<80x128xf32, #tpu.memory_space<vmem>>
    %dma_start3A_493 = arith.constant 0 : i32
    %dma_start3A_494 = tpu.memref_slice %arg14[%add3A_489, %dma_start3A_493] : memref<10240x128xf32, #tpu.memory_space<vmem_shared>> -> memref<80x128xf32, #tpu.memory_space<vmem_shared>>
    %dma_start3A_495 = arith.constant 0 : i32
    %dma_start3A_496 = arith.constant 0 : i32
    %dma_start3A_497 = tpu.memref_slice %arg9[%dma_start3A_495, %dma_start3A_496] : memref<125x128xf32, #tpu.memory_space<vmem>> -> memref<80x128xf32, #tpu.memory_space<vmem>>
    %dma_start3A_498 = arith.constant 0 : i32
    %dma_start3A_499 = tpu.memref_slice %arg14[%add3A_489, %dma_start3A_498] : memref<10240x128xf32, #tpu.memory_space<vmem_shared>> -> memref<80x128xf32, #tpu.memory_space<vmem_shared>>
    tpu.enqueue_dma source(%dma_start3A_499 : memref<80x128xf32, #tpu.memory_space<vmem_shared>>) target(%dma_start3A_497 : memref<80x128xf32, #tpu.memory_space<vmem>>) target_semaphore(%arg10 : memref<!tpu.dma_semaphore, #tpu.memory_space<semaphore_mem>>)
    %add3A_500 = arith.constant 480 : i32
    %add3A_501 = arith.addi %add3A_343, %add3A_500 : i32
    "tpu.region"() ({
      %run_scoped3A = tpu.sem_alloc : memref<!tpu.dma_semaphore, #tpu.memory_space<semaphore_mem>>
      %dma_start3A_514 = arith.constant 0 : i32
      %dma_start3A_515 = arith.constant 0 : i32
      %dma_start3A_516 = tpu.memref_slice %arg8[%dma_start3A_514, %dma_start3A_515] : memref<125x128xf32, #tpu.memory_space<vmem>> -> memref<80x128xf32, #tpu.memory_space<vmem>>
      %dma_start3A_517 = arith.constant 0 : i32
      %dma_start3A_518 = tpu.memref_slice %arg5[%add3A_501, %dma_start3A_517] : memref<20480x128xf32, #tpu.memory_space<hbm>> -> memref<80x128xf32, #tpu.memory_space<hbm>>
      %dma_start3A_519 = arith.constant 0 : i32
      %dma_start3A_520 = tpu.memref_slice %arg5[%add3A_501, %dma_start3A_519] : memref<20480x128xf32, #tpu.memory_space<hbm>> -> memref<80x128xf32, #tpu.memory_space<hbm>>
      %dma_start3A_521 = arith.constant 0 : i32
      %dma_start3A_522 = arith.constant 0 : i32
      %dma_start3A_523 = tpu.memref_slice %arg8[%dma_start3A_521, %dma_start3A_522] : memref<125x128xf32, #tpu.memory_space<vmem>> -> memref<80x128xf32, #tpu.memory_space<vmem>>
      tpu.enqueue_dma source(%dma_start3A_523 : memref<80x128xf32, #tpu.memory_space<vmem>>) target(%dma_start3A_520 : memref<80x128xf32, #tpu.memory_space<hbm>>) target_semaphore(%run_scoped3A : memref<!tpu.dma_semaphore, #tpu.memory_space<semaphore_mem>>)
      %dma_wait3A_524 = arith.constant 0 : i32
      %dma_wait3A_525 = arith.constant 0 : i32
      %dma_wait3A_526 = tpu.memref_slice %arg8[%dma_wait3A_524, %dma_wait3A_525] : memref<125x128xf32, #tpu.memory_space<vmem>> -> memref<80x128xf32, #tpu.memory_space<vmem>>
      %dma_wait3A_527 = arith.constant 0 : i32
      %dma_wait3A_528 = tpu.memref_slice %arg5[%add3A_501, %dma_wait3A_527] : memref<20480x128xf32, #tpu.memory_space<hbm>> -> memref<80x128xf32, #tpu.memory_space<hbm>>
      %dma_wait3A_529 = arith.constant 0 : i32
      %dma_wait3A_530 = tpu.memref_slice %arg5[%add3A_501, %dma_wait3A_529] : memref<20480x128xf32, #tpu.memory_space<hbm>> -> memref<80x128xf32, #tpu.memory_space<hbm>>
      %dma_wait3A_531 = arith.constant 0 : i32
      %dma_wait3A_532 = arith.constant 0 : i32
      %dma_wait3A_533 = tpu.memref_slice %arg8[%dma_wait3A_531, %dma_wait3A_532] : memref<125x128xf32, #tpu.memory_space<vmem>> -> memref<80x128xf32, #tpu.memory_space<vmem>>
      tpu.wait_dma2 semaphore(%run_scoped3A : memref<!tpu.dma_semaphore, #tpu.memory_space<semaphore_mem>>) src(%dma_wait3A_533 : memref<80x128xf32, #tpu.memory_space<vmem>>) dst(%dma_wait3A_530 : memref<80x128xf32, #tpu.memory_space<hbm>>)
      tpu.yield
    }) : () -> ()
    %dma_wait3A_502 = arith.constant 0 : i32
    %dma_wait3A_503 = arith.constant 0 : i32
    %dma_wait3A_504 = tpu.memref_slice %arg9[%dma_wait3A_502, %dma_wait3A_503] : memref<125x128xf32, #tpu.memory_space<vmem>> -> memref<80x128xf32, #tpu.memory_space<vmem>>
    %dma_wait3A_505 = arith.constant 0 : i32
    %dma_wait3A_506 = tpu.memref_slice %arg14[%mul3A_2, %dma_wait3A_505] : memref<10240x128xf32, #tpu.memory_space<vmem_shared>> -> memref<80x128xf32, #tpu.memory_space<vmem_shared>>
    %dma_wait3A_507 = arith.constant 0 : i32
    %dma_wait3A_508 = arith.constant 0 : i32
    %dma_wait3A_509 = tpu.memref_slice %arg9[%dma_wait3A_507, %dma_wait3A_508] : memref<125x128xf32, #tpu.memory_space<vmem>> -> memref<80x128xf32, #tpu.memory_space<vmem>>
    %dma_wait3A_510 = arith.constant 0 : i32
    %dma_wait3A_511 = tpu.memref_slice %arg14[%mul3A_2, %dma_wait3A_510] : memref<10240x128xf32, #tpu.memory_space<vmem_shared>> -> memref<80x128xf32, #tpu.memory_space<vmem_shared>>
    tpu.wait_dma2 semaphore(%arg10 : memref<!tpu.dma_semaphore, #tpu.memory_space<semaphore_mem>>) src(%dma_wait3A_511 : memref<80x128xf32, #tpu.memory_space<vmem_shared>>) dst(%dma_wait3A_509 : memref<80x128xf32, #tpu.memory_space<vmem>>)
    %add3A_512 = arith.constant 560 : i32
    %add3A_513 = arith.addi %add3A_343, %add3A_512 : i32
    "tpu.region"() ({
      %run_scoped3A = tpu.sem_alloc : memref<!tpu.dma_semaphore, #tpu.memory_space<semaphore_mem>>
      %dma_start3A_514 = arith.constant 0 : i32
      %dma_start3A_515 = arith.constant 0 : i32
      %dma_start3A_516 = tpu.memref_slice %arg9[%dma_start3A_514, %dma_start3A_515] : memref<125x128xf32, #tpu.memory_space<vmem>> -> memref<80x128xf32, #tpu.memory_space<vmem>>
      %dma_start3A_517 = arith.constant 0 : i32
      %dma_start3A_518 = tpu.memref_slice %arg5[%add3A_513, %dma_start3A_517] : memref<20480x128xf32, #tpu.memory_space<hbm>> -> memref<80x128xf32, #tpu.memory_space<hbm>>
      %dma_start3A_519 = arith.constant 0 : i32
      %dma_start3A_520 = tpu.memref_slice %arg5[%add3A_513, %dma_start3A_519] : memref<20480x128xf32, #tpu.memory_space<hbm>> -> memref<80x128xf32, #tpu.memory_space<hbm>>
      %dma_start3A_521 = arith.constant 0 : i32
      %dma_start3A_522 = arith.constant 0 : i32
      %dma_start3A_523 = tpu.memref_slice %arg9[%dma_start3A_521, %dma_start3A_522] : memref<125x128xf32, #tpu.memory_space<vmem>> -> memref<80x128xf32, #tpu.memory_space<vmem>>
      tpu.enqueue_dma source(%dma_start3A_523 : memref<80x128xf32, #tpu.memory_space<vmem>>) target(%dma_start3A_520 : memref<80x128xf32, #tpu.memory_space<hbm>>) target_semaphore(%run_scoped3A : memref<!tpu.dma_semaphore, #tpu.memory_space<semaphore_mem>>)
      %dma_wait3A_524 = arith.constant 0 : i32
      %dma_wait3A_525 = arith.constant 0 : i32
      %dma_wait3A_526 = tpu.memref_slice %arg9[%dma_wait3A_524, %dma_wait3A_525] : memref<125x128xf32, #tpu.memory_space<vmem>> -> memref<80x128xf32, #tpu.memory_space<vmem>>
      %dma_wait3A_527 = arith.constant 0 : i32
      %dma_wait3A_528 = tpu.memref_slice %arg5[%add3A_513, %dma_wait3A_527] : memref<20480x128xf32, #tpu.memory_space<hbm>> -> memref<80x128xf32, #tpu.memory_space<hbm>>
      %dma_wait3A_529 = arith.constant 0 : i32
      %dma_wait3A_530 = tpu.memref_slice %arg5[%add3A_513, %dma_wait3A_529] : memref<20480x128xf32, #tpu.memory_space<hbm>> -> memref<80x128xf32, #tpu.memory_space<hbm>>
      %dma_wait3A_531 = arith.constant 0 : i32
      %dma_wait3A_532 = arith.constant 0 : i32
      %dma_wait3A_533 = tpu.memref_slice %arg9[%dma_wait3A_531, %dma_wait3A_532] : memref<125x128xf32, #tpu.memory_space<vmem>> -> memref<80x128xf32, #tpu.memory_space<vmem>>
      tpu.wait_dma2 semaphore(%run_scoped3A : memref<!tpu.dma_semaphore, #tpu.memory_space<semaphore_mem>>) src(%dma_wait3A_533 : memref<80x128xf32, #tpu.memory_space<vmem>>) dst(%dma_wait3A_530 : memref<80x128xf32, #tpu.memory_space<hbm>>)
      tpu.yield
    }) : () -> ()
    return
  }
}

#map = affine_map<(d0, d1) -> (0, 0)>
#map1 = affine_map<(d0, d1) -> (0)>
module attributes {stable_mosaic.version = 14 : i64} {
  func.func @k(%arg0: i32, %arg1: i32, %arg2: memref<5120x125xi32, #tpu.memory_space<hbm>>, %arg3: memref<640xf32, #tpu.memory_space<hbm>>, %arg4: memref<128xf32, #tpu.memory_space<hbm>>, %arg5: memref<20480xf32, #tpu.memory_space<hbm>>, %arg6: memref<80x125xi32, #tpu.memory_space<vmem>>, %arg7: memref<125xf32, #tpu.memory_space<vmem>>, %arg8: memref<640xf32, #tpu.memory_space<vmem>>, %arg9: memref<10240xf32, #tpu.memory_space<vmem_shared>>) attributes {dimension_semantics = [#tpu.dimension_semantics<core_parallel>, #tpu.dimension_semantics<subcore_parallel>], iteration_bounds = array<i64: 2, 16>, scalar_prefetch = 0 : i64, scratch_operands = 4 : i64, tpu.core_type = #tpu.core_type<sc_vector_subcore>, window_params = [{transform_indices = #map}, {transform_indices = #map1}, {transform_indices = #map1}, {transform_indices = #map1}]} {
    %mul3A = arith.constant 16 : i32
    %mul3A_0 = arith.muli %arg0, %mul3A : i32
    %add3A = arith.addi %mul3A_0, %arg1 : i32
    %mul3A_1 = arith.constant 80 : i32
    %mul3A_2 = arith.muli %add3A, %mul3A_1 : i32
    %add3A_3 = arith.constant 2560 : i32
    %add3A_4 = arith.addi %add3A_3, %mul3A_2 : i32
    "tpu.region"() ({
      %run_scoped3A = tpu.sem_alloc : memref<!tpu.dma_semaphore, #tpu.memory_space<semaphore_mem>>
      %dma_start3A = arith.constant 0 : i32
      %dma_start3A_16 = tpu.memref_slice %arg2[%add3A_4, %dma_start3A] : memref<5120x125xi32, #tpu.memory_space<hbm>> -> memref<80x125xi32, #tpu.memory_space<hbm>>
      %dma_start3A_17 = arith.constant 0 : i32
      %dma_start3A_18 = tpu.memref_slice %arg2[%add3A_4, %dma_start3A_17] : memref<5120x125xi32, #tpu.memory_space<hbm>> -> memref<80x125xi32, #tpu.memory_space<hbm>>
      tpu.enqueue_dma source(%dma_start3A_18 : memref<80x125xi32, #tpu.memory_space<hbm>>) target(%arg6 : memref<80x125xi32, #tpu.memory_space<vmem>>) target_semaphore(%run_scoped3A : memref<!tpu.dma_semaphore, #tpu.memory_space<semaphore_mem>>)
      %dma_wait3A = arith.constant 0 : i32
      %dma_wait3A_19 = tpu.memref_slice %arg2[%add3A_4, %dma_wait3A] : memref<5120x125xi32, #tpu.memory_space<hbm>> -> memref<80x125xi32, #tpu.memory_space<hbm>>
      %dma_wait3A_20 = arith.constant 0 : i32
      %dma_wait3A_21 = tpu.memref_slice %arg2[%add3A_4, %dma_wait3A_20] : memref<5120x125xi32, #tpu.memory_space<hbm>> -> memref<80x125xi32, #tpu.memory_space<hbm>>
      tpu.wait_dma2 semaphore(%run_scoped3A : memref<!tpu.dma_semaphore, #tpu.memory_space<semaphore_mem>>) src(%dma_wait3A_21 : memref<80x125xi32, #tpu.memory_space<hbm>>) dst(%arg6 : memref<80x125xi32, #tpu.memory_space<vmem>>)
      tpu.yield
    }) : () -> ()
    "tpu.region"() ({
      %run_scoped3A = tpu.sem_alloc : memref<!tpu.dma_semaphore, #tpu.memory_space<semaphore_mem>>
      %dma_start3A = arith.constant 0 : i32
      %dma_start3A_16 = tpu.memref_slice %arg4[%dma_start3A] : memref<128xf32, #tpu.memory_space<hbm>> -> memref<125xf32, #tpu.memory_space<hbm>>
      %dma_start3A_17 = arith.constant 0 : i32
      %dma_start3A_18 = tpu.memref_slice %arg4[%dma_start3A_17] : memref<128xf32, #tpu.memory_space<hbm>> -> memref<125xf32, #tpu.memory_space<hbm>>
      tpu.enqueue_dma source(%dma_start3A_18 : memref<125xf32, #tpu.memory_space<hbm>>) target(%arg7 : memref<125xf32, #tpu.memory_space<vmem>>) target_semaphore(%run_scoped3A : memref<!tpu.dma_semaphore, #tpu.memory_space<semaphore_mem>>)
      %dma_wait3A = arith.constant 0 : i32
      %dma_wait3A_19 = tpu.memref_slice %arg4[%dma_wait3A] : memref<128xf32, #tpu.memory_space<hbm>> -> memref<125xf32, #tpu.memory_space<hbm>>
      %dma_wait3A_20 = arith.constant 0 : i32
      %dma_wait3A_21 = tpu.memref_slice %arg4[%dma_wait3A_20] : memref<128xf32, #tpu.memory_space<hbm>> -> memref<125xf32, #tpu.memory_space<hbm>>
      tpu.wait_dma2 semaphore(%run_scoped3A : memref<!tpu.dma_semaphore, #tpu.memory_space<semaphore_mem>>) src(%dma_wait3A_21 : memref<125xf32, #tpu.memory_space<hbm>>) dst(%arg7 : memref<125xf32, #tpu.memory_space<vmem>>)
      tpu.yield
    }) : () -> ()
    %mul3A_5 = arith.constant 640 : i32
    %mul3A_6 = arith.muli %arg1, %mul3A_5 : i32
    "tpu.region"() ({
      %run_scoped3A = tpu.sem_alloc : memref<!tpu.dma_semaphore, #tpu.memory_space<semaphore_mem>>
      tpu.enqueue_dma source(%arg3 : memref<640xf32, #tpu.memory_space<hbm>>) target(%arg8 : memref<640xf32, #tpu.memory_space<vmem>>) target_semaphore(%run_scoped3A : memref<!tpu.dma_semaphore, #tpu.memory_space<semaphore_mem>>)
      tpu.wait_dma2 semaphore(%run_scoped3A : memref<!tpu.dma_semaphore, #tpu.memory_space<semaphore_mem>>) src(%arg3 : memref<640xf32, #tpu.memory_space<hbm>>) dst(%arg8 : memref<640xf32, #tpu.memory_space<vmem>>)
      tpu.yield
    }) : () -> ()
    "tpu.region"() ({
      %run_scoped3A = tpu.sem_alloc : memref<!tpu.dma_semaphore, #tpu.memory_space<semaphore_mem>>
      %dma_start3A = tpu.memref_slice %arg9[%mul3A_6] : memref<10240xf32, #tpu.memory_space<vmem_shared>> -> memref<640xf32, #tpu.memory_space<vmem_shared>>
      %dma_start3A_16 = tpu.memref_slice %arg9[%mul3A_6] : memref<10240xf32, #tpu.memory_space<vmem_shared>> -> memref<640xf32, #tpu.memory_space<vmem_shared>>
      tpu.enqueue_dma source(%arg8 : memref<640xf32, #tpu.memory_space<vmem>>) target(%dma_start3A_16 : memref<640xf32, #tpu.memory_space<vmem_shared>>) target_semaphore(%run_scoped3A : memref<!tpu.dma_semaphore, #tpu.memory_space<semaphore_mem>>)
      %dma_wait3A = tpu.memref_slice %arg9[%mul3A_6] : memref<10240xf32, #tpu.memory_space<vmem_shared>> -> memref<640xf32, #tpu.memory_space<vmem_shared>>
      %dma_wait3A_17 = tpu.memref_slice %arg9[%mul3A_6] : memref<10240xf32, #tpu.memory_space<vmem_shared>> -> memref<640xf32, #tpu.memory_space<vmem_shared>>
      tpu.wait_dma2 semaphore(%run_scoped3A : memref<!tpu.dma_semaphore, #tpu.memory_space<semaphore_mem>>) src(%arg8 : memref<640xf32, #tpu.memory_space<vmem>>) dst(%dma_wait3A_17 : memref<640xf32, #tpu.memory_space<vmem_shared>>)
      tpu.yield
    }) : () -> ()
    %barrier3A = arith.constant 0 : index
    tpu.barrier barrier_id(%barrier3A)
    %scan3A = arith.constant 0 : i32
    %scan3A_7 = arith.constant 0 : i32
    %scan3A_8 = arith.constant 80 : i32
    %scan3A_9 = arith.addi %scan3A_7, %scan3A_8 : i32
    %scan3A_10 = arith.constant 1 : i32
    scf.for %scan3A_16 = %scan3A_7 to %scan3A_9 step %scan3A_10  : i32 {
      "tpu.region"() ({
        %run_scoped3A = tpu.sem_alloc : memref<!tpu.dma_semaphore, #tpu.memory_space<semaphore_mem>>
        %dma_start3A = arith.constant 0 : i32
        %dma_start3A_17 = tpu.memref_slice %arg6[%scan3A_16, %dma_start3A] : memref<80x125xi32, #tpu.memory_space<vmem>> -> memref<1x125xi32, #tpu.memory_space<vmem>>
        %dma_start3A_18 = tpu.memref_squeeze %dma_start3A_17 : memref<1x125xi32, #tpu.memory_space<vmem>> -> memref<125xi32, #tpu.memory_space<vmem>>
        %dma_start3A_19 = arith.constant 0 : i32
        %dma_start3A_20 = tpu.memref_slice %arg9[%dma_start3A_19] : memref<10240xf32, #tpu.memory_space<vmem_shared>> -> memref<10240xf32, #tpu.memory_space<vmem_shared>>
        tpu.enqueue_indirect_dma source(%arg7 : memref<125xf32, #tpu.memory_space<vmem>>) target(%dma_start3A_20 : memref<10240xf32, #tpu.memory_space<vmem_shared>>) offsets(%dma_start3A_18 : memref<125xi32, #tpu.memory_space<vmem>>) semaphore(%run_scoped3A : memref<!tpu.dma_semaphore, #tpu.memory_space<semaphore_mem>>) {add = true}
        %dma_wait3A = arith.constant 0 : i32
        %dma_wait3A_21 = tpu.memref_slice %arg6[%scan3A_16, %dma_wait3A] : memref<80x125xi32, #tpu.memory_space<vmem>> -> memref<1x125xi32, #tpu.memory_space<vmem>>
        %dma_wait3A_22 = tpu.memref_squeeze %dma_wait3A_21 : memref<1x125xi32, #tpu.memory_space<vmem>> -> memref<125xi32, #tpu.memory_space<vmem>>
        %dma_wait3A_23 = arith.constant 0 : i32
        %dma_wait3A_24 = tpu.memref_slice %arg9[%dma_wait3A_23] : memref<10240xf32, #tpu.memory_space<vmem_shared>> -> memref<10240xf32, #tpu.memory_space<vmem_shared>>
        tpu.wait_indirect_dma semaphore(%run_scoped3A : memref<!tpu.dma_semaphore, #tpu.memory_space<semaphore_mem>>) src(%arg7 : memref<125xf32, #tpu.memory_space<vmem>>) dst(%dma_wait3A_24 : memref<10240xf32, #tpu.memory_space<vmem_shared>>)
        tpu.yield
      }) : () -> ()
    }
    %scan3A_11 = arith.constant 80 : i32
    %barrier3A_12 = arith.constant 0 : index
    tpu.barrier barrier_id(%barrier3A_12)
    "tpu.region"() ({
      %run_scoped3A = tpu.sem_alloc : memref<!tpu.dma_semaphore, #tpu.memory_space<semaphore_mem>>
      %dma_start3A = tpu.memref_slice %arg9[%mul3A_6] : memref<10240xf32, #tpu.memory_space<vmem_shared>> -> memref<640xf32, #tpu.memory_space<vmem_shared>>
      %dma_start3A_16 = tpu.memref_slice %arg9[%mul3A_6] : memref<10240xf32, #tpu.memory_space<vmem_shared>> -> memref<640xf32, #tpu.memory_space<vmem_shared>>
      tpu.enqueue_dma source(%dma_start3A_16 : memref<640xf32, #tpu.memory_space<vmem_shared>>) target(%arg8 : memref<640xf32, #tpu.memory_space<vmem>>) target_semaphore(%run_scoped3A : memref<!tpu.dma_semaphore, #tpu.memory_space<semaphore_mem>>)
      %dma_wait3A = tpu.memref_slice %arg9[%mul3A_6] : memref<10240xf32, #tpu.memory_space<vmem_shared>> -> memref<640xf32, #tpu.memory_space<vmem_shared>>
      %dma_wait3A_17 = tpu.memref_slice %arg9[%mul3A_6] : memref<10240xf32, #tpu.memory_space<vmem_shared>> -> memref<640xf32, #tpu.memory_space<vmem_shared>>
      tpu.wait_dma2 semaphore(%run_scoped3A : memref<!tpu.dma_semaphore, #tpu.memory_space<semaphore_mem>>) src(%dma_wait3A_17 : memref<640xf32, #tpu.memory_space<vmem_shared>>) dst(%arg8 : memref<640xf32, #tpu.memory_space<vmem>>)
      tpu.yield
    }) : () -> ()
    %mul3A_13 = arith.constant 10240 : i32
    %mul3A_14 = arith.muli %arg0, %mul3A_13 : i32
    %add3A_15 = arith.addi %mul3A_14, %mul3A_6 : i32
    "tpu.region"() ({
      %run_scoped3A = tpu.sem_alloc : memref<!tpu.dma_semaphore, #tpu.memory_space<semaphore_mem>>
      %dma_start3A = tpu.memref_slice %arg5[%add3A_15] : memref<20480xf32, #tpu.memory_space<hbm>> -> memref<640xf32, #tpu.memory_space<hbm>>
      %dma_start3A_16 = tpu.memref_slice %arg5[%add3A_15] : memref<20480xf32, #tpu.memory_space<hbm>> -> memref<640xf32, #tpu.memory_space<hbm>>
      tpu.enqueue_dma source(%arg8 : memref<640xf32, #tpu.memory_space<vmem>>) target(%dma_start3A_16 : memref<640xf32, #tpu.memory_space<hbm>>) target_semaphore(%run_scoped3A : memref<!tpu.dma_semaphore, #tpu.memory_space<semaphore_mem>>)
      %dma_wait3A = tpu.memref_slice %arg5[%add3A_15] : memref<20480xf32, #tpu.memory_space<hbm>> -> memref<640xf32, #tpu.memory_space<hbm>>
      %dma_wait3A_17 = tpu.memref_slice %arg5[%add3A_15] : memref<20480xf32, #tpu.memory_space<hbm>> -> memref<640xf32, #tpu.memory_space<hbm>>
      tpu.wait_dma2 semaphore(%run_scoped3A : memref<!tpu.dma_semaphore, #tpu.memory_space<semaphore_mem>>) src(%arg8 : memref<640xf32, #tpu.memory_space<vmem>>) dst(%dma_wait3A_17 : memref<640xf32, #tpu.memory_space<hbm>>)
      tpu.yield
    }) : () -> ()
    return
  }
}

#map = affine_map<(d0, d1) -> (0, 0)>
#map1 = affine_map<(d0, d1) -> (0)>
module attributes {stable_mosaic.version = 14 : i64} {
  func.func @k(%arg0: i32, %arg1: i32, %arg2: memref<10240x128xf32, #tpu.memory_space<hbm>>, %arg3: memref<256x40xi32, #tpu.memory_space<hbm>>, %arg4: memref<128x128xf32, #tpu.memory_space<hbm>>, %arg5: memref<640xf32, #tpu.memory_space<hbm>>, %arg6: memref<128xf32, #tpu.memory_space<hbm>>, %arg7: memref<2048x128xf32, #tpu.memory_space<hbm>>, %arg8: memref<2048xf32, #tpu.memory_space<hbm>>, %arg9: memref<8x40xi32, #tpu.memory_space<vmem>>, %arg10: memref<40xf32, #tpu.memory_space<vmem>>, %arg11: memref<40x128xf32, #tpu.memory_space<vmem>>, %arg12: memref<64xf32, #tpu.memory_space<vmem>>, %arg13: memref<64x128xf32, #tpu.memory_space<vmem>>, %arg14: memref<1024x128xf32, #tpu.memory_space<vmem_shared>>, %arg15: memref<1024xf32, #tpu.memory_space<vmem_shared>>) attributes {dimension_semantics = [#tpu.dimension_semantics<core_parallel>, #tpu.dimension_semantics<subcore_parallel>], iteration_bounds = array<i64: 2, 16>, scalar_prefetch = 0 : i64, scratch_operands = 7 : i64, tpu.core_type = #tpu.core_type<sc_vector_subcore>, window_params = [{transform_indices = #map}, {transform_indices = #map}, {transform_indices = #map}, {transform_indices = #map1}, {transform_indices = #map1}, {transform_indices = #map}, {transform_indices = #map1}]} {
    %mul3A = arith.constant 16 : i32
    %mul3A_0 = arith.muli %arg0, %mul3A : i32
    %add3A = arith.addi %mul3A_0, %arg1 : i32
    %mul3A_1 = arith.constant 8 : i32
    %mul3A_2 = arith.muli %add3A, %mul3A_1 : i32
    "tpu.region"() ({
      %run_scoped3A_56 = tpu.sem_alloc : memref<!tpu.dma_semaphore, #tpu.memory_space<semaphore_mem>>
      %dma_start3A = arith.constant 0 : i32
      %dma_start3A_57 = tpu.memref_slice %arg3[%mul3A_2, %dma_start3A] : memref<256x40xi32, #tpu.memory_space<hbm>> -> memref<8x40xi32, #tpu.memory_space<hbm>>
      %dma_start3A_58 = arith.constant 0 : i32
      %dma_start3A_59 = tpu.memref_slice %arg3[%mul3A_2, %dma_start3A_58] : memref<256x40xi32, #tpu.memory_space<hbm>> -> memref<8x40xi32, #tpu.memory_space<hbm>>
      tpu.enqueue_dma source(%dma_start3A_59 : memref<8x40xi32, #tpu.memory_space<hbm>>) target(%arg9 : memref<8x40xi32, #tpu.memory_space<vmem>>) target_semaphore(%run_scoped3A_56 : memref<!tpu.dma_semaphore, #tpu.memory_space<semaphore_mem>>)
      %dma_wait3A = arith.constant 0 : i32
      %dma_wait3A_60 = tpu.memref_slice %arg3[%mul3A_2, %dma_wait3A] : memref<256x40xi32, #tpu.memory_space<hbm>> -> memref<8x40xi32, #tpu.memory_space<hbm>>
      %dma_wait3A_61 = arith.constant 0 : i32
      %dma_wait3A_62 = tpu.memref_slice %arg3[%mul3A_2, %dma_wait3A_61] : memref<256x40xi32, #tpu.memory_space<hbm>> -> memref<8x40xi32, #tpu.memory_space<hbm>>
      tpu.wait_dma2 semaphore(%run_scoped3A_56 : memref<!tpu.dma_semaphore, #tpu.memory_space<semaphore_mem>>) src(%dma_wait3A_62 : memref<8x40xi32, #tpu.memory_space<hbm>>) dst(%arg9 : memref<8x40xi32, #tpu.memory_space<vmem>>)
      tpu.yield
    }) : () -> ()
    "tpu.region"() ({
      %run_scoped3A_56 = tpu.sem_alloc : memref<!tpu.dma_semaphore, #tpu.memory_space<semaphore_mem>>
      %dma_start3A = arith.constant 0 : i32
      %dma_start3A_57 = tpu.memref_slice %arg6[%dma_start3A] : memref<128xf32, #tpu.memory_space<hbm>> -> memref<40xf32, #tpu.memory_space<hbm>>
      %dma_start3A_58 = arith.constant 0 : i32
      %dma_start3A_59 = tpu.memref_slice %arg6[%dma_start3A_58] : memref<128xf32, #tpu.memory_space<hbm>> -> memref<40xf32, #tpu.memory_space<hbm>>
      tpu.enqueue_dma source(%dma_start3A_59 : memref<40xf32, #tpu.memory_space<hbm>>) target(%arg10 : memref<40xf32, #tpu.memory_space<vmem>>) target_semaphore(%run_scoped3A_56 : memref<!tpu.dma_semaphore, #tpu.memory_space<semaphore_mem>>)
      %dma_wait3A = arith.constant 0 : i32
      %dma_wait3A_60 = tpu.memref_slice %arg6[%dma_wait3A] : memref<128xf32, #tpu.memory_space<hbm>> -> memref<40xf32, #tpu.memory_space<hbm>>
      %dma_wait3A_61 = arith.constant 0 : i32
      %dma_wait3A_62 = tpu.memref_slice %arg6[%dma_wait3A_61] : memref<128xf32, #tpu.memory_space<hbm>> -> memref<40xf32, #tpu.memory_space<hbm>>
      tpu.wait_dma2 semaphore(%run_scoped3A_56 : memref<!tpu.dma_semaphore, #tpu.memory_space<semaphore_mem>>) src(%dma_wait3A_62 : memref<40xf32, #tpu.memory_space<hbm>>) dst(%arg10 : memref<40xf32, #tpu.memory_space<vmem>>)
      tpu.yield
    }) : () -> ()
    %mul3A_3 = arith.constant 64 : i32
    %mul3A_4 = arith.muli %arg1, %mul3A_3 : i32
    "tpu.region"() ({
      %run_scoped3A_56 = tpu.sem_alloc : memref<!tpu.dma_semaphore, #tpu.memory_space<semaphore_mem>>
      %dma_start3A = arith.constant 0 : i32
      %dma_start3A_57 = arith.constant 0 : i32
      %dma_start3A_58 = tpu.memref_slice %arg4[%dma_start3A, %dma_start3A_57] : memref<128x128xf32, #tpu.memory_space<hbm>> -> memref<64x128xf32, #tpu.memory_space<hbm>>
      %dma_start3A_59 = arith.constant 0 : i32
      %dma_start3A_60 = arith.constant 0 : i32
      %dma_start3A_61 = tpu.memref_slice %arg4[%dma_start3A_59, %dma_start3A_60] : memref<128x128xf32, #tpu.memory_space<hbm>> -> memref<64x128xf32, #tpu.memory_space<hbm>>
      tpu.enqueue_dma source(%dma_start3A_61 : memref<64x128xf32, #tpu.memory_space<hbm>>) target(%arg13 : memref<64x128xf32, #tpu.memory_space<vmem>>) target_semaphore(%run_scoped3A_56 : memref<!tpu.dma_semaphore, #tpu.memory_space<semaphore_mem>>)
      %dma_wait3A = arith.constant 0 : i32
      %dma_wait3A_62 = arith.constant 0 : i32
      %dma_wait3A_63 = tpu.memref_slice %arg4[%dma_wait3A, %dma_wait3A_62] : memref<128x128xf32, #tpu.memory_space<hbm>> -> memref<64x128xf32, #tpu.memory_space<hbm>>
      %dma_wait3A_64 = arith.constant 0 : i32
      %dma_wait3A_65 = arith.constant 0 : i32
      %dma_wait3A_66 = tpu.memref_slice %arg4[%dma_wait3A_64, %dma_wait3A_65] : memref<128x128xf32, #tpu.memory_space<hbm>> -> memref<64x128xf32, #tpu.memory_space<hbm>>
      tpu.wait_dma2 semaphore(%run_scoped3A_56 : memref<!tpu.dma_semaphore, #tpu.memory_space<semaphore_mem>>) src(%dma_wait3A_66 : memref<64x128xf32, #tpu.memory_space<hbm>>) dst(%arg13 : memref<64x128xf32, #tpu.memory_space<vmem>>)
      tpu.yield
    }) : () -> ()
    "tpu.region"() ({
      %run_scoped3A_56 = tpu.sem_alloc : memref<!tpu.dma_semaphore, #tpu.memory_space<semaphore_mem>>
      %dma_start3A = arith.constant 0 : i32
      %dma_start3A_57 = tpu.memref_slice %arg14[%mul3A_4, %dma_start3A] : memref<1024x128xf32, #tpu.memory_space<vmem_shared>> -> memref<64x128xf32, #tpu.memory_space<vmem_shared>>
      %dma_start3A_58 = arith.constant 0 : i32
      %dma_start3A_59 = tpu.memref_slice %arg14[%mul3A_4, %dma_start3A_58] : memref<1024x128xf32, #tpu.memory_space<vmem_shared>> -> memref<64x128xf32, #tpu.memory_space<vmem_shared>>
      tpu.enqueue_dma source(%arg13 : memref<64x128xf32, #tpu.memory_space<vmem>>) target(%dma_start3A_59 : memref<64x128xf32, #tpu.memory_space<vmem_shared>>) target_semaphore(%run_scoped3A_56 : memref<!tpu.dma_semaphore, #tpu.memory_space<semaphore_mem>>)
      %dma_wait3A = arith.constant 0 : i32
      %dma_wait3A_60 = tpu.memref_slice %arg14[%mul3A_4, %dma_wait3A] : memref<1024x128xf32, #tpu.memory_space<vmem_shared>> -> memref<64x128xf32, #tpu.memory_space<vmem_shared>>
      %dma_wait3A_61 = arith.constant 0 : i32
      %dma_wait3A_62 = tpu.memref_slice %arg14[%mul3A_4, %dma_wait3A_61] : memref<1024x128xf32, #tpu.memory_space<vmem_shared>> -> memref<64x128xf32, #tpu.memory_space<vmem_shared>>
      tpu.wait_dma2 semaphore(%run_scoped3A_56 : memref<!tpu.dma_semaphore, #tpu.memory_space<semaphore_mem>>) src(%arg13 : memref<64x128xf32, #tpu.memory_space<vmem>>) dst(%dma_wait3A_62 : memref<64x128xf32, #tpu.memory_space<vmem_shared>>)
      tpu.yield
    }) : () -> ()
    "tpu.region"() ({
      %run_scoped3A_56 = tpu.sem_alloc : memref<!tpu.dma_semaphore, #tpu.memory_space<semaphore_mem>>
      %dma_start3A = arith.constant 0 : i32
      %dma_start3A_57 = tpu.memref_slice %arg5[%dma_start3A] : memref<640xf32, #tpu.memory_space<hbm>> -> memref<64xf32, #tpu.memory_space<hbm>>
      %dma_start3A_58 = arith.constant 0 : i32
      %dma_start3A_59 = tpu.memref_slice %arg5[%dma_start3A_58] : memref<640xf32, #tpu.memory_space<hbm>> -> memref<64xf32, #tpu.memory_space<hbm>>
      tpu.enqueue_dma source(%dma_start3A_59 : memref<64xf32, #tpu.memory_space<hbm>>) target(%arg12 : memref<64xf32, #tpu.memory_space<vmem>>) target_semaphore(%run_scoped3A_56 : memref<!tpu.dma_semaphore, #tpu.memory_space<semaphore_mem>>)
      %dma_wait3A = arith.constant 0 : i32
      %dma_wait3A_60 = tpu.memref_slice %arg5[%dma_wait3A] : memref<640xf32, #tpu.memory_space<hbm>> -> memref<64xf32, #tpu.memory_space<hbm>>
      %dma_wait3A_61 = arith.constant 0 : i32
      %dma_wait3A_62 = tpu.memref_slice %arg5[%dma_wait3A_61] : memref<640xf32, #tpu.memory_space<hbm>> -> memref<64xf32, #tpu.memory_space<hbm>>
      tpu.wait_dma2 semaphore(%run_scoped3A_56 : memref<!tpu.dma_semaphore, #tpu.memory_space<semaphore_mem>>) src(%dma_wait3A_62 : memref<64xf32, #tpu.memory_space<hbm>>) dst(%arg12 : memref<64xf32, #tpu.memory_space<vmem>>)
      tpu.yield
    }) : () -> ()
    "tpu.region"() ({
      %run_scoped3A_56 = tpu.sem_alloc : memref<!tpu.dma_semaphore, #tpu.memory_space<semaphore_mem>>
      %dma_start3A = tpu.memref_slice %arg15[%mul3A_4] : memref<1024xf32, #tpu.memory_space<vmem_shared>> -> memref<64xf32, #tpu.memory_space<vmem_shared>>
      %dma_start3A_57 = tpu.memref_slice %arg15[%mul3A_4] : memref<1024xf32, #tpu.memory_space<vmem_shared>> -> memref<64xf32, #tpu.memory_space<vmem_shared>>
      tpu.enqueue_dma source(%arg12 : memref<64xf32, #tpu.memory_space<vmem>>) target(%dma_start3A_57 : memref<64xf32, #tpu.memory_space<vmem_shared>>) target_semaphore(%run_scoped3A_56 : memref<!tpu.dma_semaphore, #tpu.memory_space<semaphore_mem>>)
      %dma_wait3A = tpu.memref_slice %arg15[%mul3A_4] : memref<1024xf32, #tpu.memory_space<vmem_shared>> -> memref<64xf32, #tpu.memory_space<vmem_shared>>
      %dma_wait3A_58 = tpu.memref_slice %arg15[%mul3A_4] : memref<1024xf32, #tpu.memory_space<vmem_shared>> -> memref<64xf32, #tpu.memory_space<vmem_shared>>
      tpu.wait_dma2 semaphore(%run_scoped3A_56 : memref<!tpu.dma_semaphore, #tpu.memory_space<semaphore_mem>>) src(%arg12 : memref<64xf32, #tpu.memory_space<vmem>>) dst(%dma_wait3A_58 : memref<64xf32, #tpu.memory_space<vmem_shared>>)
      tpu.yield
    }) : () -> ()
    %barrier3A = arith.constant 0 : index
    tpu.barrier barrier_id(%barrier3A)
    %mul3A_5 = arith.constant 320 : i32
    %mul3A_6 = arith.muli %add3A, %mul3A_5 : i32
    %add3A_7 = arith.constant 0 : i32
    %add3A_8 = arith.addi %mul3A_6, %add3A_7 : i32
    "tpu.region"() ({
      %run_scoped3A_56 = tpu.sem_alloc : memref<!tpu.dma_semaphore, #tpu.memory_space<semaphore_mem>>
      %dma_start3A = arith.constant 0 : i32
      %dma_start3A_57 = tpu.memref_slice %arg2[%add3A_8, %dma_start3A] : memref<10240x128xf32, #tpu.memory_space<hbm>> -> memref<40x128xf32, #tpu.memory_space<hbm>>
      %dma_start3A_58 = arith.constant 0 : i32
      %dma_start3A_59 = tpu.memref_slice %arg2[%add3A_8, %dma_start3A_58] : memref<10240x128xf32, #tpu.memory_space<hbm>> -> memref<40x128xf32, #tpu.memory_space<hbm>>
      tpu.enqueue_dma source(%dma_start3A_59 : memref<40x128xf32, #tpu.memory_space<hbm>>) target(%arg11 : memref<40x128xf32, #tpu.memory_space<vmem>>) target_semaphore(%run_scoped3A_56 : memref<!tpu.dma_semaphore, #tpu.memory_space<semaphore_mem>>)
      %dma_wait3A = arith.constant 0 : i32
      %dma_wait3A_60 = tpu.memref_slice %arg2[%add3A_8, %dma_wait3A] : memref<10240x128xf32, #tpu.memory_space<hbm>> -> memref<40x128xf32, #tpu.memory_space<hbm>>
      %dma_wait3A_61 = arith.constant 0 : i32
      %dma_wait3A_62 = tpu.memref_slice %arg2[%add3A_8, %dma_wait3A_61] : memref<10240x128xf32, #tpu.memory_space<hbm>> -> memref<40x128xf32, #tpu.memory_space<hbm>>
      tpu.wait_dma2 semaphore(%run_scoped3A_56 : memref<!tpu.dma_semaphore, #tpu.memory_space<semaphore_mem>>) src(%dma_wait3A_62 : memref<40x128xf32, #tpu.memory_space<hbm>>) dst(%arg11 : memref<40x128xf32, #tpu.memory_space<vmem>>)
      tpu.yield
    }) : () -> ()
    %run_scoped3A = arith.constant 0 : i32
    "tpu.region"() ({
      %run_scoped3A_56 = tpu.sem_alloc : memref<!tpu.dma_semaphore, #tpu.memory_space<semaphore_mem>>
      %dma_start3A = arith.constant 0 : i32
      %dma_start3A_57 = tpu.memref_slice %arg9[%run_scoped3A, %dma_start3A] : memref<8x40xi32, #tpu.memory_space<vmem>> -> memref<1x40xi32, #tpu.memory_space<vmem>>
      %dma_start3A_58 = tpu.memref_squeeze %dma_start3A_57 : memref<1x40xi32, #tpu.memory_space<vmem>> -> memref<40xi32, #tpu.memory_space<vmem>>
      %dma_start3A_59 = arith.constant 0 : i32
      %dma_start3A_60 = arith.constant 0 : i32
      %dma_start3A_61 = tpu.memref_slice %arg14[%dma_start3A_59, %dma_start3A_60] : memref<1024x128xf32, #tpu.memory_space<vmem_shared>> -> memref<1024x128xf32, #tpu.memory_space<vmem_shared>>
      tpu.enqueue_indirect_dma source(%arg11 : memref<40x128xf32, #tpu.memory_space<vmem>>) target(%dma_start3A_61 : memref<1024x128xf32, #tpu.memory_space<vmem_shared>>) offsets(%dma_start3A_58 : memref<40xi32, #tpu.memory_space<vmem>>) semaphore(%run_scoped3A_56 : memref<!tpu.dma_semaphore, #tpu.memory_space<semaphore_mem>>) {add = true}
      %dma_wait3A = arith.constant 0 : i32
      %dma_wait3A_62 = tpu.memref_slice %arg9[%run_scoped3A, %dma_wait3A] : memref<8x40xi32, #tpu.memory_space<vmem>> -> memref<1x40xi32, #tpu.memory_space<vmem>>
      %dma_wait3A_63 = tpu.memref_squeeze %dma_wait3A_62 : memref<1x40xi32, #tpu.memory_space<vmem>> -> memref<40xi32, #tpu.memory_space<vmem>>
      %dma_wait3A_64 = arith.constant 0 : i32
      %dma_wait3A_65 = arith.constant 0 : i32
      %dma_wait3A_66 = tpu.memref_slice %arg14[%dma_wait3A_64, %dma_wait3A_65] : memref<1024x128xf32, #tpu.memory_space<vmem_shared>> -> memref<1024x128xf32, #tpu.memory_space<vmem_shared>>
      tpu.wait_indirect_dma semaphore(%run_scoped3A_56 : memref<!tpu.dma_semaphore, #tpu.memory_space<semaphore_mem>>) src(%arg11 : memref<40x128xf32, #tpu.memory_space<vmem>>) dst(%dma_wait3A_66 : memref<1024x128xf32, #tpu.memory_space<vmem_shared>>)
      tpu.yield
    }) : () -> ()
    %run_scoped3A_9 = arith.constant 0 : i32
    "tpu.region"() ({
      %run_scoped3A_56 = tpu.sem_alloc : memref<!tpu.dma_semaphore, #tpu.memory_space<semaphore_mem>>
      %dma_start3A = arith.constant 0 : i32
      %dma_start3A_57 = tpu.memref_slice %arg9[%run_scoped3A_9, %dma_start3A] : memref<8x40xi32, #tpu.memory_space<vmem>> -> memref<1x40xi32, #tpu.memory_space<vmem>>
      %dma_start3A_58 = tpu.memref_squeeze %dma_start3A_57 : memref<1x40xi32, #tpu.memory_space<vmem>> -> memref<40xi32, #tpu.memory_space<vmem>>
      %dma_start3A_59 = arith.constant 0 : i32
      %dma_start3A_60 = tpu.memref_slice %arg15[%dma_start3A_59] : memref<1024xf32, #tpu.memory_space<vmem_shared>> -> memref<1024xf32, #tpu.memory_space<vmem_shared>>
      tpu.enqueue_indirect_dma source(%arg10 : memref<40xf32, #tpu.memory_space<vmem>>) target(%dma_start3A_60 : memref<1024xf32, #tpu.memory_space<vmem_shared>>) offsets(%dma_start3A_58 : memref<40xi32, #tpu.memory_space<vmem>>) semaphore(%run_scoped3A_56 : memref<!tpu.dma_semaphore, #tpu.memory_space<semaphore_mem>>) {add = true}
      %dma_wait3A = arith.constant 0 : i32
      %dma_wait3A_61 = tpu.memref_slice %arg9[%run_scoped3A_9, %dma_wait3A] : memref<8x40xi32, #tpu.memory_space<vmem>> -> memref<1x40xi32, #tpu.memory_space<vmem>>
      %dma_wait3A_62 = tpu.memref_squeeze %dma_wait3A_61 : memref<1x40xi32, #tpu.memory_space<vmem>> -> memref<40xi32, #tpu.memory_space<vmem>>
      %dma_wait3A_63 = arith.constant 0 : i32
      %dma_wait3A_64 = tpu.memref_slice %arg15[%dma_wait3A_63] : memref<1024xf32, #tpu.memory_space<vmem_shared>> -> memref<1024xf32, #tpu.memory_space<vmem_shared>>
      tpu.wait_indirect_dma semaphore(%run_scoped3A_56 : memref<!tpu.dma_semaphore, #tpu.memory_space<semaphore_mem>>) src(%arg10 : memref<40xf32, #tpu.memory_space<vmem>>) dst(%dma_wait3A_64 : memref<1024xf32, #tpu.memory_space<vmem_shared>>)
      tpu.yield
    }) : () -> ()
    %mul3A_10 = arith.constant 320 : i32
    %mul3A_11 = arith.muli %add3A, %mul3A_10 : i32
    %add3A_12 = arith.constant 40 : i32
    %add3A_13 = arith.addi %mul3A_11, %add3A_12 : i32
    "tpu.region"() ({
      %run_scoped3A_56 = tpu.sem_alloc : memref<!tpu.dma_semaphore, #tpu.memory_space<semaphore_mem>>
      %dma_start3A = arith.constant 0 : i32
      %dma_start3A_57 = tpu.memref_slice %arg2[%add3A_13, %dma_start3A] : memref<10240x128xf32, #tpu.memory_space<hbm>> -> memref<40x128xf32, #tpu.memory_space<hbm>>
      %dma_start3A_58 = arith.constant 0 : i32
      %dma_start3A_59 = tpu.memref_slice %arg2[%add3A_13, %dma_start3A_58] : memref<10240x128xf32, #tpu.memory_space<hbm>> -> memref<40x128xf32, #tpu.memory_space<hbm>>
      tpu.enqueue_dma source(%dma_start3A_59 : memref<40x128xf32, #tpu.memory_space<hbm>>) target(%arg11 : memref<40x128xf32, #tpu.memory_space<vmem>>) target_semaphore(%run_scoped3A_56 : memref<!tpu.dma_semaphore, #tpu.memory_space<semaphore_mem>>)
      %dma_wait3A = arith.constant 0 : i32
      %dma_wait3A_60 = tpu.memref_slice %arg2[%add3A_13, %dma_wait3A] : memref<10240x128xf32, #tpu.memory_space<hbm>> -> memref<40x128xf32, #tpu.memory_space<hbm>>
      %dma_wait3A_61 = arith.constant 0 : i32
      %dma_wait3A_62 = tpu.memref_slice %arg2[%add3A_13, %dma_wait3A_61] : memref<10240x128xf32, #tpu.memory_space<hbm>> -> memref<40x128xf32, #tpu.memory_space<hbm>>
      tpu.wait_dma2 semaphore(%run_scoped3A_56 : memref<!tpu.dma_semaphore, #tpu.memory_space<semaphore_mem>>) src(%dma_wait3A_62 : memref<40x128xf32, #tpu.memory_space<hbm>>) dst(%arg11 : memref<40x128xf32, #tpu.memory_space<vmem>>)
      tpu.yield
    }) : () -> ()
    %run_scoped3A_14 = arith.constant 1 : i32
    "tpu.region"() ({
      %run_scoped3A_56 = tpu.sem_alloc : memref<!tpu.dma_semaphore, #tpu.memory_space<semaphore_mem>>
      %dma_start3A = arith.constant 0 : i32
      %dma_start3A_57 = tpu.memref_slice %arg9[%run_scoped3A_14, %dma_start3A] : memref<8x40xi32, #tpu.memory_space<vmem>> -> memref<1x40xi32, #tpu.memory_space<vmem>>
      %dma_start3A_58 = tpu.memref_squeeze %dma_start3A_57 : memref<1x40xi32, #tpu.memory_space<vmem>> -> memref<40xi32, #tpu.memory_space<vmem>>
      %dma_start3A_59 = arith.constant 0 : i32
      %dma_start3A_60 = arith.constant 0 : i32
      %dma_start3A_61 = tpu.memref_slice %arg14[%dma_start3A_59, %dma_start3A_60] : memref<1024x128xf32, #tpu.memory_space<vmem_shared>> -> memref<1024x128xf32, #tpu.memory_space<vmem_shared>>
      tpu.enqueue_indirect_dma source(%arg11 : memref<40x128xf32, #tpu.memory_space<vmem>>) target(%dma_start3A_61 : memref<1024x128xf32, #tpu.memory_space<vmem_shared>>) offsets(%dma_start3A_58 : memref<40xi32, #tpu.memory_space<vmem>>) semaphore(%run_scoped3A_56 : memref<!tpu.dma_semaphore, #tpu.memory_space<semaphore_mem>>) {add = true}
      %dma_wait3A = arith.constant 0 : i32
      %dma_wait3A_62 = tpu.memref_slice %arg9[%run_scoped3A_14, %dma_wait3A] : memref<8x40xi32, #tpu.memory_space<vmem>> -> memref<1x40xi32, #tpu.memory_space<vmem>>
      %dma_wait3A_63 = tpu.memref_squeeze %dma_wait3A_62 : memref<1x40xi32, #tpu.memory_space<vmem>> -> memref<40xi32, #tpu.memory_space<vmem>>
      %dma_wait3A_64 = arith.constant 0 : i32
      %dma_wait3A_65 = arith.constant 0 : i32
      %dma_wait3A_66 = tpu.memref_slice %arg14[%dma_wait3A_64, %dma_wait3A_65] : memref<1024x128xf32, #tpu.memory_space<vmem_shared>> -> memref<1024x128xf32, #tpu.memory_space<vmem_shared>>
      tpu.wait_indirect_dma semaphore(%run_scoped3A_56 : memref<!tpu.dma_semaphore, #tpu.memory_space<semaphore_mem>>) src(%arg11 : memref<40x128xf32, #tpu.memory_space<vmem>>) dst(%dma_wait3A_66 : memref<1024x128xf32, #tpu.memory_space<vmem_shared>>)
      tpu.yield
    }) : () -> ()
    %run_scoped3A_15 = arith.constant 1 : i32
    "tpu.region"() ({
      %run_scoped3A_56 = tpu.sem_alloc : memref<!tpu.dma_semaphore, #tpu.memory_space<semaphore_mem>>
      %dma_start3A = arith.constant 0 : i32
      %dma_start3A_57 = tpu.memref_slice %arg9[%run_scoped3A_15, %dma_start3A] : memref<8x40xi32, #tpu.memory_space<vmem>> -> memref<1x40xi32, #tpu.memory_space<vmem>>
      %dma_start3A_58 = tpu.memref_squeeze %dma_start3A_57 : memref<1x40xi32, #tpu.memory_space<vmem>> -> memref<40xi32, #tpu.memory_space<vmem>>
      %dma_start3A_59 = arith.constant 0 : i32
      %dma_start3A_60 = tpu.memref_slice %arg15[%dma_start3A_59] : memref<1024xf32, #tpu.memory_space<vmem_shared>> -> memref<1024xf32, #tpu.memory_space<vmem_shared>>
      tpu.enqueue_indirect_dma source(%arg10 : memref<40xf32, #tpu.memory_space<vmem>>) target(%dma_start3A_60 : memref<1024xf32, #tpu.memory_space<vmem_shared>>) offsets(%dma_start3A_58 : memref<40xi32, #tpu.memory_space<vmem>>) semaphore(%run_scoped3A_56 : memref<!tpu.dma_semaphore, #tpu.memory_space<semaphore_mem>>) {add = true}
      %dma_wait3A = arith.constant 0 : i32
      %dma_wait3A_61 = tpu.memref_slice %arg9[%run_scoped3A_15, %dma_wait3A] : memref<8x40xi32, #tpu.memory_space<vmem>> -> memref<1x40xi32, #tpu.memory_space<vmem>>
      %dma_wait3A_62 = tpu.memref_squeeze %dma_wait3A_61 : memref<1x40xi32, #tpu.memory_space<vmem>> -> memref<40xi32, #tpu.memory_space<vmem>>
      %dma_wait3A_63 = arith.constant 0 : i32
      %dma_wait3A_64 = tpu.memref_slice %arg15[%dma_wait3A_63] : memref<1024xf32, #tpu.memory_space<vmem_shared>> -> memref<1024xf32, #tpu.memory_space<vmem_shared>>
      tpu.wait_indirect_dma semaphore(%run_scoped3A_56 : memref<!tpu.dma_semaphore, #tpu.memory_space<semaphore_mem>>) src(%arg10 : memref<40xf32, #tpu.memory_space<vmem>>) dst(%dma_wait3A_64 : memref<1024xf32, #tpu.memory_space<vmem_shared>>)
      tpu.yield
    }) : () -> ()
    %mul3A_16 = arith.constant 320 : i32
    %mul3A_17 = arith.muli %add3A, %mul3A_16 : i32
    %add3A_18 = arith.constant 80 : i32
    %add3A_19 = arith.addi %mul3A_17, %add3A_18 : i32
    "tpu.region"() ({
      %run_scoped3A_56 = tpu.sem_alloc : memref<!tpu.dma_semaphore, #tpu.memory_space<semaphore_mem>>
      %dma_start3A = arith.constant 0 : i32
      %dma_start3A_57 = tpu.memref_slice %arg2[%add3A_19, %dma_start3A] : memref<10240x128xf32, #tpu.memory_space<hbm>> -> memref<40x128xf32, #tpu.memory_space<hbm>>
      %dma_start3A_58 = arith.constant 0 : i32
      %dma_start3A_59 = tpu.memref_slice %arg2[%add3A_19, %dma_start3A_58] : memref<10240x128xf32, #tpu.memory_space<hbm>> -> memref<40x128xf32, #tpu.memory_space<hbm>>
      tpu.enqueue_dma source(%dma_start3A_59 : memref<40x128xf32, #tpu.memory_space<hbm>>) target(%arg11 : memref<40x128xf32, #tpu.memory_space<vmem>>) target_semaphore(%run_scoped3A_56 : memref<!tpu.dma_semaphore, #tpu.memory_space<semaphore_mem>>)
      %dma_wait3A = arith.constant 0 : i32
      %dma_wait3A_60 = tpu.memref_slice %arg2[%add3A_19, %dma_wait3A] : memref<10240x128xf32, #tpu.memory_space<hbm>> -> memref<40x128xf32, #tpu.memory_space<hbm>>
      %dma_wait3A_61 = arith.constant 0 : i32
      %dma_wait3A_62 = tpu.memref_slice %arg2[%add3A_19, %dma_wait3A_61] : memref<10240x128xf32, #tpu.memory_space<hbm>> -> memref<40x128xf32, #tpu.memory_space<hbm>>
      tpu.wait_dma2 semaphore(%run_scoped3A_56 : memref<!tpu.dma_semaphore, #tpu.memory_space<semaphore_mem>>) src(%dma_wait3A_62 : memref<40x128xf32, #tpu.memory_space<hbm>>) dst(%arg11 : memref<40x128xf32, #tpu.memory_space<vmem>>)
      tpu.yield
    }) : () -> ()
    %run_scoped3A_20 = arith.constant 2 : i32
    "tpu.region"() ({
      %run_scoped3A_56 = tpu.sem_alloc : memref<!tpu.dma_semaphore, #tpu.memory_space<semaphore_mem>>
      %dma_start3A = arith.constant 0 : i32
      %dma_start3A_57 = tpu.memref_slice %arg9[%run_scoped3A_20, %dma_start3A] : memref<8x40xi32, #tpu.memory_space<vmem>> -> memref<1x40xi32, #tpu.memory_space<vmem>>
      %dma_start3A_58 = tpu.memref_squeeze %dma_start3A_57 : memref<1x40xi32, #tpu.memory_space<vmem>> -> memref<40xi32, #tpu.memory_space<vmem>>
      %dma_start3A_59 = arith.constant 0 : i32
      %dma_start3A_60 = arith.constant 0 : i32
      %dma_start3A_61 = tpu.memref_slice %arg14[%dma_start3A_59, %dma_start3A_60] : memref<1024x128xf32, #tpu.memory_space<vmem_shared>> -> memref<1024x128xf32, #tpu.memory_space<vmem_shared>>
      tpu.enqueue_indirect_dma source(%arg11 : memref<40x128xf32, #tpu.memory_space<vmem>>) target(%dma_start3A_61 : memref<1024x128xf32, #tpu.memory_space<vmem_shared>>) offsets(%dma_start3A_58 : memref<40xi32, #tpu.memory_space<vmem>>) semaphore(%run_scoped3A_56 : memref<!tpu.dma_semaphore, #tpu.memory_space<semaphore_mem>>) {add = true}
      %dma_wait3A = arith.constant 0 : i32
      %dma_wait3A_62 = tpu.memref_slice %arg9[%run_scoped3A_20, %dma_wait3A] : memref<8x40xi32, #tpu.memory_space<vmem>> -> memref<1x40xi32, #tpu.memory_space<vmem>>
      %dma_wait3A_63 = tpu.memref_squeeze %dma_wait3A_62 : memref<1x40xi32, #tpu.memory_space<vmem>> -> memref<40xi32, #tpu.memory_space<vmem>>
      %dma_wait3A_64 = arith.constant 0 : i32
      %dma_wait3A_65 = arith.constant 0 : i32
      %dma_wait3A_66 = tpu.memref_slice %arg14[%dma_wait3A_64, %dma_wait3A_65] : memref<1024x128xf32, #tpu.memory_space<vmem_shared>> -> memref<1024x128xf32, #tpu.memory_space<vmem_shared>>
      tpu.wait_indirect_dma semaphore(%run_scoped3A_56 : memref<!tpu.dma_semaphore, #tpu.memory_space<semaphore_mem>>) src(%arg11 : memref<40x128xf32, #tpu.memory_space<vmem>>) dst(%dma_wait3A_66 : memref<1024x128xf32, #tpu.memory_space<vmem_shared>>)
      tpu.yield
    }) : () -> ()
    %run_scoped3A_21 = arith.constant 2 : i32
    "tpu.region"() ({
      %run_scoped3A_56 = tpu.sem_alloc : memref<!tpu.dma_semaphore, #tpu.memory_space<semaphore_mem>>
      %dma_start3A = arith.constant 0 : i32
      %dma_start3A_57 = tpu.memref_slice %arg9[%run_scoped3A_21, %dma_start3A] : memref<8x40xi32, #tpu.memory_space<vmem>> -> memref<1x40xi32, #tpu.memory_space<vmem>>
      %dma_start3A_58 = tpu.memref_squeeze %dma_start3A_57 : memref<1x40xi32, #tpu.memory_space<vmem>> -> memref<40xi32, #tpu.memory_space<vmem>>
      %dma_start3A_59 = arith.constant 0 : i32
      %dma_start3A_60 = tpu.memref_slice %arg15[%dma_start3A_59] : memref<1024xf32, #tpu.memory_space<vmem_shared>> -> memref<1024xf32, #tpu.memory_space<vmem_shared>>
      tpu.enqueue_indirect_dma source(%arg10 : memref<40xf32, #tpu.memory_space<vmem>>) target(%dma_start3A_60 : memref<1024xf32, #tpu.memory_space<vmem_shared>>) offsets(%dma_start3A_58 : memref<40xi32, #tpu.memory_space<vmem>>) semaphore(%run_scoped3A_56 : memref<!tpu.dma_semaphore, #tpu.memory_space<semaphore_mem>>) {add = true}
      %dma_wait3A = arith.constant 0 : i32
      %dma_wait3A_61 = tpu.memref_slice %arg9[%run_scoped3A_21, %dma_wait3A] : memref<8x40xi32, #tpu.memory_space<vmem>> -> memref<1x40xi32, #tpu.memory_space<vmem>>
      %dma_wait3A_62 = tpu.memref_squeeze %dma_wait3A_61 : memref<1x40xi32, #tpu.memory_space<vmem>> -> memref<40xi32, #tpu.memory_space<vmem>>
      %dma_wait3A_63 = arith.constant 0 : i32
      %dma_wait3A_64 = tpu.memref_slice %arg15[%dma_wait3A_63] : memref<1024xf32, #tpu.memory_space<vmem_shared>> -> memref<1024xf32, #tpu.memory_space<vmem_shared>>
      tpu.wait_indirect_dma semaphore(%run_scoped3A_56 : memref<!tpu.dma_semaphore, #tpu.memory_space<semaphore_mem>>) src(%arg10 : memref<40xf32, #tpu.memory_space<vmem>>) dst(%dma_wait3A_64 : memref<1024xf32, #tpu.memory_space<vmem_shared>>)
      tpu.yield
    }) : () -> ()
    %mul3A_22 = arith.constant 320 : i32
    %mul3A_23 = arith.muli %add3A, %mul3A_22 : i32
    %add3A_24 = arith.constant 120 : i32
    %add3A_25 = arith.addi %mul3A_23, %add3A_24 : i32
    "tpu.region"() ({
      %run_scoped3A_56 = tpu.sem_alloc : memref<!tpu.dma_semaphore, #tpu.memory_space<semaphore_mem>>
      %dma_start3A = arith.constant 0 : i32
      %dma_start3A_57 = tpu.memref_slice %arg2[%add3A_25, %dma_start3A] : memref<10240x128xf32, #tpu.memory_space<hbm>> -> memref<40x128xf32, #tpu.memory_space<hbm>>
      %dma_start3A_58 = arith.constant 0 : i32
      %dma_start3A_59 = tpu.memref_slice %arg2[%add3A_25, %dma_start3A_58] : memref<10240x128xf32, #tpu.memory_space<hbm>> -> memref<40x128xf32, #tpu.memory_space<hbm>>
      tpu.enqueue_dma source(%dma_start3A_59 : memref<40x128xf32, #tpu.memory_space<hbm>>) target(%arg11 : memref<40x128xf32, #tpu.memory_space<vmem>>) target_semaphore(%run_scoped3A_56 : memref<!tpu.dma_semaphore, #tpu.memory_space<semaphore_mem>>)
      %dma_wait3A = arith.constant 0 : i32
      %dma_wait3A_60 = tpu.memref_slice %arg2[%add3A_25, %dma_wait3A] : memref<10240x128xf32, #tpu.memory_space<hbm>> -> memref<40x128xf32, #tpu.memory_space<hbm>>
      %dma_wait3A_61 = arith.constant 0 : i32
      %dma_wait3A_62 = tpu.memref_slice %arg2[%add3A_25, %dma_wait3A_61] : memref<10240x128xf32, #tpu.memory_space<hbm>> -> memref<40x128xf32, #tpu.memory_space<hbm>>
      tpu.wait_dma2 semaphore(%run_scoped3A_56 : memref<!tpu.dma_semaphore, #tpu.memory_space<semaphore_mem>>) src(%dma_wait3A_62 : memref<40x128xf32, #tpu.memory_space<hbm>>) dst(%arg11 : memref<40x128xf32, #tpu.memory_space<vmem>>)
      tpu.yield
    }) : () -> ()
    %run_scoped3A_26 = arith.constant 3 : i32
    "tpu.region"() ({
      %run_scoped3A_56 = tpu.sem_alloc : memref<!tpu.dma_semaphore, #tpu.memory_space<semaphore_mem>>
      %dma_start3A = arith.constant 0 : i32
      %dma_start3A_57 = tpu.memref_slice %arg9[%run_scoped3A_26, %dma_start3A] : memref<8x40xi32, #tpu.memory_space<vmem>> -> memref<1x40xi32, #tpu.memory_space<vmem>>
      %dma_start3A_58 = tpu.memref_squeeze %dma_start3A_57 : memref<1x40xi32, #tpu.memory_space<vmem>> -> memref<40xi32, #tpu.memory_space<vmem>>
      %dma_start3A_59 = arith.constant 0 : i32
      %dma_start3A_60 = arith.constant 0 : i32
      %dma_start3A_61 = tpu.memref_slice %arg14[%dma_start3A_59, %dma_start3A_60] : memref<1024x128xf32, #tpu.memory_space<vmem_shared>> -> memref<1024x128xf32, #tpu.memory_space<vmem_shared>>
      tpu.enqueue_indirect_dma source(%arg11 : memref<40x128xf32, #tpu.memory_space<vmem>>) target(%dma_start3A_61 : memref<1024x128xf32, #tpu.memory_space<vmem_shared>>) offsets(%dma_start3A_58 : memref<40xi32, #tpu.memory_space<vmem>>) semaphore(%run_scoped3A_56 : memref<!tpu.dma_semaphore, #tpu.memory_space<semaphore_mem>>) {add = true}
      %dma_wait3A = arith.constant 0 : i32
      %dma_wait3A_62 = tpu.memref_slice %arg9[%run_scoped3A_26, %dma_wait3A] : memref<8x40xi32, #tpu.memory_space<vmem>> -> memref<1x40xi32, #tpu.memory_space<vmem>>
      %dma_wait3A_63 = tpu.memref_squeeze %dma_wait3A_62 : memref<1x40xi32, #tpu.memory_space<vmem>> -> memref<40xi32, #tpu.memory_space<vmem>>
      %dma_wait3A_64 = arith.constant 0 : i32
      %dma_wait3A_65 = arith.constant 0 : i32
      %dma_wait3A_66 = tpu.memref_slice %arg14[%dma_wait3A_64, %dma_wait3A_65] : memref<1024x128xf32, #tpu.memory_space<vmem_shared>> -> memref<1024x128xf32, #tpu.memory_space<vmem_shared>>
      tpu.wait_indirect_dma semaphore(%run_scoped3A_56 : memref<!tpu.dma_semaphore, #tpu.memory_space<semaphore_mem>>) src(%arg11 : memref<40x128xf32, #tpu.memory_space<vmem>>) dst(%dma_wait3A_66 : memref<1024x128xf32, #tpu.memory_space<vmem_shared>>)
      tpu.yield
    }) : () -> ()
    %run_scoped3A_27 = arith.constant 3 : i32
    "tpu.region"() ({
      %run_scoped3A_56 = tpu.sem_alloc : memref<!tpu.dma_semaphore, #tpu.memory_space<semaphore_mem>>
      %dma_start3A = arith.constant 0 : i32
      %dma_start3A_57 = tpu.memref_slice %arg9[%run_scoped3A_27, %dma_start3A] : memref<8x40xi32, #tpu.memory_space<vmem>> -> memref<1x40xi32, #tpu.memory_space<vmem>>
      %dma_start3A_58 = tpu.memref_squeeze %dma_start3A_57 : memref<1x40xi32, #tpu.memory_space<vmem>> -> memref<40xi32, #tpu.memory_space<vmem>>
      %dma_start3A_59 = arith.constant 0 : i32
      %dma_start3A_60 = tpu.memref_slice %arg15[%dma_start3A_59] : memref<1024xf32, #tpu.memory_space<vmem_shared>> -> memref<1024xf32, #tpu.memory_space<vmem_shared>>
      tpu.enqueue_indirect_dma source(%arg10 : memref<40xf32, #tpu.memory_space<vmem>>) target(%dma_start3A_60 : memref<1024xf32, #tpu.memory_space<vmem_shared>>) offsets(%dma_start3A_58 : memref<40xi32, #tpu.memory_space<vmem>>) semaphore(%run_scoped3A_56 : memref<!tpu.dma_semaphore, #tpu.memory_space<semaphore_mem>>) {add = true}
      %dma_wait3A = arith.constant 0 : i32
      %dma_wait3A_61 = tpu.memref_slice %arg9[%run_scoped3A_27, %dma_wait3A] : memref<8x40xi32, #tpu.memory_space<vmem>> -> memref<1x40xi32, #tpu.memory_space<vmem>>
      %dma_wait3A_62 = tpu.memref_squeeze %dma_wait3A_61 : memref<1x40xi32, #tpu.memory_space<vmem>> -> memref<40xi32, #tpu.memory_space<vmem>>
      %dma_wait3A_63 = arith.constant 0 : i32
      %dma_wait3A_64 = tpu.memref_slice %arg15[%dma_wait3A_63] : memref<1024xf32, #tpu.memory_space<vmem_shared>> -> memref<1024xf32, #tpu.memory_space<vmem_shared>>
      tpu.wait_indirect_dma semaphore(%run_scoped3A_56 : memref<!tpu.dma_semaphore, #tpu.memory_space<semaphore_mem>>) src(%arg10 : memref<40xf32, #tpu.memory_space<vmem>>) dst(%dma_wait3A_64 : memref<1024xf32, #tpu.memory_space<vmem_shared>>)
      tpu.yield
    }) : () -> ()
    %mul3A_28 = arith.constant 320 : i32
    %mul3A_29 = arith.muli %add3A, %mul3A_28 : i32
    %add3A_30 = arith.constant 160 : i32
    %add3A_31 = arith.addi %mul3A_29, %add3A_30 : i32
    "tpu.region"() ({
      %run_scoped3A_56 = tpu.sem_alloc : memref<!tpu.dma_semaphore, #tpu.memory_space<semaphore_mem>>
      %dma_start3A = arith.constant 0 : i32
      %dma_start3A_57 = tpu.memref_slice %arg2[%add3A_31, %dma_start3A] : memref<10240x128xf32, #tpu.memory_space<hbm>> -> memref<40x128xf32, #tpu.memory_space<hbm>>
      %dma_start3A_58 = arith.constant 0 : i32
      %dma_start3A_59 = tpu.memref_slice %arg2[%add3A_31, %dma_start3A_58] : memref<10240x128xf32, #tpu.memory_space<hbm>> -> memref<40x128xf32, #tpu.memory_space<hbm>>
      tpu.enqueue_dma source(%dma_start3A_59 : memref<40x128xf32, #tpu.memory_space<hbm>>) target(%arg11 : memref<40x128xf32, #tpu.memory_space<vmem>>) target_semaphore(%run_scoped3A_56 : memref<!tpu.dma_semaphore, #tpu.memory_space<semaphore_mem>>)
      %dma_wait3A = arith.constant 0 : i32
      %dma_wait3A_60 = tpu.memref_slice %arg2[%add3A_31, %dma_wait3A] : memref<10240x128xf32, #tpu.memory_space<hbm>> -> memref<40x128xf32, #tpu.memory_space<hbm>>
      %dma_wait3A_61 = arith.constant 0 : i32
      %dma_wait3A_62 = tpu.memref_slice %arg2[%add3A_31, %dma_wait3A_61] : memref<10240x128xf32, #tpu.memory_space<hbm>> -> memref<40x128xf32, #tpu.memory_space<hbm>>
      tpu.wait_dma2 semaphore(%run_scoped3A_56 : memref<!tpu.dma_semaphore, #tpu.memory_space<semaphore_mem>>) src(%dma_wait3A_62 : memref<40x128xf32, #tpu.memory_space<hbm>>) dst(%arg11 : memref<40x128xf32, #tpu.memory_space<vmem>>)
      tpu.yield
    }) : () -> ()
    %run_scoped3A_32 = arith.constant 4 : i32
    "tpu.region"() ({
      %run_scoped3A_56 = tpu.sem_alloc : memref<!tpu.dma_semaphore, #tpu.memory_space<semaphore_mem>>
      %dma_start3A = arith.constant 0 : i32
      %dma_start3A_57 = tpu.memref_slice %arg9[%run_scoped3A_32, %dma_start3A] : memref<8x40xi32, #tpu.memory_space<vmem>> -> memref<1x40xi32, #tpu.memory_space<vmem>>
      %dma_start3A_58 = tpu.memref_squeeze %dma_start3A_57 : memref<1x40xi32, #tpu.memory_space<vmem>> -> memref<40xi32, #tpu.memory_space<vmem>>
      %dma_start3A_59 = arith.constant 0 : i32
      %dma_start3A_60 = arith.constant 0 : i32
      %dma_start3A_61 = tpu.memref_slice %arg14[%dma_start3A_59, %dma_start3A_60] : memref<1024x128xf32, #tpu.memory_space<vmem_shared>> -> memref<1024x128xf32, #tpu.memory_space<vmem_shared>>
      tpu.enqueue_indirect_dma source(%arg11 : memref<40x128xf32, #tpu.memory_space<vmem>>) target(%dma_start3A_61 : memref<1024x128xf32, #tpu.memory_space<vmem_shared>>) offsets(%dma_start3A_58 : memref<40xi32, #tpu.memory_space<vmem>>) semaphore(%run_scoped3A_56 : memref<!tpu.dma_semaphore, #tpu.memory_space<semaphore_mem>>) {add = true}
      %dma_wait3A = arith.constant 0 : i32
      %dma_wait3A_62 = tpu.memref_slice %arg9[%run_scoped3A_32, %dma_wait3A] : memref<8x40xi32, #tpu.memory_space<vmem>> -> memref<1x40xi32, #tpu.memory_space<vmem>>
      %dma_wait3A_63 = tpu.memref_squeeze %dma_wait3A_62 : memref<1x40xi32, #tpu.memory_space<vmem>> -> memref<40xi32, #tpu.memory_space<vmem>>
      %dma_wait3A_64 = arith.constant 0 : i32
      %dma_wait3A_65 = arith.constant 0 : i32
      %dma_wait3A_66 = tpu.memref_slice %arg14[%dma_wait3A_64, %dma_wait3A_65] : memref<1024x128xf32, #tpu.memory_space<vmem_shared>> -> memref<1024x128xf32, #tpu.memory_space<vmem_shared>>
      tpu.wait_indirect_dma semaphore(%run_scoped3A_56 : memref<!tpu.dma_semaphore, #tpu.memory_space<semaphore_mem>>) src(%arg11 : memref<40x128xf32, #tpu.memory_space<vmem>>) dst(%dma_wait3A_66 : memref<1024x128xf32, #tpu.memory_space<vmem_shared>>)
      tpu.yield
    }) : () -> ()
    %run_scoped3A_33 = arith.constant 4 : i32
    "tpu.region"() ({
      %run_scoped3A_56 = tpu.sem_alloc : memref<!tpu.dma_semaphore, #tpu.memory_space<semaphore_mem>>
      %dma_start3A = arith.constant 0 : i32
      %dma_start3A_57 = tpu.memref_slice %arg9[%run_scoped3A_33, %dma_start3A] : memref<8x40xi32, #tpu.memory_space<vmem>> -> memref<1x40xi32, #tpu.memory_space<vmem>>
      %dma_start3A_58 = tpu.memref_squeeze %dma_start3A_57 : memref<1x40xi32, #tpu.memory_space<vmem>> -> memref<40xi32, #tpu.memory_space<vmem>>
      %dma_start3A_59 = arith.constant 0 : i32
      %dma_start3A_60 = tpu.memref_slice %arg15[%dma_start3A_59] : memref<1024xf32, #tpu.memory_space<vmem_shared>> -> memref<1024xf32, #tpu.memory_space<vmem_shared>>
      tpu.enqueue_indirect_dma source(%arg10 : memref<40xf32, #tpu.memory_space<vmem>>) target(%dma_start3A_60 : memref<1024xf32, #tpu.memory_space<vmem_shared>>) offsets(%dma_start3A_58 : memref<40xi32, #tpu.memory_space<vmem>>) semaphore(%run_scoped3A_56 : memref<!tpu.dma_semaphore, #tpu.memory_space<semaphore_mem>>) {add = true}
      %dma_wait3A = arith.constant 0 : i32
      %dma_wait3A_61 = tpu.memref_slice %arg9[%run_scoped3A_33, %dma_wait3A] : memref<8x40xi32, #tpu.memory_space<vmem>> -> memref<1x40xi32, #tpu.memory_space<vmem>>
      %dma_wait3A_62 = tpu.memref_squeeze %dma_wait3A_61 : memref<1x40xi32, #tpu.memory_space<vmem>> -> memref<40xi32, #tpu.memory_space<vmem>>
      %dma_wait3A_63 = arith.constant 0 : i32
      %dma_wait3A_64 = tpu.memref_slice %arg15[%dma_wait3A_63] : memref<1024xf32, #tpu.memory_space<vmem_shared>> -> memref<1024xf32, #tpu.memory_space<vmem_shared>>
      tpu.wait_indirect_dma semaphore(%run_scoped3A_56 : memref<!tpu.dma_semaphore, #tpu.memory_space<semaphore_mem>>) src(%arg10 : memref<40xf32, #tpu.memory_space<vmem>>) dst(%dma_wait3A_64 : memref<1024xf32, #tpu.memory_space<vmem_shared>>)
      tpu.yield
    }) : () -> ()
    %mul3A_34 = arith.constant 320 : i32
    %mul3A_35 = arith.muli %add3A, %mul3A_34 : i32
    %add3A_36 = arith.constant 200 : i32
    %add3A_37 = arith.addi %mul3A_35, %add3A_36 : i32
    "tpu.region"() ({
      %run_scoped3A_56 = tpu.sem_alloc : memref<!tpu.dma_semaphore, #tpu.memory_space<semaphore_mem>>
      %dma_start3A = arith.constant 0 : i32
      %dma_start3A_57 = tpu.memref_slice %arg2[%add3A_37, %dma_start3A] : memref<10240x128xf32, #tpu.memory_space<hbm>> -> memref<40x128xf32, #tpu.memory_space<hbm>>
      %dma_start3A_58 = arith.constant 0 : i32
      %dma_start3A_59 = tpu.memref_slice %arg2[%add3A_37, %dma_start3A_58] : memref<10240x128xf32, #tpu.memory_space<hbm>> -> memref<40x128xf32, #tpu.memory_space<hbm>>
      tpu.enqueue_dma source(%dma_start3A_59 : memref<40x128xf32, #tpu.memory_space<hbm>>) target(%arg11 : memref<40x128xf32, #tpu.memory_space<vmem>>) target_semaphore(%run_scoped3A_56 : memref<!tpu.dma_semaphore, #tpu.memory_space<semaphore_mem>>)
      %dma_wait3A = arith.constant 0 : i32
      %dma_wait3A_60 = tpu.memref_slice %arg2[%add3A_37, %dma_wait3A] : memref<10240x128xf32, #tpu.memory_space<hbm>> -> memref<40x128xf32, #tpu.memory_space<hbm>>
      %dma_wait3A_61 = arith.constant 0 : i32
      %dma_wait3A_62 = tpu.memref_slice %arg2[%add3A_37, %dma_wait3A_61] : memref<10240x128xf32, #tpu.memory_space<hbm>> -> memref<40x128xf32, #tpu.memory_space<hbm>>
      tpu.wait_dma2 semaphore(%run_scoped3A_56 : memref<!tpu.dma_semaphore, #tpu.memory_space<semaphore_mem>>) src(%dma_wait3A_62 : memref<40x128xf32, #tpu.memory_space<hbm>>) dst(%arg11 : memref<40x128xf32, #tpu.memory_space<vmem>>)
      tpu.yield
    }) : () -> ()
    %run_scoped3A_38 = arith.constant 5 : i32
    "tpu.region"() ({
      %run_scoped3A_56 = tpu.sem_alloc : memref<!tpu.dma_semaphore, #tpu.memory_space<semaphore_mem>>
      %dma_start3A = arith.constant 0 : i32
      %dma_start3A_57 = tpu.memref_slice %arg9[%run_scoped3A_38, %dma_start3A] : memref<8x40xi32, #tpu.memory_space<vmem>> -> memref<1x40xi32, #tpu.memory_space<vmem>>
      %dma_start3A_58 = tpu.memref_squeeze %dma_start3A_57 : memref<1x40xi32, #tpu.memory_space<vmem>> -> memref<40xi32, #tpu.memory_space<vmem>>
      %dma_start3A_59 = arith.constant 0 : i32
      %dma_start3A_60 = arith.constant 0 : i32
      %dma_start3A_61 = tpu.memref_slice %arg14[%dma_start3A_59, %dma_start3A_60] : memref<1024x128xf32, #tpu.memory_space<vmem_shared>> -> memref<1024x128xf32, #tpu.memory_space<vmem_shared>>
      tpu.enqueue_indirect_dma source(%arg11 : memref<40x128xf32, #tpu.memory_space<vmem>>) target(%dma_start3A_61 : memref<1024x128xf32, #tpu.memory_space<vmem_shared>>) offsets(%dma_start3A_58 : memref<40xi32, #tpu.memory_space<vmem>>) semaphore(%run_scoped3A_56 : memref<!tpu.dma_semaphore, #tpu.memory_space<semaphore_mem>>) {add = true}
      %dma_wait3A = arith.constant 0 : i32
      %dma_wait3A_62 = tpu.memref_slice %arg9[%run_scoped3A_38, %dma_wait3A] : memref<8x40xi32, #tpu.memory_space<vmem>> -> memref<1x40xi32, #tpu.memory_space<vmem>>
      %dma_wait3A_63 = tpu.memref_squeeze %dma_wait3A_62 : memref<1x40xi32, #tpu.memory_space<vmem>> -> memref<40xi32, #tpu.memory_space<vmem>>
      %dma_wait3A_64 = arith.constant 0 : i32
      %dma_wait3A_65 = arith.constant 0 : i32
      %dma_wait3A_66 = tpu.memref_slice %arg14[%dma_wait3A_64, %dma_wait3A_65] : memref<1024x128xf32, #tpu.memory_space<vmem_shared>> -> memref<1024x128xf32, #tpu.memory_space<vmem_shared>>
      tpu.wait_indirect_dma semaphore(%run_scoped3A_56 : memref<!tpu.dma_semaphore, #tpu.memory_space<semaphore_mem>>) src(%arg11 : memref<40x128xf32, #tpu.memory_space<vmem>>) dst(%dma_wait3A_66 : memref<1024x128xf32, #tpu.memory_space<vmem_shared>>)
      tpu.yield
    }) : () -> ()
    %run_scoped3A_39 = arith.constant 5 : i32
    "tpu.region"() ({
      %run_scoped3A_56 = tpu.sem_alloc : memref<!tpu.dma_semaphore, #tpu.memory_space<semaphore_mem>>
      %dma_start3A = arith.constant 0 : i32
      %dma_start3A_57 = tpu.memref_slice %arg9[%run_scoped3A_39, %dma_start3A] : memref<8x40xi32, #tpu.memory_space<vmem>> -> memref<1x40xi32, #tpu.memory_space<vmem>>
      %dma_start3A_58 = tpu.memref_squeeze %dma_start3A_57 : memref<1x40xi32, #tpu.memory_space<vmem>> -> memref<40xi32, #tpu.memory_space<vmem>>
      %dma_start3A_59 = arith.constant 0 : i32
      %dma_start3A_60 = tpu.memref_slice %arg15[%dma_start3A_59] : memref<1024xf32, #tpu.memory_space<vmem_shared>> -> memref<1024xf32, #tpu.memory_space<vmem_shared>>
      tpu.enqueue_indirect_dma source(%arg10 : memref<40xf32, #tpu.memory_space<vmem>>) target(%dma_start3A_60 : memref<1024xf32, #tpu.memory_space<vmem_shared>>) offsets(%dma_start3A_58 : memref<40xi32, #tpu.memory_space<vmem>>) semaphore(%run_scoped3A_56 : memref<!tpu.dma_semaphore, #tpu.memory_space<semaphore_mem>>) {add = true}
      %dma_wait3A = arith.constant 0 : i32
      %dma_wait3A_61 = tpu.memref_slice %arg9[%run_scoped3A_39, %dma_wait3A] : memref<8x40xi32, #tpu.memory_space<vmem>> -> memref<1x40xi32, #tpu.memory_space<vmem>>
      %dma_wait3A_62 = tpu.memref_squeeze %dma_wait3A_61 : memref<1x40xi32, #tpu.memory_space<vmem>> -> memref<40xi32, #tpu.memory_space<vmem>>
      %dma_wait3A_63 = arith.constant 0 : i32
      %dma_wait3A_64 = tpu.memref_slice %arg15[%dma_wait3A_63] : memref<1024xf32, #tpu.memory_space<vmem_shared>> -> memref<1024xf32, #tpu.memory_space<vmem_shared>>
      tpu.wait_indirect_dma semaphore(%run_scoped3A_56 : memref<!tpu.dma_semaphore, #tpu.memory_space<semaphore_mem>>) src(%arg10 : memref<40xf32, #tpu.memory_space<vmem>>) dst(%dma_wait3A_64 : memref<1024xf32, #tpu.memory_space<vmem_shared>>)
      tpu.yield
    }) : () -> ()
    %mul3A_40 = arith.constant 320 : i32
    %mul3A_41 = arith.muli %add3A, %mul3A_40 : i32
    %add3A_42 = arith.constant 240 : i32
    %add3A_43 = arith.addi %mul3A_41, %add3A_42 : i32
    "tpu.region"() ({
      %run_scoped3A_56 = tpu.sem_alloc : memref<!tpu.dma_semaphore, #tpu.memory_space<semaphore_mem>>
      %dma_start3A = arith.constant 0 : i32
      %dma_start3A_57 = tpu.memref_slice %arg2[%add3A_43, %dma_start3A] : memref<10240x128xf32, #tpu.memory_space<hbm>> -> memref<40x128xf32, #tpu.memory_space<hbm>>
      %dma_start3A_58 = arith.constant 0 : i32
      %dma_start3A_59 = tpu.memref_slice %arg2[%add3A_43, %dma_start3A_58] : memref<10240x128xf32, #tpu.memory_space<hbm>> -> memref<40x128xf32, #tpu.memory_space<hbm>>
      tpu.enqueue_dma source(%dma_start3A_59 : memref<40x128xf32, #tpu.memory_space<hbm>>) target(%arg11 : memref<40x128xf32, #tpu.memory_space<vmem>>) target_semaphore(%run_scoped3A_56 : memref<!tpu.dma_semaphore, #tpu.memory_space<semaphore_mem>>)
      %dma_wait3A = arith.constant 0 : i32
      %dma_wait3A_60 = tpu.memref_slice %arg2[%add3A_43, %dma_wait3A] : memref<10240x128xf32, #tpu.memory_space<hbm>> -> memref<40x128xf32, #tpu.memory_space<hbm>>
      %dma_wait3A_61 = arith.constant 0 : i32
      %dma_wait3A_62 = tpu.memref_slice %arg2[%add3A_43, %dma_wait3A_61] : memref<10240x128xf32, #tpu.memory_space<hbm>> -> memref<40x128xf32, #tpu.memory_space<hbm>>
      tpu.wait_dma2 semaphore(%run_scoped3A_56 : memref<!tpu.dma_semaphore, #tpu.memory_space<semaphore_mem>>) src(%dma_wait3A_62 : memref<40x128xf32, #tpu.memory_space<hbm>>) dst(%arg11 : memref<40x128xf32, #tpu.memory_space<vmem>>)
      tpu.yield
    }) : () -> ()
    %run_scoped3A_44 = arith.constant 6 : i32
    "tpu.region"() ({
      %run_scoped3A_56 = tpu.sem_alloc : memref<!tpu.dma_semaphore, #tpu.memory_space<semaphore_mem>>
      %dma_start3A = arith.constant 0 : i32
      %dma_start3A_57 = tpu.memref_slice %arg9[%run_scoped3A_44, %dma_start3A] : memref<8x40xi32, #tpu.memory_space<vmem>> -> memref<1x40xi32, #tpu.memory_space<vmem>>
      %dma_start3A_58 = tpu.memref_squeeze %dma_start3A_57 : memref<1x40xi32, #tpu.memory_space<vmem>> -> memref<40xi32, #tpu.memory_space<vmem>>
      %dma_start3A_59 = arith.constant 0 : i32
      %dma_start3A_60 = arith.constant 0 : i32
      %dma_start3A_61 = tpu.memref_slice %arg14[%dma_start3A_59, %dma_start3A_60] : memref<1024x128xf32, #tpu.memory_space<vmem_shared>> -> memref<1024x128xf32, #tpu.memory_space<vmem_shared>>
      tpu.enqueue_indirect_dma source(%arg11 : memref<40x128xf32, #tpu.memory_space<vmem>>) target(%dma_start3A_61 : memref<1024x128xf32, #tpu.memory_space<vmem_shared>>) offsets(%dma_start3A_58 : memref<40xi32, #tpu.memory_space<vmem>>) semaphore(%run_scoped3A_56 : memref<!tpu.dma_semaphore, #tpu.memory_space<semaphore_mem>>) {add = true}
      %dma_wait3A = arith.constant 0 : i32
      %dma_wait3A_62 = tpu.memref_slice %arg9[%run_scoped3A_44, %dma_wait3A] : memref<8x40xi32, #tpu.memory_space<vmem>> -> memref<1x40xi32, #tpu.memory_space<vmem>>
      %dma_wait3A_63 = tpu.memref_squeeze %dma_wait3A_62 : memref<1x40xi32, #tpu.memory_space<vmem>> -> memref<40xi32, #tpu.memory_space<vmem>>
      %dma_wait3A_64 = arith.constant 0 : i32
      %dma_wait3A_65 = arith.constant 0 : i32
      %dma_wait3A_66 = tpu.memref_slice %arg14[%dma_wait3A_64, %dma_wait3A_65] : memref<1024x128xf32, #tpu.memory_space<vmem_shared>> -> memref<1024x128xf32, #tpu.memory_space<vmem_shared>>
      tpu.wait_indirect_dma semaphore(%run_scoped3A_56 : memref<!tpu.dma_semaphore, #tpu.memory_space<semaphore_mem>>) src(%arg11 : memref<40x128xf32, #tpu.memory_space<vmem>>) dst(%dma_wait3A_66 : memref<1024x128xf32, #tpu.memory_space<vmem_shared>>)
      tpu.yield
    }) : () -> ()
    %run_scoped3A_45 = arith.constant 6 : i32
    "tpu.region"() ({
      %run_scoped3A_56 = tpu.sem_alloc : memref<!tpu.dma_semaphore, #tpu.memory_space<semaphore_mem>>
      %dma_start3A = arith.constant 0 : i32
      %dma_start3A_57 = tpu.memref_slice %arg9[%run_scoped3A_45, %dma_start3A] : memref<8x40xi32, #tpu.memory_space<vmem>> -> memref<1x40xi32, #tpu.memory_space<vmem>>
      %dma_start3A_58 = tpu.memref_squeeze %dma_start3A_57 : memref<1x40xi32, #tpu.memory_space<vmem>> -> memref<40xi32, #tpu.memory_space<vmem>>
      %dma_start3A_59 = arith.constant 0 : i32
      %dma_start3A_60 = tpu.memref_slice %arg15[%dma_start3A_59] : memref<1024xf32, #tpu.memory_space<vmem_shared>> -> memref<1024xf32, #tpu.memory_space<vmem_shared>>
      tpu.enqueue_indirect_dma source(%arg10 : memref<40xf32, #tpu.memory_space<vmem>>) target(%dma_start3A_60 : memref<1024xf32, #tpu.memory_space<vmem_shared>>) offsets(%dma_start3A_58 : memref<40xi32, #tpu.memory_space<vmem>>) semaphore(%run_scoped3A_56 : memref<!tpu.dma_semaphore, #tpu.memory_space<semaphore_mem>>) {add = true}
      %dma_wait3A = arith.constant 0 : i32
      %dma_wait3A_61 = tpu.memref_slice %arg9[%run_scoped3A_45, %dma_wait3A] : memref<8x40xi32, #tpu.memory_space<vmem>> -> memref<1x40xi32, #tpu.memory_space<vmem>>
      %dma_wait3A_62 = tpu.memref_squeeze %dma_wait3A_61 : memref<1x40xi32, #tpu.memory_space<vmem>> -> memref<40xi32, #tpu.memory_space<vmem>>
      %dma_wait3A_63 = arith.constant 0 : i32
      %dma_wait3A_64 = tpu.memref_slice %arg15[%dma_wait3A_63] : memref<1024xf32, #tpu.memory_space<vmem_shared>> -> memref<1024xf32, #tpu.memory_space<vmem_shared>>
      tpu.wait_indirect_dma semaphore(%run_scoped3A_56 : memref<!tpu.dma_semaphore, #tpu.memory_space<semaphore_mem>>) src(%arg10 : memref<40xf32, #tpu.memory_space<vmem>>) dst(%dma_wait3A_64 : memref<1024xf32, #tpu.memory_space<vmem_shared>>)
      tpu.yield
    }) : () -> ()
    %mul3A_46 = arith.constant 320 : i32
    %mul3A_47 = arith.muli %add3A, %mul3A_46 : i32
    %add3A_48 = arith.constant 280 : i32
    %add3A_49 = arith.addi %mul3A_47, %add3A_48 : i32
    "tpu.region"() ({
      %run_scoped3A_56 = tpu.sem_alloc : memref<!tpu.dma_semaphore, #tpu.memory_space<semaphore_mem>>
      %dma_start3A = arith.constant 0 : i32
      %dma_start3A_57 = tpu.memref_slice %arg2[%add3A_49, %dma_start3A] : memref<10240x128xf32, #tpu.memory_space<hbm>> -> memref<40x128xf32, #tpu.memory_space<hbm>>
      %dma_start3A_58 = arith.constant 0 : i32
      %dma_start3A_59 = tpu.memref_slice %arg2[%add3A_49, %dma_start3A_58] : memref<10240x128xf32, #tpu.memory_space<hbm>> -> memref<40x128xf32, #tpu.memory_space<hbm>>
      tpu.enqueue_dma source(%dma_start3A_59 : memref<40x128xf32, #tpu.memory_space<hbm>>) target(%arg11 : memref<40x128xf32, #tpu.memory_space<vmem>>) target_semaphore(%run_scoped3A_56 : memref<!tpu.dma_semaphore, #tpu.memory_space<semaphore_mem>>)
      %dma_wait3A = arith.constant 0 : i32
      %dma_wait3A_60 = tpu.memref_slice %arg2[%add3A_49, %dma_wait3A] : memref<10240x128xf32, #tpu.memory_space<hbm>> -> memref<40x128xf32, #tpu.memory_space<hbm>>
      %dma_wait3A_61 = arith.constant 0 : i32
      %dma_wait3A_62 = tpu.memref_slice %arg2[%add3A_49, %dma_wait3A_61] : memref<10240x128xf32, #tpu.memory_space<hbm>> -> memref<40x128xf32, #tpu.memory_space<hbm>>
      tpu.wait_dma2 semaphore(%run_scoped3A_56 : memref<!tpu.dma_semaphore, #tpu.memory_space<semaphore_mem>>) src(%dma_wait3A_62 : memref<40x128xf32, #tpu.memory_space<hbm>>) dst(%arg11 : memref<40x128xf32, #tpu.memory_space<vmem>>)
      tpu.yield
    }) : () -> ()
    %run_scoped3A_50 = arith.constant 7 : i32
    "tpu.region"() ({
      %run_scoped3A_56 = tpu.sem_alloc : memref<!tpu.dma_semaphore, #tpu.memory_space<semaphore_mem>>
      %dma_start3A = arith.constant 0 : i32
      %dma_start3A_57 = tpu.memref_slice %arg9[%run_scoped3A_50, %dma_start3A] : memref<8x40xi32, #tpu.memory_space<vmem>> -> memref<1x40xi32, #tpu.memory_space<vmem>>
      %dma_start3A_58 = tpu.memref_squeeze %dma_start3A_57 : memref<1x40xi32, #tpu.memory_space<vmem>> -> memref<40xi32, #tpu.memory_space<vmem>>
      %dma_start3A_59 = arith.constant 0 : i32
      %dma_start3A_60 = arith.constant 0 : i32
      %dma_start3A_61 = tpu.memref_slice %arg14[%dma_start3A_59, %dma_start3A_60] : memref<1024x128xf32, #tpu.memory_space<vmem_shared>> -> memref<1024x128xf32, #tpu.memory_space<vmem_shared>>
      tpu.enqueue_indirect_dma source(%arg11 : memref<40x128xf32, #tpu.memory_space<vmem>>) target(%dma_start3A_61 : memref<1024x128xf32, #tpu.memory_space<vmem_shared>>) offsets(%dma_start3A_58 : memref<40xi32, #tpu.memory_space<vmem>>) semaphore(%run_scoped3A_56 : memref<!tpu.dma_semaphore, #tpu.memory_space<semaphore_mem>>) {add = true}
      %dma_wait3A = arith.constant 0 : i32
      %dma_wait3A_62 = tpu.memref_slice %arg9[%run_scoped3A_50, %dma_wait3A] : memref<8x40xi32, #tpu.memory_space<vmem>> -> memref<1x40xi32, #tpu.memory_space<vmem>>
      %dma_wait3A_63 = tpu.memref_squeeze %dma_wait3A_62 : memref<1x40xi32, #tpu.memory_space<vmem>> -> memref<40xi32, #tpu.memory_space<vmem>>
      %dma_wait3A_64 = arith.constant 0 : i32
      %dma_wait3A_65 = arith.constant 0 : i32
      %dma_wait3A_66 = tpu.memref_slice %arg14[%dma_wait3A_64, %dma_wait3A_65] : memref<1024x128xf32, #tpu.memory_space<vmem_shared>> -> memref<1024x128xf32, #tpu.memory_space<vmem_shared>>
      tpu.wait_indirect_dma semaphore(%run_scoped3A_56 : memref<!tpu.dma_semaphore, #tpu.memory_space<semaphore_mem>>) src(%arg11 : memref<40x128xf32, #tpu.memory_space<vmem>>) dst(%dma_wait3A_66 : memref<1024x128xf32, #tpu.memory_space<vmem_shared>>)
      tpu.yield
    }) : () -> ()
    %run_scoped3A_51 = arith.constant 7 : i32
    "tpu.region"() ({
      %run_scoped3A_56 = tpu.sem_alloc : memref<!tpu.dma_semaphore, #tpu.memory_space<semaphore_mem>>
      %dma_start3A = arith.constant 0 : i32
      %dma_start3A_57 = tpu.memref_slice %arg9[%run_scoped3A_51, %dma_start3A] : memref<8x40xi32, #tpu.memory_space<vmem>> -> memref<1x40xi32, #tpu.memory_space<vmem>>
      %dma_start3A_58 = tpu.memref_squeeze %dma_start3A_57 : memref<1x40xi32, #tpu.memory_space<vmem>> -> memref<40xi32, #tpu.memory_space<vmem>>
      %dma_start3A_59 = arith.constant 0 : i32
      %dma_start3A_60 = tpu.memref_slice %arg15[%dma_start3A_59] : memref<1024xf32, #tpu.memory_space<vmem_shared>> -> memref<1024xf32, #tpu.memory_space<vmem_shared>>
      tpu.enqueue_indirect_dma source(%arg10 : memref<40xf32, #tpu.memory_space<vmem>>) target(%dma_start3A_60 : memref<1024xf32, #tpu.memory_space<vmem_shared>>) offsets(%dma_start3A_58 : memref<40xi32, #tpu.memory_space<vmem>>) semaphore(%run_scoped3A_56 : memref<!tpu.dma_semaphore, #tpu.memory_space<semaphore_mem>>) {add = true}
      %dma_wait3A = arith.constant 0 : i32
      %dma_wait3A_61 = tpu.memref_slice %arg9[%run_scoped3A_51, %dma_wait3A] : memref<8x40xi32, #tpu.memory_space<vmem>> -> memref<1x40xi32, #tpu.memory_space<vmem>>
      %dma_wait3A_62 = tpu.memref_squeeze %dma_wait3A_61 : memref<1x40xi32, #tpu.memory_space<vmem>> -> memref<40xi32, #tpu.memory_space<vmem>>
      %dma_wait3A_63 = arith.constant 0 : i32
      %dma_wait3A_64 = tpu.memref_slice %arg15[%dma_wait3A_63] : memref<1024xf32, #tpu.memory_space<vmem_shared>> -> memref<1024xf32, #tpu.memory_space<vmem_shared>>
      tpu.wait_indirect_dma semaphore(%run_scoped3A_56 : memref<!tpu.dma_semaphore, #tpu.memory_space<semaphore_mem>>) src(%arg10 : memref<40xf32, #tpu.memory_space<vmem>>) dst(%dma_wait3A_64 : memref<1024xf32, #tpu.memory_space<vmem_shared>>)
      tpu.yield
    }) : () -> ()
    %barrier3A_52 = arith.constant 0 : index
    tpu.barrier barrier_id(%barrier3A_52)
    "tpu.region"() ({
      %run_scoped3A_56 = tpu.sem_alloc : memref<!tpu.dma_semaphore, #tpu.memory_space<semaphore_mem>>
      %dma_start3A = tpu.memref_slice %arg15[%mul3A_4] : memref<1024xf32, #tpu.memory_space<vmem_shared>> -> memref<64xf32, #tpu.memory_space<vmem_shared>>
      %dma_start3A_57 = tpu.memref_slice %arg15[%mul3A_4] : memref<1024xf32, #tpu.memory_space<vmem_shared>> -> memref<64xf32, #tpu.memory_space<vmem_shared>>
      tpu.enqueue_dma source(%dma_start3A_57 : memref<64xf32, #tpu.memory_space<vmem_shared>>) target(%arg12 : memref<64xf32, #tpu.memory_space<vmem>>) target_semaphore(%run_scoped3A_56 : memref<!tpu.dma_semaphore, #tpu.memory_space<semaphore_mem>>)
      %dma_wait3A = tpu.memref_slice %arg15[%mul3A_4] : memref<1024xf32, #tpu.memory_space<vmem_shared>> -> memref<64xf32, #tpu.memory_space<vmem_shared>>
      %dma_wait3A_58 = tpu.memref_slice %arg15[%mul3A_4] : memref<1024xf32, #tpu.memory_space<vmem_shared>> -> memref<64xf32, #tpu.memory_space<vmem_shared>>
      tpu.wait_dma2 semaphore(%run_scoped3A_56 : memref<!tpu.dma_semaphore, #tpu.memory_space<semaphore_mem>>) src(%dma_wait3A_58 : memref<64xf32, #tpu.memory_space<vmem_shared>>) dst(%arg12 : memref<64xf32, #tpu.memory_space<vmem>>)
      tpu.yield
    }) : () -> ()
    "tpu.region"() ({
      %run_scoped3A_56 = tpu.sem_alloc : memref<!tpu.dma_semaphore, #tpu.memory_space<semaphore_mem>>
      %dma_start3A = arith.constant 0 : i32
      %dma_start3A_57 = tpu.memref_slice %arg14[%mul3A_4, %dma_start3A] : memref<1024x128xf32, #tpu.memory_space<vmem_shared>> -> memref<64x128xf32, #tpu.memory_space<vmem_shared>>
      %dma_start3A_58 = arith.constant 0 : i32
      %dma_start3A_59 = tpu.memref_slice %arg14[%mul3A_4, %dma_start3A_58] : memref<1024x128xf32, #tpu.memory_space<vmem_shared>> -> memref<64x128xf32, #tpu.memory_space<vmem_shared>>
      tpu.enqueue_dma source(%dma_start3A_59 : memref<64x128xf32, #tpu.memory_space<vmem_shared>>) target(%arg13 : memref<64x128xf32, #tpu.memory_space<vmem>>) target_semaphore(%run_scoped3A_56 : memref<!tpu.dma_semaphore, #tpu.memory_space<semaphore_mem>>)
      %dma_wait3A = arith.constant 0 : i32
      %dma_wait3A_60 = tpu.memref_slice %arg14[%mul3A_4, %dma_wait3A] : memref<1024x128xf32, #tpu.memory_space<vmem_shared>> -> memref<64x128xf32, #tpu.memory_space<vmem_shared>>
      %dma_wait3A_61 = arith.constant 0 : i32
      %dma_wait3A_62 = tpu.memref_slice %arg14[%mul3A_4, %dma_wait3A_61] : memref<1024x128xf32, #tpu.memory_space<vmem_shared>> -> memref<64x128xf32, #tpu.memory_space<vmem_shared>>
      tpu.wait_dma2 semaphore(%run_scoped3A_56 : memref<!tpu.dma_semaphore, #tpu.memory_space<semaphore_mem>>) src(%dma_wait3A_62 : memref<64x128xf32, #tpu.memory_space<vmem_shared>>) dst(%arg13 : memref<64x128xf32, #tpu.memory_space<vmem>>)
      tpu.yield
    }) : () -> ()
    %mul3A_53 = arith.constant 1024 : i32
    %mul3A_54 = arith.muli %arg0, %mul3A_53 : i32
    %add3A_55 = arith.addi %mul3A_54, %mul3A_4 : i32
    "tpu.region"() ({
      %run_scoped3A_56 = tpu.sem_alloc : memref<!tpu.dma_semaphore, #tpu.memory_space<semaphore_mem>>
      %dma_start3A = arith.constant 0 : i32
      %dma_start3A_57 = tpu.memref_slice %arg7[%add3A_55, %dma_start3A] : memref<2048x128xf32, #tpu.memory_space<hbm>> -> memref<64x128xf32, #tpu.memory_space<hbm>>
      %dma_start3A_58 = arith.constant 0 : i32
      %dma_start3A_59 = tpu.memref_slice %arg7[%add3A_55, %dma_start3A_58] : memref<2048x128xf32, #tpu.memory_space<hbm>> -> memref<64x128xf32, #tpu.memory_space<hbm>>
      tpu.enqueue_dma source(%arg13 : memref<64x128xf32, #tpu.memory_space<vmem>>) target(%dma_start3A_59 : memref<64x128xf32, #tpu.memory_space<hbm>>) target_semaphore(%run_scoped3A_56 : memref<!tpu.dma_semaphore, #tpu.memory_space<semaphore_mem>>)
      %dma_wait3A = arith.constant 0 : i32
      %dma_wait3A_60 = tpu.memref_slice %arg7[%add3A_55, %dma_wait3A] : memref<2048x128xf32, #tpu.memory_space<hbm>> -> memref<64x128xf32, #tpu.memory_space<hbm>>
      %dma_wait3A_61 = arith.constant 0 : i32
      %dma_wait3A_62 = tpu.memref_slice %arg7[%add3A_55, %dma_wait3A_61] : memref<2048x128xf32, #tpu.memory_space<hbm>> -> memref<64x128xf32, #tpu.memory_space<hbm>>
      tpu.wait_dma2 semaphore(%run_scoped3A_56 : memref<!tpu.dma_semaphore, #tpu.memory_space<semaphore_mem>>) src(%arg13 : memref<64x128xf32, #tpu.memory_space<vmem>>) dst(%dma_wait3A_62 : memref<64x128xf32, #tpu.memory_space<hbm>>)
      tpu.yield
    }) : () -> ()
    "tpu.region"() ({
      %run_scoped3A_56 = tpu.sem_alloc : memref<!tpu.dma_semaphore, #tpu.memory_space<semaphore_mem>>
      %dma_start3A = tpu.memref_slice %arg8[%add3A_55] : memref<2048xf32, #tpu.memory_space<hbm>> -> memref<64xf32, #tpu.memory_space<hbm>>
      %dma_start3A_57 = tpu.memref_slice %arg8[%add3A_55] : memref<2048xf32, #tpu.memory_space<hbm>> -> memref<64xf32, #tpu.memory_space<hbm>>
      tpu.enqueue_dma source(%arg12 : memref<64xf32, #tpu.memory_space<vmem>>) target(%dma_start3A_57 : memref<64xf32, #tpu.memory_space<hbm>>) target_semaphore(%run_scoped3A_56 : memref<!tpu.dma_semaphore, #tpu.memory_space<semaphore_mem>>)
      %dma_wait3A = tpu.memref_slice %arg8[%add3A_55] : memref<2048xf32, #tpu.memory_space<hbm>> -> memref<64xf32, #tpu.memory_space<hbm>>
      %dma_wait3A_58 = tpu.memref_slice %arg8[%add3A_55] : memref<2048xf32, #tpu.memory_space<hbm>> -> memref<64xf32, #tpu.memory_space<hbm>>
      tpu.wait_dma2 semaphore(%run_scoped3A_56 : memref<!tpu.dma_semaphore, #tpu.memory_space<semaphore_mem>>) src(%arg12 : memref<64xf32, #tpu.memory_space<vmem>>) dst(%dma_wait3A_58 : memref<64xf32, #tpu.memory_space<hbm>>)
      tpu.yield
    }) : () -> ()
    return
  }
}

module attributes {stable_mosaic.version = 14 : i64} {
  func.func @body(%arg0: i32, %arg1: memref<2000x128xf32, #tpu.memory_space<vmem>>, %arg2: memref<128x128xf32, #tpu.memory_space<vmem>>, %arg3: memref<1x128xf32, #tpu.memory_space<vmem>>, %arg4: memref<2000x128xf32, #tpu.memory_space<vmem>>) attributes {dimension_semantics = [#tpu.dimension_semantics<arbitrary>], iteration_bounds = array<i64: 5>, scalar_prefetch = 0 : i64, scratch_operands = 0 : i64, tpu.core_type = #tpu.core_type<tc>, window_params = [{transform_indices = @transform_0, window_bounds = array<i64: 2000, 128>}, {pipeline_mode = #tpu.pipeline_mode<synchronous>, transform_indices = @transform_1, window_bounds = array<i64: 128, 128>}, {pipeline_mode = #tpu.pipeline_mode<synchronous>, transform_indices = @transform_2, window_bounds = array<i64: 1, 128>}, {transform_indices = @transform_3, window_bounds = array<i64: 2000, 128>}]} {
    %get3A = arith.constant 0 : index
    %get3A_0 = arith.constant 0 : index
    %get3A_1 = vector.load %arg1[%get3A, %get3A_0] : memref<2000x128xf32, #tpu.memory_space<vmem>>, vector<2000x128xf32>
    %get3A_2 = arith.constant 0 : index
    %get3A_3 = arith.constant 0 : index
    %get3A_4 = vector.load %arg2[%get3A_2, %get3A_3] : memref<128x128xf32, #tpu.memory_space<vmem>>, vector<128x128xf32>
    %dot_general3A = arith.constant dense<0.000000e+00> : vector<2000x128xf32>
    %dot_general3A_5 = tpu.matmul %get3A_1, %get3A_4, %dot_general3A {dimension_numbers = #tpu.dot_dimension_numbers<[1], [1], [0], [0], [0, 0, 1, 0], [], []>, transpose_lhs_hint = false} : vector<2000x128xf32>, vector<128x128xf32>, vector<2000x128xf32> -> vector<2000x128xf32>
    %get3A_6 = arith.constant 0 : index
    %get3A_7 = arith.constant 0 : index
    %get3A_8 = vector.load %arg3[%get3A_6, %get3A_7] : memref<1x128xf32, #tpu.memory_space<vmem>>, vector<1x128xf32>
    %add3A = vector.broadcast %get3A_8 : vector<1x128xf32> to vector<2000x128xf32>
    %add3A_9 = arith.addf %dot_general3A_5, %add3A : vector<2000x128xf32>
    %ge3A = arith.constant 0.000000e+00 : f32
    %ge3A_10 = vector.broadcast %ge3A : f32 to vector<2000x128xf32>
    %ge3A_11 = arith.cmpf oge, %add3A_9, %ge3A_10 : vector<2000x128xf32>
    %mul3A = arith.constant 2.000000e-01 : f32
    %mul3A_12 = vector.broadcast %mul3A : f32 to vector<2000x128xf32>
    %mul3A_13 = arith.mulf %mul3A_12, %add3A_9 : vector<2000x128xf32>
    %select_n3A = arith.select %ge3A_11, %add3A_9, %mul3A_13 : vector<2000x128xi1>, vector<2000x128xf32>
    %swap3A = arith.constant 0 : index
    %swap3A_14 = arith.constant 0 : index
    %swap3A_15 = vector.load %arg4[%swap3A, %swap3A_14] : memref<2000x128xf32, #tpu.memory_space<vmem>>, vector<2000x128xf32>
    tpu.vector_store %arg4[%swap3A, %swap3A_14], %select_n3A {strides = array<i32>} : memref<2000x128xf32, #tpu.memory_space<vmem>>, vector<2000x128xf32>,
    return
  }
  func.func @transform_0(%arg0: i32) -> (i32, i32) {
    %c0_i32 = arith.constant 0 : i32
    %c0_i32_0 = arith.constant 0 : i32
    return %arg0, %c0_i32 : i32, i32
  }
  func.func @transform_1(%arg0: i32) -> (i32, i32) {
    %c0_i32 = arith.constant 0 : i32
    %c0_i32_0 = arith.constant 0 : i32
    %c0_i32_1 = arith.constant 0 : i32
    return %c0_i32, %c0_i32_0 : i32, i32
  }
  func.func @transform_2(%arg0: i32) -> (i32, i32) {
    %c0_i32 = arith.constant 0 : i32
    %c0_i32_0 = arith.constant 0 : i32
    %c0_i32_1 = arith.constant 0 : i32
    return %c0_i32, %c0_i32_0 : i32, i32
  }
  func.func @transform_3(%arg0: i32) -> (i32, i32) {
    %c0_i32 = arith.constant 0 : i32
    %c0_i32_0 = arith.constant 0 : i32
    return %arg0, %c0_i32 : i32, i32
  }
}

module attributes {stable_mosaic.version = 14 : i64} {
  func.func @body(%arg0: i32, %arg1: memref<1280x128xf32, #tpu.memory_space<vmem>>, %arg2: memref<128x128xf32, #tpu.memory_space<vmem>>, %arg3: memref<1280x1xf32, #tpu.memory_space<vmem>>, %arg4: memref<1280x1xf32, #tpu.memory_space<vmem>>, %arg5: memref<1280x128xf32, #tpu.memory_space<vmem>>, %arg6: memref<1280x1xf32, #tpu.memory_space<vmem>>) attributes {dimension_semantics = [#tpu.dimension_semantics<arbitrary>], iteration_bounds = array<i64: 8>, scalar_prefetch = 0 : i64, scratch_operands = 0 : i64, tpu.core_type = #tpu.core_type<tc>, window_params = [{transform_indices = @transform_0, window_bounds = array<i64: 1280, 128>}, {pipeline_mode = #tpu.pipeline_mode<synchronous>, transform_indices = @transform_1, window_bounds = array<i64: 128, 128>}, {transform_indices = @transform_2, window_bounds = array<i64: 1280, 1>}, {transform_indices = @transform_3, window_bounds = array<i64: 1280, 1>}, {transform_indices = @transform_4, window_bounds = array<i64: 1280, 128>}, {transform_indices = @transform_5, window_bounds = array<i64: 1280, 1>}]} {
    %get3A = arith.constant 0 : index
    %get3A_0 = arith.constant 0 : index
    %get3A_1 = vector.load %arg1[%get3A, %get3A_0] : memref<1280x128xf32, #tpu.memory_space<vmem>>, vector<1280x128xf32>
    %get3A_2 = arith.constant 0 : index
    %get3A_3 = arith.constant 0 : index
    %get3A_4 = vector.load %arg2[%get3A_2, %get3A_3] : memref<128x128xf32, #tpu.memory_space<vmem>>, vector<128x128xf32>
    %dot_general3A = arith.constant dense<0.000000e+00> : vector<1280x128xf32>
    %dot_general3A_5 = tpu.matmul %get3A_1, %get3A_4, %dot_general3A {dimension_numbers = #tpu.dot_dimension_numbers<[1], [1], [0], [0], [0, 0, 1, 0], [], []>, transpose_lhs_hint = false} : vector<1280x128xf32>, vector<128x128xf32>, vector<1280x128xf32> -> vector<1280x128xf32>
    %get3A_6 = arith.constant 0 : index
    %get3A_7 = arith.constant 0 : index
    %get3A_8 = vector.load %arg3[%get3A_6, %get3A_7] : memref<1280x1xf32, #tpu.memory_space<vmem>>, vector<1280x1xf32>
    %get3A_9 = arith.constant 0 : index
    %get3A_10 = arith.constant 0 : index
    %get3A_11 = vector.load %arg4[%get3A_9, %get3A_10] : memref<1280x1xf32, #tpu.memory_space<vmem>>, vector<1280x1xf32>
    %add3A = arith.addf %get3A_8, %get3A_11 : vector<1280x1xf32>
    %add3A_12 = arith.constant 1.000000e+00 : f32
    %add3A_13 = vector.broadcast %add3A_12 : f32 to vector<1280x1xf32>
    %add3A_14 = arith.addf %add3A, %add3A_13 : vector<1280x1xf32>
    %rsqrt3A = math.rsqrt %add3A_14 : vector<1280x1xf32>
    %swap3A = arith.constant 0 : index
    %swap3A_15 = arith.constant 0 : index
    %swap3A_16 = vector.load %arg6[%swap3A, %swap3A_15] : memref<1280x1xf32, #tpu.memory_space<vmem>>, vector<1280x1xf32>
    tpu.vector_store %arg6[%swap3A, %swap3A_15], %rsqrt3A {strides = array<i32>} : memref<1280x1xf32, #tpu.memory_space<vmem>>, vector<1280x1xf32>,
    %mul3A = vector.broadcast %rsqrt3A : vector<1280x1xf32> to vector<1280x128xf32>
    %mul3A_17 = arith.mulf %dot_general3A_5, %mul3A : vector<1280x128xf32>
    %swap3A_18 = arith.constant 0 : index
    %swap3A_19 = arith.constant 0 : index
    %swap3A_20 = vector.load %arg5[%swap3A_18, %swap3A_19] : memref<1280x128xf32, #tpu.memory_space<vmem>>, vector<1280x128xf32>
    tpu.vector_store %arg5[%swap3A_18, %swap3A_19], %mul3A_17 {strides = array<i32>} : memref<1280x128xf32, #tpu.memory_space<vmem>>, vector<1280x128xf32>,
    return
  }
  func.func @transform_0(%arg0: i32) -> (i32, i32) {
    %c0_i32 = arith.constant 0 : i32
    %c0_i32_0 = arith.constant 0 : i32
    return %arg0, %c0_i32 : i32, i32
  }
  func.func @transform_1(%arg0: i32) -> (i32, i32) {
    %c0_i32 = arith.constant 0 : i32
    %c0_i32_0 = arith.constant 0 : i32
    %c0_i32_1 = arith.constant 0 : i32
    return %c0_i32, %c0_i32_0 : i32, i32
  }
  func.func @transform_2(%arg0: i32) -> (i32, i32) {
    %c0_i32 = arith.constant 0 : i32
    %c0_i32_0 = arith.constant 0 : i32
    return %arg0, %c0_i32 : i32, i32
  }
  func.func @transform_3(%arg0: i32) -> (i32, i32) {
    %add3A = arith.constant 8 : i32
    %add3A_0 = arith.addi %arg0, %add3A : i32
    %c0_i32 = arith.constant 0 : i32
    %c0_i32_1 = arith.constant 0 : i32
    return %add3A_0, %c0_i32 : i32, i32
  }
  func.func @transform_4(%arg0: i32) -> (i32, i32) {
    %c0_i32 = arith.constant 0 : i32
    %c0_i32_0 = arith.constant 0 : i32
    return %arg0, %c0_i32 : i32, i32
  }
  func.func @transform_5(%arg0: i32) -> (i32, i32) {
    %c0_i32 = arith.constant 0 : i32
    %c0_i32_0 = arith.constant 0 : i32
    return %arg0, %c0_i32 : i32, i32
  }
}

module attributes {stable_mosaic.version = 14 : i64} {
  func.func @body(%arg0: i32, %arg1: memref<1280x128xf32, #tpu.memory_space<vmem>>, %arg2: memref<1280x128xf32, #tpu.memory_space<vmem>>, %arg3: memref<1280x128xf32, #tpu.memory_space<vmem>>, %arg4: memref<1280x1xf32, #tpu.memory_space<vmem>>, %arg5: memref<1x128xf32, #tpu.memory_space<vmem>>, %arg6: memref<128x128xf32, #tpu.memory_space<vmem>>, %arg7: memref<1280x128xf32, #tpu.memory_space<vmem>>) attributes {dimension_semantics = [#tpu.dimension_semantics<arbitrary>], iteration_bounds = array<i64: 8>, scalar_prefetch = 0 : i64, scratch_operands = 0 : i64, tpu.core_type = #tpu.core_type<tc>, window_params = [{transform_indices = @transform_0, window_bounds = array<i64: 1280, 128>}, {transform_indices = @transform_1, window_bounds = array<i64: 1280, 128>}, {transform_indices = @transform_2, window_bounds = array<i64: 1280, 128>}, {transform_indices = @transform_3, window_bounds = array<i64: 1280, 1>}, {pipeline_mode = #tpu.pipeline_mode<synchronous>, transform_indices = @transform_4, window_bounds = array<i64: 1, 128>}, {pipeline_mode = #tpu.pipeline_mode<synchronous>, transform_indices = @transform_5, window_bounds = array<i64: 128, 128>}, {transform_indices = @transform_6, window_bounds = array<i64: 1280, 128>}]} {
    %get3A = arith.constant 0 : index
    %get3A_0 = arith.constant 0 : index
    %get3A_1 = vector.load %arg4[%get3A, %get3A_0] : memref<1280x1xf32, #tpu.memory_space<vmem>>, vector<1280x1xf32>
    %get3A_2 = arith.constant 0 : index
    %get3A_3 = arith.constant 0 : index
    %get3A_4 = vector.load %arg1[%get3A_2, %get3A_3] : memref<1280x128xf32, #tpu.memory_space<vmem>>, vector<1280x128xf32>
    %get3A_5 = arith.constant 0 : index
    %get3A_6 = arith.constant 0 : index
    %get3A_7 = vector.load %arg2[%get3A_5, %get3A_6] : memref<1280x128xf32, #tpu.memory_space<vmem>>, vector<1280x128xf32>
    %add3A = arith.addf %get3A_4, %get3A_7 : vector<1280x128xf32>
    %get3A_8 = arith.constant 0 : index
    %get3A_9 = arith.constant 0 : index
    %get3A_10 = vector.load %arg3[%get3A_8, %get3A_9] : memref<1280x128xf32, #tpu.memory_space<vmem>>, vector<1280x128xf32>
    %add3A_11 = arith.addf %add3A, %get3A_10 : vector<1280x128xf32>
    %mul3A = vector.broadcast %get3A_1 : vector<1280x1xf32> to vector<1280x128xf32>
    %mul3A_12 = arith.mulf %mul3A, %add3A_11 : vector<1280x128xf32>
    %get3A_13 = arith.constant 0 : index
    %get3A_14 = arith.constant 0 : index
    %get3A_15 = vector.load %arg5[%get3A_13, %get3A_14] : memref<1x128xf32, #tpu.memory_space<vmem>>, vector<1x128xf32>
    %add3A_16 = vector.broadcast %get3A_15 : vector<1x128xf32> to vector<1280x128xf32>
    %add3A_17 = arith.addf %mul3A_12, %add3A_16 : vector<1280x128xf32>
    %ge3A = arith.constant 0.000000e+00 : f32
    %ge3A_18 = vector.broadcast %ge3A : f32 to vector<1280x128xf32>
    %ge3A_19 = arith.cmpf oge, %add3A_17, %ge3A_18 : vector<1280x128xf32>
    %mul3A_20 = arith.constant 2.000000e-01 : f32
    %mul3A_21 = vector.broadcast %mul3A_20 : f32 to vector<1280x128xf32>
    %mul3A_22 = arith.mulf %mul3A_21, %add3A_17 : vector<1280x128xf32>
    %select_n3A = arith.select %ge3A_19, %add3A_17, %mul3A_22 : vector<1280x128xi1>, vector<1280x128xf32>
    %get3A_23 = arith.constant 0 : index
    %get3A_24 = arith.constant 0 : index
    %get3A_25 = vector.load %arg6[%get3A_23, %get3A_24] : memref<128x128xf32, #tpu.memory_space<vmem>>, vector<128x128xf32>
    %dot_general3A = arith.constant dense<0.000000e+00> : vector<1280x128xf32>
    %dot_general3A_26 = tpu.matmul %select_n3A, %get3A_25, %dot_general3A {dimension_numbers = #tpu.dot_dimension_numbers<[1], [1], [0], [0], [0, 0, 1, 0], [], []>, transpose_lhs_hint = false} : vector<1280x128xf32>, vector<128x128xf32>, vector<1280x128xf32> -> vector<1280x128xf32>
    %mul3A_27 = vector.broadcast %get3A_1 : vector<1280x1xf32> to vector<1280x128xf32>
    %mul3A_28 = arith.mulf %dot_general3A_26, %mul3A_27 : vector<1280x128xf32>
    %swap3A = arith.constant 0 : index
    %swap3A_29 = arith.constant 0 : index
    %swap3A_30 = vector.load %arg7[%swap3A, %swap3A_29] : memref<1280x128xf32, #tpu.memory_space<vmem>>, vector<1280x128xf32>
    tpu.vector_store %arg7[%swap3A, %swap3A_29], %mul3A_28 {strides = array<i32>} : memref<1280x128xf32, #tpu.memory_space<vmem>>, vector<1280x128xf32>,
    return
  }
  func.func @transform_0(%arg0: i32) -> (i32, i32) {
    %c0_i32 = arith.constant 0 : i32
    %c0_i32_0 = arith.constant 0 : i32
    return %arg0, %c0_i32 : i32, i32
  }
  func.func @transform_1(%arg0: i32) -> (i32, i32) {
    %add3A = arith.constant 8 : i32
    %add3A_0 = arith.addi %arg0, %add3A : i32
    %c0_i32 = arith.constant 0 : i32
    %c0_i32_1 = arith.constant 0 : i32
    return %add3A_0, %c0_i32 : i32, i32
  }
  func.func @transform_2(%arg0: i32) -> (i32, i32) {
    %c0_i32 = arith.constant 0 : i32
    %c0_i32_0 = arith.constant 0 : i32
    return %arg0, %c0_i32 : i32, i32
  }
  func.func @transform_3(%arg0: i32) -> (i32, i32) {
    %c0_i32 = arith.constant 0 : i32
    %c0_i32_0 = arith.constant 0 : i32
    return %arg0, %c0_i32 : i32, i32
  }
  func.func @transform_4(%arg0: i32) -> (i32, i32) {
    %c0_i32 = arith.constant 0 : i32
    %c0_i32_0 = arith.constant 0 : i32
    %c0_i32_1 = arith.constant 0 : i32
    return %c0_i32, %c0_i32_0 : i32, i32
  }
  func.func @transform_5(%arg0: i32) -> (i32, i32) {
    %c0_i32 = arith.constant 0 : i32
    %c0_i32_0 = arith.constant 0 : i32
    %c0_i32_1 = arith.constant 0 : i32
    return %c0_i32, %c0_i32_0 : i32, i32
  }
  func.func @transform_6(%arg0: i32) -> (i32, i32) {
    %c0_i32 = arith.constant 0 : i32
    %c0_i32_0 = arith.constant 0 : i32
    return %arg0, %c0_i32 : i32, i32
  }
}

module attributes {stable_mosaic.version = 14 : i64} {
  func.func @body(%arg0: i32, %arg1: memref<1280x128xf32, #tpu.memory_space<vmem>>, %arg2: memref<1280x128xf32, #tpu.memory_space<vmem>>, %arg3: memref<1280x128xf32, #tpu.memory_space<vmem>>, %arg4: memref<1280x1xf32, #tpu.memory_space<vmem>>, %arg5: memref<1x128xf32, #tpu.memory_space<vmem>>, %arg6: memref<128x128xf32, #tpu.memory_space<vmem>>, %arg7: memref<1280x128xf32, #tpu.memory_space<vmem>>) attributes {dimension_semantics = [#tpu.dimension_semantics<arbitrary>], iteration_bounds = array<i64: 8>, scalar_prefetch = 0 : i64, scratch_operands = 0 : i64, tpu.core_type = #tpu.core_type<tc>, window_params = [{transform_indices = @transform_0, window_bounds = array<i64: 1280, 128>}, {transform_indices = @transform_1, window_bounds = array<i64: 1280, 128>}, {transform_indices = @transform_2, window_bounds = array<i64: 1280, 128>}, {transform_indices = @transform_3, window_bounds = array<i64: 1280, 1>}, {pipeline_mode = #tpu.pipeline_mode<synchronous>, transform_indices = @transform_4, window_bounds = array<i64: 1, 128>}, {pipeline_mode = #tpu.pipeline_mode<synchronous>, transform_indices = @transform_5, window_bounds = array<i64: 128, 128>}, {transform_indices = @transform_6, window_bounds = array<i64: 1280, 128>}]} {
    %get3A = arith.constant 0 : index
    %get3A_0 = arith.constant 0 : index
    %get3A_1 = vector.load %arg4[%get3A, %get3A_0] : memref<1280x1xf32, #tpu.memory_space<vmem>>, vector<1280x1xf32>
    %get3A_2 = arith.constant 0 : index
    %get3A_3 = arith.constant 0 : index
    %get3A_4 = vector.load %arg1[%get3A_2, %get3A_3] : memref<1280x128xf32, #tpu.memory_space<vmem>>, vector<1280x128xf32>
    %get3A_5 = arith.constant 0 : index
    %get3A_6 = arith.constant 0 : index
    %get3A_7 = vector.load %arg2[%get3A_5, %get3A_6] : memref<1280x128xf32, #tpu.memory_space<vmem>>, vector<1280x128xf32>
    %add3A = arith.addf %get3A_4, %get3A_7 : vector<1280x128xf32>
    %get3A_8 = arith.constant 0 : index
    %get3A_9 = arith.constant 0 : index
    %get3A_10 = vector.load %arg3[%get3A_8, %get3A_9] : memref<1280x128xf32, #tpu.memory_space<vmem>>, vector<1280x128xf32>
    %add3A_11 = arith.addf %add3A, %get3A_10 : vector<1280x128xf32>
    %mul3A = vector.broadcast %get3A_1 : vector<1280x1xf32> to vector<1280x128xf32>
    %mul3A_12 = arith.mulf %mul3A, %add3A_11 : vector<1280x128xf32>
    %get3A_13 = arith.constant 0 : index
    %get3A_14 = arith.constant 0 : index
    %get3A_15 = vector.load %arg5[%get3A_13, %get3A_14] : memref<1x128xf32, #tpu.memory_space<vmem>>, vector<1x128xf32>
    %add3A_16 = vector.broadcast %get3A_15 : vector<1x128xf32> to vector<1280x128xf32>
    %add3A_17 = arith.addf %mul3A_12, %add3A_16 : vector<1280x128xf32>
    %ge3A = arith.constant 0.000000e+00 : f32
    %ge3A_18 = vector.broadcast %ge3A : f32 to vector<1280x128xf32>
    %ge3A_19 = arith.cmpf oge, %add3A_17, %ge3A_18 : vector<1280x128xf32>
    %mul3A_20 = arith.constant 2.000000e-01 : f32
    %mul3A_21 = vector.broadcast %mul3A_20 : f32 to vector<1280x128xf32>
    %mul3A_22 = arith.mulf %mul3A_21, %add3A_17 : vector<1280x128xf32>
    %select_n3A = arith.select %ge3A_19, %add3A_17, %mul3A_22 : vector<1280x128xi1>, vector<1280x128xf32>
    %get3A_23 = arith.constant 0 : index
    %get3A_24 = arith.constant 0 : index
    %get3A_25 = vector.load %arg6[%get3A_23, %get3A_24] : memref<128x128xf32, #tpu.memory_space<vmem>>, vector<128x128xf32>
    %dot_general3A = arith.constant dense<0.000000e+00> : vector<1280x128xf32>
    %dot_general3A_26 = tpu.matmul %select_n3A, %get3A_25, %dot_general3A {dimension_numbers = #tpu.dot_dimension_numbers<[1], [1], [0], [0], [0, 0, 1, 0], [], []>, transpose_lhs_hint = false} : vector<1280x128xf32>, vector<128x128xf32>, vector<1280x128xf32> -> vector<1280x128xf32>
    %swap3A = arith.constant 0 : index
    %swap3A_27 = arith.constant 0 : index
    %swap3A_28 = vector.load %arg7[%swap3A, %swap3A_27] : memref<1280x128xf32, #tpu.memory_space<vmem>>, vector<1280x128xf32>
    tpu.vector_store %arg7[%swap3A, %swap3A_27], %dot_general3A_26 {strides = array<i32>} : memref<1280x128xf32, #tpu.memory_space<vmem>>, vector<1280x128xf32>,
    return
  }
  func.func @transform_0(%arg0: i32) -> (i32, i32) {
    %c0_i32 = arith.constant 0 : i32
    %c0_i32_0 = arith.constant 0 : i32
    return %arg0, %c0_i32 : i32, i32
  }
  func.func @transform_1(%arg0: i32) -> (i32, i32) {
    %add3A = arith.constant 8 : i32
    %add3A_0 = arith.addi %arg0, %add3A : i32
    %c0_i32 = arith.constant 0 : i32
    %c0_i32_1 = arith.constant 0 : i32
    return %add3A_0, %c0_i32 : i32, i32
  }
  func.func @transform_2(%arg0: i32) -> (i32, i32) {
    %c0_i32 = arith.constant 0 : i32
    %c0_i32_0 = arith.constant 0 : i32
    return %arg0, %c0_i32 : i32, i32
  }
  func.func @transform_3(%arg0: i32) -> (i32, i32) {
    %c0_i32 = arith.constant 0 : i32
    %c0_i32_0 = arith.constant 0 : i32
    return %arg0, %c0_i32 : i32, i32
  }
  func.func @transform_4(%arg0: i32) -> (i32, i32) {
    %c0_i32 = arith.constant 0 : i32
    %c0_i32_0 = arith.constant 0 : i32
    %c0_i32_1 = arith.constant 0 : i32
    return %c0_i32, %c0_i32_0 : i32, i32
  }
  func.func @transform_5(%arg0: i32) -> (i32, i32) {
    %c0_i32 = arith.constant 0 : i32
    %c0_i32_0 = arith.constant 0 : i32
    %c0_i32_1 = arith.constant 0 : i32
    return %c0_i32, %c0_i32_0 : i32, i32
  }
  func.func @transform_6(%arg0: i32) -> (i32, i32) {
    %c0_i32 = arith.constant 0 : i32
    %c0_i32_0 = arith.constant 0 : i32
    return %arg0, %c0_i32 : i32, i32
  }
}

module attributes {stable_mosaic.version = 14 : i64} {
  func.func @body(%arg0: memref<1000x128xf32, #tpu.memory_space<vmem>>, %arg1: memref<128x128xf32, #tpu.memory_space<vmem>>, %arg2: memref<1x128xf32, #tpu.memory_space<vmem>>, %arg3: memref<128x128xf32, #tpu.memory_space<vmem>>, %arg4: memref<1000x128xf32, #tpu.memory_space<vmem>>) attributes {dimension_semantics = [], scalar_prefetch = 0 : i64, scratch_operands = 0 : i64, tpu.core_type = #tpu.core_type<tc>} {
    %get3A = arith.constant 0 : index
    %get3A_0 = arith.constant 0 : index
    %get3A_1 = vector.load %arg0[%get3A, %get3A_0] : memref<1000x128xf32, #tpu.memory_space<vmem>>, vector<1000x128xf32>
    %get3A_2 = arith.constant 0 : index
    %get3A_3 = arith.constant 0 : index
    %get3A_4 = vector.load %arg1[%get3A_2, %get3A_3] : memref<128x128xf32, #tpu.memory_space<vmem>>, vector<128x128xf32>
    %dot_general3A = arith.constant dense<0.000000e+00> : vector<1000x128xf32>
    %dot_general3A_5 = tpu.matmul %get3A_1, %get3A_4, %dot_general3A {dimension_numbers = #tpu.dot_dimension_numbers<[1], [1], [0], [0], [0, 0, 1, 0], [], []>, transpose_lhs_hint = false} : vector<1000x128xf32>, vector<128x128xf32>, vector<1000x128xf32> -> vector<1000x128xf32>
    %get3A_6 = arith.constant 0 : index
    %get3A_7 = arith.constant 0 : index
    %get3A_8 = vector.load %arg2[%get3A_6, %get3A_7] : memref<1x128xf32, #tpu.memory_space<vmem>>, vector<1x128xf32>
    %add3A = vector.broadcast %get3A_8 : vector<1x128xf32> to vector<1000x128xf32>
    %add3A_9 = arith.addf %dot_general3A_5, %add3A : vector<1000x128xf32>
    %ge3A = arith.constant 0.000000e+00 : f32
    %ge3A_10 = vector.broadcast %ge3A : f32 to vector<1000x128xf32>
    %ge3A_11 = arith.cmpf oge, %add3A_9, %ge3A_10 : vector<1000x128xf32>
    %mul3A = arith.constant 2.000000e-01 : f32
    %mul3A_12 = vector.broadcast %mul3A : f32 to vector<1000x128xf32>
    %mul3A_13 = arith.mulf %mul3A_12, %add3A_9 : vector<1000x128xf32>
    %select_n3A = arith.select %ge3A_11, %add3A_9, %mul3A_13 : vector<1000x128xi1>, vector<1000x128xf32>
    %get3A_14 = arith.constant 0 : index
    %get3A_15 = arith.constant 0 : index
    %get3A_16 = vector.load %arg3[%get3A_14, %get3A_15] : memref<128x128xf32, #tpu.memory_space<vmem>>, vector<128x128xf32>
    %dot_general3A_17 = arith.constant dense<0.000000e+00> : vector<1000x128xf32>
    %dot_general3A_18 = tpu.matmul %select_n3A, %get3A_16, %dot_general3A_17 {dimension_numbers = #tpu.dot_dimension_numbers<[1], [1], [0], [0], [0, 0, 1, 0], [], []>, transpose_lhs_hint = false} : vector<1000x128xf32>, vector<128x128xf32>, vector<1000x128xf32> -> vector<1000x128xf32>
    %swap3A = arith.constant 0 : index
    %swap3A_19 = arith.constant 0 : index
    %swap3A_20 = vector.load %arg4[%swap3A, %swap3A_19] : memref<1000x128xf32, #tpu.memory_space<vmem>>, vector<1000x128xf32>
    tpu.vector_store %arg4[%swap3A, %swap3A_19], %dot_general3A_18 {strides = array<i32>} : memref<1000x128xf32, #tpu.memory_space<vmem>>, vector<1000x128xf32>,
    return
  }
}

module attributes {stable_mosaic.version = 14 : i64} {
  func.func @body(%arg0: i32, %arg1: memref<1280x128xf32, #tpu.memory_space<vmem>>, %arg2: memref<1x128xf32, #tpu.memory_space<vmem>>, %arg3: memref<16x128xf32, #tpu.memory_space<vmem>>, %arg4: memref<1x16xf32, #tpu.memory_space<vmem>>, %arg5: memref<1280x16xf32, #tpu.memory_space<vmem>>) attributes {dimension_semantics = [#tpu.dimension_semantics<arbitrary>], iteration_bounds = array<i64: 8>, scalar_prefetch = 0 : i64, scratch_operands = 0 : i64, tpu.core_type = #tpu.core_type<tc>, window_params = [{transform_indices = @transform_0, window_bounds = array<i64: 1280, 128>}, {pipeline_mode = #tpu.pipeline_mode<synchronous>, transform_indices = @transform_1, window_bounds = array<i64: 1, 128>}, {pipeline_mode = #tpu.pipeline_mode<synchronous>, transform_indices = @transform_2, window_bounds = array<i64: 16, 128>}, {pipeline_mode = #tpu.pipeline_mode<synchronous>, transform_indices = @transform_3, window_bounds = array<i64: 1, 16>}, {transform_indices = @transform_4, window_bounds = array<i64: 1280, 16>}]} {
    %get3A = arith.constant 0 : index
    %get3A_0 = arith.constant 0 : index
    %get3A_1 = vector.load %arg1[%get3A, %get3A_0] : memref<1280x128xf32, #tpu.memory_space<vmem>>, vector<1280x128xf32>
    %get3A_2 = arith.constant 0 : index
    %get3A_3 = arith.constant 0 : index
    %get3A_4 = vector.load %arg2[%get3A_2, %get3A_3] : memref<1x128xf32, #tpu.memory_space<vmem>>, vector<1x128xf32>
    %add3A = vector.broadcast %get3A_4 : vector<1x128xf32> to vector<1280x128xf32>
    %add3A_5 = arith.addf %get3A_1, %add3A : vector<1280x128xf32>
    %ge3A = arith.constant 0.000000e+00 : f32
    %ge3A_6 = vector.broadcast %ge3A : f32 to vector<1280x128xf32>
    %ge3A_7 = arith.cmpf oge, %add3A_5, %ge3A_6 : vector<1280x128xf32>
    %mul3A = arith.constant 2.000000e-01 : f32
    %mul3A_8 = vector.broadcast %mul3A : f32 to vector<1280x128xf32>
    %mul3A_9 = arith.mulf %mul3A_8, %add3A_5 : vector<1280x128xf32>
    %select_n3A = arith.select %ge3A_7, %add3A_5, %mul3A_9 : vector<1280x128xi1>, vector<1280x128xf32>
    %get3A_10 = arith.constant 0 : index
    %get3A_11 = arith.constant 0 : index
    %get3A_12 = vector.load %arg3[%get3A_10, %get3A_11] : memref<16x128xf32, #tpu.memory_space<vmem>>, vector<16x128xf32>
    %dot_general3A = arith.constant dense<0.000000e+00> : vector<1280x16xf32>
    %dot_general3A_13 = tpu.matmul %select_n3A, %get3A_12, %dot_general3A {dimension_numbers = #tpu.dot_dimension_numbers<[1], [1], [0], [0], [0, 0, 1, 0], [], []>, transpose_lhs_hint = false} : vector<1280x128xf32>, vector<16x128xf32>, vector<1280x16xf32> -> vector<1280x16xf32>
    %get3A_14 = arith.constant 0 : index
    %get3A_15 = arith.constant 0 : index
    %get3A_16 = vector.load %arg4[%get3A_14, %get3A_15] : memref<1x16xf32, #tpu.memory_space<vmem>>, vector<1x16xf32>
    %add3A_17 = vector.broadcast %get3A_16 : vector<1x16xf32> to vector<1280x16xf32>
    %add3A_18 = arith.addf %dot_general3A_13, %add3A_17 : vector<1280x16xf32>
    %reduce_max3A = arith.constant dense<0xFF800000> : vector<1280xf32>
    %reduce_max3A_19 = vector.multi_reduction <maximumf>, %add3A_18, %reduce_max3A [1] : vector<1280x16xf32> to vector<1280xf32>
    %broadcast_in_dim3A = vector.shape_cast %reduce_max3A_19 : vector<1280xf32> to vector<1280x1xf32>
    %sub3A = vector.broadcast %broadcast_in_dim3A : vector<1280x1xf32> to vector<1280x16xf32>
    %sub3A_20 = arith.subf %add3A_18, %sub3A : vector<1280x16xf32>
    %exp3A = math.exp %sub3A_20 : vector<1280x16xf32>
    %reduce_sum3A = arith.constant dense<0.000000e+00> : vector<1280xf32>
    %reduce_sum3A_21 = vector.multi_reduction <add>, %exp3A, %reduce_sum3A [1] : vector<1280x16xf32> to vector<1280xf32>
    %broadcast_in_dim3A_22 = vector.shape_cast %reduce_sum3A_21 : vector<1280xf32> to vector<1280x1xf32>
    %log3A = math.log %broadcast_in_dim3A_22 : vector<1280x1xf32>
    %add3A_23 = arith.addf %log3A, %broadcast_in_dim3A : vector<1280x1xf32>
    %sub3A_24 = vector.broadcast %add3A_23 : vector<1280x1xf32> to vector<1280x16xf32>
    %sub3A_25 = arith.subf %add3A_18, %sub3A_24 : vector<1280x16xf32>
    %swap3A = arith.constant 0 : index
    %swap3A_26 = arith.constant 0 : index
    %swap3A_27 = vector.load %arg5[%swap3A, %swap3A_26] : memref<1280x16xf32, #tpu.memory_space<vmem>>, vector<1280x16xf32>
    tpu.vector_store %arg5[%swap3A, %swap3A_26], %sub3A_25 {strides = array<i32>} : memref<1280x16xf32, #tpu.memory_space<vmem>>, vector<1280x16xf32>,
    return
  }
  func.func @transform_0(%arg0: i32) -> (i32, i32) {
    %c0_i32 = arith.constant 0 : i32
    %c0_i32_0 = arith.constant 0 : i32
    return %arg0, %c0_i32 : i32, i32
  }
  func.func @transform_1(%arg0: i32) -> (i32, i32) {
    %c0_i32 = arith.constant 0 : i32
    %c0_i32_0 = arith.constant 0 : i32
    %c0_i32_1 = arith.constant 0 : i32
    return %c0_i32, %c0_i32_0 : i32, i32
  }
  func.func @transform_2(%arg0: i32) -> (i32, i32) {
    %c0_i32 = arith.constant 0 : i32
    %c0_i32_0 = arith.constant 0 : i32
    %c0_i32_1 = arith.constant 0 : i32
    return %c0_i32, %c0_i32_0 : i32, i32
  }
  func.func @transform_3(%arg0: i32) -> (i32, i32) {
    %c0_i32 = arith.constant 0 : i32
    %c0_i32_0 = arith.constant 0 : i32
    %c0_i32_1 = arith.constant 0 : i32
    return %c0_i32, %c0_i32_0 : i32, i32
  }
  func.func @transform_4(%arg0: i32) -> (i32, i32) {
    %c0_i32 = arith.constant 0 : i32
    %c0_i32_0 = arith.constant 0 : i32
    return %arg0, %c0_i32 : i32, i32
  }
}

module attributes {stable_mosaic.version = 14 : i64} {
  func.func @body(%arg0: i32, %arg1: memref<1000x128xf32, #tpu.memory_space<vmem>>, %arg2: memref<1x128xf32, #tpu.memory_space<vmem>>, %arg3: memref<1000x128xf32, #tpu.memory_space<vmem>>, %arg4: memref<1000x128xf32, #tpu.memory_space<vmem>>, %arg5: memref<1000x1xf32, #tpu.memory_space<vmem>>, %arg6: memref<1000x1xf32, #tpu.memory_space<vmem>>, %arg7: memref<16x128xf32, #tpu.memory_space<vmem>>, %arg8: memref<1x16xf32, #tpu.memory_space<vmem>>, %arg9: memref<1000x16xf32, #tpu.memory_space<vmem>>) attributes {dimension_semantics = [#tpu.dimension_semantics<arbitrary>], iteration_bounds = array<i64: 1>, scalar_prefetch = 0 : i64, scratch_operands = 0 : i64, tpu.core_type = #tpu.core_type<tc>, window_params = [{pipeline_mode = #tpu.pipeline_mode<synchronous>, transform_indices = @transform_0, window_bounds = array<i64: 1000, 128>}, {pipeline_mode = #tpu.pipeline_mode<synchronous>, transform_indices = @transform_1, window_bounds = array<i64: 1, 128>}, {transform_indices = @transform_2, window_bounds = array<i64: 1000, 128>}, {transform_indices = @transform_3, window_bounds = array<i64: 1000, 128>}, {transform_indices = @transform_4, window_bounds = array<i64: 1000, 1>}, {transform_indices = @transform_5, window_bounds = array<i64: 1000, 1>}, {pipeline_mode = #tpu.pipeline_mode<synchronous>, transform_indices = @transform_6, window_bounds = array<i64: 16, 128>}, {pipeline_mode = #tpu.pipeline_mode<synchronous>, transform_indices = @transform_7, window_bounds = array<i64: 1, 16>}, {pipeline_mode = #tpu.pipeline_mode<synchronous>, transform_indices = @transform_8, window_bounds = array<i64: 1000, 16>}]} {
    %get3A = arith.constant 0 : index
    %get3A_0 = arith.constant 0 : index
    %get3A_1 = vector.load %arg5[%get3A, %get3A_0] : memref<1000x1xf32, #tpu.memory_space<vmem>>, vector<1000x1xf32>
    %get3A_2 = arith.constant 0 : index
    %get3A_3 = arith.constant 0 : index
    %get3A_4 = vector.load %arg6[%get3A_2, %get3A_3] : memref<1000x1xf32, #tpu.memory_space<vmem>>, vector<1000x1xf32>
    %add3A = arith.addf %get3A_1, %get3A_4 : vector<1000x1xf32>
    %add3A_5 = arith.constant 1.000000e+00 : f32
    %add3A_6 = vector.broadcast %add3A_5 : f32 to vector<1000x1xf32>
    %add3A_7 = arith.addf %add3A, %add3A_6 : vector<1000x1xf32>
    %rsqrt3A = math.rsqrt %add3A_7 : vector<1000x1xf32>
    %mul3A = arith.mulf %rsqrt3A, %rsqrt3A : vector<1000x1xf32>
    %get3A_8 = arith.constant 0 : index
    %get3A_9 = arith.constant 0 : index
    %get3A_10 = vector.load %arg1[%get3A_8, %get3A_9] : memref<1000x128xf32, #tpu.memory_space<vmem>>, vector<1000x128xf32>
    %mul3A_11 = vector.broadcast %mul3A : vector<1000x1xf32> to vector<1000x128xf32>
    %mul3A_12 = arith.mulf %mul3A_11, %get3A_10 : vector<1000x128xf32>
    %get3A_13 = arith.constant 0 : index
    %get3A_14 = arith.constant 0 : index
    %get3A_15 = vector.load %arg3[%get3A_13, %get3A_14] : memref<1000x128xf32, #tpu.memory_space<vmem>>, vector<1000x128xf32>
    %get3A_16 = arith.constant 0 : index
    %get3A_17 = arith.constant 0 : index
    %get3A_18 = vector.load %arg4[%get3A_16, %get3A_17] : memref<1000x128xf32, #tpu.memory_space<vmem>>, vector<1000x128xf32>
    %add3A_19 = arith.addf %get3A_15, %get3A_18 : vector<1000x128xf32>
    %mul3A_20 = vector.broadcast %rsqrt3A : vector<1000x1xf32> to vector<1000x128xf32>
    %mul3A_21 = arith.mulf %mul3A_20, %add3A_19 : vector<1000x128xf32>
    %add3A_22 = arith.addf %mul3A_12, %mul3A_21 : vector<1000x128xf32>
    %get3A_23 = arith.constant 0 : index
    %get3A_24 = arith.constant 0 : index
    %get3A_25 = vector.load %arg2[%get3A_23, %get3A_24] : memref<1x128xf32, #tpu.memory_space<vmem>>, vector<1x128xf32>
    %add3A_26 = vector.broadcast %get3A_25 : vector<1x128xf32> to vector<1000x128xf32>
    %add3A_27 = arith.addf %add3A_22, %add3A_26 : vector<1000x128xf32>
    %ge3A = arith.constant 0.000000e+00 : f32
    %ge3A_28 = vector.broadcast %ge3A : f32 to vector<1000x128xf32>
    %ge3A_29 = arith.cmpf oge, %add3A_27, %ge3A_28 : vector<1000x128xf32>
    %mul3A_30 = arith.constant 2.000000e-01 : f32
    %mul3A_31 = vector.broadcast %mul3A_30 : f32 to vector<1000x128xf32>
    %mul3A_32 = arith.mulf %mul3A_31, %add3A_27 : vector<1000x128xf32>
    %select_n3A = arith.select %ge3A_29, %add3A_27, %mul3A_32 : vector<1000x128xi1>, vector<1000x128xf32>
    %get3A_33 = arith.constant 0 : index
    %get3A_34 = arith.constant 0 : index
    %get3A_35 = vector.load %arg7[%get3A_33, %get3A_34] : memref<16x128xf32, #tpu.memory_space<vmem>>, vector<16x128xf32>
    %dot_general3A = arith.constant dense<0.000000e+00> : vector<1000x16xf32>
    %dot_general3A_36 = tpu.matmul %select_n3A, %get3A_35, %dot_general3A {dimension_numbers = #tpu.dot_dimension_numbers<[1], [1], [0], [0], [0, 0, 1, 0], [], []>, transpose_lhs_hint = false} : vector<1000x128xf32>, vector<16x128xf32>, vector<1000x16xf32> -> vector<1000x16xf32>
    %get3A_37 = arith.constant 0 : index
    %get3A_38 = arith.constant 0 : index
    %get3A_39 = vector.load %arg8[%get3A_37, %get3A_38] : memref<1x16xf32, #tpu.memory_space<vmem>>, vector<1x16xf32>
    %add3A_40 = vector.broadcast %get3A_39 : vector<1x16xf32> to vector<1000x16xf32>
    %add3A_41 = arith.addf %dot_general3A_36, %add3A_40 : vector<1000x16xf32>
    %reduce_max3A = arith.constant dense<0xFF800000> : vector<1000xf32>
    %reduce_max3A_42 = vector.multi_reduction <maximumf>, %add3A_41, %reduce_max3A [1] : vector<1000x16xf32> to vector<1000xf32>
    %broadcast_in_dim3A = vector.shape_cast %reduce_max3A_42 : vector<1000xf32> to vector<1000x1xf32>
    %sub3A = vector.broadcast %broadcast_in_dim3A : vector<1000x1xf32> to vector<1000x16xf32>
    %sub3A_43 = arith.subf %add3A_41, %sub3A : vector<1000x16xf32>
    %exp3A = math.exp %sub3A_43 : vector<1000x16xf32>
    %reduce_sum3A = arith.constant dense<0.000000e+00> : vector<1000xf32>
    %reduce_sum3A_44 = vector.multi_reduction <add>, %exp3A, %reduce_sum3A [1] : vector<1000x16xf32> to vector<1000xf32>
    %broadcast_in_dim3A_45 = vector.shape_cast %reduce_sum3A_44 : vector<1000xf32> to vector<1000x1xf32>
    %log3A = math.log %broadcast_in_dim3A_45 : vector<1000x1xf32>
    %add3A_46 = arith.addf %log3A, %broadcast_in_dim3A : vector<1000x1xf32>
    %sub3A_47 = vector.broadcast %add3A_46 : vector<1000x1xf32> to vector<1000x16xf32>
    %sub3A_48 = arith.subf %add3A_41, %sub3A_47 : vector<1000x16xf32>
    %swap3A = arith.constant 0 : index
    %swap3A_49 = arith.constant 0 : index
    %swap3A_50 = vector.load %arg9[%swap3A, %swap3A_49] : memref<1000x16xf32, #tpu.memory_space<vmem>>, vector<1000x16xf32>
    tpu.vector_store %arg9[%swap3A, %swap3A_49], %sub3A_48 {strides = array<i32>} : memref<1000x16xf32, #tpu.memory_space<vmem>>, vector<1000x16xf32>,
    return
  }
  func.func @transform_0(%arg0: i32) -> (i32, i32) {
    %c0_i32 = arith.constant 0 : i32
    %c0_i32_0 = arith.constant 0 : i32
    %c0_i32_1 = arith.constant 0 : i32
    return %c0_i32, %c0_i32_0 : i32, i32
  }
  func.func @transform_1(%arg0: i32) -> (i32, i32) {
    %c0_i32 = arith.constant 0 : i32
    %c0_i32_0 = arith.constant 0 : i32
    %c0_i32_1 = arith.constant 0 : i32
    return %c0_i32, %c0_i32_0 : i32, i32
  }
  func.func @transform_2(%arg0: i32) -> (i32, i32) {
    %c0_i32 = arith.constant 0 : i32
    %c0_i32_0 = arith.constant 0 : i32
    %c0_i32_1 = arith.constant 0 : i32
    return %c0_i32, %c0_i32_0 : i32, i32
  }
  func.func @transform_3(%arg0: i32) -> (i32, i32) {
    %c1_i32 = arith.constant 1 : i32
    %c0_i32 = arith.constant 0 : i32
    %c0_i32_0 = arith.constant 0 : i32
    return %c1_i32, %c0_i32 : i32, i32
  }
  func.func @transform_4(%arg0: i32) -> (i32, i32) {
    %c0_i32 = arith.constant 0 : i32
    %c0_i32_0 = arith.constant 0 : i32
    %c0_i32_1 = arith.constant 0 : i32
    return %c0_i32, %c0_i32_0 : i32, i32
  }
  func.func @transform_5(%arg0: i32) -> (i32, i32) {
    %c1_i32 = arith.constant 1 : i32
    %c0_i32 = arith.constant 0 : i32
    %c0_i32_0 = arith.constant 0 : i32
    return %c1_i32, %c0_i32 : i32, i32
  }
  func.func @transform_6(%arg0: i32) -> (i32, i32) {
    %c0_i32 = arith.constant 0 : i32
    %c0_i32_0 = arith.constant 0 : i32
    %c0_i32_1 = arith.constant 0 : i32
    return %c0_i32, %c0_i32_0 : i32, i32
  }
  func.func @transform_7(%arg0: i32) -> (i32, i32) {
    %c0_i32 = arith.constant 0 : i32
    %c0_i32_0 = arith.constant 0 : i32
    %c0_i32_1 = arith.constant 0 : i32
    return %c0_i32, %c0_i32_0 : i32, i32
  }
  func.func @transform_8(%arg0: i32) -> (i32, i32) {
    %c0_i32 = arith.constant 0 : i32
    %c0_i32_0 = arith.constant 0 : i32
    %c0_i32_1 = arith.constant 0 : i32
    return %c0_i32, %c0_i32_0 : i32, i32
  }
}

</mosaic_0001>

<sc_bundles>
// kernel: kernel.13.cloned.1.call-start
scs
__scs_entry_jumppad:
0x0: {  	(pc) =	sbr.rel $0x88, $3  }
0x1: {  	(tag) =	ssettag $0x0;
	lr =	simm.s32 $0x1  }
0x2: {  	[smem:$0x3F91] =	sst lr;
	_ =	strace $0xD0000000  }
0x3: {  	_ = 	snop  }
0x4: {  	_ = 	snop  }
0x5: {  	_ = 	snop  }
0x6: {  	_ = 	snop  }
0x7: {  	_ = 	snop  }
__scs_overlays_trampoline_lowered:
0x8: {  	[smem:$0x3FA0] =	sst s0  }
0x9: {  	[smem:$0x3FA1] =	sst s1  }
0xa: {  	[smem:$0x3FA2] =	sst s2  }
0xb: {  	[smem:$0x3FA3] =	sst s3  }
0xc: {  	[smem:$0x3FA4] =	sst s4  }
0xd: {  	[smem:$0x3FA5] =	sst s5  }
0xe: {  	[smem:$0x3FA6] =	sst s6  }
0xf: {  	[smem:$0x3FA7] =	sst s7  }
0x10: {  	[smem:$0x3FA8] =	sst s8  }
0x11: {  	[smem:$0x3FA9] =	sst s9;
	s0 =	simm.s32 @!p0 $0x0  }
0x12: {  	s1 =	sld [smem:$0x3F8F];
	s0 =	simm.s32 @p0 $0x1  }
0x13: {  	[smem:$0x3FAA] =	sst s0;
	s0 =	simm.s32 @!p1 $0x0  }
0x14: {  	s2 =	sld [smem:$0x3F8E];
	s0 =	simm.s32 @p1 $0x1  }
0x15: {  	[smem:$0x3FAB] =	sst s0;
	s0 =	simm.s32 @!p2 $0x0  }
0x16: {  	s3 =	sld [smem:$0x3FDB];
	s0 =	simm.s32 @p2 $0x1  }
0x17: {  	s4 =	simm.s32 $0x1BF5;
	[smem:$0x3FAD] =	sst s0  }
0x18: {  	s0 =	sld [smem:$0x3F90];
	_ =	swait.ge [sflag:s4], $0x0  }
0x19: {  	s7 =	sld [smem:$0x3F91]  }
0x1a: {  	s8 =	sadd.s32 $0xFFFFE003, lr  }
0x1b: {  	s9 =	sadd.s32 $0xFFFFFEF7, lr;
	s5 =	simm.s32 $0xFFFFFFFF;
	p2 =	slt.u32 s8, $0xFFFFF086  }
0x1c: {  	p1 =	slt.u32 s9, $0xF7A;
	s5 =	simm.s32 @!p2 $0x0  }
0x1d: {  	s5 =	simm.s32 @p1 $0x1;
	p0 =	seq.s32 s7, s2  }
0x1e: {  	s7 =	smul.u32 @!p0 $0xF7A, s2;
	p2 =	seq.s32 @!p0 s5, $0x0  }
0x1f: {  	s9 =	smul.u32 $0xF7A, s1;
	s8 =	simm.s32 @!p0 $0x1BF5;
	p2 =	por !p2, p0  }
0x20: {  	[sflag:s8] =	ssyncset.s32 @!p0 $0xFFFFF086;
	s6 =	sadd.s32 @!p0 s3, s7;
	s7 =	simm.s32 @!p0 $0x108  }
0x21: {  	s3 =	sadd.s32 s3, s9;
	s6 =	sadd.s32 @!p0 $0x88, s6;
	s7 =	simm.s32 @p2 $0x1082  }
0x22: {  	[simem:s7], [sflag:s8] =	dma.local @!p0 [hbm:s6], $0xF7A  }
0x23: {  	s9 =	sor.u32 $0xD0000000, s2;
	s6 =	simm.s32 $0x108;
	_ =	swait.ge @!p0 [sflag:s8], $0x0  }
0x24: {  	s3 =	sadd.s32 $0x88, s3;
	s6 =	simm.s32 @!p1 $0x1082;
	[sflag:s4] =	ssyncset.s32 $0xFFFFF086  }
0x25: {  	[simem:s6], [sflag:s4] =	dma.local [hbm:s3], $0xF7A  }
0x26: {  	[smem:$0x3F91] =	sst s1;
	(tag) =	ssettag s2;
	_ =	strace s9  }
0x27: {  	s1 =	sld [smem:$0x3FA1]  }
0x28: {  	s2 =	sld [smem:$0x3FA2]  }
0x29: {  	s4 =	sld [smem:$0x3FA4]  }
0x2a: {  	p0 =	seq.s32 s5, $0x0;
	s5 =	sld [smem:$0x3FA5]  }
0x2b: {  	s6 =	sld [smem:$0x3FA6]  }
0x2c: {  	s7 =	sld [smem:$0x3FA7]  }
0x2d: {  	s3 =	simm.s32 $0x108;
	s8 =	sld [smem:$0x3FA8]  }
0x2e: {  	s3 =	simm.s32 @!p0 $0x1082;
	s9 =	sld [smem:$0x3FA9]  }
0x2f: {  	lr =	sadd.s32 s0, s3;
	s0 =	sld [smem:$0x3FA0]  }
0x30: {  	s3 =	sld [smem:$0x3FA3]  }
0x31: {  	[smem:$0x3FAC] =	sst s10  }
0x32: {  	s10 =	sld [smem:$0x3FAA];
	_ =	sdelay $0x3  }
0x33: {  	p0 =	seq.s32 s10, $0x1;
	s10 =	sld [smem:$0x3FAC];
	_ =	sdelay $0x3  }
0x34: {  	[smem:$0x3FAC] =	sst s10  }
0x35: {  	s10 =	sld [smem:$0x3FAB];
	_ =	sdelay $0x3  }
0x36: {  	p1 =	seq.s32 s10, $0x1;
	s10 =	sld [smem:$0x3FAC];
	_ =	sdelay $0x3  }
0x37: {  	[smem:$0x3FAC] =	sst s10  }
0x38: {  	s10 =	sld [smem:$0x3FAD]  }
0x39: {  	_ = 	snop;
	(pc) =	sbr.ind lr, $3  }
0x3a: {  	_ = 	snop  }
0x3b: {  	_ = 	snop  }
0x3c: {  	p2 =	seq.s32 s10, $0x1;
	s10 =	sld [smem:$0x3FAC]  }
0x3d: {  	_ =	shalt  }
0x3e: {  	_ =	shalt  }
0x3f: {  	_ =	shalt  }
0x40: {  	_ =	shalt  }
0x41: {  	_ =	shalt  }
0x42: {  	_ =	shalt  }
0x43: {  	_ =	shalt  }
0x44: {  	_ =	shalt  }
0x45: {  	_ =	shalt  }
0x46: {  	_ =	shalt  }
0x47: {  	_ =	shalt  }
0x48: {  	_ =	shalt  }
0x49: {  	_ =	shalt  }
0x4a: {  	_ =	shalt  }
0x4b: {  	_ =	shalt  }
0x4c: {  	_ =	shalt  }
0x4d: {  	_ =	shalt  }
0x4e: {  	_ =	shalt  }
0x4f: {  	_ =	shalt  }
0x50: {  	_ =	shalt  }
0x51: {  	_ =	shalt  }
0x52: {  	_ =	shalt  }
0x53: {  	_ =	shalt  }
0x54: {  	_ =	shalt  }
0x55: {  	_ =	shalt  }
0x56: {  	_ =	shalt  }
0x57: {  	_ =	shalt  }
0x58: {  	_ =	shalt  }
0x59: {  	_ =	shalt  }
0x5a: {  	_ =	shalt  }
0x5b: {  	_ =	shalt  }
0x5c: {  	_ =	shalt  }
0x5d: {  	_ =	shalt  }
0x5e: {  	_ =	shalt  }
0x5f: {  	_ =	shalt  }
0x60: {  	_ =	shalt  }
0x61: {  	_ =	shalt  }
0x62: {  	_ =	shalt  }
0x63: {  	_ =	shalt  }
0x64: {  	_ =	shalt  }
0x65: {  	_ =	shalt  }
0x66: {  	_ =	shalt  }
0x67: {  	_ =	shalt  }
0x68: {  	_ =	shalt  }
0x69: {  	_ =	shalt  }
0x6a: {  	_ =	shalt  }
0x6b: {  	_ =	shalt  }
0x6c: {  	_ =	shalt  }
0x6d: {  	_ =	shalt  }
0x6e: {  	_ =	shalt  }
0x6f: {  	_ =	shalt  }
0x70: {  	_ =	shalt  }
0x71: {  	_ =	shalt  }
0x72: {  	_ =	shalt  }
0x73: {  	_ =	shalt  }
0x74: {  	_ =	shalt  }
0x75: {  	_ =	shalt  }
0x76: {  	_ =	shalt  }
0x77: {  	_ =	shalt  }
0x78: {  	_ =	shalt  }
0x79: {  	_ =	shalt  }
0x7a: {  	_ =	shalt  }
0x7b: {  	_ =	shalt  }
0x7c: {  	_ =	shalt  }
0x7d: {  	_ =	shalt  }
0x7e: {  	_ =	shalt  }
0x7f: {  	_ =	shalt  }
0x80: {  	_ =	shalt  }
0x81: {  	_ =	shalt  }
0x82: {  	_ =	shalt  }
0x83: {  	_ =	shalt  }
0x84: {  	_ =	shalt  }
0x85: {  	_ =	shalt  }
0x86: {  	_ =	shalt  }
0x87: {  	_ =	shalt  }
.Lfunc_end0:
.L_simem_size_0:
called_computation_lowered:
.L_overlay_start_0:
0x88: {  	s2 =	sld [smem:$0x3FD9]  }
0x89: {  	s3 =	sld [smem:$0x3FFE];
	_ =	sdelay $0x1  }
0x8a: {  	s1 =	srdreg.scid  }
0x8b: {  	s0 =	sand.u32 $0x1, s1  }
0x8c: {  	s17 =	sshll.u32 s0, $0xA;
	s2 =	sadd.s32 s3, s2  }
0x8d: {  	s2 =	sadd.s32 s2, s17  }
0x8e: {  	[smem:$0x3FB8] =	sst s2  }
0x8f: {  	_ = 	snop  }
0x90: {  	s2 =	sld [smem:$0x3FD0];
	(tm) =	ssettm $0x1  }
0x91: {  	s18 =	sld [smem:$0x3FFB];
	_ =	sdelay $0x3  }
0x92: {  	_ =	strace s18  }
0x93: {  	s3 =	sld [smem:$0x3FFC];
	_ =	sdelay $0x3  }
0x94: {  	_ =	strace s3  }
0x95: {  	s3 =	sld [smem:$0x3FFD];
	_ =	sdelay $0x3  }
0x96: {  	_ =	strace s3  }
0x97: {  	_ =	strace $0x8FFFFFFF  }
0x98: {  	s19 =	sld [smem:$0x3FDB];
	_ =	sdelay $0x1  }
0x99: {  	s4 =	simm.s32 $_scs_section_size  }
0x9a: {  	s5 =	simm.s32 $_size__tile_overlayer_lowered;
	s6 =	simm.s32 $_tile_overlayer_lowered  }
0x9b: {  	s22 =	simm.s32 $0x1BFF;
	s21 =	sshll.u32 s6, $0x1;
	s3 =	sadd.s32 s4, s19  }
0x9c: {  	s7 =	simm.s32 $0x0;
	s20 =	sshll.u32 s5, $0x1;
	s5 =	sadd.s32 s21, s3  }
0x9d: {  	[timem:s7], [sflag:s22] =	dma.local [hbm:s5], s20  }
0x9e: {  	_ =	swait.ge [sflag:s22], s20  }
0x9f: {  	s4 =	ssub.s32 $0x0, s20;
	[sflag:s22] =	ssyncset.done $0x0  }
0xa0: {  	[sflag:s22] =	ssyncadd.s32 s4;
	_ =	sdelay $0x1  }
0xa1: {  	s23 =	simm.s32 $0x1B8B  }
0xa2: {  	_ =	swait.ge [sflag:s23], $0x1  }
0xa3: {  	[sflag:s23] =	ssyncset.done $0x0  }
0xa4: {  	s25 =	simm.s32 $0x1B8E;
	s24 =	sld [smem:$0x3FFE];
	[sflag:s23] =	ssyncadd.s32 $0xFFFFFFFF  }
0xa5: {  	s26 =	simm.s32 $execute0_lowered;
	[smem:$0x3FD2] =	sst s25  }
0xa6: {  	s5 =	sshll.u32 s26, $0x1;
	_ =	strace $0x80000046;
	[dreg:$0x1] =	wrdreg $0xFFFFFFFF  }
0xa7: {  	s28 =	simm.s32 $_size_execute0_lowered;
	s3 =	sadd.s32 s3, s5;
	[dreg:$0x0] =	wrdreg $0x0  }
0xa8: {  	s5 =	sshll.u32 s28, $0x1;
	[dreg:$0x2] =	wrdreg s3  }
0xa9: {  	[dreg:$0x3] =	wrdreg s5  }
0xaa: {  	[dreg:$0x4] =	wrdreg $0xC0  }
0xab: {  	_ =	task [dreg:s7], $0x5FFFF  }
0xac: {  	[dreg:$0x1] =	wrdreg $0xFFFFFFFF  }
0xad: {  	[dreg:$0x0] =	wrdreg $0x60  }
0xae: {  	[dreg:$0x2] =	wrdreg s24  }
0xaf: {  	[dreg:$0x3] =	wrdreg s2  }
0xb0: {  	[dreg:$0x4] =	wrdreg $0x2B000  }
0xb1: {  	[dreg:$0x5] =	wrdreg $0x9  }
0xb2: {  	_ =	task.clear_ibuf [dreg:s7], $0x6FFFF;
	_ =	strace $0x90000046  }
0xb3: {  	s29 =	simm.s32 $0x9;
	_ =	strace $0x80000048  }
0xb4: {  	_ =	swait.ge [sflag:s29], $0x1  }
0xb5: {  	[sflag:s29] =	ssyncadd.s32 $0xFFFFFFFF  }
0xb6: {  	_ =	strace $0x90000048  }
0xb7: {  	_ =	sfence  }
0xb8: {  	s30 =	sld [smem:$0x0];
	_ =	sdelay $0x2  }
0xb9: {  	s31 =	sshll.u32 s1, $0xD;
	s1 =	sshrl.u32 s1, $0x2  }
0xba: {  	s3 =	sand.u32 $0x4000, s31;
	s1 =	sadd.s32 s1, s30  }
0xbb: {  	s0 =	sor.u32 s3, s0;
	s1 =	sshll.u32 s1, $0x11  }
0xbc: {  	s0 =	sor.u32 s1, s0  }
0xbd: {  	s0 =	sadd.s32 $0x8F2B, s0  }
0xbe: {  	[sflag:s0] =	ssyncadd.remote.s32 $0x1  }
0xbf: {  	_ =	sfence.sel $0xFFFF  }
0xc0: {  	[dreg:$0x0] =	wrdreg $0xFFFFFFFF;
	(pc) =	sbr.abs _section_cstart, $3  }
0xc1: {  	[dreg:$0x1] =	wrdreg $0xFFFFFFFF  }
0xc2: {  	_ =	task.clear_ibuf [dreg:s7], $0x2FFFF;
	_ =	strace $0x9FFFFFFF  }
0xc3: {  	(tm) =	ssettm $0x7FFFFFFF  }
tec
execute0_lowered:
.L_overlay_start_1:
0x0: {  	(tag) =	ssettag $0x1  }
0x1: {  	s6 =	rddreg [dreg:$0x0]  }
0x2: {  	s0 =	srdreg.scid;
	s8 =	rddreg [dreg:$0x1]  }
0x3: {  	s2 =	rddreg [dreg:$0x2];
	s3 =	simm.s32 $0x0;
	s13 =	simm.s32 $0x7D  }
0x4: {  	s14 =	simm.s32 $0x0;
	s7 =	sand.u32 $0x1, s0;
	s0 =	stileid.u32  }
0x5: {  	[smem:$0x7FF] =	sst s3;
	s5 =	sadd.s32 $0x18800, s6;
	s10 =	smul.u32 $0x280, s0  }
0x6: {  	s1 =	sshll.u32 s7, $0x4;
	s11 =	smul.u32 $0x2800, s7;
	s7 =	ssub.s32 $0x2, s7  }
0x7: {  	s4 =	sor.u32 s0, s1;
	s1 =	rddreg [dreg:$0x3];
	_ =	strace $0x80000047  }
0x8: {  	s12 =	sshrl.u32 s7, $0x1;
	s9 =	smul.u32 $0x2800, s4;
	s4 =	sadd.s32 $0x18600, s6  }
0x9: {  	s11 =	sadd.s32 s10, s11;
	s12 =	ssub.s32 s7, s12;
	s7 =	sadd.s32 s10, s2  }
0xa: {  	s10 =	simm.s32 $0x1;
	s31 =	sshrl.u32 s11, $0x3;
	s9 =	sshrl.u32 s9, $0x3  }
0xb: {  	s11 =	simm.s32 $0x2800;
	s8 =	sadd.s32 s8, s31;
	s6 =	sadd.s32 s6, s9  }
0xc: {  	s9 =	smax.u32 s12, $0x1;
	s12 =	simm.s32 $0x2880;
	s6 =	sadd.s32 $0xE600, s6  }
.LBB2_1:
0xd: {  	[tilespmem:s3], [sflag:$0x1] =	stream.linear.gather [hbm4b:s6+s3], $0x2800, $0x38;
	[tilespmem:$0x2D80] =	vst v63  }
0xe: {  	_ =	swait.ge [sflag:s10], $0x2800  }
0xf: {  	[sflag:s10] =	ssyncset.done $0x0  }
0x10: {  	[sflag:s10] =	ssyncadd.s32 $0xFFFFD800  }
0x11: {  	[tilespmem:s11], [sflag:$0x1] =	stream.linear.gather [hbm4b:s5+s3], $0x7D, $0x38;
	[tilespmem:$0x2D80] =	vst v63  }
0x12: {  	_ =	swait.ge [sflag:s10], $0x7D  }
0x13: {  	[sflag:s10] =	ssyncset.done $0x0  }
0x14: {  	[sflag:s10] =	ssyncadd.s32 $0xFFFFFF83  }
0x15: {  	[tilespmem:s12], [sflag:$0x1] =	stream.linear.gather [hbm4b:s4+s3], $0x280, $0x38;
	[tilespmem:$0x2D80] =	vst v63  }
0x16: {  	_ =	swait.ge [sflag:s10], $0x280  }
0x17: {  	[sflag:s10] =	ssyncset.done $0x0  }
0x18: {  	[sflag:s10] =	ssyncadd.s32 $0xFFFFFD80  }
0x19: {  	[spmem:s7] =	stream.linear.scatter [tilespmem:s12], [sflag:$0x1], $0x280, $0x38;
	[tilespmem:$0x2D80] =	vst v63  }
0x1a: {  	_ =	swait.ge [sflag:s10], $0x280  }
0x1b: {  	[sflag:s10] =	ssyncset.done $0x0  }
0x1c: {  	[sflag:s10] =	ssyncadd.s32 $0xFFFFFD80  }
0x1d: {  	s15 =	simm.s32 $0x0;
	[bflag:$0x0] =	sbarrier.arrive $0xFFFF  }
0x1e: {  	[spmem:s2] =	stream.indirect.scatter.add.f32 [tilespmem:s11], [sflag:$0x1], $0x1, s15, s13, $0xb8;
	[tilespmem:$0x2D80] =	vst v63  }
0x1f: {  	_ =	swait.ge [sflag:s10], $0x7D  }
0x20: {  	s15 =	simm.s32 $0x200;
	[sflag:s10] =	ssyncset.done $0x0  }
.LBB2_2:
0x21: {  	s16 =	sshra.s32 s15, $0x2;
	[sflag:s10] =	ssyncadd.s32 $0xFFFFFF83;
	p0 =	sne.s32 s15, $0x9E00  }
0x22: {  	[spmem:s2] =	stream.indirect.scatter.add.f32 [tilespmem:s11], [sflag:$0x1], $0x1, s16, s13, $0xb8;
	[tilespmem:$0x2D80] =	vst v63  }
.Ltmp0:
0x23: {  	_ = 	snop;
	(pc) =	sbr.rel @p0 .LBB2_2-.Ltmp0, $4  }
0x24: {  	_ = 	snop  }
0x25: {  	s15 =	sadd.s32 $0x200, s15  }
0x26: {  	_ =	swait.ge [sflag:s10], $0x7D  }
0x27: {  	[sflag:s10] =	ssyncset.done $0x0  }
0x28: {  	[sflag:s10] =	ssyncadd.s32 $0xFFFFFF83  }
0x29: {  	[bflag:$0x0] =	sbarrier.arrive $0xFFFF  }
0x2a: {  	[tilespmem:s12], [sflag:$0x1] =	stream.linear.gather [spmem:s7], $0x280, $0x38;
	[tilespmem:$0x2D80] =	vst v63  }
0x2b: {  	s14 =	sadd.s32 $0x1, s14;
	_ =	swait.ge [sflag:s10], $0x280  }
0x2c: {  	p0 =	sne.s32 s14, s9;
	[sflag:s10] =	ssyncset.done $0x0  }
.Ltmp1:
0x2d: {  	[sflag:s10] =	ssyncadd.s32 $0xFFFFFD80;
	(pc) =	sbr.rel @p0 .LBB2_1-.Ltmp1, $4  }
0x2e: {  	[hbm4b:s8+s3] =	stream.linear.scatter [tilespmem:s12], [sflag:$0x1], $0x280, $0x38;
	[tilespmem:$0x2D80] =	vst v63  }
0x2f: {  	_ =	swait.ge [sflag:s10], $0x280  }
0x30: {  	[sflag:s10] =	ssyncset.done $0x0  }
0x31: {  	[sflag:s10] =	ssyncadd.s32 $0xFFFFFD80  }
0x32: {  	_ =	sfence.sel $0x180000  }
0x33: {  	[bflag:$0x0] =	sbarrier.arrive $0xFFFF  }
0x34: {  	p0 =	sne.s32 s0, $0x0;
	_ =	strace $0x90000047  }
0x35: {  	s0 =	sadd.s32 @!p0 $0x100000, s1;
	[bflag:$0x2] =	sbarrier.arrive $0xFFFF  }
0x36: {  	[sflag:s0] =	ssyncadd.tile.s32 @!p0 $0x1;
	_ =	shalt  }
.Lfunc_end2:
_tile_overlayer_lowered:
.L_overlay_start_2:
0x37: {  	(tag) =	ssettag $0x2  }
0x38: {  	s0 =	rddreg [dreg:$0x0];
	s2 =	stileid.u32  }
0x39: {  	s1 =	rddreg [dreg:$0x1];
	p0 =	sne.s32 s2, $0x0  }
0x3a: {  	s3 =	rddreg [dreg:$0x2];
	[bflag:$0x3] =	sbarrier.arrive $0xFFFF;
	s2 =	simm.s32 @!p0 $0x1C01  }
0x3b: {  	[timem:s3], [sflag:s2] =	dma.local @!p0 [hbm:s0], s1  }
0x3c: {  	s0 =	simm.s32 @!p0 $0x1  }
0x3d: {  	_ =	swait.ge @!p0 [sflag:s0], s1  }
0x3e: {  	s1 =	ssub.s32 @!p0 $0x0, s1;
	[sflag:s0] =	ssyncset.done @!p0 $0x0  }
0x3f: {  	[sflag:s0] =	ssyncadd.s32 @!p0 s1  }
0x40: {  	[bflag:$0x3] =	sbarrier.arrive $0xFFFF  }
0x41: {  	_ =	shalt  }

// kernel: kernel.16.cloned.1.call-start
scs
__scs_entry_jumppad:
0x0: {  	(pc) =	sbr.rel $0x88, $3  }
0x1: {  	(tag) =	ssettag $0x0;
	lr =	simm.s32 $0x1  }
0x2: {  	[smem:$0x3F91] =	sst lr;
	_ =	strace $0xD0000000  }
0x3: {  	_ = 	snop  }
0x4: {  	_ = 	snop  }
0x5: {  	_ = 	snop  }
0x6: {  	_ = 	snop  }
0x7: {  	_ = 	snop  }
__scs_overlays_trampoline_lowered:
0x8: {  	[smem:$0x3FA0] =	sst s0  }
0x9: {  	[smem:$0x3FA1] =	sst s1  }
0xa: {  	[smem:$0x3FA2] =	sst s2  }
0xb: {  	[smem:$0x3FA3] =	sst s3  }
0xc: {  	[smem:$0x3FA4] =	sst s4  }
0xd: {  	[smem:$0x3FA5] =	sst s5  }
0xe: {  	[smem:$0x3FA6] =	sst s6  }
0xf: {  	[smem:$0x3FA7] =	sst s7  }
0x10: {  	[smem:$0x3FA8] =	sst s8  }
0x11: {  	[smem:$0x3FA9] =	sst s9;
	s0 =	simm.s32 @!p0 $0x0  }
0x12: {  	s1 =	sld [smem:$0x3F8F];
	s0 =	simm.s32 @p0 $0x1  }
0x13: {  	[smem:$0x3FAA] =	sst s0;
	s0 =	simm.s32 @!p1 $0x0  }
0x14: {  	s2 =	sld [smem:$0x3F8E];
	s0 =	simm.s32 @p1 $0x1  }
0x15: {  	[smem:$0x3FAB] =	sst s0;
	s0 =	simm.s32 @!p2 $0x0  }
0x16: {  	s3 =	sld [smem:$0x3FDB];
	s0 =	simm.s32 @p2 $0x1  }
0x17: {  	s4 =	simm.s32 $0x1BF5;
	[smem:$0x3FAD] =	sst s0  }
0x18: {  	s0 =	sld [smem:$0x3F90];
	_ =	swait.ge [sflag:s4], $0x0  }
0x19: {  	s7 =	sld [smem:$0x3F91]  }
0x1a: {  	s8 =	sadd.s32 $0xFFFFE003, lr  }
0x1b: {  	s9 =	sadd.s32 $0xFFFFFEF7, lr;
	s5 =	simm.s32 $0xFFFFFFFF;
	p2 =	slt.u32 s8, $0xFFFFF086  }
0x1c: {  	p1 =	slt.u32 s9, $0xF7A;
	s5 =	simm.s32 @!p2 $0x0  }
0x1d: {  	s5 =	simm.s32 @p1 $0x1;
	p0 =	seq.s32 s7, s2  }
0x1e: {  	s7 =	smul.u32 @!p0 $0xF7A, s2;
	p2 =	seq.s32 @!p0 s5, $0x0  }
0x1f: {  	s9 =	smul.u32 $0xF7A, s1;
	s8 =	simm.s32 @!p0 $0x1BF5;
	p2 =	por !p2, p0  }
0x20: {  	[sflag:s8] =	ssyncset.s32 @!p0 $0xFFFFF086;
	s6 =	sadd.s32 @!p0 s3, s7;
	s7 =	simm.s32 @!p0 $0x108  }
0x21: {  	s3 =	sadd.s32 s3, s9;
	s6 =	sadd.s32 @!p0 $0x88, s6;
	s7 =	simm.s32 @p2 $0x1082  }
0x22: {  	[simem:s7], [sflag:s8] =	dma.local @!p0 [hbm:s6], $0xF7A  }
0x23: {  	s9 =	sor.u32 $0xD0000000, s2;
	s6 =	simm.s32 $0x108;
	_ =	swait.ge @!p0 [sflag:s8], $0x0  }
0x24: {  	s3 =	sadd.s32 $0x88, s3;
	s6 =	simm.s32 @!p1 $0x1082;
	[sflag:s4] =	ssyncset.s32 $0xFFFFF086  }
0x25: {  	[simem:s6], [sflag:s4] =	dma.local [hbm:s3], $0xF7A  }
0x26: {  	[smem:$0x3F91] =	sst s1;
	(tag) =	ssettag s2;
	_ =	strace s9  }
0x27: {  	s1 =	sld [smem:$0x3FA1]  }
0x28: {  	s2 =	sld [smem:$0x3FA2]  }
0x29: {  	s4 =	sld [smem:$0x3FA4]  }
0x2a: {  	p0 =	seq.s32 s5, $0x0;
	s5 =	sld [smem:$0x3FA5]  }
0x2b: {  	s6 =	sld [smem:$0x3FA6]  }
0x2c: {  	s7 =	sld [smem:$0x3FA7]  }
0x2d: {  	s3 =	simm.s32 $0x108;
	s8 =	sld [smem:$0x3FA8]  }
0x2e: {  	s3 =	simm.s32 @!p0 $0x1082;
	s9 =	sld [smem:$0x3FA9]  }
0x2f: {  	lr =	sadd.s32 s0, s3;
	s0 =	sld [smem:$0x3FA0]  }
0x30: {  	s3 =	sld [smem:$0x3FA3]  }
0x31: {  	[smem:$0x3FAC] =	sst s10  }
0x32: {  	s10 =	sld [smem:$0x3FAA];
	_ =	sdelay $0x3  }
0x33: {  	p0 =	seq.s32 s10, $0x1;
	s10 =	sld [smem:$0x3FAC];
	_ =	sdelay $0x3  }
0x34: {  	[smem:$0x3FAC] =	sst s10  }
0x35: {  	s10 =	sld [smem:$0x3FAB];
	_ =	sdelay $0x3  }
0x36: {  	p1 =	seq.s32 s10, $0x1;
	s10 =	sld [smem:$0x3FAC];
	_ =	sdelay $0x3  }
0x37: {  	[smem:$0x3FAC] =	sst s10  }
0x38: {  	s10 =	sld [smem:$0x3FAD]  }
0x39: {  	_ = 	snop;
	(pc) =	sbr.ind lr, $3  }
0x3a: {  	_ = 	snop  }
0x3b: {  	_ = 	snop  }
0x3c: {  	p2 =	seq.s32 s10, $0x1;
	s10 =	sld [smem:$0x3FAC]  }
0x3d: {  	_ =	shalt  }
0x3e: {  	_ =	shalt  }
0x3f: {  	_ =	shalt  }
0x40: {  	_ =	shalt  }
0x41: {  	_ =	shalt  }
0x42: {  	_ =	shalt  }
0x43: {  	_ =	shalt  }
0x44: {  	_ =	shalt  }
0x45: {  	_ =	shalt  }
0x46: {  	_ =	shalt  }
0x47: {  	_ =	shalt  }
0x48: {  	_ =	shalt  }
0x49: {  	_ =	shalt  }
0x4a: {  	_ =	shalt  }
0x4b: {  	_ =	shalt  }
0x4c: {  	_ =	shalt  }
0x4d: {  	_ =	shalt  }
0x4e: {  	_ =	shalt  }
0x4f: {  	_ =	shalt  }
0x50: {  	_ =	shalt  }
0x51: {  	_ =	shalt  }
0x52: {  	_ =	shalt  }
0x53: {  	_ =	shalt  }
0x54: {  	_ =	shalt  }
0x55: {  	_ =	shalt  }
0x56: {  	_ =	shalt  }
0x57: {  	_ =	shalt  }
0x58: {  	_ =	shalt  }
0x59: {  	_ =	shalt  }
0x5a: {  	_ =	shalt  }
0x5b: {  	_ =	shalt  }
0x5c: {  	_ =	shalt  }
0x5d: {  	_ =	shalt  }
0x5e: {  	_ =	shalt  }
0x5f: {  	_ =	shalt  }
0x60: {  	_ =	shalt  }
0x61: {  	_ =	shalt  }
0x62: {  	_ =	shalt  }
0x63: {  	_ =	shalt  }
0x64: {  	_ =	shalt  }
0x65: {  	_ =	shalt  }
0x66: {  	_ =	shalt  }
0x67: {  	_ =	shalt  }
0x68: {  	_ =	shalt  }
0x69: {  	_ =	shalt  }
0x6a: {  	_ =	shalt  }
0x6b: {  	_ =	shalt  }
0x6c: {  	_ =	shalt  }
0x6d: {  	_ =	shalt  }
0x6e: {  	_ =	shalt  }
0x6f: {  	_ =	shalt  }
0x70: {  	_ =	shalt  }
0x71: {  	_ =	shalt  }
0x72: {  	_ =	shalt  }
0x73: {  	_ =	shalt  }
0x74: {  	_ =	shalt  }
0x75: {  	_ =	shalt  }
0x76: {  	_ =	shalt  }
0x77: {  	_ =	shalt  }
0x78: {  	_ =	shalt  }
0x79: {  	_ =	shalt  }
0x7a: {  	_ =	shalt  }
0x7b: {  	_ =	shalt  }
0x7c: {  	_ =	shalt  }
0x7d: {  	_ =	shalt  }
0x7e: {  	_ =	shalt  }
0x7f: {  	_ =	shalt  }
0x80: {  	_ =	shalt  }
0x81: {  	_ =	shalt  }
0x82: {  	_ =	shalt  }
0x83: {  	_ =	shalt  }
0x84: {  	_ =	shalt  }
0x85: {  	_ =	shalt  }
0x86: {  	_ =	shalt  }
0x87: {  	_ =	shalt  }
.Lfunc_end0:
.L_simem_size_0:
called_computation.1_lowered:
.L_overlay_start_0:
0x88: {  	s2 =	sld [smem:$0x3FD9]  }
0x89: {  	s3 =	sld [smem:$0x3FFE];
	_ =	sdelay $0x1  }
0x8a: {  	s1 =	srdreg.scid  }
0x8b: {  	s0 =	sand.u32 $0x1, s1  }
0x8c: {  	s16 =	sshll.u32 s0, $0xA;
	s2 =	sadd.s32 s3, s2  }
0x8d: {  	s2 =	sadd.s32 s2, s16  }
0x8e: {  	[smem:$0x3FB8] =	sst s2  }
0x8f: {  	_ = 	snop  }
0x90: {  	(tm) =	ssettm $0x1  }
0x91: {  	s17 =	sld [smem:$0x3FFB];
	_ =	sdelay $0x3  }
0x92: {  	_ =	strace s17  }
0x93: {  	s2 =	sld [smem:$0x3FFC];
	_ =	sdelay $0x3  }
0x94: {  	_ =	strace s2  }
0x95: {  	s2 =	sld [smem:$0x3FFD];
	_ =	sdelay $0x3  }
0x96: {  	_ =	strace s2  }
0x97: {  	_ =	strace $0x8FFFFFFF  }
0x98: {  	s18 =	sld [smem:$0x3FDB];
	_ =	sdelay $0x1  }
0x99: {  	s19 =	simm.s32 $_scs_section_size  }
0x9a: {  	s4 =	simm.s32 $_size__tile_overlayer_lowered;
	s5 =	simm.s32 $_tile_overlayer_lowered  }
0x9b: {  	s22 =	simm.s32 $0x1BFF;
	s21 =	sshll.u32 s5, $0x1;
	s2 =	sadd.s32 s19, s18  }
0x9c: {  	s6 =	simm.s32 $0x0;
	s20 =	sshll.u32 s4, $0x1;
	s4 =	sadd.s32 s21, s2  }
0x9d: {  	[timem:s6], [sflag:s22] =	dma.local [hbm:s4], s20  }
0x9e: {  	_ =	swait.ge [sflag:s22], s20  }
0x9f: {  	s3 =	ssub.s32 $0x0, s20;
	[sflag:s22] =	ssyncset.done $0x0  }
0xa0: {  	[sflag:s22] =	ssyncadd.s32 s3;
	_ =	sdelay $0x1  }
0xa1: {  	s23 =	simm.s32 $0x1B8B  }
0xa2: {  	_ =	swait.ge [sflag:s23], $0x1  }
0xa3: {  	[sflag:s23] =	ssyncset.done $0x0  }
0xa4: {  	s25 =	simm.s32 $0x1B8E;
	s24 =	sld [smem:$0x3FFE];
	[sflag:s23] =	ssyncadd.s32 $0xFFFFFFFF  }
0xa5: {  	s26 =	simm.s32 $execute0_lowered;
	[smem:$0x3FD2] =	sst s25  }
0xa6: {  	s4 =	sshll.u32 s26, $0x1;
	_ =	strace $0x80000049;
	[dreg:$0x1] =	wrdreg $0xFFFFFFFF  }
0xa7: {  	s28 =	simm.s32 $_size_execute0_lowered;
	s2 =	sadd.s32 s2, s4;
	[dreg:$0x0] =	wrdreg $0x0  }
0xa8: {  	s4 =	sshll.u32 s28, $0x1;
	[dreg:$0x2] =	wrdreg s2  }
0xa9: {  	[dreg:$0x3] =	wrdreg s4  }
0xaa: {  	[dreg:$0x4] =	wrdreg $0xC0  }
0xab: {  	_ =	task [dreg:s6], $0x5FFFF  }
0xac: {  	[dreg:$0x1] =	wrdreg $0xFFFFFFFF  }
0xad: {  	[dreg:$0x0] =	wrdreg $0x60  }
0xae: {  	[dreg:$0x2] =	wrdreg s24  }
0xaf: {  	[dreg:$0x3] =	wrdreg $0xA8000  }
0xb0: {  	[dreg:$0x4] =	wrdreg $0x9  }
0xb1: {  	_ =	task.clear_ibuf [dreg:s6], $0x5FFFF;
	_ =	strace $0x90000049  }
0xb2: {  	s29 =	simm.s32 $0x9;
	_ =	strace $0x8000004B  }
0xb3: {  	_ =	swait.ge [sflag:s29], $0x1  }
0xb4: {  	[sflag:s29] =	ssyncadd.s32 $0xFFFFFFFF  }
0xb5: {  	_ =	strace $0x9000004B  }
0xb6: {  	_ =	sfence  }
0xb7: {  	s30 =	sld [smem:$0x0];
	_ =	sdelay $0x2  }
0xb8: {  	s31 =	sshll.u32 s1, $0xD;
	s1 =	sshrl.u32 s1, $0x2  }
0xb9: {  	s3 =	sand.u32 $0x4000, s31;
	s1 =	sadd.s32 s1, s30  }
0xba: {  	s0 =	sor.u32 s3, s0;
	s1 =	sshll.u32 s1, $0x11  }
0xbb: {  	s0 =	sor.u32 s1, s0  }
0xbc: {  	s0 =	sadd.s32 $0x8F2B, s0  }
0xbd: {  	[sflag:s0] =	ssyncadd.remote.s32 $0x1  }
0xbe: {  	_ =	sfence.sel $0xFFFF  }
0xbf: {  	[dreg:$0x0] =	wrdreg $0xFFFFFFFF;
	(pc) =	sbr.abs _section_cstart, $3  }
0xc0: {  	[dreg:$0x1] =	wrdreg $0xFFFFFFFF  }
0xc1: {  	_ =	task.clear_ibuf [dreg:s6], $0x2FFFF;
	_ =	strace $0x9FFFFFFF  }
0xc2: {  	(tm) =	ssettm $0x7FFFFFFF  }
0xc3: {  	_ =	shalt  }
tec
execute0_lowered:
.L_overlay_start_1:
0x0: {  	(tag) =	ssettag $0x1  }
0x1: {  	s0 =	rddreg [dreg:$0x0]  }
0x2: {  	s2 =	rddreg [dreg:$0x1]  }
0x3: {  	s1 =	srdreg.scid;
	s8 =	stileid.u32;
	s3 =	simm.s32 $0x0  }
0x4: {  	s28 =	simm.s32 $0x2800;
	s29 =	simm.s32 $0x5;
	s30 =	simm.s32 $0x3  }
0x5: {  	s31 =	simm.s32 $0x1400;
	s1 =	sand.u32 $0x1, s1;
	s5 =	smul.u32 $0x280, s8  }
0x6: {  	[smem:$0x7FF] =	sst s3;
	s4 =	sadd.s32 $0x18A00, s0;
	s15 =	smul.u32 $0x50000, s8  }
0x7: {  	s13 =	sadd.s32 $0x4600, s0;
	s14 =	sadd.s32 $0x40A00, s0;
	s6 =	smul.u32 $0x2800, s1  }
0x8: {  	_ =	strace $0x8000004A;
	s16 =	ssub.s32 $0x2, s1;
	s1 =	sshll.u32 s1, $0x4  }
0x9: {  	[dreg:$0x3] =	wrdreg s14;
	s7 =	sshrl.u32 s16, $0x1;
	s1 =	sor.u32 s8, s1  }
0xa: {  	s5 =	sadd.s32 s5, s6;
	s6 =	sshrl.u32 s15, $0x2;
	s11 =	smul.u32 $0x2800, s1  }
0xb: {  	s1 =	smul.u32 $0x500, s1;
	s15 =	simm.s32 $0x1480;
	s5 =	sshll.u32 s5, $0x4  }
0xc: {  	s6 =	sadd.s32 s6, s2;
	s0 =	sadd.s32 s5, s0;
	s5 =	ssub.s32 s16, s7  }
0xd: {  	s7 =	sadd.s32 $0x2800, s6;
	s8 =	sadd.s32 $0x5000, s6;
	s9 =	sadd.s32 $0x7800, s6  }
0xe: {  	s10 =	sadd.s32 $0xA000, s6;
	s14 =	sshrl.u32 s11, $0x3;
	s1 =	sadd.s32 s13, s1  }
0xf: {  	s11 =	sadd.s32 $0xC800, s6;
	[dreg:$0x4] =	wrdreg s1;
	s20 =	sadd.s32 $0x41200, s0  }
0x10: {  	s12 =	sadd.s32 $0xF000, s6;
	s21 =	sadd.s32 $0x41700, s0;
	[dreg:$0x8] =	wrdreg s20  }
0x11: {  	s16 =	simm.s32 $0x100;
	s22 =	sadd.s32 $0x41C00, s0;
	[dreg:$0x9] =	wrdreg s21  }
0x12: {  	s14 =	sadd.s32 s13, s14;
	s23 =	sadd.s32 $0x42100, s0;
	[dreg:$0xa] =	wrdreg s22  }
0x13: {  	s24 =	sadd.s32 $0x42600, s0;
	s25 =	sadd.s32 $0x42B00, s0;
	[dreg:$0xb] =	wrdreg s23  }
0x14: {  	s26 =	sadd.s32 $0x43000, s0;
	s0 =	sadd.s32 $0x43500, s0;
	[dreg:$0xc] =	wrdreg s24  }
0x15: {  	s1 =	simm.s32 $0x1;
	s13 =	simm.s32 $0x6800;
	[dreg:$0xd] =	wrdreg s25  }
0x16: {  	s17 =	sadd.s32 $0xA000, s14;
	s18 =	sadd.s32 $0x280, s14;
	[dreg:$0xe] =	wrdreg s26  }
0x17: {  	s19 =	sadd.s32 $0xA280, s14;
	[dreg:$0xf] =	wrdreg s0;
	s25 =	smax.u32 s5, $0x1  }
0x18: {  	s26 =	sadd.s32 $0x11800, s6;
	s0 =	simm.s32 $0x7D;
	[dreg:$0x5] =	wrdreg s17  }
0x19: {  	s5 =	simm.s32 $0x80;
	s14 =	simm.s32 $0x2;
	[dreg:$0x6] =	wrdreg s18  }
0x1a: {  	s20 =	simm.s32 $0x2780;
	s21 =	simm.s32 $0x0;
	[dreg:$0x7] =	wrdreg s19  }
0x1b: {  	s17 =	simm.s32 $0x4;
	s18 =	simm.s32 $0x2700;
	s19 =	simm.s32 $0x1380  }
.LBB2_1:
0x1c: {  	s22 =	rddreg [dreg:$0x3]  }
0x1d: {  	[tilespmem:s28], [sflag:$0x5] =	stream.linear.gather [hbm4b:s22+s3], $0x2800, $0x38;
	[tilespmem:$0x1E800] =	vst v63  }
0x1e: {  	_ =	swait.ge [sflag:s29], $0x2800  }
0x1f: {  	[sflag:s29] =	ssyncset.done $0x0  }
0x20: {  	[sflag:s29] =	ssyncadd.s32 $0xFFFFD800  }
0x21: {  	[spmem:s6] =	stream.linear.scatter [tilespmem:s28], [sflag:$0x3], $0x2800, $0x38;
	[tilespmem:$0x1E800] =	vst v63  }
0x22: {  	_ = 	snop  }
0x23: {  	[spmem:s7] =	stream.linear.scatter [tilespmem:s28], [sflag:$0x3], $0x2800, $0x38;
	[tilespmem:$0x1E800] =	vst v63  }
0x24: {  	_ = 	snop  }
0x25: {  	[spmem:s8] =	stream.linear.scatter [tilespmem:s28], [sflag:$0x3], $0x2800, $0x38;
	[tilespmem:$0x1E800] =	vst v63  }
0x26: {  	_ = 	snop  }
0x27: {  	[spmem:s9] =	stream.linear.scatter [tilespmem:s28], [sflag:$0x3], $0x2800, $0x38;
	[tilespmem:$0x1E800] =	vst v63  }
0x28: {  	_ = 	snop  }
0x29: {  	[spmem:s10] =	stream.linear.scatter [tilespmem:s28], [sflag:$0x3], $0x2800, $0x38;
	[tilespmem:$0x1E800] =	vst v63  }
0x2a: {  	_ = 	snop  }
0x2b: {  	[spmem:s11] =	stream.linear.scatter [tilespmem:s28], [sflag:$0x3], $0x2800, $0x38;
	[tilespmem:$0x1E800] =	vst v63  }
0x2c: {  	_ = 	snop  }
0x2d: {  	[spmem:s12] =	stream.linear.scatter [tilespmem:s28], [sflag:$0x3], $0x2800, $0x38;
	[tilespmem:$0x1E800] =	vst v63  }
0x2e: {  	_ = 	snop  }
0x2f: {  	[spmem:s26] =	stream.linear.scatter [tilespmem:s28], [sflag:$0x3], $0x2800, $0x38;
	[tilespmem:$0x1E800] =	vst v63  }
0x30: {  	_ =	swait.ge [sflag:s30], $0x2800  }
0x31: {  	[sflag:s30] =	ssyncset.done $0x0  }
0x32: {  	[sflag:s30] =	ssyncadd.s32 $0xFFFFD800  }
0x33: {  	_ =	swait.ge [sflag:s30], $0x2800  }
0x34: {  	[sflag:s30] =	ssyncset.done $0x0  }
0x35: {  	[sflag:s30] =	ssyncadd.s32 $0xFFFFD800  }
0x36: {  	_ =	swait.ge [sflag:s30], $0x2800  }
0x37: {  	[sflag:s30] =	ssyncset.done $0x0  }
0x38: {  	[sflag:s30] =	ssyncadd.s32 $0xFFFFD800  }
0x39: {  	_ =	swait.ge [sflag:s30], $0x2800  }
0x3a: {  	[sflag:s30] =	ssyncset.done $0x0  }
0x3b: {  	[sflag:s30] =	ssyncadd.s32 $0xFFFFD800  }
0x3c: {  	_ =	swait.ge [sflag:s30], $0x2800  }
0x3d: {  	[sflag:s30] =	ssyncset.done $0x0  }
0x3e: {  	[sflag:s30] =	ssyncadd.s32 $0xFFFFD800  }
0x3f: {  	_ =	swait.ge [sflag:s30], $0x2800  }
0x40: {  	[sflag:s30] =	ssyncset.done $0x0  }
0x41: {  	[sflag:s30] =	ssyncadd.s32 $0xFFFFD800  }
0x42: {  	_ =	swait.ge [sflag:s30], $0x2800  }
0x43: {  	[sflag:s30] =	ssyncset.done $0x0  }
0x44: {  	[sflag:s30] =	ssyncadd.s32 $0xFFFFD800  }
0x45: {  	_ =	swait.ge [sflag:s30], $0x2800  }
0x46: {  	[sflag:s30] =	ssyncset.done $0x0  }
0x47: {  	[sflag:s30] =	ssyncadd.s32 $0xFFFFD800  }
0x48: {  	[bflag:$0x0] =	sbarrier.arrive $0xFFFF  }
0x49: {  	s24 =	rddreg [dreg:$0x4]  }
0x4a: {  	[tilespmem:s3], [sflag:$0x5] =	stream.linear.gather [hbm4b:s24+s3], $0x1400, $0x38;
	[tilespmem:$0x1E800] =	vst v63  }
0x4b: {  	_ =	swait.ge [sflag:s29], $0x1400  }
0x4c: {  	[sflag:s29] =	ssyncset.done $0x0  }
0x4d: {  	s23 =	rddreg [dreg:$0x5];
	[sflag:s29] =	ssyncadd.s32 $0xFFFFEC00  }
0x4e: {  	[tilespmem:s31], [sflag:$0x5] =	stream.linear.gather [hbm4b:s23+s3], $0x1400, $0x38;
	[tilespmem:$0x1E800] =	vst v63  }
0x4f: {  	_ =	swait.ge [sflag:s29], $0x1400  }
0x50: {  	[sflag:s29] =	ssyncset.done $0x0  }
0x51: {  	[sflag:s29] =	ssyncadd.s32 $0xFFFFEC00  }
0x52: {  	[tilespmem:s28], [sflag:$0x1] =	stream.indirect.gather [hbm4b:s4+s0], $0x80, s3, s0, $0xb8;
	[tilespmem:$0x1E800] =	vst v63  }
0x53: {  	_ =	swait.ge [sflag:s1], $0x3E80  }
0x54: {  	[sflag:s1] =	ssyncset.done $0x0  }
0x55: {  	[sflag:s1] =	ssyncadd.s32 $0xFFFFC180  }
0x56: {  	[spmem:s2] =	stream.indirect.scatter.add.f32 [tilespmem:s28], [sflag:$0x3], $0x80, s31, s0, $0xb8;
	[tilespmem:$0x1E800] =	vst v63  }
0x57: {  	_ = 	snop  }
0x58: {  	[tilespmem:s13], [sflag:$0x2] =	stream.indirect.gather [hbm4b:s4+s0], $0x80, s5, s0, $0xb8;
	[tilespmem:$0x1E800] =	vst v63  }
0x59: {  	_ =	swait.ge [sflag:s14], $0x3E80  }
0x5a: {  	[sflag:s14] =	ssyncset.done $0x0  }
0x5b: {  	[sflag:s14] =	ssyncadd.s32 $0xFFFFC180  }
0x5c: {  	[spmem:s2] =	stream.indirect.scatter.add.f32 [tilespmem:s13], [sflag:$0x4], $0x80, s15, s0, $0xb8;
	[tilespmem:$0x1E800] =	vst v63  }
0x5d: {  	_ =	swait.ge [sflag:s30], $0x3E80  }
0x5e: {  	[sflag:s30] =	ssyncset.done $0x0  }
0x5f: {  	[sflag:s30] =	ssyncadd.s32 $0xFFFFC180  }
0x60: {  	[tilespmem:s28], [sflag:$0x1] =	stream.indirect.gather [hbm4b:s4+s0], $0x80, s16, s0, $0xb8;
	[tilespmem:$0x1E800] =	vst v63  }
0x61: {  	_ =	swait.ge [sflag:s1], $0x3E80  }
0x62: {  	[sflag:s1] =	ssyncset.done $0x0  }
0x63: {  	s24 =	simm.s32 $0x1500;
	[sflag:s1] =	ssyncadd.s32 $0xFFFFC180  }
0x64: {  	[spmem:s2] =	stream.indirect.scatter.add.f32 [tilespmem:s28], [sflag:$0x3], $0x80, s24, s0, $0xb8;
	[tilespmem:$0x1E800] =	vst v63  }
0x65: {  	_ =	swait.ge [sflag:s17], $0x3E80  }
0x66: {  	[sflag:s17] =	ssyncset.done $0x0  }
0x67: {  	s23 =	simm.s32 $0x180;
	[sflag:s17] =	ssyncadd.s32 $0xFFFFC180  }
0x68: {  	[tilespmem:s13], [sflag:$0x2] =	stream.indirect.gather [hbm4b:s4+s0], $0x80, s23, s0, $0xb8;
	[tilespmem:$0x1E800] =	vst v63  }
0x69: {  	_ =	swait.ge [sflag:s14], $0x3E80  }
0x6a: {  	[sflag:s14] =	ssyncset.done $0x0  }
0x6b: {  	s24 =	simm.s32 $0x1580;
	[sflag:s14] =	ssyncadd.s32 $0xFFFFC180  }
0x6c: {  	[spmem:s2] =	stream.indirect.scatter.add.f32 [tilespmem:s13], [sflag:$0x4], $0x80, s24, s0, $0xb8;
	[tilespmem:$0x1E800] =	vst v63  }
0x6d: {  	_ =	swait.ge [sflag:s30], $0x3E80  }
0x6e: {  	[sflag:s30] =	ssyncset.done $0x0  }
0x6f: {  	s22 =	simm.s32 $0xFFFFBC00;
	s23 =	simm.s32 $0x200;
	[sflag:s30] =	ssyncadd.s32 $0xFFFFC180  }
.LBB2_2:
0x70: {  	[tilespmem:s28], [sflag:$0x1] =	stream.indirect.gather [hbm4b:s4+s0], $0x80, s23, s0, $0xb8;
	[tilespmem:$0x1E800] =	vst v63  }
0x71: {  	s23 =	smov.u32 s22  }
0x72: {  	p0 =	sne.s32 s22, $0xFFFFFC00;
	s22 =	sadd.s32 $0x400, s22;
	_ =	swait.ge [sflag:s1], $0x3E80  }
0x73: {  	s23 =	sshra.s32 s23, $0x2;
	[sflag:s1] =	ssyncset.done $0x0  }
0x74: {  	s24 =	sadd.s32 $0x2700, s23;
	[sflag:s1] =	ssyncadd.s32 $0xFFFFC180  }
0x75: {  	[spmem:s2] =	stream.indirect.scatter.add.f32 [tilespmem:s28], [sflag:$0x3], $0x80, s24, s0, $0xb8;
	[tilespmem:$0x1E800] =	vst v63  }
0x76: {  	_ =	swait.ge [sflag:s17], $0x3E80  }
0x77: {  	[sflag:s17] =	ssyncset.done $0x0  }
0x78: {  	s24 =	sadd.s32 $0x1380, s23;
	[sflag:s17] =	ssyncadd.s32 $0xFFFFC180  }
0x79: {  	[tilespmem:s13], [sflag:$0x2] =	stream.indirect.gather [hbm4b:s4+s0], $0x80, s24, s0, $0xb8;
	[tilespmem:$0x1E800] =	vst v63  }
0x7a: {  	_ =	swait.ge [sflag:s14], $0x3E80  }
0x7b: {  	[sflag:s14] =	ssyncset.done $0x0  }
.Ltmp0:
0x7c: {  	s24 =	sadd.s32 $0x2780, s23;
	[sflag:s14] =	ssyncadd.s32 $0xFFFFC180;
	(pc) =	sbr.rel @p0 .LBB2_2-.Ltmp0, $4  }
0x7d: {  	[spmem:s2] =	stream.indirect.scatter.add.f32 [tilespmem:s13], [sflag:$0x4], $0x80, s24, s0, $0xb8;
	[tilespmem:$0x1E800] =	vst v63  }
0x7e: {  	_ =	swait.ge [sflag:s30], $0x3E80  }
0x7f: {  	[sflag:s30] =	ssyncset.done $0x0  }
0x80: {  	s23 =	sadd.s32 $0x1400, s23;
	[sflag:s30] =	ssyncadd.s32 $0xFFFFC180  }
0x81: {  	[tilespmem:s28], [sflag:$0x1] =	stream.indirect.gather [hbm4b:s4+s0], $0x80, s23, s0, $0xb8;
	[tilespmem:$0x1E800] =	vst v63  }
0x82: {  	_ =	swait.ge [sflag:s1], $0x3E80  }
0x83: {  	[sflag:s1] =	ssyncset.done $0x0  }
0x84: {  	[sflag:s1] =	ssyncadd.s32 $0xFFFFC180  }
0x85: {  	[spmem:s2] =	stream.indirect.scatter.add.f32 [tilespmem:s28], [sflag:$0x3], $0x80, s18, s0, $0xb8;
	[tilespmem:$0x1E800] =	vst v63  }
0x86: {  	_ =	swait.ge [sflag:s17], $0x3E80  }
0x87: {  	[sflag:s17] =	ssyncset.done $0x0  }
0x88: {  	[sflag:s17] =	ssyncadd.s32 $0xFFFFC180  }
0x89: {  	[tilespmem:s13], [sflag:$0x2] =	stream.indirect.gather [hbm4b:s4+s0], $0x80, s19, s0, $0xb8;
	[tilespmem:$0x1E800] =	vst v63  }
0x8a: {  	_ =	swait.ge [sflag:s14], $0x3E80  }
0x8b: {  	[sflag:s14] =	ssyncset.done $0x0  }
0x8c: {  	[sflag:s14] =	ssyncadd.s32 $0xFFFFC180  }
0x8d: {  	[spmem:s2] =	stream.indirect.scatter.add.f32 [tilespmem:s13], [sflag:$0x4], $0x80, s20, s0, $0xb8;
	[tilespmem:$0x1E800] =	vst v63  }
0x8e: {  	_ =	swait.ge [sflag:s30], $0x3E80  }
0x8f: {  	[sflag:s30] =	ssyncset.done $0x0  }
0x90: {  	[sflag:s30] =	ssyncadd.s32 $0xFFFFC180  }
0x91: {  	[tilespmem:s28], [sflag:$0x1] =	stream.indirect.gather [hbm4b:s4+s0], $0x80, s19, s0, $0xb8;
	[tilespmem:$0x1E800] =	vst v63  }
0x92: {  	_ =	swait.ge [sflag:s17], $0x3E80  }
0x93: {  	[sflag:s17] =	ssyncset.done $0x0  }
0x94: {  	[sflag:s17] =	ssyncadd.s32 $0xFFFFC180  }
0x95: {  	_ =	swait.ge [sflag:s1], $0x3E80  }
0x96: {  	[sflag:s1] =	ssyncset.done $0x0  }
0x97: {  	s22 =	rddreg [dreg:$0x6];
	[sflag:s1] =	ssyncadd.s32 $0xFFFFC180  }
0x98: {  	[tilespmem:s3], [sflag:$0x5] =	stream.linear.gather [hbm4b:s22+s3], $0x1400, $0x38;
	[tilespmem:$0x1E800] =	vst v63  }
0x99: {  	_ =	swait.ge [sflag:s29], $0x1400  }
0x9a: {  	[sflag:s29] =	ssyncset.done $0x0  }
0x9b: {  	s23 =	rddreg [dreg:$0x7];
	[sflag:s29] =	ssyncadd.s32 $0xFFFFEC00  }
0x9c: {  	[tilespmem:s31], [sflag:$0x5] =	stream.linear.gather [hbm4b:s23+s3], $0x1400, $0x38;
	[tilespmem:$0x1E800] =	vst v63  }
0x9d: {  	_ =	swait.ge [sflag:s29], $0x1400  }
0x9e: {  	[sflag:s29] =	ssyncset.done $0x0  }
0x9f: {  	[sflag:s29] =	ssyncadd.s32 $0xFFFFEC00  }
0xa0: {  	[tilespmem:s28], [sflag:$0x1] =	stream.indirect.gather [hbm4b:s4+s0], $0x80, s3, s0, $0xb8;
	[tilespmem:$0x1E800] =	vst v63  }
0xa1: {  	_ =	swait.ge [sflag:s1], $0x3E80  }
0xa2: {  	[sflag:s1] =	ssyncset.done $0x0  }
0xa3: {  	[sflag:s1] =	ssyncadd.s32 $0xFFFFC180  }
0xa4: {  	[spmem:s2] =	stream.indirect.scatter.add.f32 [tilespmem:s28], [sflag:$0x3], $0x80, s31, s0, $0xb8;
	[tilespmem:$0x1E800] =	vst v63  }
0xa5: {  	_ = 	snop  }
0xa6: {  	[tilespmem:s13], [sflag:$0x2] =	stream.indirect.gather [hbm4b:s4+s0], $0x80, s5, s0, $0xb8;
	[tilespmem:$0x1E800] =	vst v63  }
0xa7: {  	_ =	swait.ge [sflag:s14], $0x3E80  }
0xa8: {  	[sflag:s14] =	ssyncset.done $0x0  }
0xa9: {  	[sflag:s14] =	ssyncadd.s32 $0xFFFFC180  }
0xaa: {  	[spmem:s2] =	stream.indirect.scatter.add.f32 [tilespmem:s13], [sflag:$0x4], $0x80, s15, s0, $0xb8;
	[tilespmem:$0x1E800] =	vst v63  }
0xab: {  	_ =	swait.ge [sflag:s30], $0x3E80  }
0xac: {  	[sflag:s30] =	ssyncset.done $0x0  }
0xad: {  	[sflag:s30] =	ssyncadd.s32 $0xFFFFC180  }
0xae: {  	[tilespmem:s28], [sflag:$0x1] =	stream.indirect.gather [hbm4b:s4+s0], $0x80, s16, s0, $0xb8;
	[tilespmem:$0x1E800] =	vst v63  }
0xaf: {  	_ =	swait.ge [sflag:s1], $0x3E80  }
0xb0: {  	[sflag:s1] =	ssyncset.done $0x0  }
0xb1: {  	s24 =	simm.s32 $0x1500;
	[sflag:s1] =	ssyncadd.s32 $0xFFFFC180  }
0xb2: {  	[spmem:s2] =	stream.indirect.scatter.add.f32 [tilespmem:s28], [sflag:$0x3], $0x80, s24, s0, $0xb8;
	[tilespmem:$0x1E800] =	vst v63  }
0xb3: {  	_ =	swait.ge [sflag:s17], $0x3E80  }
0xb4: {  	[sflag:s17] =	ssyncset.done $0x0  }
0xb5: {  	s23 =	simm.s32 $0x180;
	[sflag:s17] =	ssyncadd.s32 $0xFFFFC180  }
0xb6: {  	[tilespmem:s13], [sflag:$0x2] =	stream.indirect.gather [hbm4b:s4+s0], $0x80, s23, s0, $0xb8;
	[tilespmem:$0x1E800] =	vst v63  }
0xb7: {  	_ =	swait.ge [sflag:s14], $0x3E80  }
0xb8: {  	[sflag:s14] =	ssyncset.done $0x0  }
0xb9: {  	s24 =	simm.s32 $0x1580;
	[sflag:s14] =	ssyncadd.s32 $0xFFFFC180  }
0xba: {  	[spmem:s2] =	stream.indirect.scatter.add.f32 [tilespmem:s13], [sflag:$0x4], $0x80, s24, s0, $0xb8;
	[tilespmem:$0x1E800] =	vst v63  }
0xbb: {  	_ =	swait.ge [sflag:s30], $0x3E80  }
0xbc: {  	[sflag:s30] =	ssyncset.done $0x0  }
0xbd: {  	s22 =	simm.s32 $0xFFFFBC00;
	s23 =	simm.s32 $0x200;
	[sflag:s30] =	ssyncadd.s32 $0xFFFFC180  }
.LBB2_4:
0xbe: {  	[tilespmem:s28], [sflag:$0x1] =	stream.indirect.gather [hbm4b:s4+s0], $0x80, s23, s0, $0xb8;
	[tilespmem:$0x1E800] =	vst v63  }
0xbf: {  	s23 =	smov.u32 s22  }
0xc0: {  	p0 =	sne.s32 s22, $0xFFFFFC00;
	s22 =	sadd.s32 $0x400, s22;
	_ =	swait.ge [sflag:s1], $0x3E80  }
0xc1: {  	s23 =	sshra.s32 s23, $0x2;
	[sflag:s1] =	ssyncset.done $0x0  }
0xc2: {  	s24 =	sadd.s32 $0x2700, s23;
	[sflag:s1] =	ssyncadd.s32 $0xFFFFC180  }
0xc3: {  	[spmem:s2] =	stream.indirect.scatter.add.f32 [tilespmem:s28], [sflag:$0x3], $0x80, s24, s0, $0xb8;
	[tilespmem:$0x1E800] =	vst v63  }
0xc4: {  	_ =	swait.ge [sflag:s17], $0x3E80  }
0xc5: {  	[sflag:s17] =	ssyncset.done $0x0  }
0xc6: {  	s24 =	sadd.s32 $0x1380, s23;
	[sflag:s17] =	ssyncadd.s32 $0xFFFFC180  }
0xc7: {  	[tilespmem:s13], [sflag:$0x2] =	stream.indirect.gather [hbm4b:s4+s0], $0x80, s24, s0, $0xb8;
	[tilespmem:$0x1E800] =	vst v63  }
0xc8: {  	_ =	swait.ge [sflag:s14], $0x3E80  }
0xc9: {  	[sflag:s14] =	ssyncset.done $0x0  }
.Ltmp1:
0xca: {  	s24 =	sadd.s32 $0x2780, s23;
	[sflag:s14] =	ssyncadd.s32 $0xFFFFC180;
	(pc) =	sbr.rel @p0 .LBB2_4-.Ltmp1, $4  }
0xcb: {  	[spmem:s2] =	stream.indirect.scatter.add.f32 [tilespmem:s13], [sflag:$0x4], $0x80, s24, s0, $0xb8;
	[tilespmem:$0x1E800] =	vst v63  }
0xcc: {  	_ =	swait.ge [sflag:s30], $0x3E80  }
0xcd: {  	[sflag:s30] =	ssyncset.done $0x0  }
0xce: {  	s23 =	sadd.s32 $0x1400, s23;
	[sflag:s30] =	ssyncadd.s32 $0xFFFFC180  }
0xcf: {  	[tilespmem:s28], [sflag:$0x1] =	stream.indirect.gather [hbm4b:s4+s0], $0x80, s23, s0, $0xb8;
	[tilespmem:$0x1E800] =	vst v63  }
0xd0: {  	_ =	swait.ge [sflag:s1], $0x3E80  }
0xd1: {  	[sflag:s1] =	ssyncset.done $0x0  }
0xd2: {  	[sflag:s1] =	ssyncadd.s32 $0xFFFFC180  }
0xd3: {  	[spmem:s2] =	stream.indirect.scatter.add.f32 [tilespmem:s28], [sflag:$0x3], $0x80, s18, s0, $0xb8;
	[tilespmem:$0x1E800] =	vst v63  }
0xd4: {  	_ =	swait.ge [sflag:s17], $0x3E80  }
0xd5: {  	[sflag:s17] =	ssyncset.done $0x0  }
0xd6: {  	[sflag:s17] =	ssyncadd.s32 $0xFFFFC180  }
0xd7: {  	[tilespmem:s13], [sflag:$0x2] =	stream.indirect.gather [hbm4b:s4+s0], $0x80, s19, s0, $0xb8;
	[tilespmem:$0x1E800] =	vst v63  }
0xd8: {  	_ =	swait.ge [sflag:s14], $0x3E80  }
0xd9: {  	[sflag:s14] =	ssyncset.done $0x0  }
0xda: {  	[sflag:s14] =	ssyncadd.s32 $0xFFFFC180  }
0xdb: {  	[spmem:s2] =	stream.indirect.scatter.add.f32 [tilespmem:s13], [sflag:$0x4], $0x80, s20, s0, $0xb8;
	[tilespmem:$0x1E800] =	vst v63  }
0xdc: {  	_ =	swait.ge [sflag:s30], $0x3E80  }
0xdd: {  	[sflag:s30] =	ssyncset.done $0x0  }
0xde: {  	[sflag:s30] =	ssyncadd.s32 $0xFFFFC180  }
0xdf: {  	[tilespmem:s28], [sflag:$0x1] =	stream.indirect.gather [hbm4b:s4+s0], $0x80, s19, s0, $0xb8;
	[tilespmem:$0x1E800] =	vst v63  }
0xe0: {  	_ =	swait.ge [sflag:s17], $0x3E80  }
0xe1: {  	[sflag:s17] =	ssyncset.done $0x0  }
0xe2: {  	[sflag:s17] =	ssyncadd.s32 $0xFFFFC180  }
0xe3: {  	_ =	swait.ge [sflag:s1], $0x3E80  }
0xe4: {  	[sflag:s1] =	ssyncset.done $0x0  }
0xe5: {  	[sflag:s1] =	ssyncadd.s32 $0xFFFFC180  }
0xe6: {  	[bflag:$0x0] =	sbarrier.arrive $0xFFFF  }
0xe7: {  	[tilespmem:s28], [sflag:$0x5] =	stream.linear.gather [spmem:s6], $0x2800, $0x38;
	[tilespmem:$0x1E800] =	vst v63  }
0xe8: {  	_ =	swait.ge [sflag:s29], $0x2800  }
0xe9: {  	[sflag:s29] =	ssyncset.done $0x0  }
0xea: {  	[sflag:s29] =	ssyncadd.s32 $0xFFFFD800  }
0xeb: {  	[tilespmem:s13], [sflag:$0x1] =	stream.linear.gather [spmem:s7], $0x2800, $0x38;
	[tilespmem:$0x1E800] =	vst v63  }
0xec: {  	s22 =	rddreg [dreg:$0x8]  }
0xed: {  	[hbm4b:s22+s3] =	stream.linear.scatter [tilespmem:s28], [sflag:$0x5], $0x2800, $0x38;
	[tilespmem:$0x1E800] =	vst v63  }
0xee: {  	_ =	swait.ge [sflag:s29], $0x2800  }
0xef: {  	[sflag:s29] =	ssyncset.done $0x0  }
0xf0: {  	[sflag:s29] =	ssyncadd.s32 $0xFFFFD800  }
0xf1: {  	_ =	swait.ge [sflag:s1], $0x2800  }
0xf2: {  	[sflag:s1] =	ssyncset.done $0x0  }
0xf3: {  	[sflag:s1] =	ssyncadd.s32 $0xFFFFD800  }
0xf4: {  	[tilespmem:s28], [sflag:$0x1] =	stream.linear.gather [spmem:s8], $0x2800, $0x38;
	[tilespmem:$0x1E800] =	vst v63  }
0xf5: {  	s24 =	rddreg [dreg:$0x9]  }
0xf6: {  	[hbm4b:s24+s3] =	stream.linear.scatter [tilespmem:s13], [sflag:$0x5], $0x2800, $0x38;
	[tilespmem:$0x1E800] =	vst v63  }
0xf7: {  	_ =	swait.ge [sflag:s29], $0x2800  }
0xf8: {  	[sflag:s29] =	ssyncset.done $0x0  }
0xf9: {  	[sflag:s29] =	ssyncadd.s32 $0xFFFFD800  }
0xfa: {  	_ =	swait.ge [sflag:s1], $0x2800  }
0xfb: {  	[sflag:s1] =	ssyncset.done $0x0  }
0xfc: {  	[sflag:s1] =	ssyncadd.s32 $0xFFFFD800  }
0xfd: {  	[tilespmem:s13], [sflag:$0x1] =	stream.linear.gather [spmem:s9], $0x2800, $0x38;
	[tilespmem:$0x1E800] =	vst v63  }
0xfe: {  	s23 =	rddreg [dreg:$0xa]  }
0xff: {  	[hbm4b:s23+s3] =	stream.linear.scatter [tilespmem:s28], [sflag:$0x5], $0x2800, $0x38;
	[tilespmem:$0x1E800] =	vst v63  }
0x100: {  	_ =	swait.ge [sflag:s29], $0x2800  }
0x101: {  	[sflag:s29] =	ssyncset.done $0x0  }
0x102: {  	[sflag:s29] =	ssyncadd.s32 $0xFFFFD800  }
0x103: {  	_ =	swait.ge [sflag:s1], $0x2800  }
0x104: {  	[sflag:s1] =	ssyncset.done $0x0  }
0x105: {  	[sflag:s1] =	ssyncadd.s32 $0xFFFFD800  }
0x106: {  	[tilespmem:s28], [sflag:$0x1] =	stream.linear.gather [spmem:s10], $0x2800, $0x38;
	[tilespmem:$0x1E800] =	vst v63  }
0x107: {  	s24 =	rddreg [dreg:$0xb]  }
0x108: {  	[hbm4b:s24+s3] =	stream.linear.scatter [tilespmem:s13], [sflag:$0x5], $0x2800, $0x38;
	[tilespmem:$0x1E800] =	vst v63  }
0x109: {  	_ =	swait.ge [sflag:s29], $0x2800  }
0x10a: {  	[sflag:s29] =	ssyncset.done $0x0  }
0x10b: {  	[sflag:s29] =	ssyncadd.s32 $0xFFFFD800  }
0x10c: {  	_ =	swait.ge [sflag:s1], $0x2800  }
0x10d: {  	[sflag:s1] =	ssyncset.done $0x0  }
0x10e: {  	[sflag:s1] =	ssyncadd.s32 $0xFFFFD800  }
0x10f: {  	[tilespmem:s13], [sflag:$0x1] =	stream.linear.gather [spmem:s11], $0x2800, $0x38;
	[tilespmem:$0x1E800] =	vst v63  }
0x110: {  	s23 =	rddreg [dreg:$0xc]  }
0x111: {  	[hbm4b:s23+s3] =	stream.linear.scatter [tilespmem:s28], [sflag:$0x5], $0x2800, $0x38;
	[tilespmem:$0x1E800] =	vst v63  }
0x112: {  	_ =	swait.ge [sflag:s29], $0x2800  }
0x113: {  	[sflag:s29] =	ssyncset.done $0x0  }
0x114: {  	[sflag:s29] =	ssyncadd.s32 $0xFFFFD800  }
0x115: {  	_ =	swait.ge [sflag:s1], $0x2800  }
0x116: {  	[sflag:s1] =	ssyncset.done $0x0  }
0x117: {  	[sflag:s1] =	ssyncadd.s32 $0xFFFFD800  }
0x118: {  	[tilespmem:s28], [sflag:$0x1] =	stream.linear.gather [spmem:s12], $0x2800, $0x38;
	[tilespmem:$0x1E800] =	vst v63  }
0x119: {  	s24 =	rddreg [dreg:$0xd]  }
0x11a: {  	[hbm4b:s24+s3] =	stream.linear.scatter [tilespmem:s13], [sflag:$0x5], $0x2800, $0x38;
	[tilespmem:$0x1E800] =	vst v63  }
0x11b: {  	_ =	swait.ge [sflag:s29], $0x2800  }
0x11c: {  	[sflag:s29] =	ssyncset.done $0x0  }
0x11d: {  	[sflag:s29] =	ssyncadd.s32 $0xFFFFD800  }
0x11e: {  	_ =	swait.ge [sflag:s1], $0x2800  }
0x11f: {  	[sflag:s1] =	ssyncset.done $0x0  }
0x120: {  	[sflag:s1] =	ssyncadd.s32 $0xFFFFD800  }
0x121: {  	[tilespmem:s13], [sflag:$0x1] =	stream.linear.gather [spmem:s26], $0x2800, $0x38;
	[tilespmem:$0x1E800] =	vst v63  }
0x122: {  	s23 =	rddreg [dreg:$0xe]  }
0x123: {  	[hbm4b:s23+s3] =	stream.linear.scatter [tilespmem:s28], [sflag:$0x5], $0x2800, $0x38;
	[tilespmem:$0x1E800] =	vst v63  }
0x124: {  	_ =	swait.ge [sflag:s29], $0x2800  }
0x125: {  	[sflag:s29] =	ssyncset.done $0x0  }
0x126: {  	[sflag:s29] =	ssyncadd.s32 $0xFFFFD800  }
0x127: {  	s21 =	sadd.s32 $0x1, s21;
	_ =	swait.ge [sflag:s1], $0x2800  }
0x128: {  	p0 =	sne.s32 s21, s25;
	[sflag:s1] =	ssyncset.done $0x0  }
.Ltmp2:
0x129: {  	s24 =	rddreg [dreg:$0xf];
	[sflag:s1] =	ssyncadd.s32 $0xFFFFD800;
	(pc) =	sbr.rel @p0 .LBB2_1-.Ltmp2, $4  }
0x12a: {  	[hbm4b:s24+s3] =	stream.linear.scatter [tilespmem:s13], [sflag:$0x5], $0x2800, $0x38;
	[tilespmem:$0x1E800] =	vst v63  }
0x12b: {  	_ =	swait.ge [sflag:s29], $0x2800  }
0x12c: {  	[sflag:s29] =	ssyncset.done $0x0  }
0x12d: {  	[sflag:s29] =	ssyncadd.s32 $0xFFFFD800  }
0x12e: {  	_ =	sfence.sel $0x180000  }
0x12f: {  	[bflag:$0x0] =	sbarrier.arrive $0xFFFF  }
0x130: {  	_ =	strace $0x9000004A  }
0x131: {  	s0 =	stileid.u32;
	[bflag:$0x2] =	sbarrier.arrive $0xFFFF  }
0x132: {  	p0 =	sne.s32 s0, $0x0;
	s0 =	rddreg [dreg:$0x2]  }
0x133: {  	s0 =	sadd.s32 @!p0 $0x100000, s0  }
0x134: {  	[sflag:s0] =	ssyncadd.tile.s32 @!p0 $0x1;
	_ =	shalt  }
.Lfunc_end2:
_tile_overlayer_lowered:
.L_overlay_start_2:
0x135: {  	(tag) =	ssettag $0x2  }
0x136: {  	s0 =	rddreg [dreg:$0x0];
	s2 =	stileid.u32  }
0x137: {  	s1 =	rddreg [dreg:$0x1];
	p0 =	sne.s32 s2, $0x0  }
0x138: {  	s3 =	rddreg [dreg:$0x2];
	[bflag:$0x3] =	sbarrier.arrive $0xFFFF;
	s2 =	simm.s32 @!p0 $0x1C05  }
0x139: {  	[timem:s3], [sflag:s2] =	dma.local @!p0 [hbm:s0], s1  }
0x13a: {  	s0 =	simm.s32 @!p0 $0x5  }
0x13b: {  	_ =	swait.ge @!p0 [sflag:s0], s1  }
0x13c: {  	s1 =	ssub.s32 @!p0 $0x0, s1;
	[sflag:s0] =	ssyncset.done @!p0 $0x0  }
0x13d: {  	[sflag:s0] =	ssyncadd.s32 @!p0 s1  }
0x13e: {  	[bflag:$0x3] =	sbarrier.arrive $0xFFFF  }
0x13f: {  	_ =	shalt  }

// kernel: kernel.19.cloned.1.call-start
scs
__scs_entry_jumppad:
0x0: {  	(pc) =	sbr.rel $0x88, $3  }
0x1: {  	(tag) =	ssettag $0x0;
	lr =	simm.s32 $0x1  }
0x2: {  	[smem:$0x3F91] =	sst lr;
	_ =	strace $0xD0000000  }
0x3: {  	_ = 	snop  }
0x4: {  	_ = 	snop  }
0x5: {  	_ = 	snop  }
0x6: {  	_ = 	snop  }
0x7: {  	_ = 	snop  }
__scs_overlays_trampoline_lowered:
0x8: {  	[smem:$0x3FA0] =	sst s0  }
0x9: {  	[smem:$0x3FA1] =	sst s1  }
0xa: {  	[smem:$0x3FA2] =	sst s2  }
0xb: {  	[smem:$0x3FA3] =	sst s3  }
0xc: {  	[smem:$0x3FA4] =	sst s4  }
0xd: {  	[smem:$0x3FA5] =	sst s5  }
0xe: {  	[smem:$0x3FA6] =	sst s6  }
0xf: {  	[smem:$0x3FA7] =	sst s7  }
0x10: {  	[smem:$0x3FA8] =	sst s8  }
0x11: {  	[smem:$0x3FA9] =	sst s9;
	s0 =	simm.s32 @!p0 $0x0  }
0x12: {  	s1 =	sld [smem:$0x3F8F];
	s0 =	simm.s32 @p0 $0x1  }
0x13: {  	[smem:$0x3FAA] =	sst s0;
	s0 =	simm.s32 @!p1 $0x0  }
0x14: {  	s2 =	sld [smem:$0x3F8E];
	s0 =	simm.s32 @p1 $0x1  }
0x15: {  	[smem:$0x3FAB] =	sst s0;
	s0 =	simm.s32 @!p2 $0x0  }
0x16: {  	s3 =	sld [smem:$0x3FDB];
	s0 =	simm.s32 @p2 $0x1  }
0x17: {  	s4 =	simm.s32 $0x1BF5;
	[smem:$0x3FAD] =	sst s0  }
0x18: {  	s0 =	sld [smem:$0x3F90];
	_ =	swait.ge [sflag:s4], $0x0  }
0x19: {  	s7 =	sld [smem:$0x3F91]  }
0x1a: {  	s8 =	sadd.s32 $0xFFFFE003, lr  }
0x1b: {  	s9 =	sadd.s32 $0xFFFFFEF7, lr;
	s5 =	simm.s32 $0xFFFFFFFF;
	p2 =	slt.u32 s8, $0xFFFFF086  }
0x1c: {  	p1 =	slt.u32 s9, $0xF7A;
	s5 =	simm.s32 @!p2 $0x0  }
0x1d: {  	s5 =	simm.s32 @p1 $0x1;
	p0 =	seq.s32 s7, s2  }
0x1e: {  	s7 =	smul.u32 @!p0 $0xF7A, s2;
	p2 =	seq.s32 @!p0 s5, $0x0  }
0x1f: {  	s9 =	smul.u32 $0xF7A, s1;
	s8 =	simm.s32 @!p0 $0x1BF5;
	p2 =	por !p2, p0  }
0x20: {  	[sflag:s8] =	ssyncset.s32 @!p0 $0xFFFFF086;
	s6 =	sadd.s32 @!p0 s3, s7;
	s7 =	simm.s32 @!p0 $0x108  }
0x21: {  	s3 =	sadd.s32 s3, s9;
	s6 =	sadd.s32 @!p0 $0x88, s6;
	s7 =	simm.s32 @p2 $0x1082  }
0x22: {  	[simem:s7], [sflag:s8] =	dma.local @!p0 [hbm:s6], $0xF7A  }
0x23: {  	s9 =	sor.u32 $0xD0000000, s2;
	s6 =	simm.s32 $0x108;
	_ =	swait.ge @!p0 [sflag:s8], $0x0  }
0x24: {  	s3 =	sadd.s32 $0x88, s3;
	s6 =	simm.s32 @!p1 $0x1082;
	[sflag:s4] =	ssyncset.s32 $0xFFFFF086  }
0x25: {  	[simem:s6], [sflag:s4] =	dma.local [hbm:s3], $0xF7A  }
0x26: {  	[smem:$0x3F91] =	sst s1;
	(tag) =	ssettag s2;
	_ =	strace s9  }
0x27: {  	s1 =	sld [smem:$0x3FA1]  }
0x28: {  	s2 =	sld [smem:$0x3FA2]  }
0x29: {  	s4 =	sld [smem:$0x3FA4]  }
0x2a: {  	p0 =	seq.s32 s5, $0x0;
	s5 =	sld [smem:$0x3FA5]  }
0x2b: {  	s6 =	sld [smem:$0x3FA6]  }
0x2c: {  	s7 =	sld [smem:$0x3FA7]  }
0x2d: {  	s3 =	simm.s32 $0x108;
	s8 =	sld [smem:$0x3FA8]  }
0x2e: {  	s3 =	simm.s32 @!p0 $0x1082;
	s9 =	sld [smem:$0x3FA9]  }
0x2f: {  	lr =	sadd.s32 s0, s3;
	s0 =	sld [smem:$0x3FA0]  }
0x30: {  	s3 =	sld [smem:$0x3FA3]  }
0x31: {  	[smem:$0x3FAC] =	sst s10  }
0x32: {  	s10 =	sld [smem:$0x3FAA];
	_ =	sdelay $0x3  }
0x33: {  	p0 =	seq.s32 s10, $0x1;
	s10 =	sld [smem:$0x3FAC];
	_ =	sdelay $0x3  }
0x34: {  	[smem:$0x3FAC] =	sst s10  }
0x35: {  	s10 =	sld [smem:$0x3FAB];
	_ =	sdelay $0x3  }
0x36: {  	p1 =	seq.s32 s10, $0x1;
	s10 =	sld [smem:$0x3FAC];
	_ =	sdelay $0x3  }
0x37: {  	[smem:$0x3FAC] =	sst s10  }
0x38: {  	s10 =	sld [smem:$0x3FAD]  }
0x39: {  	_ = 	snop;
	(pc) =	sbr.ind lr, $3  }
0x3a: {  	_ = 	snop  }
0x3b: {  	_ = 	snop  }
0x3c: {  	p2 =	seq.s32 s10, $0x1;
	s10 =	sld [smem:$0x3FAC]  }
0x3d: {  	_ =	shalt  }
0x3e: {  	_ =	shalt  }
0x3f: {  	_ =	shalt  }
0x40: {  	_ =	shalt  }
0x41: {  	_ =	shalt  }
0x42: {  	_ =	shalt  }
0x43: {  	_ =	shalt  }
0x44: {  	_ =	shalt  }
0x45: {  	_ =	shalt  }
0x46: {  	_ =	shalt  }
0x47: {  	_ =	shalt  }
0x48: {  	_ =	shalt  }
0x49: {  	_ =	shalt  }
0x4a: {  	_ =	shalt  }
0x4b: {  	_ =	shalt  }
0x4c: {  	_ =	shalt  }
0x4d: {  	_ =	shalt  }
0x4e: {  	_ =	shalt  }
0x4f: {  	_ =	shalt  }
0x50: {  	_ =	shalt  }
0x51: {  	_ =	shalt  }
0x52: {  	_ =	shalt  }
0x53: {  	_ =	shalt  }
0x54: {  	_ =	shalt  }
0x55: {  	_ =	shalt  }
0x56: {  	_ =	shalt  }
0x57: {  	_ =	shalt  }
0x58: {  	_ =	shalt  }
0x59: {  	_ =	shalt  }
0x5a: {  	_ =	shalt  }
0x5b: {  	_ =	shalt  }
0x5c: {  	_ =	shalt  }
0x5d: {  	_ =	shalt  }
0x5e: {  	_ =	shalt  }
0x5f: {  	_ =	shalt  }
0x60: {  	_ =	shalt  }
0x61: {  	_ =	shalt  }
0x62: {  	_ =	shalt  }
0x63: {  	_ =	shalt  }
0x64: {  	_ =	shalt  }
0x65: {  	_ =	shalt  }
0x66: {  	_ =	shalt  }
0x67: {  	_ =	shalt  }
0x68: {  	_ =	shalt  }
0x69: {  	_ =	shalt  }
0x6a: {  	_ =	shalt  }
0x6b: {  	_ =	shalt  }
0x6c: {  	_ =	shalt  }
0x6d: {  	_ =	shalt  }
0x6e: {  	_ =	shalt  }
0x6f: {  	_ =	shalt  }
0x70: {  	_ =	shalt  }
0x71: {  	_ =	shalt  }
0x72: {  	_ =	shalt  }
0x73: {  	_ =	shalt  }
0x74: {  	_ =	shalt  }
0x75: {  	_ =	shalt  }
0x76: {  	_ =	shalt  }
0x77: {  	_ =	shalt  }
0x78: {  	_ =	shalt  }
0x79: {  	_ =	shalt  }
0x7a: {  	_ =	shalt  }
0x7b: {  	_ =	shalt  }
0x7c: {  	_ =	shalt  }
0x7d: {  	_ =	shalt  }
0x7e: {  	_ =	shalt  }
0x7f: {  	_ =	shalt  }
0x80: {  	_ =	shalt  }
0x81: {  	_ =	shalt  }
0x82: {  	_ =	shalt  }
0x83: {  	_ =	shalt  }
0x84: {  	_ =	shalt  }
0x85: {  	_ =	shalt  }
0x86: {  	_ =	shalt  }
0x87: {  	_ =	shalt  }
.Lfunc_end0:
.L_simem_size_0:
called_computation.2_lowered:
.L_overlay_start_0:
0x88: {  	s2 =	sld [smem:$0x3FD9]  }
0x89: {  	s3 =	sld [smem:$0x3FFE];
	_ =	sdelay $0x1  }
0x8a: {  	s1 =	srdreg.scid  }
0x8b: {  	s0 =	sand.u32 $0x1, s1  }
0x8c: {  	s16 =	sshll.u32 s0, $0xA;
	s2 =	sadd.s32 s3, s2  }
0x8d: {  	s2 =	sadd.s32 s2, s16  }
0x8e: {  	[smem:$0x3FB8] =	sst s2  }
0x8f: {  	_ = 	snop  }
0x90: {  	(tm) =	ssettm $0x1  }
0x91: {  	s17 =	sld [smem:$0x3FFB];
	_ =	sdelay $0x3  }
0x92: {  	_ =	strace s17  }
0x93: {  	s2 =	sld [smem:$0x3FFC];
	_ =	sdelay $0x3  }
0x94: {  	_ =	strace s2  }
0x95: {  	s2 =	sld [smem:$0x3FFD];
	_ =	sdelay $0x3  }
0x96: {  	_ =	strace s2  }
0x97: {  	_ =	strace $0x8FFFFFFF  }
0x98: {  	s18 =	sld [smem:$0x3FDB];
	_ =	sdelay $0x1  }
0x99: {  	s19 =	simm.s32 $_scs_section_size  }
0x9a: {  	s4 =	simm.s32 $_size__tile_overlayer_lowered;
	s5 =	simm.s32 $_tile_overlayer_lowered  }
0x9b: {  	s22 =	simm.s32 $0x1BFF;
	s21 =	sshll.u32 s5, $0x1;
	s2 =	sadd.s32 s19, s18  }
0x9c: {  	s6 =	simm.s32 $0x0;
	s20 =	sshll.u32 s4, $0x1;
	s4 =	sadd.s32 s21, s2  }
0x9d: {  	[timem:s6], [sflag:s22] =	dma.local [hbm:s4], s20  }
0x9e: {  	_ =	swait.ge [sflag:s22], s20  }
0x9f: {  	s3 =	ssub.s32 $0x0, s20;
	[sflag:s22] =	ssyncset.done $0x0  }
0xa0: {  	[sflag:s22] =	ssyncadd.s32 s3;
	_ =	sdelay $0x1  }
0xa1: {  	s23 =	simm.s32 $0x1B8B  }
0xa2: {  	_ =	swait.ge [sflag:s23], $0x1  }
0xa3: {  	[sflag:s23] =	ssyncset.done $0x0  }
0xa4: {  	s25 =	simm.s32 $0x1B8E;
	s24 =	sld [smem:$0x3FFE];
	[sflag:s23] =	ssyncadd.s32 $0xFFFFFFFF  }
0xa5: {  	s26 =	simm.s32 $execute0_lowered;
	[smem:$0x3FD2] =	sst s25  }
0xa6: {  	s4 =	sshll.u32 s26, $0x1;
	_ =	strace $0x8000004C;
	[dreg:$0x1] =	wrdreg $0xFFFFFFFF  }
0xa7: {  	s28 =	simm.s32 $_size_execute0_lowered;
	s2 =	sadd.s32 s2, s4;
	[dreg:$0x0] =	wrdreg $0x0  }
0xa8: {  	s4 =	sshll.u32 s28, $0x1;
	[dreg:$0x2] =	wrdreg s2  }
0xa9: {  	[dreg:$0x3] =	wrdreg s4  }
0xaa: {  	[dreg:$0x4] =	wrdreg $0xC0  }
0xab: {  	_ =	task [dreg:s6], $0x5FFFF  }
0xac: {  	[dreg:$0x1] =	wrdreg $0xFFFFFFFF  }
0xad: {  	[dreg:$0x0] =	wrdreg $0x60  }
0xae: {  	[dreg:$0x2] =	wrdreg s24  }
0xaf: {  	[dreg:$0x3] =	wrdreg $0xA8000  }
0xb0: {  	[dreg:$0x4] =	wrdreg $0x9  }
0xb1: {  	_ =	task.clear_ibuf [dreg:s6], $0x5FFFF;
	_ =	strace $0x9000004C  }
0xb2: {  	s29 =	simm.s32 $0x9;
	_ =	strace $0x8000004E  }
0xb3: {  	_ =	swait.ge [sflag:s29], $0x1  }
0xb4: {  	[sflag:s29] =	ssyncadd.s32 $0xFFFFFFFF  }
0xb5: {  	_ =	strace $0x9000004E  }
0xb6: {  	_ =	sfence  }
0xb7: {  	s30 =	sld [smem:$0x0];
	_ =	sdelay $0x2  }
0xb8: {  	s31 =	sshll.u32 s1, $0xD;
	s1 =	sshrl.u32 s1, $0x2  }
0xb9: {  	s3 =	sand.u32 $0x4000, s31;
	s1 =	sadd.s32 s1, s30  }
0xba: {  	s0 =	sor.u32 s3, s0;
	s1 =	sshll.u32 s1, $0x11  }
0xbb: {  	s0 =	sor.u32 s1, s0  }
0xbc: {  	s0 =	sadd.s32 $0x8F2B, s0  }
0xbd: {  	[sflag:s0] =	ssyncadd.remote.s32 $0x1  }
0xbe: {  	_ =	sfence.sel $0xFFFF  }
0xbf: {  	[dreg:$0x0] =	wrdreg $0xFFFFFFFF;
	(pc) =	sbr.abs _section_cstart, $3  }
0xc0: {  	[dreg:$0x1] =	wrdreg $0xFFFFFFFF  }
0xc1: {  	_ =	task.clear_ibuf [dreg:s6], $0x2FFFF;
	_ =	strace $0x9FFFFFFF  }
0xc2: {  	(tm) =	ssettm $0x7FFFFFFF  }
0xc3: {  	_ =	shalt  }
tec
execute0_lowered:
.L_overlay_start_1:
0x0: {  	(tag) =	ssettag $0x1  }
0x1: {  	s0 =	rddreg [dreg:$0x0]  }
0x2: {  	s2 =	rddreg [dreg:$0x1]  }
0x3: {  	s1 =	srdreg.scid;
	s8 =	stileid.u32;
	s3 =	simm.s32 $0x0  }
0x4: {  	s28 =	simm.s32 $0x2800;
	s29 =	simm.s32 $0x5;
	s30 =	simm.s32 $0x3  }
0x5: {  	s31 =	simm.s32 $0x1400;
	s1 =	sand.u32 $0x1, s1;
	s5 =	smul.u32 $0x280, s8  }
0x6: {  	[smem:$0x7FF] =	sst s3;
	s4 =	sadd.s32 $0x18A00, s0;
	s15 =	smul.u32 $0x50000, s8  }
0x7: {  	s13 =	sadd.s32 $0x4600, s0;
	s14 =	sadd.s32 $0x40A00, s0;
	s6 =	smul.u32 $0x2800, s1  }
0x8: {  	_ =	strace $0x8000004D;
	s16 =	ssub.s32 $0x2, s1;
	s1 =	sshll.u32 s1, $0x4  }
0x9: {  	[dreg:$0x3] =	wrdreg s14;
	s7 =	sshrl.u32 s16, $0x1;
	s1 =	sor.u32 s8, s1  }
0xa: {  	s5 =	sadd.s32 s5, s6;
	s6 =	sshrl.u32 s15, $0x2;
	s11 =	smul.u32 $0x2800, s1  }
0xb: {  	s1 =	smul.u32 $0x500, s1;
	s15 =	simm.s32 $0x1480;
	s5 =	sshll.u32 s5, $0x4  }
0xc: {  	s6 =	sadd.s32 s6, s2;
	s0 =	sadd.s32 s5, s0;
	s5 =	ssub.s32 s16, s7  }
0xd: {  	s7 =	sadd.s32 $0x2800, s6;
	s8 =	sadd.s32 $0x5000, s6;
	s9 =	sadd.s32 $0x7800, s6  }
0xe: {  	s10 =	sadd.s32 $0xA000, s6;
	s14 =	sshrl.u32 s11, $0x3;
	s1 =	sadd.s32 s13, s1  }
0xf: {  	s11 =	sadd.s32 $0xC800, s6;
	[dreg:$0x4] =	wrdreg s1;
	s20 =	sadd.s32 $0x41200, s0  }
0x10: {  	s12 =	sadd.s32 $0xF000, s6;
	s21 =	sadd.s32 $0x41700, s0;
	[dreg:$0x8] =	wrdreg s20  }
0x11: {  	s16 =	simm.s32 $0x100;
	s22 =	sadd.s32 $0x41C00, s0;
	[dreg:$0x9] =	wrdreg s21  }
0x12: {  	s14 =	sadd.s32 s13, s14;
	s23 =	sadd.s32 $0x42100, s0;
	[dreg:$0xa] =	wrdreg s22  }
0x13: {  	s24 =	sadd.s32 $0x42600, s0;
	s25 =	sadd.s32 $0x42B00, s0;
	[dreg:$0xb] =	wrdreg s23  }
0x14: {  	s26 =	sadd.s32 $0x43000, s0;
	s0 =	sadd.s32 $0x43500, s0;
	[dreg:$0xc] =	wrdreg s24  }
0x15: {  	s1 =	simm.s32 $0x1;
	s13 =	simm.s32 $0x6800;
	[dreg:$0xd] =	wrdreg s25  }
0x16: {  	s17 =	sadd.s32 $0xA000, s14;
	s18 =	sadd.s32 $0x280, s14;
	[dreg:$0xe] =	wrdreg s26  }
0x17: {  	s19 =	sadd.s32 $0xA280, s14;
	[dreg:$0xf] =	wrdreg s0;
	s25 =	smax.u32 s5, $0x1  }
0x18: {  	s26 =	sadd.s32 $0x11800, s6;
	s0 =	simm.s32 $0x7D;
	[dreg:$0x5] =	wrdreg s17  }
0x19: {  	s5 =	simm.s32 $0x80;
	s14 =	simm.s32 $0x2;
	[dreg:$0x6] =	wrdreg s18  }
0x1a: {  	s20 =	simm.s32 $0x2780;
	s21 =	simm.s32 $0x0;
	[dreg:$0x7] =	wrdreg s19  }
0x1b: {  	s17 =	simm.s32 $0x4;
	s18 =	simm.s32 $0x2700;
	s19 =	simm.s32 $0x1380  }
.LBB2_1:
0x1c: {  	s22 =	rddreg [dreg:$0x3]  }
0x1d: {  	[tilespmem:s28], [sflag:$0x5] =	stream.linear.gather [hbm4b:s22+s3], $0x2800, $0x38;
	[tilespmem:$0x1E800] =	vst v63  }
0x1e: {  	_ =	swait.ge [sflag:s29], $0x2800  }
0x1f: {  	[sflag:s29] =	ssyncset.done $0x0  }
0x20: {  	[sflag:s29] =	ssyncadd.s32 $0xFFFFD800  }
0x21: {  	[spmem:s6] =	stream.linear.scatter [tilespmem:s28], [sflag:$0x3], $0x2800, $0x38;
	[tilespmem:$0x1E800] =	vst v63  }
0x22: {  	_ = 	snop  }
0x23: {  	[spmem:s7] =	stream.linear.scatter [tilespmem:s28], [sflag:$0x3], $0x2800, $0x38;
	[tilespmem:$0x1E800] =	vst v63  }
0x24: {  	_ = 	snop  }
0x25: {  	[spmem:s8] =	stream.linear.scatter [tilespmem:s28], [sflag:$0x3], $0x2800, $0x38;
	[tilespmem:$0x1E800] =	vst v63  }
0x26: {  	_ = 	snop  }
0x27: {  	[spmem:s9] =	stream.linear.scatter [tilespmem:s28], [sflag:$0x3], $0x2800, $0x38;
	[tilespmem:$0x1E800] =	vst v63  }
0x28: {  	_ = 	snop  }
0x29: {  	[spmem:s10] =	stream.linear.scatter [tilespmem:s28], [sflag:$0x3], $0x2800, $0x38;
	[tilespmem:$0x1E800] =	vst v63  }
0x2a: {  	_ = 	snop  }
0x2b: {  	[spmem:s11] =	stream.linear.scatter [tilespmem:s28], [sflag:$0x3], $0x2800, $0x38;
	[tilespmem:$0x1E800] =	vst v63  }
0x2c: {  	_ = 	snop  }
0x2d: {  	[spmem:s12] =	stream.linear.scatter [tilespmem:s28], [sflag:$0x3], $0x2800, $0x38;
	[tilespmem:$0x1E800] =	vst v63  }
0x2e: {  	_ = 	snop  }
0x2f: {  	[spmem:s26] =	stream.linear.scatter [tilespmem:s28], [sflag:$0x3], $0x2800, $0x38;
	[tilespmem:$0x1E800] =	vst v63  }
0x30: {  	_ =	swait.ge [sflag:s30], $0x2800  }
0x31: {  	[sflag:s30] =	ssyncset.done $0x0  }
0x32: {  	[sflag:s30] =	ssyncadd.s32 $0xFFFFD800  }
0x33: {  	_ =	swait.ge [sflag:s30], $0x2800  }
0x34: {  	[sflag:s30] =	ssyncset.done $0x0  }
0x35: {  	[sflag:s30] =	ssyncadd.s32 $0xFFFFD800  }
0x36: {  	_ =	swait.ge [sflag:s30], $0x2800  }
0x37: {  	[sflag:s30] =	ssyncset.done $0x0  }
0x38: {  	[sflag:s30] =	ssyncadd.s32 $0xFFFFD800  }
0x39: {  	_ =	swait.ge [sflag:s30], $0x2800  }
0x3a: {  	[sflag:s30] =	ssyncset.done $0x0  }
0x3b: {  	[sflag:s30] =	ssyncadd.s32 $0xFFFFD800  }
0x3c: {  	_ =	swait.ge [sflag:s30], $0x2800  }
0x3d: {  	[sflag:s30] =	ssyncset.done $0x0  }
0x3e: {  	[sflag:s30] =	ssyncadd.s32 $0xFFFFD800  }
0x3f: {  	_ =	swait.ge [sflag:s30], $0x2800  }
0x40: {  	[sflag:s30] =	ssyncset.done $0x0  }
0x41: {  	[sflag:s30] =	ssyncadd.s32 $0xFFFFD800  }
0x42: {  	_ =	swait.ge [sflag:s30], $0x2800  }
0x43: {  	[sflag:s30] =	ssyncset.done $0x0  }
0x44: {  	[sflag:s30] =	ssyncadd.s32 $0xFFFFD800  }
0x45: {  	_ =	swait.ge [sflag:s30], $0x2800  }
0x46: {  	[sflag:s30] =	ssyncset.done $0x0  }
0x47: {  	[sflag:s30] =	ssyncadd.s32 $0xFFFFD800  }
0x48: {  	[bflag:$0x0] =	sbarrier.arrive $0xFFFF  }
0x49: {  	s24 =	rddreg [dreg:$0x4]  }
0x4a: {  	[tilespmem:s3], [sflag:$0x5] =	stream.linear.gather [hbm4b:s24+s3], $0x1400, $0x38;
	[tilespmem:$0x1E800] =	vst v63  }
0x4b: {  	_ =	swait.ge [sflag:s29], $0x1400  }
0x4c: {  	[sflag:s29] =	ssyncset.done $0x0  }
0x4d: {  	s23 =	rddreg [dreg:$0x5];
	[sflag:s29] =	ssyncadd.s32 $0xFFFFEC00  }
0x4e: {  	[tilespmem:s31], [sflag:$0x5] =	stream.linear.gather [hbm4b:s23+s3], $0x1400, $0x38;
	[tilespmem:$0x1E800] =	vst v63  }
0x4f: {  	_ =	swait.ge [sflag:s29], $0x1400  }
0x50: {  	[sflag:s29] =	ssyncset.done $0x0  }
0x51: {  	[sflag:s29] =	ssyncadd.s32 $0xFFFFEC00  }
0x52: {  	[tilespmem:s28], [sflag:$0x1] =	stream.indirect.gather [hbm4b:s4+s0], $0x80, s3, s0, $0xb8;
	[tilespmem:$0x1E800] =	vst v63  }
0x53: {  	_ =	swait.ge [sflag:s1], $0x3E80  }
0x54: {  	[sflag:s1] =	ssyncset.done $0x0  }
0x55: {  	[sflag:s1] =	ssyncadd.s32 $0xFFFFC180  }
0x56: {  	[spmem:s2] =	stream.indirect.scatter.add.f32 [tilespmem:s28], [sflag:$0x3], $0x80, s31, s0, $0xb8;
	[tilespmem:$0x1E800] =	vst v63  }
0x57: {  	_ = 	snop  }
0x58: {  	[tilespmem:s13], [sflag:$0x2] =	stream.indirect.gather [hbm4b:s4+s0], $0x80, s5, s0, $0xb8;
	[tilespmem:$0x1E800] =	vst v63  }
0x59: {  	_ =	swait.ge [sflag:s14], $0x3E80  }
0x5a: {  	[sflag:s14] =	ssyncset.done $0x0  }
0x5b: {  	[sflag:s14] =	ssyncadd.s32 $0xFFFFC180  }
0x5c: {  	[spmem:s2] =	stream.indirect.scatter.add.f32 [tilespmem:s13], [sflag:$0x4], $0x80, s15, s0, $0xb8;
	[tilespmem:$0x1E800] =	vst v63  }
0x5d: {  	_ =	swait.ge [sflag:s30], $0x3E80  }
0x5e: {  	[sflag:s30] =	ssyncset.done $0x0  }
0x5f: {  	[sflag:s30] =	ssyncadd.s32 $0xFFFFC180  }
0x60: {  	[tilespmem:s28], [sflag:$0x1] =	stream.indirect.gather [hbm4b:s4+s0], $0x80, s16, s0, $0xb8;
	[tilespmem:$0x1E800] =	vst v63  }
0x61: {  	_ =	swait.ge [sflag:s1], $0x3E80  }
0x62: {  	[sflag:s1] =	ssyncset.done $0x0  }
0x63: {  	s24 =	simm.s32 $0x1500;
	[sflag:s1] =	ssyncadd.s32 $0xFFFFC180  }
0x64: {  	[spmem:s2] =	stream.indirect.scatter.add.f32 [tilespmem:s28], [sflag:$0x3], $0x80, s24, s0, $0xb8;
	[tilespmem:$0x1E800] =	vst v63  }
0x65: {  	_ =	swait.ge [sflag:s17], $0x3E80  }
0x66: {  	[sflag:s17] =	ssyncset.done $0x0  }
0x67: {  	s23 =	simm.s32 $0x180;
	[sflag:s17] =	ssyncadd.s32 $0xFFFFC180  }
0x68: {  	[tilespmem:s13], [sflag:$0x2] =	stream.indirect.gather [hbm4b:s4+s0], $0x80, s23, s0, $0xb8;
	[tilespmem:$0x1E800] =	vst v63  }
0x69: {  	_ =	swait.ge [sflag:s14], $0x3E80  }
0x6a: {  	[sflag:s14] =	ssyncset.done $0x0  }
0x6b: {  	s24 =	simm.s32 $0x1580;
	[sflag:s14] =	ssyncadd.s32 $0xFFFFC180  }
0x6c: {  	[spmem:s2] =	stream.indirect.scatter.add.f32 [tilespmem:s13], [sflag:$0x4], $0x80, s24, s0, $0xb8;
	[tilespmem:$0x1E800] =	vst v63  }
0x6d: {  	_ =	swait.ge [sflag:s30], $0x3E80  }
0x6e: {  	[sflag:s30] =	ssyncset.done $0x0  }
0x6f: {  	s22 =	simm.s32 $0xFFFFBC00;
	s23 =	simm.s32 $0x200;
	[sflag:s30] =	ssyncadd.s32 $0xFFFFC180  }
.LBB2_2:
0x70: {  	[tilespmem:s28], [sflag:$0x1] =	stream.indirect.gather [hbm4b:s4+s0], $0x80, s23, s0, $0xb8;
	[tilespmem:$0x1E800] =	vst v63  }
0x71: {  	s23 =	smov.u32 s22  }
0x72: {  	p0 =	sne.s32 s22, $0xFFFFFC00;
	s22 =	sadd.s32 $0x400, s22;
	_ =	swait.ge [sflag:s1], $0x3E80  }
0x73: {  	s23 =	sshra.s32 s23, $0x2;
	[sflag:s1] =	ssyncset.done $0x0  }
0x74: {  	s24 =	sadd.s32 $0x2700, s23;
	[sflag:s1] =	ssyncadd.s32 $0xFFFFC180  }
0x75: {  	[spmem:s2] =	stream.indirect.scatter.add.f32 [tilespmem:s28], [sflag:$0x3], $0x80, s24, s0, $0xb8;
	[tilespmem:$0x1E800] =	vst v63  }
0x76: {  	_ =	swait.ge [sflag:s17], $0x3E80  }
0x77: {  	[sflag:s17] =	ssyncset.done $0x0  }
0x78: {  	s24 =	sadd.s32 $0x1380, s23;
	[sflag:s17] =	ssyncadd.s32 $0xFFFFC180  }
0x79: {  	[tilespmem:s13], [sflag:$0x2] =	stream.indirect.gather [hbm4b:s4+s0], $0x80, s24, s0, $0xb8;
	[tilespmem:$0x1E800] =	vst v63  }
0x7a: {  	_ =	swait.ge [sflag:s14], $0x3E80  }
0x7b: {  	[sflag:s14] =	ssyncset.done $0x0  }
.Ltmp0:
0x7c: {  	s24 =	sadd.s32 $0x2780, s23;
	[sflag:s14] =	ssyncadd.s32 $0xFFFFC180;
	(pc) =	sbr.rel @p0 .LBB2_2-.Ltmp0, $4  }
0x7d: {  	[spmem:s2] =	stream.indirect.scatter.add.f32 [tilespmem:s13], [sflag:$0x4], $0x80, s24, s0, $0xb8;
	[tilespmem:$0x1E800] =	vst v63  }
0x7e: {  	_ =	swait.ge [sflag:s30], $0x3E80  }
0x7f: {  	[sflag:s30] =	ssyncset.done $0x0  }
0x80: {  	s23 =	sadd.s32 $0x1400, s23;
	[sflag:s30] =	ssyncadd.s32 $0xFFFFC180  }
0x81: {  	[tilespmem:s28], [sflag:$0x1] =	stream.indirect.gather [hbm4b:s4+s0], $0x80, s23, s0, $0xb8;
	[tilespmem:$0x1E800] =	vst v63  }
0x82: {  	_ =	swait.ge [sflag:s1], $0x3E80  }
0x83: {  	[sflag:s1] =	ssyncset.done $0x0  }
0x84: {  	[sflag:s1] =	ssyncadd.s32 $0xFFFFC180  }
0x85: {  	[spmem:s2] =	stream.indirect.scatter.add.f32 [tilespmem:s28], [sflag:$0x3], $0x80, s18, s0, $0xb8;
	[tilespmem:$0x1E800] =	vst v63  }
0x86: {  	_ =	swait.ge [sflag:s17], $0x3E80  }
0x87: {  	[sflag:s17] =	ssyncset.done $0x0  }
0x88: {  	[sflag:s17] =	ssyncadd.s32 $0xFFFFC180  }
0x89: {  	[tilespmem:s13], [sflag:$0x2] =	stream.indirect.gather [hbm4b:s4+s0], $0x80, s19, s0, $0xb8;
	[tilespmem:$0x1E800] =	vst v63  }
0x8a: {  	_ =	swait.ge [sflag:s14], $0x3E80  }
0x8b: {  	[sflag:s14] =	ssyncset.done $0x0  }
0x8c: {  	[sflag:s14] =	ssyncadd.s32 $0xFFFFC180  }
0x8d: {  	[spmem:s2] =	stream.indirect.scatter.add.f32 [tilespmem:s13], [sflag:$0x4], $0x80, s20, s0, $0xb8;
	[tilespmem:$0x1E800] =	vst v63  }
0x8e: {  	_ =	swait.ge [sflag:s30], $0x3E80  }
0x8f: {  	[sflag:s30] =	ssyncset.done $0x0  }
0x90: {  	[sflag:s30] =	ssyncadd.s32 $0xFFFFC180  }
0x91: {  	[tilespmem:s28], [sflag:$0x1] =	stream.indirect.gather [hbm4b:s4+s0], $0x80, s19, s0, $0xb8;
	[tilespmem:$0x1E800] =	vst v63  }
0x92: {  	_ =	swait.ge [sflag:s17], $0x3E80  }
0x93: {  	[sflag:s17] =	ssyncset.done $0x0  }
0x94: {  	[sflag:s17] =	ssyncadd.s32 $0xFFFFC180  }
0x95: {  	_ =	swait.ge [sflag:s1], $0x3E80  }
0x96: {  	[sflag:s1] =	ssyncset.done $0x0  }
0x97: {  	s22 =	rddreg [dreg:$0x6];
	[sflag:s1] =	ssyncadd.s32 $0xFFFFC180  }
0x98: {  	[tilespmem:s3], [sflag:$0x5] =	stream.linear.gather [hbm4b:s22+s3], $0x1400, $0x38;
	[tilespmem:$0x1E800] =	vst v63  }
0x99: {  	_ =	swait.ge [sflag:s29], $0x1400  }
0x9a: {  	[sflag:s29] =	ssyncset.done $0x0  }
0x9b: {  	s23 =	rddreg [dreg:$0x7];
	[sflag:s29] =	ssyncadd.s32 $0xFFFFEC00  }
0x9c: {  	[tilespmem:s31], [sflag:$0x5] =	stream.linear.gather [hbm4b:s23+s3], $0x1400, $0x38;
	[tilespmem:$0x1E800] =	vst v63  }
0x9d: {  	_ =	swait.ge [sflag:s29], $0x1400  }
0x9e: {  	[sflag:s29] =	ssyncset.done $0x0  }
0x9f: {  	[sflag:s29] =	ssyncadd.s32 $0xFFFFEC00  }
0xa0: {  	[tilespmem:s28], [sflag:$0x1] =	stream.indirect.gather [hbm4b:s4+s0], $0x80, s3, s0, $0xb8;
	[tilespmem:$0x1E800] =	vst v63  }
0xa1: {  	_ =	swait.ge [sflag:s1], $0x3E80  }
0xa2: {  	[sflag:s1] =	ssyncset.done $0x0  }
0xa3: {  	[sflag:s1] =	ssyncadd.s32 $0xFFFFC180  }
0xa4: {  	[spmem:s2] =	stream.indirect.scatter.add.f32 [tilespmem:s28], [sflag:$0x3], $0x80, s31, s0, $0xb8;
	[tilespmem:$0x1E800] =	vst v63  }
0xa5: {  	_ = 	snop  }
0xa6: {  	[tilespmem:s13], [sflag:$0x2] =	stream.indirect.gather [hbm4b:s4+s0], $0x80, s5, s0, $0xb8;
	[tilespmem:$0x1E800] =	vst v63  }
0xa7: {  	_ =	swait.ge [sflag:s14], $0x3E80  }
0xa8: {  	[sflag:s14] =	ssyncset.done $0x0  }
0xa9: {  	[sflag:s14] =	ssyncadd.s32 $0xFFFFC180  }
0xaa: {  	[spmem:s2] =	stream.indirect.scatter.add.f32 [tilespmem:s13], [sflag:$0x4], $0x80, s15, s0, $0xb8;
	[tilespmem:$0x1E800] =	vst v63  }
0xab: {  	_ =	swait.ge [sflag:s30], $0x3E80  }
0xac: {  	[sflag:s30] =	ssyncset.done $0x0  }
0xad: {  	[sflag:s30] =	ssyncadd.s32 $0xFFFFC180  }
0xae: {  	[tilespmem:s28], [sflag:$0x1] =	stream.indirect.gather [hbm4b:s4+s0], $0x80, s16, s0, $0xb8;
	[tilespmem:$0x1E800] =	vst v63  }
0xaf: {  	_ =	swait.ge [sflag:s1], $0x3E80  }
0xb0: {  	[sflag:s1] =	ssyncset.done $0x0  }
0xb1: {  	s24 =	simm.s32 $0x1500;
	[sflag:s1] =	ssyncadd.s32 $0xFFFFC180  }
0xb2: {  	[spmem:s2] =	stream.indirect.scatter.add.f32 [tilespmem:s28], [sflag:$0x3], $0x80, s24, s0, $0xb8;
	[tilespmem:$0x1E800] =	vst v63  }
0xb3: {  	_ =	swait.ge [sflag:s17], $0x3E80  }
0xb4: {  	[sflag:s17] =	ssyncset.done $0x0  }
0xb5: {  	s23 =	simm.s32 $0x180;
	[sflag:s17] =	ssyncadd.s32 $0xFFFFC180  }
0xb6: {  	[tilespmem:s13], [sflag:$0x2] =	stream.indirect.gather [hbm4b:s4+s0], $0x80, s23, s0, $0xb8;
	[tilespmem:$0x1E800] =	vst v63  }
0xb7: {  	_ =	swait.ge [sflag:s14], $0x3E80  }
0xb8: {  	[sflag:s14] =	ssyncset.done $0x0  }
0xb9: {  	s24 =	simm.s32 $0x1580;
	[sflag:s14] =	ssyncadd.s32 $0xFFFFC180  }
0xba: {  	[spmem:s2] =	stream.indirect.scatter.add.f32 [tilespmem:s13], [sflag:$0x4], $0x80, s24, s0, $0xb8;
	[tilespmem:$0x1E800] =	vst v63  }
0xbb: {  	_ =	swait.ge [sflag:s30], $0x3E80  }
0xbc: {  	[sflag:s30] =	ssyncset.done $0x0  }
0xbd: {  	s22 =	simm.s32 $0xFFFFBC00;
	s23 =	simm.s32 $0x200;
	[sflag:s30] =	ssyncadd.s32 $0xFFFFC180  }
.LBB2_4:
0xbe: {  	[tilespmem:s28], [sflag:$0x1] =	stream.indirect.gather [hbm4b:s4+s0], $0x80, s23, s0, $0xb8;
	[tilespmem:$0x1E800] =	vst v63  }
0xbf: {  	s23 =	smov.u32 s22  }
0xc0: {  	p0 =	sne.s32 s22, $0xFFFFFC00;
	s22 =	sadd.s32 $0x400, s22;
	_ =	swait.ge [sflag:s1], $0x3E80  }
0xc1: {  	s23 =	sshra.s32 s23, $0x2;
	[sflag:s1] =	ssyncset.done $0x0  }
0xc2: {  	s24 =	sadd.s32 $0x2700, s23;
	[sflag:s1] =	ssyncadd.s32 $0xFFFFC180  }
0xc3: {  	[spmem:s2] =	stream.indirect.scatter.add.f32 [tilespmem:s28], [sflag:$0x3], $0x80, s24, s0, $0xb8;
	[tilespmem:$0x1E800] =	vst v63  }
0xc4: {  	_ =	swait.ge [sflag:s17], $0x3E80  }
0xc5: {  	[sflag:s17] =	ssyncset.done $0x0  }
0xc6: {  	s24 =	sadd.s32 $0x1380, s23;
	[sflag:s17] =	ssyncadd.s32 $0xFFFFC180  }
0xc7: {  	[tilespmem:s13], [sflag:$0x2] =	stream.indirect.gather [hbm4b:s4+s0], $0x80, s24, s0, $0xb8;
	[tilespmem:$0x1E800] =	vst v63  }
0xc8: {  	_ =	swait.ge [sflag:s14], $0x3E80  }
0xc9: {  	[sflag:s14] =	ssyncset.done $0x0  }
.Ltmp1:
0xca: {  	s24 =	sadd.s32 $0x2780, s23;
	[sflag:s14] =	ssyncadd.s32 $0xFFFFC180;
	(pc) =	sbr.rel @p0 .LBB2_4-.Ltmp1, $4  }
0xcb: {  	[spmem:s2] =	stream.indirect.scatter.add.f32 [tilespmem:s13], [sflag:$0x4], $0x80, s24, s0, $0xb8;
	[tilespmem:$0x1E800] =	vst v63  }
0xcc: {  	_ =	swait.ge [sflag:s30], $0x3E80  }
0xcd: {  	[sflag:s30] =	ssyncset.done $0x0  }
0xce: {  	s23 =	sadd.s32 $0x1400, s23;
	[sflag:s30] =	ssyncadd.s32 $0xFFFFC180  }
0xcf: {  	[tilespmem:s28], [sflag:$0x1] =	stream.indirect.gather [hbm4b:s4+s0], $0x80, s23, s0, $0xb8;
	[tilespmem:$0x1E800] =	vst v63  }
0xd0: {  	_ =	swait.ge [sflag:s1], $0x3E80  }
0xd1: {  	[sflag:s1] =	ssyncset.done $0x0  }
0xd2: {  	[sflag:s1] =	ssyncadd.s32 $0xFFFFC180  }
0xd3: {  	[spmem:s2] =	stream.indirect.scatter.add.f32 [tilespmem:s28], [sflag:$0x3], $0x80, s18, s0, $0xb8;
	[tilespmem:$0x1E800] =	vst v63  }
0xd4: {  	_ =	swait.ge [sflag:s17], $0x3E80  }
0xd5: {  	[sflag:s17] =	ssyncset.done $0x0  }
0xd6: {  	[sflag:s17] =	ssyncadd.s32 $0xFFFFC180  }
0xd7: {  	[tilespmem:s13], [sflag:$0x2] =	stream.indirect.gather [hbm4b:s4+s0], $0x80, s19, s0, $0xb8;
	[tilespmem:$0x1E800] =	vst v63  }
0xd8: {  	_ =	swait.ge [sflag:s14], $0x3E80  }
0xd9: {  	[sflag:s14] =	ssyncset.done $0x0  }
0xda: {  	[sflag:s14] =	ssyncadd.s32 $0xFFFFC180  }
0xdb: {  	[spmem:s2] =	stream.indirect.scatter.add.f32 [tilespmem:s13], [sflag:$0x4], $0x80, s20, s0, $0xb8;
	[tilespmem:$0x1E800] =	vst v63  }
0xdc: {  	_ =	swait.ge [sflag:s30], $0x3E80  }
0xdd: {  	[sflag:s30] =	ssyncset.done $0x0  }
0xde: {  	[sflag:s30] =	ssyncadd.s32 $0xFFFFC180  }
0xdf: {  	[tilespmem:s28], [sflag:$0x1] =	stream.indirect.gather [hbm4b:s4+s0], $0x80, s19, s0, $0xb8;
	[tilespmem:$0x1E800] =	vst v63  }
0xe0: {  	_ =	swait.ge [sflag:s17], $0x3E80  }
0xe1: {  	[sflag:s17] =	ssyncset.done $0x0  }
0xe2: {  	[sflag:s17] =	ssyncadd.s32 $0xFFFFC180  }
0xe3: {  	_ =	swait.ge [sflag:s1], $0x3E80  }
0xe4: {  	[sflag:s1] =	ssyncset.done $0x0  }
0xe5: {  	[sflag:s1] =	ssyncadd.s32 $0xFFFFC180  }
0xe6: {  	[bflag:$0x0] =	sbarrier.arrive $0xFFFF  }
0xe7: {  	[tilespmem:s28], [sflag:$0x5] =	stream.linear.gather [spmem:s6], $0x2800, $0x38;
	[tilespmem:$0x1E800] =	vst v63  }
0xe8: {  	_ =	swait.ge [sflag:s29], $0x2800  }
0xe9: {  	[sflag:s29] =	ssyncset.done $0x0  }
0xea: {  	[sflag:s29] =	ssyncadd.s32 $0xFFFFD800  }
0xeb: {  	[tilespmem:s13], [sflag:$0x1] =	stream.linear.gather [spmem:s7], $0x2800, $0x38;
	[tilespmem:$0x1E800] =	vst v63  }
0xec: {  	s22 =	rddreg [dreg:$0x8]  }
0xed: {  	[hbm4b:s22+s3] =	stream.linear.scatter [tilespmem:s28], [sflag:$0x5], $0x2800, $0x38;
	[tilespmem:$0x1E800] =	vst v63  }
0xee: {  	_ =	swait.ge [sflag:s29], $0x2800  }
0xef: {  	[sflag:s29] =	ssyncset.done $0x0  }
0xf0: {  	[sflag:s29] =	ssyncadd.s32 $0xFFFFD800  }
0xf1: {  	_ =	swait.ge [sflag:s1], $0x2800  }
0xf2: {  	[sflag:s1] =	ssyncset.done $0x0  }
0xf3: {  	[sflag:s1] =	ssyncadd.s32 $0xFFFFD800  }
0xf4: {  	[tilespmem:s28], [sflag:$0x1] =	stream.linear.gather [spmem:s8], $0x2800, $0x38;
	[tilespmem:$0x1E800] =	vst v63  }
0xf5: {  	s24 =	rddreg [dreg:$0x9]  }
0xf6: {  	[hbm4b:s24+s3] =	stream.linear.scatter [tilespmem:s13], [sflag:$0x5], $0x2800, $0x38;
	[tilespmem:$0x1E800] =	vst v63  }
0xf7: {  	_ =	swait.ge [sflag:s29], $0x2800  }
0xf8: {  	[sflag:s29] =	ssyncset.done $0x0  }
0xf9: {  	[sflag:s29] =	ssyncadd.s32 $0xFFFFD800  }
0xfa: {  	_ =	swait.ge [sflag:s1], $0x2800  }
0xfb: {  	[sflag:s1] =	ssyncset.done $0x0  }
0xfc: {  	[sflag:s1] =	ssyncadd.s32 $0xFFFFD800  }
0xfd: {  	[tilespmem:s13], [sflag:$0x1] =	stream.linear.gather [spmem:s9], $0x2800, $0x38;
	[tilespmem:$0x1E800] =	vst v63  }
0xfe: {  	s23 =	rddreg [dreg:$0xa]  }
0xff: {  	[hbm4b:s23+s3] =	stream.linear.scatter [tilespmem:s28], [sflag:$0x5], $0x2800, $0x38;
	[tilespmem:$0x1E800] =	vst v63  }
0x100: {  	_ =	swait.ge [sflag:s29], $0x2800  }
0x101: {  	[sflag:s29] =	ssyncset.done $0x0  }
0x102: {  	[sflag:s29] =	ssyncadd.s32 $0xFFFFD800  }
0x103: {  	_ =	swait.ge [sflag:s1], $0x2800  }
0x104: {  	[sflag:s1] =	ssyncset.done $0x0  }
0x105: {  	[sflag:s1] =	ssyncadd.s32 $0xFFFFD800  }
0x106: {  	[tilespmem:s28], [sflag:$0x1] =	stream.linear.gather [spmem:s10], $0x2800, $0x38;
	[tilespmem:$0x1E800] =	vst v63  }
0x107: {  	s24 =	rddreg [dreg:$0xb]  }
0x108: {  	[hbm4b:s24+s3] =	stream.linear.scatter [tilespmem:s13], [sflag:$0x5], $0x2800, $0x38;
	[tilespmem:$0x1E800] =	vst v63  }
0x109: {  	_ =	swait.ge [sflag:s29], $0x2800  }
0x10a: {  	[sflag:s29] =	ssyncset.done $0x0  }
0x10b: {  	[sflag:s29] =	ssyncadd.s32 $0xFFFFD800  }
0x10c: {  	_ =	swait.ge [sflag:s1], $0x2800  }
0x10d: {  	[sflag:s1] =	ssyncset.done $0x0  }
0x10e: {  	[sflag:s1] =	ssyncadd.s32 $0xFFFFD800  }
0x10f: {  	[tilespmem:s13], [sflag:$0x1] =	stream.linear.gather [spmem:s11], $0x2800, $0x38;
	[tilespmem:$0x1E800] =	vst v63  }
0x110: {  	s23 =	rddreg [dreg:$0xc]  }
0x111: {  	[hbm4b:s23+s3] =	stream.linear.scatter [tilespmem:s28], [sflag:$0x5], $0x2800, $0x38;
	[tilespmem:$0x1E800] =	vst v63  }
0x112: {  	_ =	swait.ge [sflag:s29], $0x2800  }
0x113: {  	[sflag:s29] =	ssyncset.done $0x0  }
0x114: {  	[sflag:s29] =	ssyncadd.s32 $0xFFFFD800  }
0x115: {  	_ =	swait.ge [sflag:s1], $0x2800  }
0x116: {  	[sflag:s1] =	ssyncset.done $0x0  }
0x117: {  	[sflag:s1] =	ssyncadd.s32 $0xFFFFD800  }
0x118: {  	[tilespmem:s28], [sflag:$0x1] =	stream.linear.gather [spmem:s12], $0x2800, $0x38;
	[tilespmem:$0x1E800] =	vst v63  }
0x119: {  	s24 =	rddreg [dreg:$0xd]  }
0x11a: {  	[hbm4b:s24+s3] =	stream.linear.scatter [tilespmem:s13], [sflag:$0x5], $0x2800, $0x38;
	[tilespmem:$0x1E800] =	vst v63  }
0x11b: {  	_ =	swait.ge [sflag:s29], $0x2800  }
0x11c: {  	[sflag:s29] =	ssyncset.done $0x0  }
0x11d: {  	[sflag:s29] =	ssyncadd.s32 $0xFFFFD800  }
0x11e: {  	_ =	swait.ge [sflag:s1], $0x2800  }
0x11f: {  	[sflag:s1] =	ssyncset.done $0x0  }
0x120: {  	[sflag:s1] =	ssyncadd.s32 $0xFFFFD800  }
0x121: {  	[tilespmem:s13], [sflag:$0x1] =	stream.linear.gather [spmem:s26], $0x2800, $0x38;
	[tilespmem:$0x1E800] =	vst v63  }
0x122: {  	s23 =	rddreg [dreg:$0xe]  }
0x123: {  	[hbm4b:s23+s3] =	stream.linear.scatter [tilespmem:s28], [sflag:$0x5], $0x2800, $0x38;
	[tilespmem:$0x1E800] =	vst v63  }
0x124: {  	_ =	swait.ge [sflag:s29], $0x2800  }
0x125: {  	[sflag:s29] =	ssyncset.done $0x0  }
0x126: {  	[sflag:s29] =	ssyncadd.s32 $0xFFFFD800  }
0x127: {  	s21 =	sadd.s32 $0x1, s21;
	_ =	swait.ge [sflag:s1], $0x2800  }
0x128: {  	p0 =	sne.s32 s21, s25;
	[sflag:s1] =	ssyncset.done $0x0  }
.Ltmp2:
0x129: {  	s24 =	rddreg [dreg:$0xf];
	[sflag:s1] =	ssyncadd.s32 $0xFFFFD800;
	(pc) =	sbr.rel @p0 .LBB2_1-.Ltmp2, $4  }
0x12a: {  	[hbm4b:s24+s3] =	stream.linear.scatter [tilespmem:s13], [sflag:$0x5], $0x2800, $0x38;
	[tilespmem:$0x1E800] =	vst v63  }
0x12b: {  	_ =	swait.ge [sflag:s29], $0x2800  }
0x12c: {  	[sflag:s29] =	ssyncset.done $0x0  }
0x12d: {  	[sflag:s29] =	ssyncadd.s32 $0xFFFFD800  }
0x12e: {  	_ =	sfence.sel $0x180000  }
0x12f: {  	[bflag:$0x0] =	sbarrier.arrive $0xFFFF  }
0x130: {  	_ =	strace $0x9000004D  }
0x131: {  	s0 =	stileid.u32;
	[bflag:$0x2] =	sbarrier.arrive $0xFFFF  }
0x132: {  	p0 =	sne.s32 s0, $0x0;
	s0 =	rddreg [dreg:$0x2]  }
0x133: {  	s0 =	sadd.s32 @!p0 $0x100000, s0  }
0x134: {  	[sflag:s0] =	ssyncadd.tile.s32 @!p0 $0x1;
	_ =	shalt  }
.Lfunc_end2:
_tile_overlayer_lowered:
.L_overlay_start_2:
0x135: {  	(tag) =	ssettag $0x2  }
0x136: {  	s0 =	rddreg [dreg:$0x0];
	s2 =	stileid.u32  }
0x137: {  	s1 =	rddreg [dreg:$0x1];
	p0 =	sne.s32 s2, $0x0  }
0x138: {  	s3 =	rddreg [dreg:$0x2];
	[bflag:$0x3] =	sbarrier.arrive $0xFFFF;
	s2 =	simm.s32 @!p0 $0x1C05  }
0x139: {  	[timem:s3], [sflag:s2] =	dma.local @!p0 [hbm:s0], s1  }
0x13a: {  	s0 =	simm.s32 @!p0 $0x5  }
0x13b: {  	_ =	swait.ge @!p0 [sflag:s0], s1  }
0x13c: {  	s1 =	ssub.s32 @!p0 $0x0, s1;
	[sflag:s0] =	ssyncset.done @!p0 $0x0  }
0x13d: {  	[sflag:s0] =	ssyncadd.s32 @!p0 s1  }
0x13e: {  	[bflag:$0x3] =	sbarrier.arrive $0xFFFF  }
0x13f: {  	_ =	shalt  }

// kernel: kernel.22.cloned.1.call-start
scs
__scs_entry_jumppad:
0x0: {  	(pc) =	sbr.rel $0x88, $3  }
0x1: {  	(tag) =	ssettag $0x0;
	lr =	simm.s32 $0x1  }
0x2: {  	[smem:$0x3F91] =	sst lr;
	_ =	strace $0xD0000000  }
0x3: {  	_ = 	snop  }
0x4: {  	_ = 	snop  }
0x5: {  	_ = 	snop  }
0x6: {  	_ = 	snop  }
0x7: {  	_ = 	snop  }
__scs_overlays_trampoline_lowered:
0x8: {  	[smem:$0x3FA0] =	sst s0  }
0x9: {  	[smem:$0x3FA1] =	sst s1  }
0xa: {  	[smem:$0x3FA2] =	sst s2  }
0xb: {  	[smem:$0x3FA3] =	sst s3  }
0xc: {  	[smem:$0x3FA4] =	sst s4  }
0xd: {  	[smem:$0x3FA5] =	sst s5  }
0xe: {  	[smem:$0x3FA6] =	sst s6  }
0xf: {  	[smem:$0x3FA7] =	sst s7  }
0x10: {  	[smem:$0x3FA8] =	sst s8  }
0x11: {  	[smem:$0x3FA9] =	sst s9;
	s0 =	simm.s32 @!p0 $0x0  }
0x12: {  	s1 =	sld [smem:$0x3F8F];
	s0 =	simm.s32 @p0 $0x1  }
0x13: {  	[smem:$0x3FAA] =	sst s0;
	s0 =	simm.s32 @!p1 $0x0  }
0x14: {  	s2 =	sld [smem:$0x3F8E];
	s0 =	simm.s32 @p1 $0x1  }
0x15: {  	[smem:$0x3FAB] =	sst s0;
	s0 =	simm.s32 @!p2 $0x0  }
0x16: {  	s3 =	sld [smem:$0x3FDB];
	s0 =	simm.s32 @p2 $0x1  }
0x17: {  	s4 =	simm.s32 $0x1BF5;
	[smem:$0x3FAD] =	sst s0  }
0x18: {  	s0 =	sld [smem:$0x3F90];
	_ =	swait.ge [sflag:s4], $0x0  }
0x19: {  	s7 =	sld [smem:$0x3F91]  }
0x1a: {  	s8 =	sadd.s32 $0xFFFFE003, lr  }
0x1b: {  	s9 =	sadd.s32 $0xFFFFFEF7, lr;
	s5 =	simm.s32 $0xFFFFFFFF;
	p2 =	slt.u32 s8, $0xFFFFF086  }
0x1c: {  	p1 =	slt.u32 s9, $0xF7A;
	s5 =	simm.s32 @!p2 $0x0  }
0x1d: {  	s5 =	simm.s32 @p1 $0x1;
	p0 =	seq.s32 s7, s2  }
0x1e: {  	s7 =	smul.u32 @!p0 $0xF7A, s2;
	p2 =	seq.s32 @!p0 s5, $0x0  }
0x1f: {  	s9 =	smul.u32 $0xF7A, s1;
	s8 =	simm.s32 @!p0 $0x1BF5;
	p2 =	por !p2, p0  }
0x20: {  	[sflag:s8] =	ssyncset.s32 @!p0 $0xFFFFF086;
	s6 =	sadd.s32 @!p0 s3, s7;
	s7 =	simm.s32 @!p0 $0x108  }
0x21: {  	s3 =	sadd.s32 s3, s9;
	s6 =	sadd.s32 @!p0 $0x88, s6;
	s7 =	simm.s32 @p2 $0x1082  }
0x22: {  	[simem:s7], [sflag:s8] =	dma.local @!p0 [hbm:s6], $0xF7A  }
0x23: {  	s9 =	sor.u32 $0xD0000000, s2;
	s6 =	simm.s32 $0x108;
	_ =	swait.ge @!p0 [sflag:s8], $0x0  }
0x24: {  	s3 =	sadd.s32 $0x88, s3;
	s6 =	simm.s32 @!p1 $0x1082;
	[sflag:s4] =	ssyncset.s32 $0xFFFFF086  }
0x25: {  	[simem:s6], [sflag:s4] =	dma.local [hbm:s3], $0xF7A  }
0x26: {  	[smem:$0x3F91] =	sst s1;
	(tag) =	ssettag s2;
	_ =	strace s9  }
0x27: {  	s1 =	sld [smem:$0x3FA1]  }
0x28: {  	s2 =	sld [smem:$0x3FA2]  }
0x29: {  	s4 =	sld [smem:$0x3FA4]  }
0x2a: {  	p0 =	seq.s32 s5, $0x0;
	s5 =	sld [smem:$0x3FA5]  }
0x2b: {  	s6 =	sld [smem:$0x3FA6]  }
0x2c: {  	s7 =	sld [smem:$0x3FA7]  }
0x2d: {  	s3 =	simm.s32 $0x108;
	s8 =	sld [smem:$0x3FA8]  }
0x2e: {  	s3 =	simm.s32 @!p0 $0x1082;
	s9 =	sld [smem:$0x3FA9]  }
0x2f: {  	lr =	sadd.s32 s0, s3;
	s0 =	sld [smem:$0x3FA0]  }
0x30: {  	s3 =	sld [smem:$0x3FA3]  }
0x31: {  	[smem:$0x3FAC] =	sst s10  }
0x32: {  	s10 =	sld [smem:$0x3FAA];
	_ =	sdelay $0x3  }
0x33: {  	p0 =	seq.s32 s10, $0x1;
	s10 =	sld [smem:$0x3FAC];
	_ =	sdelay $0x3  }
0x34: {  	[smem:$0x3FAC] =	sst s10  }
0x35: {  	s10 =	sld [smem:$0x3FAB];
	_ =	sdelay $0x3  }
0x36: {  	p1 =	seq.s32 s10, $0x1;
	s10 =	sld [smem:$0x3FAC];
	_ =	sdelay $0x3  }
0x37: {  	[smem:$0x3FAC] =	sst s10  }
0x38: {  	s10 =	sld [smem:$0x3FAD]  }
0x39: {  	_ = 	snop;
	(pc) =	sbr.ind lr, $3  }
0x3a: {  	_ = 	snop  }
0x3b: {  	_ = 	snop  }
0x3c: {  	p2 =	seq.s32 s10, $0x1;
	s10 =	sld [smem:$0x3FAC]  }
0x3d: {  	_ =	shalt  }
0x3e: {  	_ =	shalt  }
0x3f: {  	_ =	shalt  }
0x40: {  	_ =	shalt  }
0x41: {  	_ =	shalt  }
0x42: {  	_ =	shalt  }
0x43: {  	_ =	shalt  }
0x44: {  	_ =	shalt  }
0x45: {  	_ =	shalt  }
0x46: {  	_ =	shalt  }
0x47: {  	_ =	shalt  }
0x48: {  	_ =	shalt  }
0x49: {  	_ =	shalt  }
0x4a: {  	_ =	shalt  }
0x4b: {  	_ =	shalt  }
0x4c: {  	_ =	shalt  }
0x4d: {  	_ =	shalt  }
0x4e: {  	_ =	shalt  }
0x4f: {  	_ =	shalt  }
0x50: {  	_ =	shalt  }
0x51: {  	_ =	shalt  }
0x52: {  	_ =	shalt  }
0x53: {  	_ =	shalt  }
0x54: {  	_ =	shalt  }
0x55: {  	_ =	shalt  }
0x56: {  	_ =	shalt  }
0x57: {  	_ =	shalt  }
0x58: {  	_ =	shalt  }
0x59: {  	_ =	shalt  }
0x5a: {  	_ =	shalt  }
0x5b: {  	_ =	shalt  }
0x5c: {  	_ =	shalt  }
0x5d: {  	_ =	shalt  }
0x5e: {  	_ =	shalt  }
0x5f: {  	_ =	shalt  }
0x60: {  	_ =	shalt  }
0x61: {  	_ =	shalt  }
0x62: {  	_ =	shalt  }
0x63: {  	_ =	shalt  }
0x64: {  	_ =	shalt  }
0x65: {  	_ =	shalt  }
0x66: {  	_ =	shalt  }
0x67: {  	_ =	shalt  }
0x68: {  	_ =	shalt  }
0x69: {  	_ =	shalt  }
0x6a: {  	_ =	shalt  }
0x6b: {  	_ =	shalt  }
0x6c: {  	_ =	shalt  }
0x6d: {  	_ =	shalt  }
0x6e: {  	_ =	shalt  }
0x6f: {  	_ =	shalt  }
0x70: {  	_ =	shalt  }
0x71: {  	_ =	shalt  }
0x72: {  	_ =	shalt  }
0x73: {  	_ =	shalt  }
0x74: {  	_ =	shalt  }
0x75: {  	_ =	shalt  }
0x76: {  	_ =	shalt  }
0x77: {  	_ =	shalt  }
0x78: {  	_ =	shalt  }
0x79: {  	_ =	shalt  }
0x7a: {  	_ =	shalt  }
0x7b: {  	_ =	shalt  }
0x7c: {  	_ =	shalt  }
0x7d: {  	_ =	shalt  }
0x7e: {  	_ =	shalt  }
0x7f: {  	_ =	shalt  }
0x80: {  	_ =	shalt  }
0x81: {  	_ =	shalt  }
0x82: {  	_ =	shalt  }
0x83: {  	_ =	shalt  }
0x84: {  	_ =	shalt  }
0x85: {  	_ =	shalt  }
0x86: {  	_ =	shalt  }
0x87: {  	_ =	shalt  }
.Lfunc_end0:
.L_simem_size_0:
called_computation.3_lowered:
.L_overlay_start_0:
0x88: {  	s2 =	sld [smem:$0x3FD9]  }
0x89: {  	s3 =	sld [smem:$0x3FFE];
	_ =	sdelay $0x1  }
0x8a: {  	s1 =	srdreg.scid  }
0x8b: {  	s0 =	sand.u32 $0x1, s1  }
0x8c: {  	s17 =	sshll.u32 s0, $0xA;
	s2 =	sadd.s32 s3, s2  }
0x8d: {  	s2 =	sadd.s32 s2, s17  }
0x8e: {  	[smem:$0x3FB8] =	sst s2  }
0x8f: {  	_ = 	snop  }
0x90: {  	s2 =	sld [smem:$0x3FD0];
	(tm) =	ssettm $0x1  }
0x91: {  	s18 =	sld [smem:$0x3FFB];
	_ =	sdelay $0x3  }
0x92: {  	_ =	strace s18  }
0x93: {  	s3 =	sld [smem:$0x3FFC];
	_ =	sdelay $0x3  }
0x94: {  	_ =	strace s3  }
0x95: {  	s3 =	sld [smem:$0x3FFD];
	_ =	sdelay $0x3  }
0x96: {  	_ =	strace s3  }
0x97: {  	_ =	strace $0x8FFFFFFF  }
0x98: {  	s19 =	sld [smem:$0x3FDB];
	_ =	sdelay $0x1  }
0x99: {  	s4 =	simm.s32 $_scs_section_size  }
0x9a: {  	s5 =	simm.s32 $_size__tile_overlayer_lowered;
	s6 =	simm.s32 $_tile_overlayer_lowered  }
0x9b: {  	s22 =	simm.s32 $0x1BFF;
	s21 =	sshll.u32 s6, $0x1;
	s3 =	sadd.s32 s4, s19  }
0x9c: {  	s7 =	simm.s32 $0x0;
	s20 =	sshll.u32 s5, $0x1;
	s5 =	sadd.s32 s21, s3  }
0x9d: {  	[timem:s7], [sflag:s22] =	dma.local [hbm:s5], s20  }
0x9e: {  	_ =	swait.ge [sflag:s22], s20  }
0x9f: {  	s4 =	ssub.s32 $0x0, s20;
	[sflag:s22] =	ssyncset.done $0x0  }
0xa0: {  	[sflag:s22] =	ssyncadd.s32 s4;
	_ =	sdelay $0x1  }
0xa1: {  	s23 =	simm.s32 $0x1B8B  }
0xa2: {  	_ =	swait.ge [sflag:s23], $0x1  }
0xa3: {  	[sflag:s23] =	ssyncset.done $0x0  }
0xa4: {  	s25 =	simm.s32 $0x1B8E;
	s24 =	sld [smem:$0x3FFE];
	[sflag:s23] =	ssyncadd.s32 $0xFFFFFFFF  }
0xa5: {  	s26 =	simm.s32 $execute0_lowered;
	[smem:$0x3FD2] =	sst s25  }
0xa6: {  	s5 =	sshll.u32 s26, $0x1;
	_ =	strace $0x8000004F;
	[dreg:$0x1] =	wrdreg $0xFFFFFFFF  }
0xa7: {  	s28 =	simm.s32 $_size_execute0_lowered;
	s3 =	sadd.s32 s3, s5;
	[dreg:$0x0] =	wrdreg $0x0  }
0xa8: {  	s5 =	sshll.u32 s28, $0x1;
	[dreg:$0x2] =	wrdreg s3  }
0xa9: {  	[dreg:$0x3] =	wrdreg s5  }
0xaa: {  	[dreg:$0x4] =	wrdreg $0xC0  }
0xab: {  	_ =	task [dreg:s7], $0x5FFFF  }
0xac: {  	[dreg:$0x1] =	wrdreg $0xFFFFFFFF  }
0xad: {  	[dreg:$0x0] =	wrdreg $0x60  }
0xae: {  	[dreg:$0x2] =	wrdreg s24  }
0xaf: {  	[dreg:$0x3] =	wrdreg s2  }
0xb0: {  	[dreg:$0x4] =	wrdreg $0x39000  }
0xb1: {  	[dreg:$0x5] =	wrdreg $0x59000  }
0xb2: {  	[dreg:$0x6] =	wrdreg $0x9  }
0xb3: {  	_ =	task.clear_ibuf [dreg:s7], $0x7FFFF;
	_ =	strace $0x9000004F  }
0xb4: {  	s29 =	simm.s32 $0x9;
	_ =	strace $0x80000051  }
0xb5: {  	_ =	swait.ge [sflag:s29], $0x1  }
0xb6: {  	[sflag:s29] =	ssyncadd.s32 $0xFFFFFFFF  }
0xb7: {  	_ =	strace $0x90000051  }
0xb8: {  	_ =	sfence  }
0xb9: {  	s30 =	sld [smem:$0x0];
	_ =	sdelay $0x2  }
0xba: {  	s31 =	sshll.u32 s1, $0xD;
	s1 =	sshrl.u32 s1, $0x2  }
0xbb: {  	s3 =	sand.u32 $0x4000, s31;
	s1 =	sadd.s32 s1, s30  }
0xbc: {  	s0 =	sor.u32 s3, s0;
	s1 =	sshll.u32 s1, $0x11  }
0xbd: {  	s0 =	sor.u32 s1, s0  }
0xbe: {  	s0 =	sadd.s32 $0x8F2B, s0  }
0xbf: {  	[sflag:s0] =	ssyncadd.remote.s32 $0x1  }
0xc0: {  	_ =	sfence.sel $0xFFFF  }
0xc1: {  	[dreg:$0x0] =	wrdreg $0xFFFFFFFF;
	(pc) =	sbr.abs _section_cstart, $3  }
0xc2: {  	[dreg:$0x1] =	wrdreg $0xFFFFFFFF  }
0xc3: {  	_ =	task.clear_ibuf [dreg:s7], $0x2FFFF;
	_ =	strace $0x9FFFFFFF  }
0xc4: {  	(tm) =	ssettm $0x7FFFFFFF  }
0xc5: {  	_ =	shalt  }
tec
execute0_lowered:
.L_overlay_start_1:
0x0: {  	(tag) =	ssettag $0x1  }
0x1: {  	s8 =	rddreg [dreg:$0x0]  }
0x2: {  	s5 =	rddreg [dreg:$0x1]  }
0x3: {  	s1 =	rddreg [dreg:$0x2]  }
0x4: {  	s2 =	rddreg [dreg:$0x3];
	s3 =	simm.s32 $0x0;
	s4 =	srdreg.scid  }
0x5: {  	s0 =	stileid.u32;
	[smem:$0x7FF] =	sst s3;
	s30 =	sand.u32 $0x1, s4  }
0x6: {  	s6 =	sadd.s32 $0x40A00, s8;
	s22 =	sadd.s32 $0x18600, s8;
	s7 =	sshll.u32 s30, $0x4  }
0x7: {  	_ =	strace $0x80000050;
	[dreg:$0x5] =	wrdreg s6;
	s17 =	sor.u32 s0, s7  }
0x8: {  	s23 =	sadd.s32 $0x18800, s8;
	[dreg:$0x6] =	wrdreg s22;
	s7 =	sshll.u32 s17, $0x7  }
0x9: {  	[dreg:$0x7] =	wrdreg s23;
	s6 =	sadd.s32 s5, s7;
	s5 =	simm.s32 $0x1  }
0xa: {  	[tilespmem:s3], [sflag:$0x1] =	stream.linear.gather [hbm4b:s6+s3], $0x400, $0x38;
	[tilespmem:$0x5940] =	vst v63  }
0xb: {  	_ =	swait.ge [sflag:s5], $0x400  }
0xc: {  	[sflag:s5] =	ssyncset.done $0x0  }
0xd: {  	s7 =	simm.s32 $0x400;
	s25 =	rddreg [dreg:$0x7];
	[sflag:s5] =	ssyncadd.s32 $0xFFFFFC00  }
0xe: {  	[tilespmem:s7], [sflag:$0x1] =	stream.linear.gather [hbm4b:s25+s3], $0x28, $0x38;
	[tilespmem:$0x5940] =	vst v63  }
0xf: {  	_ =	swait.ge [sflag:s5], $0x28  }
0x10: {  	s24 =	smov.u32 s8;
	[sflag:s5] =	ssyncset.done $0x0  }
0x11: {  	s8 =	simm.s32 $0x1900;
	s9 =	rddreg [dreg:$0x5];
	[sflag:s5] =	ssyncadd.s32 $0xFFFFFFD8  }
0x12: {  	[tilespmem:s8], [sflag:$0x1] =	stream.linear.gather [hbm4b:s9+s3], $0x2000, $0x38;
	[tilespmem:$0x5940] =	vst v63  }
0x13: {  	_ =	swait.ge [sflag:s5], $0x2000  }
0x14: {  	s26 =	sshll.u32 s0, $0xD;
	[sflag:s5] =	ssyncset.done $0x0  }
0x15: {  	s9 =	sadd.s32 s26, s1;
	[sflag:s5] =	ssyncadd.s32 $0xFFFFE000  }
0x16: {  	[spmem:s9] =	stream.linear.scatter [tilespmem:s8], [sflag:$0x1], $0x2000, $0x38;
	[tilespmem:$0x5940] =	vst v63  }
0x17: {  	_ =	swait.ge [sflag:s5], $0x2000  }
0x18: {  	[sflag:s5] =	ssyncset.done $0x0  }
0x19: {  	s10 =	simm.s32 $0x1880;
	s11 =	rddreg [dreg:$0x6];
	[sflag:s5] =	ssyncadd.s32 $0xFFFFE000  }
0x1a: {  	[tilespmem:s10], [sflag:$0x1] =	stream.linear.gather [hbm4b:s11+s3], $0x40, $0x38;
	[tilespmem:$0x5940] =	vst v63  }
0x1b: {  	_ =	swait.ge [sflag:s5], $0x40  }
0x1c: {  	s31 =	sshll.u32 s0, $0x6;
	[sflag:s5] =	ssyncset.done $0x0  }
0x1d: {  	s11 =	sadd.s32 s31, s2;
	[sflag:s5] =	ssyncadd.s32 $0xFFFFFFC0  }
0x1e: {  	[spmem:s11] =	stream.linear.scatter [tilespmem:s10], [sflag:$0x1], $0x40, $0x38;
	[tilespmem:$0x5940] =	vst v63  }
0x1f: {  	_ =	swait.ge [sflag:s5], $0x40  }
0x20: {  	s12 =	smul.u32 $0x1400, s17;
	[sflag:s5] =	ssyncset.done $0x0  }
0x21: {  	s18 =	sadd.s32 $0x18A00, s24;
	[sflag:s5] =	ssyncadd.s32 $0xFFFFFFC0  }
0x22: {  	s13 =	simm.s32 $0x480;
	s12 =	sadd.s32 s18, s12;
	[bflag:$0x0] =	sbarrier.arrive $0xFFFF  }
0x23: {  	[tilespmem:s13], [sflag:$0x1] =	stream.linear.gather [hbm4b:s12+s3], $0x1400, $0x38;
	[tilespmem:$0x5940] =	vst v63  }
0x24: {  	_ =	swait.ge [sflag:s5], $0x1400  }
0x25: {  	[sflag:s5] =	ssyncset.done $0x0  }
0x26: {  	s14 =	simm.s32 $0x28;
	[sflag:s5] =	ssyncadd.s32 $0xFFFFEC00  }
0x27: {  	[spmem:s1] =	stream.indirect.scatter.add.f32 [tilespmem:s13], [sflag:$0x1], $0x80, s3, s14, $0xb8;
	[tilespmem:$0x5940] =	vst v63  }
0x28: {  	_ =	swait.ge [sflag:s5], $0x1400  }
0x29: {  	[sflag:s5] =	ssyncset.done $0x0  }
0x2a: {  	[sflag:s5] =	ssyncadd.s32 $0xFFFFEC00  }
0x2b: {  	[spmem:s2] =	stream.indirect.scatter.add.f32 [tilespmem:s7], [sflag:$0x1], $0x1, s3, s14, $0xb8;
	[tilespmem:$0x5940] =	vst v63  }
0x2c: {  	_ =	swait.ge [sflag:s5], $0x28  }
0x2d: {  	[sflag:s5] =	ssyncset.done $0x0  }
0x2e: {  	s15 =	sadd.s32 $0x280, s12;
	[sflag:s5] =	ssyncadd.s32 $0xFFFFFFD8  }
0x2f: {  	[tilespmem:s13], [sflag:$0x1] =	stream.linear.gather [hbm4b:s15+s3], $0x1400, $0x38;
	[tilespmem:$0x5940] =	vst v63  }
0x30: {  	_ =	swait.ge [sflag:s5], $0x1400  }
0x31: {  	[sflag:s5] =	ssyncset.done $0x0  }
0x32: {  	s16 =	simm.s32 $0x80;
	[sflag:s5] =	ssyncadd.s32 $0xFFFFEC00  }
0x33: {  	[spmem:s1] =	stream.indirect.scatter.add.f32 [tilespmem:s13], [sflag:$0x1], $0x80, s16, s14, $0xb8;
	[tilespmem:$0x5940] =	vst v63  }
0x34: {  	_ =	swait.ge [sflag:s5], $0x1400  }
0x35: {  	[sflag:s5] =	ssyncset.done $0x0  }
0x36: {  	s17 =	smul.u32 $0xA000, s17;
	[sflag:s5] =	ssyncadd.s32 $0xFFFFEC00  }
0x37: {  	[spmem:s2] =	stream.indirect.scatter.add.f32 [tilespmem:s7], [sflag:$0x1], $0x1, s16, s14, $0xb8;
	[tilespmem:$0x5940] =	vst v63  }
0x38: {  	s17 =	sshrl.u32 s17, $0x3;
	_ =	swait.ge [sflag:s5], $0x28  }
0x39: {  	s28 =	sadd.s32 s18, s17;
	[sflag:s5] =	ssyncset.done $0x0  }
0x3a: {  	s17 =	sadd.s32 $0x500, s28;
	[sflag:s5] =	ssyncadd.s32 $0xFFFFFFD8  }
0x3b: {  	[tilespmem:s13], [sflag:$0x1] =	stream.linear.gather [hbm4b:s17+s3], $0x1400, $0x38;
	[tilespmem:$0x5940] =	vst v63  }
0x3c: {  	_ =	swait.ge [sflag:s5], $0x1400  }
0x3d: {  	[sflag:s5] =	ssyncset.done $0x0  }
0x3e: {  	s18 =	simm.s32 $0x100;
	[sflag:s5] =	ssyncadd.s32 $0xFFFFEC00  }
0x3f: {  	[spmem:s1] =	stream.indirect.scatter.add.f32 [tilespmem:s13], [sflag:$0x1], $0x80, s18, s14, $0xb8;
	[tilespmem:$0x5940] =	vst v63  }
0x40: {  	_ =	swait.ge [sflag:s5], $0x1400  }
0x41: {  	[sflag:s5] =	ssyncset.done $0x0  }
0x42: {  	[sflag:s5] =	ssyncadd.s32 $0xFFFFEC00  }
0x43: {  	[spmem:s2] =	stream.indirect.scatter.add.f32 [tilespmem:s7], [sflag:$0x1], $0x1, s18, s14, $0xb8;
	[tilespmem:$0x5940] =	vst v63  }
0x44: {  	_ =	swait.ge [sflag:s5], $0x28  }
0x45: {  	[sflag:s5] =	ssyncset.done $0x0  }
0x46: {  	s19 =	sadd.s32 $0x780, s28;
	[sflag:s5] =	ssyncadd.s32 $0xFFFFFFD8  }
0x47: {  	[tilespmem:s13], [sflag:$0x1] =	stream.linear.gather [hbm4b:s19+s3], $0x1400, $0x38;
	[tilespmem:$0x5940] =	vst v63  }
0x48: {  	_ =	swait.ge [sflag:s5], $0x1400  }
0x49: {  	[sflag:s5] =	ssyncset.done $0x0  }
0x4a: {  	s20 =	simm.s32 $0x180;
	[sflag:s5] =	ssyncadd.s32 $0xFFFFEC00  }
0x4b: {  	[spmem:s1] =	stream.indirect.scatter.add.f32 [tilespmem:s13], [sflag:$0x1], $0x80, s20, s14, $0xb8;
	[tilespmem:$0x5940] =	vst v63  }
0x4c: {  	_ =	swait.ge [sflag:s5], $0x1400  }
0x4d: {  	[sflag:s5] =	ssyncset.done $0x0  }
0x4e: {  	[sflag:s5] =	ssyncadd.s32 $0xFFFFEC00  }
0x4f: {  	[spmem:s2] =	stream.indirect.scatter.add.f32 [tilespmem:s7], [sflag:$0x1], $0x1, s20, s14, $0xb8;
	[tilespmem:$0x5940] =	vst v63  }
0x50: {  	_ =	swait.ge [sflag:s5], $0x28  }
0x51: {  	[sflag:s5] =	ssyncset.done $0x0  }
0x52: {  	s21 =	sadd.s32 $0xA00, s28;
	[sflag:s5] =	ssyncadd.s32 $0xFFFFFFD8  }
0x53: {  	[tilespmem:s13], [sflag:$0x1] =	stream.linear.gather [hbm4b:s21+s3], $0x1400, $0x38;
	[tilespmem:$0x5940] =	vst v63  }
0x54: {  	_ =	swait.ge [sflag:s5], $0x1400  }
0x55: {  	[sflag:s5] =	ssyncset.done $0x0  }
0x56: {  	s22 =	simm.s32 $0x200;
	[sflag:s5] =	ssyncadd.s32 $0xFFFFEC00  }
0x57: {  	[spmem:s1] =	stream.indirect.scatter.add.f32 [tilespmem:s13], [sflag:$0x1], $0x80, s22, s14, $0xb8;
	[tilespmem:$0x5940] =	vst v63  }
0x58: {  	_ =	swait.ge [sflag:s5], $0x1400  }
0x59: {  	[sflag:s5] =	ssyncset.done $0x0  }
0x5a: {  	[sflag:s5] =	ssyncadd.s32 $0xFFFFEC00  }
0x5b: {  	[spmem:s2] =	stream.indirect.scatter.add.f32 [tilespmem:s7], [sflag:$0x1], $0x1, s22, s14, $0xb8;
	[tilespmem:$0x5940] =	vst v63  }
0x5c: {  	_ =	swait.ge [sflag:s5], $0x28  }
0x5d: {  	[sflag:s5] =	ssyncset.done $0x0  }
0x5e: {  	s23 =	sadd.s32 $0xC80, s28;
	[sflag:s5] =	ssyncadd.s32 $0xFFFFFFD8  }
0x5f: {  	[tilespmem:s13], [sflag:$0x1] =	stream.linear.gather [hbm4b:s23+s3], $0x1400, $0x38;
	[tilespmem:$0x5940] =	vst v63  }
0x60: {  	_ =	swait.ge [sflag:s5], $0x1400  }
0x61: {  	[sflag:s5] =	ssyncset.done $0x0  }
0x62: {  	s0 =	smov.u32 s24;
	s24 =	simm.s32 $0x280;
	[sflag:s5] =	ssyncadd.s32 $0xFFFFEC00  }
0x63: {  	[spmem:s1] =	stream.indirect.scatter.add.f32 [tilespmem:s13], [sflag:$0x1], $0x80, s24, s14, $0xb8;
	[tilespmem:$0x5940] =	vst v63  }
0x64: {  	_ =	swait.ge [sflag:s5], $0x1400  }
0x65: {  	[sflag:s5] =	ssyncset.done $0x0  }
0x66: {  	[sflag:s5] =	ssyncadd.s32 $0xFFFFEC00  }
0x67: {  	[spmem:s2] =	stream.indirect.scatter.add.f32 [tilespmem:s7], [sflag:$0x1], $0x1, s24, s14, $0xb8;
	[tilespmem:$0x5940] =	vst v63  }
0x68: {  	_ =	swait.ge [sflag:s5], $0x28  }
0x69: {  	[sflag:s5] =	ssyncset.done $0x0  }
0x6a: {  	s25 =	sadd.s32 $0xF00, s28;
	[sflag:s5] =	ssyncadd.s32 $0xFFFFFFD8  }
0x6b: {  	[tilespmem:s13], [sflag:$0x1] =	stream.linear.gather [hbm4b:s25+s3], $0x1400, $0x38;
	[tilespmem:$0x5940] =	vst v63  }
0x6c: {  	_ =	swait.ge [sflag:s5], $0x1400  }
0x6d: {  	[sflag:s5] =	ssyncset.done $0x0  }
0x6e: {  	s26 =	simm.s32 $0x300;
	[sflag:s5] =	ssyncadd.s32 $0xFFFFEC00  }
0x6f: {  	[spmem:s1] =	stream.indirect.scatter.add.f32 [tilespmem:s13], [sflag:$0x1], $0x80, s26, s14, $0xb8;
	[tilespmem:$0x5940] =	vst v63  }
0x70: {  	_ =	swait.ge [sflag:s5], $0x1400  }
0x71: {  	[sflag:s5] =	ssyncset.done $0x0  }
0x72: {  	[sflag:s5] =	ssyncadd.s32 $0xFFFFEC00  }
0x73: {  	[spmem:s2] =	stream.indirect.scatter.add.f32 [tilespmem:s7], [sflag:$0x1], $0x1, s26, s14, $0xb8;
	[tilespmem:$0x5940] =	vst v63  }
0x74: {  	_ =	swait.ge [sflag:s5], $0x28  }
0x75: {  	[sflag:s5] =	ssyncset.done $0x0  }
0x76: {  	s28 =	sadd.s32 $0x1180, s28;
	[sflag:s5] =	ssyncadd.s32 $0xFFFFFFD8  }
0x77: {  	[tilespmem:s13], [sflag:$0x1] =	stream.linear.gather [hbm4b:s28+s3], $0x1400, $0x38;
	[tilespmem:$0x5940] =	vst v63  }
0x78: {  	_ =	swait.ge [sflag:s5], $0x1400  }
0x79: {  	[sflag:s5] =	ssyncset.done $0x0  }
0x7a: {  	s29 =	simm.s32 $0x380;
	[sflag:s5] =	ssyncadd.s32 $0xFFFFEC00  }
0x7b: {  	[spmem:s1] =	stream.indirect.scatter.add.f32 [tilespmem:s13], [sflag:$0x1], $0x80, s29, s14, $0xb8;
	[tilespmem:$0x5940] =	vst v63  }
0x7c: {  	_ =	swait.ge [sflag:s5], $0x1400  }
0x7d: {  	[sflag:s5] =	ssyncset.done $0x0  }
0x7e: {  	[sflag:s5] =	ssyncadd.s32 $0xFFFFEC00  }
0x7f: {  	[spmem:s2] =	stream.indirect.scatter.add.f32 [tilespmem:s7], [sflag:$0x1], $0x1, s29, s14, $0xb8;
	[tilespmem:$0x5940] =	vst v63  }
0x80: {  	_ =	swait.ge [sflag:s5], $0x28  }
0x81: {  	[sflag:s5] =	ssyncset.done $0x0  }
0x82: {  	[sflag:s5] =	ssyncadd.s32 $0xFFFFFFD8  }
0x83: {  	[bflag:$0x0] =	sbarrier.arrive $0xFFFF  }
0x84: {  	[tilespmem:s10], [sflag:$0x1] =	stream.linear.gather [spmem:s11], $0x40, $0x38;
	[tilespmem:$0x5940] =	vst v63  }
0x85: {  	s4 =	sshll.u32 s30, $0xA;
	_ =	swait.ge [sflag:s5], $0x40  }
0x86: {  	s4 =	sor.u32 s31, s4;
	[sflag:s5] =	ssyncset.done $0x0  }
0x87: {  	s31 =	sshll.u32 s4, $0x4;
	[sflag:s5] =	ssyncadd.s32 $0xFFFFFFC0  }
0x88: {  	[tilespmem:s8], [sflag:$0x1] =	stream.linear.gather [spmem:s9], $0x2000, $0x38;
	[tilespmem:$0x5940] =	vst v63  }
0x89: {  	s4 =	sshrl.u32 s4, $0x3;
	s31 =	sadd.s32 s31, s0;
	_ =	swait.ge [sflag:s5], $0x2000  }
0x8a: {  	s0 =	ssub.s32 $0x2, s30;
	s30 =	sadd.s32 $0x4800, s31;
	[sflag:s5] =	ssyncset.done $0x0  }
0x8b: {  	[dreg:$0x8] =	wrdreg s4;
	s4 =	sshrl.u32 s0, $0x1;
	[sflag:s5] =	ssyncadd.s32 $0xFFFFE000  }
0x8c: {  	[hbm4b:s30+s3] =	stream.linear.scatter [tilespmem:s8], [sflag:$0x1], $0x2000, $0x38;
	[tilespmem:$0x5940] =	vst v63  }
0x8d: {  	_ =	swait.ge [sflag:s5], $0x2000;
	[dreg:$0x9] =	wrdreg s4  }
0x8e: {  	s4 =	rddreg [dreg:$0x0]  }
0x8f: {  	s31 =	rddreg [dreg:$0x8]  }
0x90: {  	s4 =	sadd.s32 s31, s4;
	s31 =	rddreg [dreg:$0x9]  }
0x91: {  	s0 =	ssub.s32 s0, s31  }
0x92: {  	s0 =	smax.u32 s0, $0x1  }
0x93: {  	p0 =	sne.s32 s0, $0x1  }
.Ltmp0:
0x94: {  	[sflag:s5] =	ssyncset.done $0x0;
	(pc) =	sbr.rel @!p0 .LBB2_2-.Ltmp0, $4  }
0x95: {  	[sflag:s5] =	ssyncadd.s32 $0xFFFFE000;
	s31 =	sadd.s32 $0x4600, s4  }
0x96: {  	[hbm4b:s31+s3] =	stream.linear.scatter [tilespmem:s10], [sflag:$0x1], $0x40, $0x38;
	[tilespmem:$0x5940] =	vst v63  }
0x97: {  	_ =	swait.ge [sflag:s5], $0x40  }
0x98: {  	s0 =	sadd.s32 $0xFFFFFFFF, s0;
	[sflag:s5] =	ssyncset.done $0x0  }
.LBB2_1:
0x99: {  	[sflag:s5] =	ssyncadd.s32 $0xFFFFFFC0  }
0x9a: {  	[tilespmem:s3], [sflag:$0x1] =	stream.linear.gather [hbm4b:s6+s3], $0x400, $0x38;
	[tilespmem:$0x5940] =	vst v63  }
0x9b: {  	_ =	swait.ge [sflag:s5], $0x400  }
0x9c: {  	[sflag:s5] =	ssyncset.done $0x0  }
0x9d: {  	s4 =	rddreg [dreg:$0x7];
	[sflag:s5] =	ssyncadd.s32 $0xFFFFFC00  }
0x9e: {  	[tilespmem:s7], [sflag:$0x1] =	stream.linear.gather [hbm4b:s4+s3], $0x28, $0x38;
	[tilespmem:$0x5940] =	vst v63  }
0x9f: {  	_ =	swait.ge [sflag:s5], $0x28  }
0xa0: {  	[sflag:s5] =	ssyncset.done $0x0  }
0xa1: {  	s4 =	rddreg [dreg:$0x5];
	[sflag:s5] =	ssyncadd.s32 $0xFFFFFFD8  }
0xa2: {  	[tilespmem:s8], [sflag:$0x1] =	stream.linear.gather [hbm4b:s4+s3], $0x2000, $0x38;
	[tilespmem:$0x5940] =	vst v63  }
0xa3: {  	_ =	swait.ge [sflag:s5], $0x2000  }
0xa4: {  	[sflag:s5] =	ssyncset.done $0x0  }
0xa5: {  	[sflag:s5] =	ssyncadd.s32 $0xFFFFE000  }
0xa6: {  	[spmem:s9] =	stream.linear.scatter [tilespmem:s8], [sflag:$0x1], $0x2000, $0x38;
	[tilespmem:$0x5940] =	vst v63  }
0xa7: {  	_ =	swait.ge [sflag:s5], $0x2000  }
0xa8: {  	[sflag:s5] =	ssyncset.done $0x0  }
0xa9: {  	s4 =	rddreg [dreg:$0x6];
	[sflag:s5] =	ssyncadd.s32 $0xFFFFE000  }
0xaa: {  	[tilespmem:s10], [sflag:$0x1] =	stream.linear.gather [hbm4b:s4+s3], $0x40, $0x38;
	[tilespmem:$0x5940] =	vst v63  }
0xab: {  	_ =	swait.ge [sflag:s5], $0x40  }
0xac: {  	[sflag:s5] =	ssyncset.done $0x0  }
0xad: {  	[sflag:s5] =	ssyncadd.s32 $0xFFFFFFC0  }
0xae: {  	[spmem:s11] =	stream.linear.scatter [tilespmem:s10], [sflag:$0x1], $0x40, $0x38;
	[tilespmem:$0x5940] =	vst v63  }
0xaf: {  	_ =	swait.ge [sflag:s5], $0x40  }
0xb0: {  	[sflag:s5] =	ssyncset.done $0x0  }
0xb1: {  	[sflag:s5] =	ssyncadd.s32 $0xFFFFFFC0  }
0xb2: {  	[bflag:$0x0] =	sbarrier.arrive $0xFFFF  }
0xb3: {  	[tilespmem:s13], [sflag:$0x1] =	stream.linear.gather [hbm4b:s12+s3], $0x1400, $0x38;
	[tilespmem:$0x5940] =	vst v63  }
0xb4: {  	_ =	swait.ge [sflag:s5], $0x1400  }
0xb5: {  	[sflag:s5] =	ssyncset.done $0x0  }
0xb6: {  	[sflag:s5] =	ssyncadd.s32 $0xFFFFEC00  }
0xb7: {  	[spmem:s1] =	stream.indirect.scatter.add.f32 [tilespmem:s13], [sflag:$0x1], $0x80, s3, s14, $0xb8;
	[tilespmem:$0x5940] =	vst v63  }
0xb8: {  	_ =	swait.ge [sflag:s5], $0x1400  }
0xb9: {  	[sflag:s5] =	ssyncset.done $0x0  }
0xba: {  	[sflag:s5] =	ssyncadd.s32 $0xFFFFEC00  }
0xbb: {  	[spmem:s2] =	stream.indirect.scatter.add.f32 [tilespmem:s7], [sflag:$0x1], $0x1, s3, s14, $0xb8;
	[tilespmem:$0x5940] =	vst v63  }
0xbc: {  	_ =	swait.ge [sflag:s5], $0x28  }
0xbd: {  	[sflag:s5] =	ssyncset.done $0x0  }
0xbe: {  	[sflag:s5] =	ssyncadd.s32 $0xFFFFFFD8  }
0xbf: {  	[tilespmem:s13], [sflag:$0x1] =	stream.linear.gather [hbm4b:s15+s3], $0x1400, $0x38;
	[tilespmem:$0x5940] =	vst v63  }
0xc0: {  	_ =	swait.ge [sflag:s5], $0x1400  }
0xc1: {  	[sflag:s5] =	ssyncset.done $0x0  }
0xc2: {  	[sflag:s5] =	ssyncadd.s32 $0xFFFFEC00  }
0xc3: {  	[spmem:s1] =	stream.indirect.scatter.add.f32 [tilespmem:s13], [sflag:$0x1], $0x80, s16, s14, $0xb8;
	[tilespmem:$0x5940] =	vst v63  }
0xc4: {  	_ =	swait.ge [sflag:s5], $0x1400  }
0xc5: {  	[sflag:s5] =	ssyncset.done $0x0  }
0xc6: {  	[sflag:s5] =	ssyncadd.s32 $0xFFFFEC00  }
0xc7: {  	[spmem:s2] =	stream.indirect.scatter.add.f32 [tilespmem:s7], [sflag:$0x1], $0x1, s16, s14, $0xb8;
	[tilespmem:$0x5940] =	vst v63  }
0xc8: {  	_ =	swait.ge [sflag:s5], $0x28  }
0xc9: {  	[sflag:s5] =	ssyncset.done $0x0  }
0xca: {  	[sflag:s5] =	ssyncadd.s32 $0xFFFFFFD8  }
0xcb: {  	[tilespmem:s13], [sflag:$0x1] =	stream.linear.gather [hbm4b:s17+s3], $0x1400, $0x38;
	[tilespmem:$0x5940] =	vst v63  }
0xcc: {  	_ =	swait.ge [sflag:s5], $0x1400  }
0xcd: {  	[sflag:s5] =	ssyncset.done $0x0  }
0xce: {  	[sflag:s5] =	ssyncadd.s32 $0xFFFFEC00  }
0xcf: {  	[spmem:s1] =	stream.indirect.scatter.add.f32 [tilespmem:s13], [sflag:$0x1], $0x80, s18, s14, $0xb8;
	[tilespmem:$0x5940] =	vst v63  }
0xd0: {  	_ =	swait.ge [sflag:s5], $0x1400  }
0xd1: {  	[sflag:s5] =	ssyncset.done $0x0  }
0xd2: {  	[sflag:s5] =	ssyncadd.s32 $0xFFFFEC00  }
0xd3: {  	[spmem:s2] =	stream.indirect.scatter.add.f32 [tilespmem:s7], [sflag:$0x1], $0x1, s18, s14, $0xb8;
	[tilespmem:$0x5940] =	vst v63  }
0xd4: {  	_ =	swait.ge [sflag:s5], $0x28  }
0xd5: {  	[sflag:s5] =	ssyncset.done $0x0  }
0xd6: {  	[sflag:s5] =	ssyncadd.s32 $0xFFFFFFD8  }
0xd7: {  	[tilespmem:s13], [sflag:$0x1] =	stream.linear.gather [hbm4b:s19+s3], $0x1400, $0x38;
	[tilespmem:$0x5940] =	vst v63  }
0xd8: {  	_ =	swait.ge [sflag:s5], $0x1400  }
0xd9: {  	[sflag:s5] =	ssyncset.done $0x0  }
0xda: {  	[sflag:s5] =	ssyncadd.s32 $0xFFFFEC00  }
0xdb: {  	[spmem:s1] =	stream.indirect.scatter.add.f32 [tilespmem:s13], [sflag:$0x1], $0x80, s20, s14, $0xb8;
	[tilespmem:$0x5940] =	vst v63  }
0xdc: {  	_ =	swait.ge [sflag:s5], $0x1400  }
0xdd: {  	[sflag:s5] =	ssyncset.done $0x0  }
0xde: {  	[sflag:s5] =	ssyncadd.s32 $0xFFFFEC00  }
0xdf: {  	[spmem:s2] =	stream.indirect.scatter.add.f32 [tilespmem:s7], [sflag:$0x1], $0x1, s20, s14, $0xb8;
	[tilespmem:$0x5940] =	vst v63  }
0xe0: {  	_ =	swait.ge [sflag:s5], $0x28  }
0xe1: {  	[sflag:s5] =	ssyncset.done $0x0  }
0xe2: {  	[sflag:s5] =	ssyncadd.s32 $0xFFFFFFD8  }
0xe3: {  	[tilespmem:s13], [sflag:$0x1] =	stream.linear.gather [hbm4b:s21+s3], $0x1400, $0x38;
	[tilespmem:$0x5940] =	vst v63  }
0xe4: {  	_ =	swait.ge [sflag:s5], $0x1400  }
0xe5: {  	[sflag:s5] =	ssyncset.done $0x0  }
0xe6: {  	[sflag:s5] =	ssyncadd.s32 $0xFFFFEC00  }
0xe7: {  	[spmem:s1] =	stream.indirect.scatter.add.f32 [tilespmem:s13], [sflag:$0x1], $0x80, s22, s14, $0xb8;
	[tilespmem:$0x5940] =	vst v63  }
0xe8: {  	_ =	swait.ge [sflag:s5], $0x1400  }
0xe9: {  	[sflag:s5] =	ssyncset.done $0x0  }
0xea: {  	[sflag:s5] =	ssyncadd.s32 $0xFFFFEC00  }
0xeb: {  	[spmem:s2] =	stream.indirect.scatter.add.f32 [tilespmem:s7], [sflag:$0x1], $0x1, s22, s14, $0xb8;
	[tilespmem:$0x5940] =	vst v63  }
0xec: {  	_ =	swait.ge [sflag:s5], $0x28  }
0xed: {  	[sflag:s5] =	ssyncset.done $0x0  }
0xee: {  	[sflag:s5] =	ssyncadd.s32 $0xFFFFFFD8  }
0xef: {  	[tilespmem:s13], [sflag:$0x1] =	stream.linear.gather [hbm4b:s23+s3], $0x1400, $0x38;
	[tilespmem:$0x5940] =	vst v63  }
0xf0: {  	_ =	swait.ge [sflag:s5], $0x1400  }
0xf1: {  	[sflag:s5] =	ssyncset.done $0x0  }
0xf2: {  	[sflag:s5] =	ssyncadd.s32 $0xFFFFEC00  }
0xf3: {  	[spmem:s1] =	stream.indirect.scatter.add.f32 [tilespmem:s13], [sflag:$0x1], $0x80, s24, s14, $0xb8;
	[tilespmem:$0x5940] =	vst v63  }
0xf4: {  	_ =	swait.ge [sflag:s5], $0x1400  }
0xf5: {  	[sflag:s5] =	ssyncset.done $0x0  }
0xf6: {  	[sflag:s5] =	ssyncadd.s32 $0xFFFFEC00  }
0xf7: {  	[spmem:s2] =	stream.indirect.scatter.add.f32 [tilespmem:s7], [sflag:$0x1], $0x1, s24, s14, $0xb8;
	[tilespmem:$0x5940] =	vst v63  }
0xf8: {  	_ =	swait.ge [sflag:s5], $0x28  }
0xf9: {  	[sflag:s5] =	ssyncset.done $0x0  }
0xfa: {  	[sflag:s5] =	ssyncadd.s32 $0xFFFFFFD8  }
0xfb: {  	[tilespmem:s13], [sflag:$0x1] =	stream.linear.gather [hbm4b:s25+s3], $0x1400, $0x38;
	[tilespmem:$0x5940] =	vst v63  }
0xfc: {  	_ =	swait.ge [sflag:s5], $0x1400  }
0xfd: {  	[sflag:s5] =	ssyncset.done $0x0  }
0xfe: {  	[sflag:s5] =	ssyncadd.s32 $0xFFFFEC00  }
0xff: {  	[spmem:s1] =	stream.indirect.scatter.add.f32 [tilespmem:s13], [sflag:$0x1], $0x80, s26, s14, $0xb8;
	[tilespmem:$0x5940] =	vst v63  }
0x100: {  	_ =	swait.ge [sflag:s5], $0x1400  }
0x101: {  	[sflag:s5] =	ssyncset.done $0x0  }
0x102: {  	[sflag:s5] =	ssyncadd.s32 $0xFFFFEC00  }
0x103: {  	[spmem:s2] =	stream.indirect.scatter.add.f32 [tilespmem:s7], [sflag:$0x1], $0x1, s26, s14, $0xb8;
	[tilespmem:$0x5940] =	vst v63  }
0x104: {  	_ =	swait.ge [sflag:s5], $0x28  }
0x105: {  	[sflag:s5] =	ssyncset.done $0x0  }
0x106: {  	[sflag:s5] =	ssyncadd.s32 $0xFFFFFFD8  }
0x107: {  	[tilespmem:s13], [sflag:$0x1] =	stream.linear.gather [hbm4b:s28+s3], $0x1400, $0x38;
	[tilespmem:$0x5940] =	vst v63  }
0x108: {  	_ =	swait.ge [sflag:s5], $0x1400  }
0x109: {  	[sflag:s5] =	ssyncset.done $0x0  }
0x10a: {  	[sflag:s5] =	ssyncadd.s32 $0xFFFFEC00  }
0x10b: {  	[spmem:s1] =	stream.indirect.scatter.add.f32 [tilespmem:s13], [sflag:$0x1], $0x80, s29, s14, $0xb8;
	[tilespmem:$0x5940] =	vst v63  }
0x10c: {  	_ =	swait.ge [sflag:s5], $0x1400  }
0x10d: {  	[sflag:s5] =	ssyncset.done $0x0  }
0x10e: {  	[sflag:s5] =	ssyncadd.s32 $0xFFFFEC00  }
0x10f: {  	[spmem:s2] =	stream.indirect.scatter.add.f32 [tilespmem:s7], [sflag:$0x1], $0x1, s29, s14, $0xb8;
	[tilespmem:$0x5940] =	vst v63  }
0x110: {  	_ =	swait.ge [sflag:s5], $0x28  }
0x111: {  	[sflag:s5] =	ssyncset.done $0x0  }
0x112: {  	[sflag:s5] =	ssyncadd.s32 $0xFFFFFFD8  }
0x113: {  	[bflag:$0x0] =	sbarrier.arrive $0xFFFF  }
0x114: {  	[tilespmem:s10], [sflag:$0x1] =	stream.linear.gather [spmem:s11], $0x40, $0x38;
	[tilespmem:$0x5940] =	vst v63  }
0x115: {  	_ =	swait.ge [sflag:s5], $0x40  }
0x116: {  	[sflag:s5] =	ssyncset.done $0x0  }
0x117: {  	[sflag:s5] =	ssyncadd.s32 $0xFFFFFFC0  }
0x118: {  	[tilespmem:s8], [sflag:$0x1] =	stream.linear.gather [spmem:s9], $0x2000, $0x38;
	[tilespmem:$0x5940] =	vst v63  }
0x119: {  	_ =	swait.ge [sflag:s5], $0x2000  }
0x11a: {  	[sflag:s5] =	ssyncset.done $0x0  }
0x11b: {  	[sflag:s5] =	ssyncadd.s32 $0xFFFFE000  }
0x11c: {  	[hbm4b:s30+s3] =	stream.linear.scatter [tilespmem:s8], [sflag:$0x1], $0x2000, $0x38;
	[tilespmem:$0x5940] =	vst v63  }
0x11d: {  	p0 =	sne.s32 s0, $0x1;
	_ =	swait.ge [sflag:s5], $0x2000  }
.Ltmp1:
0x11e: {  	[sflag:s5] =	ssyncset.done $0x0;
	(pc) =	sbr.rel @p0 .LBB2_1-.Ltmp1, $4  }
0x11f: {  	[sflag:s5] =	ssyncadd.s32 $0xFFFFE000  }
0x120: {  	[hbm4b:s31+s3] =	stream.linear.scatter [tilespmem:s10], [sflag:$0x1], $0x40, $0x38;
	[tilespmem:$0x5940] =	vst v63  }
0x121: {  	_ =	swait.ge [sflag:s5], $0x40  }
0x122: {  	s0 =	sadd.s32 $0xFFFFFFFF, s0;
	[sflag:s5] =	ssyncset.done $0x0  }
.LBB2_2:
0x123: {  	[sflag:s5] =	ssyncadd.s32 $0xFFFFFFC0  }
0x124: {  	_ =	sfence.sel $0x180000  }
0x125: {  	[bflag:$0x0] =	sbarrier.arrive $0xFFFF  }
0x126: {  	_ =	strace $0x90000050  }
0x127: {  	s0 =	stileid.u32;
	[bflag:$0x2] =	sbarrier.arrive $0xFFFF  }
0x128: {  	p0 =	sne.s32 s0, $0x0;
	s0 =	rddreg [dreg:$0x4]  }
0x129: {  	s0 =	sadd.s32 @!p0 $0x100000, s0  }
0x12a: {  	[sflag:s0] =	ssyncadd.tile.s32 @!p0 $0x1;
	_ =	shalt  }
.Lfunc_end2:
_tile_overlayer_lowered:
.L_overlay_start_2:
0x12b: {  	(tag) =	ssettag $0x2  }
0x12c: {  	s0 =	rddreg [dreg:$0x0];
	s2 =	stileid.u32  }
0x12d: {  	s1 =	rddreg [dreg:$0x1];
	p0 =	sne.s32 s2, $0x0  }
0x12e: {  	s3 =	rddreg [dreg:$0x2];
	[bflag:$0x3] =	sbarrier.arrive $0xFFFF;
	s2 =	simm.s32 @!p0 $0x1C01  }
0x12f: {  	[timem:s3], [sflag:s2] =	dma.local @!p0 [hbm:s0], s1  }
0x130: {  	s0 =	simm.s32 @!p0 $0x1  }
0x131: {  	_ =	swait.ge @!p0 [sflag:s0], s1  }
0x132: {  	s1 =	ssub.s32 @!p0 $0x0, s1;
	[sflag:s0] =	ssyncset.done @!p0 $0x0  }
0x133: {  	[sflag:s0] =	ssyncadd.s32 @!p0 s1  }
0x134: {  	[bflag:$0x3] =	sbarrier.arrive $0xFFFF  }
0x135: {  	_ =	shalt  }

</sc_bundles>
